<compile_context>
chip_gen: v7x
topology: tpu7x:2x2x1
jax: 0.10.2.dev20260603
libtpu: 0.0.44.dev20260713+nightly
codegen_flags: <defaults>
</compile_context>

<pallas_src>
import functools

import jax
import jax.numpy as jnp
from jax import lax
from jax.experimental import pallas as pl
from jax.experimental.pallas import tpu as pltpu
from jax.experimental.pallas import tpu_sc as plsc

_N = 10000
_E = 320000
_SEQ = 15
_IN = 128
_NHID = 2
_H = 64

_NCOL1 = 32
_NCOL2 = 16
_CHUNK = 8000
_U = 10
_NCHUNK = _E // _CHUNK
_NW = 32
_EPG = _E // _NW
_BN = 1000
_NBLK = _N // _BN

_SC_PARAMS = pltpu.CompilerParams(needs_layout_passes=False,
                                  use_tc_tiling_on_sc=False)


@functools.lru_cache(maxsize=None)
def _mesh():
  return plsc.VectorSubcoreMesh(core_axis_name="c", subcore_axis_name="s",
                                num_cores=2, num_subcores=16)


def _wid():
  return lax.axis_index("s") * 2 + lax.axis_index("c")


def _zero_f32(ref, start, count):
  z = jnp.zeros((16,), jnp.float32)

  @pl.loop(0, count)
  def _(i):
    ref[pl.ds(start + i * 16, 16)] = z


@functools.lru_cache(maxsize=None)
def _make_deg():
  @functools.partial(
      pl.kernel,
      out_type=jax.ShapeDtypeStruct((_NW, _N), jnp.float32),
      mesh=_mesh(),
      compiler_params=_SC_PARAMS,
      scratch_types=[
          pltpu.VMEM((_EPG,), jnp.int32),
          pltpu.VMEM((_N,), jnp.float32),
      ],
  )
  def deg_kernel(ei_hbm, degp_hbm, dst_v, acc_v):
    wid = _wid()
    _zero_f32(acc_v, 0, _N // 16)
    pltpu.sync_copy(ei_hbm.at[1, pl.ds(wid * _EPG, _EPG)], dst_v)
    ones = jnp.full((16,), 1.0, jnp.float32)

    @pl.loop(0, _EPG // 16, unroll=8)
    def _(i):
      d = dst_v[pl.ds(i * 16, 16)]
      plsc.addupdate_scatter(acc_v, [d], ones)

    pltpu.sync_copy(acc_v, degp_hbm.at[wid])

  return deg_kernel


def _mm_kernel(xb, w1pt, hht):
  t = pl.program_id(0)
  contrib = lax.dot_general(
      w1pt[0], xb[0], (((1,), (1,)), ((), ())),
      preferred_element_type=jnp.float32)

  @pl.when(t == 0)
  def _():
    hht[...] = contrib

  @pl.when(t > 0)
  def _():
    hht[...] = hht[...] + contrib


def _run_mm(x, w1pt):
  return pl.pallas_call(
      _mm_kernel,
      grid=(_SEQ,),
      in_specs=[
          pl.BlockSpec((1, _N, _IN), lambda t: (t, 0, 0)),
          pl.BlockSpec((1, _NCOL1, _IN), lambda t: (t, 0, 0)),
      ],
      out_specs=pl.BlockSpec((_NCOL1, _N), lambda t: (0, 0)),
      out_shape=jax.ShapeDtypeStruct((_NCOL1, _N), jnp.float32),
  )(x, w1pt)


def _dinv_kernel(degp, dinv):
  dinv[...] = lax.rsqrt(jnp.sum(degp[...], axis=0, keepdims=True) + 1.0)


def _run_dinv(degp):
  return pl.pallas_call(
      _dinv_kernel,
      out_shape=jax.ShapeDtypeStruct((1, _N), jnp.float32),
  )(degp)


def _edge_sweep(ei_hbm, tab_v, acc_v, src_v, dst_v, sems, part, chunks_per):
  def issue(slot, c):
    base = (part * chunks_per + c) * _CHUNK
    pltpu.async_copy(ei_hbm.at[0, pl.ds(base, _CHUNK)], src_v.at[slot],
                     sems[slot])
    pltpu.async_copy(ei_hbm.at[1, pl.ds(base, _CHUNK)], dst_v.at[slot],
                     sems[slot])

  def drain(slot, c):
    base = (part * chunks_per + c) * _CHUNK
    pltpu.make_async_copy(ei_hbm.at[0, pl.ds(base, _CHUNK)],
                          src_v.at[slot], sems[slot]).wait()
    pltpu.make_async_copy(ei_hbm.at[1, pl.ds(base, _CHUNK)],
                          dst_v.at[slot], sems[slot]).wait()

  issue(0, 0)

  @pl.loop(0, chunks_per // 2)
  def _(g):
    for b in range(2):
      cidx = g * 2 + b

      @pl.when(cidx + 1 < chunks_per)
      def _():
        issue(1 - b, cidx + 1)

      drain(b, cidx)

      @pl.loop(0, _CHUNK // (16 * _U))
      def _(i):
        base = i * (16 * _U)
        ss = [src_v[b, pl.ds(base + k * 16, 16)] for k in range(_U)]
        dd = [dst_v[b, pl.ds(base + k * 16, 16)] for k in range(_U)]
        hh = [plsc.load_gather(tab_v, [ss[k]]) for k in range(_U)]
        for k in range(_U):
          plsc.addupdate_scatter(acc_v, [dd[k]], hh[k])


_CONV_SCRATCH = [
    pltpu.VMEM((_N,), jnp.float32),
    pltpu.VMEM((_N,), jnp.float32),
    pltpu.VMEM((2, _CHUNK), jnp.int32),
    pltpu.VMEM((2, _CHUNK), jnp.int32),
    pltpu.SemaphoreType.DMA,
    pltpu.SemaphoreType.DMA,
]


@functools.lru_cache(maxsize=None)
def _make_conv_fused():
  @functools.partial(
      pl.kernel,
      out_type=jax.ShapeDtypeStruct((_NW, _N), jnp.float32),
      mesh=_mesh(),
      compiler_params=_SC_PARAMS,
      scratch_types=_CONV_SCRATCH + [
          pltpu.VMEM((_N,), jnp.float32),
          pltpu.VMEM((_N,), jnp.float32),
          pltpu.VMEM((_N,), jnp.float32),
          pltpu.VMEM((4, 16), jnp.float32),
          pltpu.VMEM_SHARED((16, _N), jnp.float32),
      ],
  )
  def conv_fused(ei_hbm, tab_hbm, dinv_hbm, sc2_hbm, out_hbm,
                 tab_v, acc_v, src_v, dst_v, sem0, sem1,
                 dinv_v, m0_v, m1_v, s_v, shared):
    core = lax.axis_index("c")
    sub = lax.axis_index("s")
    scol = core * 16 + sub
    pltpu.sync_copy(tab_hbm.at[scol], tab_v)
    pltpu.sync_copy(dinv_hbm.at[0], dinv_v)

    @pl.loop(0, _N // 16)
    def _(i):
      sl = pl.ds(i * 16, 16)
      tv = tab_v[sl] * dinv_v[sl]
      tab_v[sl] = tv
      acc_v[sl] = tv

    _edge_sweep(ei_hbm, tab_v, acc_v, src_v, dst_v, [sem0, sem1],
                jnp.int32(0), _NCHUNK)

    pltpu.sync_copy(acc_v, shared.at[sub])
    plsc.subcore_barrier()

    tcol = core * 8 + sub // 2
    part = sub % 2
    lr0 = 2 * (sub // 2)
    pltpu.sync_copy(shared.at[lr0], m0_v)
    pltpu.sync_copy(shared.at[lr0 + 1], m1_v)
    pltpu.sync_copy(sc2_hbm.at[tcol], s_v)
    wa = s_v[0]
    wb = s_v[1]
    ba = s_v[2]
    bb = s_v[3]
    ps = jnp.broadcast_to(
        jnp.where(part == 0, 1.0, 0.0).astype(jnp.float32), (16,))

    @pl.loop(0, _N // 16)
    def _(i):
      sl = pl.ds(i * 16, 16)
      dv = dinv_v[sl]
      a = jnp.maximum(m0_v[sl] * dv + ba, 0.0)
      c = jnp.maximum(m1_v[sl] * dv + bb, 0.0)
      tv = dv * (wa * a + wb * c)
      tab_v[sl] = tv
      acc_v[sl] = tv * ps

    _edge_sweep(ei_hbm, tab_v, acc_v, src_v, dst_v, [sem0, sem1],
                part, _NCHUNK // 2)
    pltpu.sync_copy(acc_v, out_hbm.at[2 * tcol + part])

  return conv_fused


@functools.lru_cache(maxsize=None)
def _make_conv1():
  @functools.partial(
      pl.kernel,
      out_type=jax.ShapeDtypeStruct((_NW, _N), jnp.float32),
      mesh=_mesh(),
      compiler_params=_SC_PARAMS,
      scratch_types=_CONV_SCRATCH + [
          pltpu.VMEM((_N,), jnp.float32),
      ],
  )
  def conv1(ei_hbm, tab_hbm, dinv_hbm, out_hbm,
            tab_v, acc_v, src_v, dst_v, sem0, sem1, dinv_v):
    wid = _wid()
    pltpu.sync_copy(tab_hbm.at[wid], tab_v)
    pltpu.sync_copy(dinv_hbm.at[0], dinv_v)

    @pl.loop(0, _N // 16)
    def _(i):
      sl = pl.ds(i * 16, 16)
      tv = tab_v[sl] * dinv_v[sl]
      tab_v[sl] = tv
      acc_v[sl] = tv

    _edge_sweep(ei_hbm, tab_v, acc_v, src_v, dst_v, [sem0, sem1],
                jnp.int32(0), _NCHUNK)
    pltpu.sync_copy(acc_v, out_hbm.at[wid])

  return conv1


@functools.lru_cache(maxsize=None)
def _make_conv2():
  @functools.partial(
      pl.kernel,
      out_type=jax.ShapeDtypeStruct((_NW, _N), jnp.float32),
      mesh=_mesh(),
      compiler_params=_SC_PARAMS,
      scratch_types=_CONV_SCRATCH + [
          pltpu.VMEM((_N,), jnp.float32),
          pltpu.VMEM((_N,), jnp.float32),
          pltpu.VMEM((_N,), jnp.float32),
          pltpu.VMEM((4, 16), jnp.float32),
      ],
  )
  def conv2(ei_hbm, msg1_hbm, dinv_hbm, sc2_hbm, out_hbm,
            tab_v, acc_v, src_v, dst_v, sem0, sem1,
            dinv_v, m0_v, m1_v, s_v):
    wid = _wid()
    col = wid // 2
    part = wid % 2
    pltpu.sync_copy(dinv_hbm.at[0], dinv_v)
    pltpu.sync_copy(msg1_hbm.at[2 * col], m0_v)
    pltpu.sync_copy(msg1_hbm.at[2 * col + 1], m1_v)
    pltpu.sync_copy(sc2_hbm.at[col], s_v)
    wa = s_v[0]
    wb = s_v[1]
    ba = s_v[2]
    bb = s_v[3]
    ps = jnp.broadcast_to(
        jnp.where(part == 0, 1.0, 0.0).astype(jnp.float32), (16,))

    @pl.loop(0, _N // 16)
    def _(i):
      sl = pl.ds(i * 16, 16)
      dv = dinv_v[sl]
      a = jnp.maximum(m0_v[sl] * dv + ba, 0.0)
      c = jnp.maximum(m1_v[sl] * dv + bb, 0.0)
      tv = dv * (wa * a + wb * c)
      tab_v[sl] = tv
      acc_v[sl] = tv * ps

    _edge_sweep(ei_hbm, tab_v, acc_v, src_v, dst_v, [sem0, sem1],
                part, _NCHUNK // 2)
    pltpu.sync_copy(acc_v, out_hbm.at[wid])

  return conv2


def _gru_cell(gi, h, whht, bhh):
  gh = jnp.dot(h, whht[...], preferred_element_type=jnp.float32) + bhh[...]
  r = jax.nn.sigmoid(gi[:, :_H] + gh[:, :_H])
  z = jax.nn.sigmoid(gi[:, _H:2 * _H] + gh[:, _H:2 * _H])
  n = jnp.tanh(gi[:, 2 * _H:] + r * gh[:, 2 * _H:])
  return (1.0 - z) * n + z * h


def _gru_kernel(msg2, dinv, b2, wih0, whh0t, bih0, bhh0,
                wih1t, whh1t, bih1, bhh1, out1, hn):
  rows = [msg2[2 * t:2 * t + 1, :] + msg2[2 * t + 1:2 * t + 2, :]
          for t in range(_SEQ)]
  seq = jnp.tanh(jnp.concatenate(rows, axis=0) * dinv[...] + b2[...])
  gi0 = lax.dot_general(
      seq, wih0[...], (((1,), (1,)), ((), ())),
      preferred_element_type=jnp.float32) + bih0[...]
  h = jnp.zeros((1, _H), jnp.float32)
  outs0 = []
  for t in range(_SEQ):
    h = _gru_cell(gi0[t:t + 1, :], h, whh0t, bhh0)
    outs0.append(h)
  out0 = jnp.concatenate(outs0, axis=0)
  h0T = h
  gi1 = jnp.dot(out0, wih1t[...], preferred_element_type=jnp.float32) + bih1[...]
  h = jnp.zeros((1, _H), jnp.float32)
  outs1 = []
  for t in range(_SEQ):
    h = _gru_cell(gi1[t:t + 1, :], h, whh1t, bhh1)
    outs1.append(h)
  out1[...] = jnp.concatenate(outs1, axis=0)
  hn[...] = jnp.concatenate([h0T, h], axis=0)


def _run_gru(msg2, dinv, b2, wih0, whh0t, bih0, bhh0,
             wih1t, whh1t, bih1, bhh1):
  return pl.pallas_call(
      _gru_kernel,
      out_shape=[
          jax.ShapeDtypeStruct((_SEQ, _H), jnp.float32),
          jax.ShapeDtypeStruct((2, _H), jnp.float32),
      ],
  )(msg2, dinv, b2, wih0, whh0t, bih0, bhh0, wih1t, whh1t, bih1, bhh1)


def kernel(x, edge_index, W1, b1, W2, b2,
           Wih0, Whh0, bih0, bhh0, Wih1, Whh1, bih1, bhh1):
  t_ids = jnp.arange(_SEQ, dtype=jnp.int32)
  h_ids = jnp.arange(_NHID, dtype=jnp.int32)
  c_ids = jnp.arange(_NCOL1, dtype=jnp.int32)
  onehot = (c_ids[None, None, :] ==
            (2 * t_ids[:, None, None] + h_ids[None, :, None])
            ).astype(jnp.float32)
  w1pt = jnp.einsum("tkh,thc->tck", W1, onehot)
  sc2 = jnp.zeros((_NCOL2, 4, 16), jnp.float32)
  sc2 = sc2.at[:_SEQ, 0, :].set(W2[:, 0, 0][:, None])
  sc2 = sc2.at[:_SEQ, 1, :].set(W2[:, 1, 0][:, None])
  sc2 = sc2.at[:_SEQ, 2, :].set(b1[:, 0][:, None])
  sc2 = sc2.at[:_SEQ, 3, :].set(b1[:, 1][:, None])

  degp = _make_deg()(edge_index)
  hht = _run_mm(x, w1pt)
  dinv = _run_dinv(degp)
  msg2 = _make_conv_fused()(edge_index, hht, dinv, sc2)
  out1, hn = _run_gru(
      msg2, dinv, b2, Wih0, Whh0.T, bih0.reshape(1, -1), bhh0.reshape(1, -1),
      Wih1.T, Whh1.T, bih1.reshape(1, -1), bhh1.reshape(1, -1))
  return out1.reshape(_SEQ, 1, _H), hn.reshape(2, 1, _H)

# --- scband reference (transcript-rebuilt; emitter-appended) ---
"""Pipeline reference for scband-tgcn-36086315221314 (READ-ONLY COPY).

The authoritative reference and input builder live on the scoring server;
editing this copy changes nothing except your own understanding.
"""

import jax, jax.numpy as jnp
import numpy as np

N = 10000
E = 320000
SEQ = 15
IN_FEAT = 128
NHID = 2
G_FEAT = 1
H = 64
RIN = G_FEAT * N


def setup_inputs(seed: int = 0) -> dict:
    key = jax.random.key(seed)
    ks = jax.random.split(key, 12)
    x = jax.random.normal(ks[0], (SEQ, N, IN_FEAT), dtype=jnp.float32)
    edge_index = jax.random.randint(ks[1], (2, E), 0, N, dtype=jnp.int32)
    # per-timestep GCN weights (TGCN builds one GCN per timestep)
    W1 = jax.random.normal(ks[2], (SEQ, IN_FEAT, NHID), dtype=jnp.float32) * 0.1
    b1 = jnp.zeros((SEQ, NHID), dtype=jnp.float32)
    W2 = jax.random.normal(ks[3], (SEQ, NHID, G_FEAT), dtype=jnp.float32) * 0.1
    b2 = jnp.zeros((SEQ, G_FEAT), dtype=jnp.float32)
    # 2-layer GRU weights (PyTorch layout: W_ih [3H, in], W_hh [3H, H])
    Wih0 = jax.random.normal(ks[4], (3 * H, RIN), dtype=jnp.float32) * 0.01
    Whh0 = jax.random.normal(ks[5], (3 * H, H), dtype=jnp.float32) * 0.1
    bih0 = jnp.zeros((3 * H,), dtype=jnp.float32)
    bhh0 = jnp.zeros((3 * H,), dtype=jnp.float32)
    Wih1 = jax.random.normal(ks[6], (3 * H, H), dtype=jnp.float32) * 0.1
    Whh1 = jax.random.normal(ks[7], (3 * H, H), dtype=jnp.float32) * 0.1
    bih1 = jnp.zeros((3 * H,), dtype=jnp.float32)
    bhh1 = jnp.zeros((3 * H,), dtype=jnp.float32)
    return {"x": x, "edge_index": edge_index, "W1": W1, "b1": b1, "W2": W2, "b2": b2,
            "Wih0": Wih0, "Whh0": Whh0, "bih0": bih0, "bhh0": bhh0,
            "Wih1": Wih1, "Whh1": Whh1, "bih1": bih1, "bhh1": bhh1}


def _gru_layer(inp, Wih, Whh, bih, bhh):
    def step(h, x_t):
        gi = x_t @ Wih.T + bih
        gh = h @ Whh.T + bhh
        i_r, i_z, i_n = jnp.split(gi, 3, axis=-1)
        h_r, h_z, h_n = jnp.split(gh, 3, axis=-1)
        r = jax.nn.sigmoid(i_r + h_r)
        z = jax.nn.sigmoid(i_z + h_z)
        n = jnp.tanh(i_n + r * h_n)
        h_new = (1.0 - z) * n + z * h
        return h_new, h_new
    h0 = jnp.zeros((inp.shape[1], Whh.shape[1]), dtype=inp.dtype)
    hT, out = jax.lax.scan(step, h0, inp)
    return out, hT


def reference(x, edge_index, W1, b1, W2, b2, Wih0, Whh0, bih0, bhh0, Wih1, Whh1, bih1, bhh1):
    # GCNConv with self-loops and symmetric normalization
    loop = jnp.arange(N, dtype=edge_index.dtype)
    src = jnp.concatenate([edge_index[0], loop])
    dst = jnp.concatenate([edge_index[1], loop])
    deg = jnp.zeros((N,), dtype=jnp.float32).at[dst].add(1.0)
    dinv = jnp.where(deg > 0, 1.0 / jnp.sqrt(deg), 0.0)
    norm = dinv[src] * dinv[dst]

    def conv(xt, W, b):
        hh = xt @ W
        msg = hh[src] * norm[:, None]
        return jax.ops.segment_sum(msg, dst, num_segments=N) + b

    def gcn_step(xt, w1, bb1, w2, bb2):
        h = conv(xt, w1, bb1)
        h = jax.nn.relu(h)
        # dropout inactive at eval
        h = conv(h, w2, bb2)
        return jnp.tanh(h).reshape(-1, RIN)  # (batch=1, N*G_FEAT)

    seq = jax.vmap(gcn_step)(x, W1, b1, W2, b2)  # (SEQ, 1, RIN)
    out0, h0T = _gru_layer(seq, Wih0, Whh0, bih0, bhh0)
    out1, h1T = _gru_layer(out0, Wih1, Whh1, bih1, bhh1)
    hn = jnp.stack([h0T, h1T])  # (n_layers=2, 1, H)
    return out1, hn

if __name__ == "__main__":
    import jax
    _d = setup_inputs()
    print(jax.jit(kernel)(*tuple(_d.values())))

</pallas_src>

<mosaic_0001>
#map = affine_map<(d0, d1) -> (0, 0)>
#map1 = affine_map<(d0, d1) -> (0, 0, 0)>
module attributes {stable_mosaic.version = 14 : i64} {
  func.func @conv_fused(%arg0: i32, %arg1: i32, %arg2: memref<2x320000xi32, #tpu.memory_space<hbm>>, %arg3: memref<32x10000xf32, #tpu.memory_space<hbm>>, %arg4: memref<1x10000xf32, #tpu.memory_space<hbm>>, %arg5: memref<16x4x16xf32, #tpu.memory_space<hbm>>, %arg6: memref<32x10000xf32, #tpu.memory_space<hbm>>, %arg7: memref<10000xf32, #tpu.memory_space<vmem>>, %arg8: memref<10000xf32, #tpu.memory_space<vmem>>, %arg9: memref<2x8000xi32, #tpu.memory_space<vmem>>, %arg10: memref<2x8000xi32, #tpu.memory_space<vmem>>, %arg11: memref<!tpu.dma_semaphore, #tpu.memory_space<semaphore_mem>>, %arg12: memref<!tpu.dma_semaphore, #tpu.memory_space<semaphore_mem>>, %arg13: memref<10000xf32, #tpu.memory_space<vmem>>, %arg14: memref<10000xf32, #tpu.memory_space<vmem>>, %arg15: memref<10000xf32, #tpu.memory_space<vmem>>, %arg16: memref<4x16xf32, #tpu.memory_space<vmem>>, %arg17: memref<16x10000xf32, #tpu.memory_space<vmem_shared>>) attributes {dimension_semantics = [#tpu.dimension_semantics<core_parallel>, #tpu.dimension_semantics<subcore_parallel>], iteration_bounds = array<i64: 2, 16>, scalar_prefetch = 0 : i64, scratch_operands = 11 : i64, tpu.core_type = #tpu.core_type<sc_vector_subcore>, window_params = [{transform_indices = #map}, {transform_indices = #map}, {transform_indices = #map}, {transform_indices = #map1}, {transform_indices = #map}]} {
    %mul3A = arith.constant 16 : i32
    %mul3A_0 = arith.muli %arg0, %mul3A : i32
    %add3A = arith.addi %mul3A_0, %arg1 : i32
    "tpu.region"() ({
      %run_scoped3A_165 = tpu.sem_alloc : memref<!tpu.dma_semaphore, #tpu.memory_space<semaphore_mem>>
      %dma_start3A_166 = arith.constant 0 : i32
      %dma_start3A_167 = tpu.memref_slice %arg3[%add3A, %dma_start3A_166] : memref<32x10000xf32, #tpu.memory_space<hbm>> -> memref<1x10000xf32, #tpu.memory_space<hbm>>
      %dma_start3A_168 = tpu.memref_squeeze %dma_start3A_167 : memref<1x10000xf32, #tpu.memory_space<hbm>> -> memref<10000xf32, #tpu.memory_space<hbm>>
      %dma_start3A_169 = arith.constant 0 : i32
      %dma_start3A_170 = tpu.memref_slice %arg3[%add3A, %dma_start3A_169] : memref<32x10000xf32, #tpu.memory_space<hbm>> -> memref<1x10000xf32, #tpu.memory_space<hbm>>
      %dma_start3A_171 = tpu.memref_squeeze %dma_start3A_170 : memref<1x10000xf32, #tpu.memory_space<hbm>> -> memref<10000xf32, #tpu.memory_space<hbm>>
      tpu.enqueue_dma source(%dma_start3A_171 : memref<10000xf32, #tpu.memory_space<hbm>>) target(%arg7 : memref<10000xf32, #tpu.memory_space<vmem>>) target_semaphore(%run_scoped3A_165 : memref<!tpu.dma_semaphore, #tpu.memory_space<semaphore_mem>>)
      %dma_wait3A = arith.constant 0 : i32
      %dma_wait3A_172 = tpu.memref_slice %arg3[%add3A, %dma_wait3A] : memref<32x10000xf32, #tpu.memory_space<hbm>> -> memref<1x10000xf32, #tpu.memory_space<hbm>>
      %dma_wait3A_173 = tpu.memref_squeeze %dma_wait3A_172 : memref<1x10000xf32, #tpu.memory_space<hbm>> -> memref<10000xf32, #tpu.memory_space<hbm>>
      %dma_wait3A_174 = arith.constant 0 : i32
      %dma_wait3A_175 = tpu.memref_slice %arg3[%add3A, %dma_wait3A_174] : memref<32x10000xf32, #tpu.memory_space<hbm>> -> memref<1x10000xf32, #tpu.memory_space<hbm>>
      %dma_wait3A_176 = tpu.memref_squeeze %dma_wait3A_175 : memref<1x10000xf32, #tpu.memory_space<hbm>> -> memref<10000xf32, #tpu.memory_space<hbm>>
      tpu.wait_dma2 semaphore(%run_scoped3A_165 : memref<!tpu.dma_semaphore, #tpu.memory_space<semaphore_mem>>) src(%dma_wait3A_176 : memref<10000xf32, #tpu.memory_space<hbm>>) dst(%arg7 : memref<10000xf32, #tpu.memory_space<vmem>>)
      tpu.yield
    }) : () -> ()
    %run_scoped3A = arith.constant 0 : i32
    "tpu.region"() ({
      %run_scoped3A_165 = tpu.sem_alloc : memref<!tpu.dma_semaphore, #tpu.memory_space<semaphore_mem>>
      %dma_start3A_166 = arith.constant 0 : i32
      %dma_start3A_167 = tpu.memref_slice %arg4[%run_scoped3A, %dma_start3A_166] : memref<1x10000xf32, #tpu.memory_space<hbm>> -> memref<1x10000xf32, #tpu.memory_space<hbm>>
      %dma_start3A_168 = tpu.memref_squeeze %dma_start3A_167 : memref<1x10000xf32, #tpu.memory_space<hbm>> -> memref<10000xf32, #tpu.memory_space<hbm>>
      %dma_start3A_169 = arith.constant 0 : i32
      %dma_start3A_170 = tpu.memref_slice %arg4[%run_scoped3A, %dma_start3A_169] : memref<1x10000xf32, #tpu.memory_space<hbm>> -> memref<1x10000xf32, #tpu.memory_space<hbm>>
      %dma_start3A_171 = tpu.memref_squeeze %dma_start3A_170 : memref<1x10000xf32, #tpu.memory_space<hbm>> -> memref<10000xf32, #tpu.memory_space<hbm>>
      tpu.enqueue_dma source(%dma_start3A_171 : memref<10000xf32, #tpu.memory_space<hbm>>) target(%arg13 : memref<10000xf32, #tpu.memory_space<vmem>>) target_semaphore(%run_scoped3A_165 : memref<!tpu.dma_semaphore, #tpu.memory_space<semaphore_mem>>)
      %dma_wait3A = arith.constant 0 : i32
      %dma_wait3A_172 = tpu.memref_slice %arg4[%run_scoped3A, %dma_wait3A] : memref<1x10000xf32, #tpu.memory_space<hbm>> -> memref<1x10000xf32, #tpu.memory_space<hbm>>
      %dma_wait3A_173 = tpu.memref_squeeze %dma_wait3A_172 : memref<1x10000xf32, #tpu.memory_space<hbm>> -> memref<10000xf32, #tpu.memory_space<hbm>>
      %dma_wait3A_174 = arith.constant 0 : i32
      %dma_wait3A_175 = tpu.memref_slice %arg4[%run_scoped3A, %dma_wait3A_174] : memref<1x10000xf32, #tpu.memory_space<hbm>> -> memref<1x10000xf32, #tpu.memory_space<hbm>>
      %dma_wait3A_176 = tpu.memref_squeeze %dma_wait3A_175 : memref<1x10000xf32, #tpu.memory_space<hbm>> -> memref<10000xf32, #tpu.memory_space<hbm>>
      tpu.wait_dma2 semaphore(%run_scoped3A_165 : memref<!tpu.dma_semaphore, #tpu.memory_space<semaphore_mem>>) src(%dma_wait3A_176 : memref<10000xf32, #tpu.memory_space<hbm>>) dst(%arg13 : memref<10000xf32, #tpu.memory_space<vmem>>)
      tpu.yield
    }) : () -> ()
    %scan3A = arith.constant 0 : i32
    %scan3A_1 = arith.constant 625 : i32
    %scan3A_2 = arith.addi %scan3A, %scan3A_1 : i32
    %scan3A_3 = arith.constant 1 : i32
    scf.for %scan3A_165 = %scan3A to %scan3A_2 step %scan3A_3  : i32 {
      %mul3A_166 = arith.constant 1 : i32
      %mul3A_167 = arith.muli %scan3A_165, %mul3A_166 : i32
      %add3A_168 = arith.constant 0 : i32
      %add3A_169 = arith.addi %add3A_168, %mul3A_167 : i32
      %mul3A_170 = arith.constant 16 : i32
      %mul3A_171 = arith.muli %add3A_169, %mul3A_170 : i32
      %get3A_172 = arith.index_cast %mul3A_171 : i32 to index
      %get3A_173 = tpu.vector_load %arg7[%get3A_172] {strides = array<i32>} : memref<10000xf32, #tpu.memory_space<vmem>>, vector<16xf32>,
      %get3A_174 = arith.index_cast %mul3A_171 : i32 to index
      %get3A_175 = tpu.vector_load %arg13[%get3A_174] {strides = array<i32>} : memref<10000xf32, #tpu.memory_space<vmem>>, vector<16xf32>,
      %mul3A_176 = arith.mulf %get3A_173, %get3A_175 : vector<16xf32>
      %swap3A = arith.index_cast %mul3A_171 : i32 to index
      %swap3A_177 = tpu.vector_load %arg7[%swap3A] {strides = array<i32>} : memref<10000xf32, #tpu.memory_space<vmem>>, vector<16xf32>,
      tpu.vector_store %arg7[%swap3A], %mul3A_176 {strides = array<i32>} : memref<10000xf32, #tpu.memory_space<vmem>>, vector<16xf32>,
      %swap3A_178 = arith.index_cast %mul3A_171 : i32 to index
      %swap3A_179 = tpu.vector_load %arg8[%swap3A_178] {strides = array<i32>} : memref<10000xf32, #tpu.memory_space<vmem>>, vector<16xf32>,
      tpu.vector_store %arg8[%swap3A_178], %mul3A_176 {strides = array<i32>} : memref<10000xf32, #tpu.memory_space<vmem>>, vector<16xf32>,
    }
    %scan3A_4 = arith.constant 625 : i32
    %mul3A_5 = arith.constant 0 : i32
    %mul3A_6 = arith.constant 40 : i32
    %mul3A_7 = arith.muli %mul3A_5, %mul3A_6 : i32
    %add3A_8 = arith.constant 0 : i32
    %add3A_9 = arith.addi %mul3A_7, %add3A_8 : i32
    %mul3A_10 = arith.constant 8000 : i32
    %mul3A_11 = arith.muli %add3A_9, %mul3A_10 : i32
    %dma_start3A = arith.constant 0 : i32
    %dma_start3A_12 = arith.constant 0 : i32
    %dma_start3A_13 = arith.constant 0 : i32
    %dma_start3A_14 = tpu.memref_slice %arg9[%dma_start3A_12, %dma_start3A_13] : memref<2x8000xi32, #tpu.memory_space<vmem>> -> memref<1x8000xi32, #tpu.memory_space<vmem>>
    %dma_start3A_15 = tpu.memref_squeeze %dma_start3A_14 : memref<1x8000xi32, #tpu.memory_space<vmem>> -> memref<8000xi32, #tpu.memory_space<vmem>>
    %dma_start3A_16 = tpu.memref_slice %arg2[%dma_start3A, %mul3A_11] : memref<2x320000xi32, #tpu.memory_space<hbm>> -> memref<1x8000xi32, #tpu.memory_space<hbm>>
    %dma_start3A_17 = tpu.memref_squeeze %dma_start3A_16 : memref<1x8000xi32, #tpu.memory_space<hbm>> -> memref<8000xi32, #tpu.memory_space<hbm>>
    %dma_start3A_18 = arith.constant 0 : i32
    %dma_start3A_19 = tpu.memref_slice %arg9[%dma_start3A_12, %dma_start3A_18] : memref<2x8000xi32, #tpu.memory_space<vmem>> -> memref<1x8000xi32, #tpu.memory_space<vmem>>
    %dma_start3A_20 = tpu.memref_squeeze %dma_start3A_19 : memref<1x8000xi32, #tpu.memory_space<vmem>> -> memref<8000xi32, #tpu.memory_space<vmem>>
    %dma_start3A_21 = tpu.memref_slice %arg2[%dma_start3A, %mul3A_11] : memref<2x320000xi32, #tpu.memory_space<hbm>> -> memref<1x8000xi32, #tpu.memory_space<hbm>>
    %dma_start3A_22 = tpu.memref_squeeze %dma_start3A_21 : memref<1x8000xi32, #tpu.memory_space<hbm>> -> memref<8000xi32, #tpu.memory_space<hbm>>
    tpu.enqueue_dma source(%dma_start3A_22 : memref<8000xi32, #tpu.memory_space<hbm>>) target(%dma_start3A_20 : memref<8000xi32, #tpu.memory_space<vmem>>) target_semaphore(%arg11 : memref<!tpu.dma_semaphore, #tpu.memory_space<semaphore_mem>>)
    %dma_start3A_23 = arith.constant 1 : i32
    %dma_start3A_24 = arith.constant 0 : i32
    %dma_start3A_25 = arith.constant 0 : i32
    %dma_start3A_26 = tpu.memref_slice %arg10[%dma_start3A_24, %dma_start3A_25] : memref<2x8000xi32, #tpu.memory_space<vmem>> -> memref<1x8000xi32, #tpu.memory_space<vmem>>
    %dma_start3A_27 = tpu.memref_squeeze %dma_start3A_26 : memref<1x8000xi32, #tpu.memory_space<vmem>> -> memref<8000xi32, #tpu.memory_space<vmem>>
    %dma_start3A_28 = tpu.memref_slice %arg2[%dma_start3A_23, %mul3A_11] : memref<2x320000xi32, #tpu.memory_space<hbm>> -> memref<1x8000xi32, #tpu.memory_space<hbm>>
    %dma_start3A_29 = tpu.memref_squeeze %dma_start3A_28 : memref<1x8000xi32, #tpu.memory_space<hbm>> -> memref<8000xi32, #tpu.memory_space<hbm>>
    %dma_start3A_30 = arith.constant 0 : i32
    %dma_start3A_31 = tpu.memref_slice %arg10[%dma_start3A_24, %dma_start3A_30] : memref<2x8000xi32, #tpu.memory_space<vmem>> -> memref<1x8000xi32, #tpu.memory_space<vmem>>
    %dma_start3A_32 = tpu.memref_squeeze %dma_start3A_31 : memref<1x8000xi32, #tpu.memory_space<vmem>> -> memref<8000xi32, #tpu.memory_space<vmem>>
    %dma_start3A_33 = tpu.memref_slice %arg2[%dma_start3A_23, %mul3A_11] : memref<2x320000xi32, #tpu.memory_space<hbm>> -> memref<1x8000xi32, #tpu.memory_space<hbm>>
    %dma_start3A_34 = tpu.memref_squeeze %dma_start3A_33 : memref<1x8000xi32, #tpu.memory_space<hbm>> -> memref<8000xi32, #tpu.memory_space<hbm>>
    tpu.enqueue_dma source(%dma_start3A_34 : memref<8000xi32, #tpu.memory_space<hbm>>) target(%dma_start3A_32 : memref<8000xi32, #tpu.memory_space<vmem>>) target_semaphore(%arg11 : memref<!tpu.dma_semaphore, #tpu.memory_space<semaphore_mem>>)
    %scan3A_35 = arith.constant 0 : i32
    %scan3A_36 = arith.constant 0 : i32
    %scan3A_37 = arith.constant 20 : i32
    %scan3A_38 = arith.addi %scan3A_36, %scan3A_37 : i32
    %scan3A_39 = arith.constant 1 : i32
    scf.for %scan3A_165 = %scan3A_36 to %scan3A_38 step %scan3A_39  : i32 {
      %mul3A_166 = arith.constant 1 : i32
      %mul3A_167 = arith.muli %scan3A_165, %mul3A_166 : i32
      %add3A_168 = arith.constant 0 : i32
      %add3A_169 = arith.addi %add3A_168, %mul3A_167 : i32
      %mul3A_170 = arith.constant 2 : i32
      %mul3A_171 = arith.muli %add3A_169, %mul3A_170 : i32
      %add3A_172 = arith.constant 0 : i32
      %add3A_173 = arith.addi %mul3A_171, %add3A_172 : i32
      %add3A_174 = arith.constant 1 : i32
      %add3A_175 = arith.addi %add3A_173, %add3A_174 : i32
      %lt3A_176 = arith.constant 40 : i32
      %lt3A_177 = arith.cmpi slt, %add3A_175, %lt3A_176 : i32
      %convert_element_type3A = arith.extui %lt3A_177 : i1 to i32
      %cond3A = arith.constant 0 : i32
      %cond3A_178 = arith.cmpi ne, %convert_element_type3A, %cond3A : i32
      scf.if %cond3A_178 {
        %add3A_257 = arith.constant 1 : i32
        %add3A_258 = arith.addi %add3A_173, %add3A_257 : i32
        %mul3A_259 = arith.constant 40 : i32
        %mul3A_260 = arith.muli %scan3A_35, %mul3A_259 : i32
        %add3A_261 = arith.addi %mul3A_260, %add3A_258 : i32
        %mul3A_262 = arith.constant 8000 : i32
        %mul3A_263 = arith.muli %add3A_261, %mul3A_262 : i32
        %dma_start3A_264 = arith.constant 0 : i32
        %dma_start3A_265 = arith.constant 1 : i32
        %dma_start3A_266 = arith.constant 0 : i32
        %dma_start3A_267 = tpu.memref_slice %arg9[%dma_start3A_265, %dma_start3A_266] : memref<2x8000xi32, #tpu.memory_space<vmem>> -> memref<1x8000xi32, #tpu.memory_space<vmem>>
        %dma_start3A_268 = tpu.memref_squeeze %dma_start3A_267 : memref<1x8000xi32, #tpu.memory_space<vmem>> -> memref<8000xi32, #tpu.memory_space<vmem>>
        %dma_start3A_269 = tpu.memref_slice %arg2[%dma_start3A_264, %mul3A_263] : memref<2x320000xi32, #tpu.memory_space<hbm>> -> memref<1x8000xi32, #tpu.memory_space<hbm>>
        %dma_start3A_270 = tpu.memref_squeeze %dma_start3A_269 : memref<1x8000xi32, #tpu.memory_space<hbm>> -> memref<8000xi32, #tpu.memory_space<hbm>>
        %dma_start3A_271 = arith.constant 0 : i32
        %dma_start3A_272 = tpu.memref_slice %arg9[%dma_start3A_265, %dma_start3A_271] : memref<2x8000xi32, #tpu.memory_space<vmem>> -> memref<1x8000xi32, #tpu.memory_space<vmem>>
        %dma_start3A_273 = tpu.memref_squeeze %dma_start3A_272 : memref<1x8000xi32, #tpu.memory_space<vmem>> -> memref<8000xi32, #tpu.memory_space<vmem>>
        %dma_start3A_274 = tpu.memref_slice %arg2[%dma_start3A_264, %mul3A_263] : memref<2x320000xi32, #tpu.memory_space<hbm>> -> memref<1x8000xi32, #tpu.memory_space<hbm>>
        %dma_start3A_275 = tpu.memref_squeeze %dma_start3A_274 : memref<1x8000xi32, #tpu.memory_space<hbm>> -> memref<8000xi32, #tpu.memory_space<hbm>>
        tpu.enqueue_dma source(%dma_start3A_275 : memref<8000xi32, #tpu.memory_space<hbm>>) target(%dma_start3A_273 : memref<8000xi32, #tpu.memory_space<vmem>>) target_semaphore(%arg12 : memref<!tpu.dma_semaphore, #tpu.memory_space<semaphore_mem>>)
        %dma_start3A_276 = arith.constant 1 : i32
        %dma_start3A_277 = arith.constant 1 : i32
        %dma_start3A_278 = arith.constant 0 : i32
        %dma_start3A_279 = tpu.memref_slice %arg10[%dma_start3A_277, %dma_start3A_278] : memref<2x8000xi32, #tpu.memory_space<vmem>> -> memref<1x8000xi32, #tpu.memory_space<vmem>>
        %dma_start3A_280 = tpu.memref_squeeze %dma_start3A_279 : memref<1x8000xi32, #tpu.memory_space<vmem>> -> memref<8000xi32, #tpu.memory_space<vmem>>
        %dma_start3A_281 = tpu.memref_slice %arg2[%dma_start3A_276, %mul3A_263] : memref<2x320000xi32, #tpu.memory_space<hbm>> -> memref<1x8000xi32, #tpu.memory_space<hbm>>
        %dma_start3A_282 = tpu.memref_squeeze %dma_start3A_281 : memref<1x8000xi32, #tpu.memory_space<hbm>> -> memref<8000xi32, #tpu.memory_space<hbm>>
        %dma_start3A_283 = arith.constant 0 : i32
        %dma_start3A_284 = tpu.memref_slice %arg10[%dma_start3A_277, %dma_start3A_283] : memref<2x8000xi32, #tpu.memory_space<vmem>> -> memref<1x8000xi32, #tpu.memory_space<vmem>>
        %dma_start3A_285 = tpu.memref_squeeze %dma_start3A_284 : memref<1x8000xi32, #tpu.memory_space<vmem>> -> memref<8000xi32, #tpu.memory_space<vmem>>
        %dma_start3A_286 = tpu.memref_slice %arg2[%dma_start3A_276, %mul3A_263] : memref<2x320000xi32, #tpu.memory_space<hbm>> -> memref<1x8000xi32, #tpu.memory_space<hbm>>
        %dma_start3A_287 = tpu.memref_squeeze %dma_start3A_286 : memref<1x8000xi32, #tpu.memory_space<hbm>> -> memref<8000xi32, #tpu.memory_space<hbm>>
        tpu.enqueue_dma source(%dma_start3A_287 : memref<8000xi32, #tpu.memory_space<hbm>>) target(%dma_start3A_285 : memref<8000xi32, #tpu.memory_space<vmem>>) target_semaphore(%arg12 : memref<!tpu.dma_semaphore, #tpu.memory_space<semaphore_mem>>)
      } else {
      }
      %mul3A_179 = arith.constant 40 : i32
      %mul3A_180 = arith.muli %scan3A_35, %mul3A_179 : i32
      %add3A_181 = arith.addi %mul3A_180, %add3A_173 : i32
      %mul3A_182 = arith.constant 8000 : i32
      %mul3A_183 = arith.muli %add3A_181, %mul3A_182 : i32
      %dma_wait3A = arith.constant 0 : i32
      %dma_wait3A_184 = arith.constant 0 : i32
      %dma_wait3A_185 = arith.constant 0 : i32
      %dma_wait3A_186 = tpu.memref_slice %arg9[%dma_wait3A_184, %dma_wait3A_185] : memref<2x8000xi32, #tpu.memory_space<vmem>> -> memref<1x8000xi32, #tpu.memory_space<vmem>>
      %dma_wait3A_187 = tpu.memref_squeeze %dma_wait3A_186 : memref<1x8000xi32, #tpu.memory_space<vmem>> -> memref<8000xi32, #tpu.memory_space<vmem>>
      %dma_wait3A_188 = tpu.memref_slice %arg2[%dma_wait3A, %mul3A_183] : memref<2x320000xi32, #tpu.memory_space<hbm>> -> memref<1x8000xi32, #tpu.memory_space<hbm>>
      %dma_wait3A_189 = tpu.memref_squeeze %dma_wait3A_188 : memref<1x8000xi32, #tpu.memory_space<hbm>> -> memref<8000xi32, #tpu.memory_space<hbm>>
      %dma_wait3A_190 = arith.constant 0 : i32
      %dma_wait3A_191 = tpu.memref_slice %arg9[%dma_wait3A_184, %dma_wait3A_190] : memref<2x8000xi32, #tpu.memory_space<vmem>> -> memref<1x8000xi32, #tpu.memory_space<vmem>>
      %dma_wait3A_192 = tpu.memref_squeeze %dma_wait3A_191 : memref<1x8000xi32, #tpu.memory_space<vmem>> -> memref<8000xi32, #tpu.memory_space<vmem>>
      %dma_wait3A_193 = tpu.memref_slice %arg2[%dma_wait3A, %mul3A_183] : memref<2x320000xi32, #tpu.memory_space<hbm>> -> memref<1x8000xi32, #tpu.memory_space<hbm>>
      %dma_wait3A_194 = tpu.memref_squeeze %dma_wait3A_193 : memref<1x8000xi32, #tpu.memory_space<hbm>> -> memref<8000xi32, #tpu.memory_space<hbm>>
      tpu.wait_dma2 semaphore(%arg11 : memref<!tpu.dma_semaphore, #tpu.memory_space<semaphore_mem>>) src(%dma_wait3A_194 : memref<8000xi32, #tpu.memory_space<hbm>>) dst(%dma_wait3A_192 : memref<8000xi32, #tpu.memory_space<vmem>>)
      %dma_wait3A_195 = arith.constant 1 : i32
      %dma_wait3A_196 = arith.constant 0 : i32
      %dma_wait3A_197 = arith.constant 0 : i32
      %dma_wait3A_198 = tpu.memref_slice %arg10[%dma_wait3A_196, %dma_wait3A_197] : memref<2x8000xi32, #tpu.memory_space<vmem>> -> memref<1x8000xi32, #tpu.memory_space<vmem>>
      %dma_wait3A_199 = tpu.memref_squeeze %dma_wait3A_198 : memref<1x8000xi32, #tpu.memory_space<vmem>> -> memref<8000xi32, #tpu.memory_space<vmem>>
      %dma_wait3A_200 = tpu.memref_slice %arg2[%dma_wait3A_195, %mul3A_183] : memref<2x320000xi32, #tpu.memory_space<hbm>> -> memref<1x8000xi32, #tpu.memory_space<hbm>>
      %dma_wait3A_201 = tpu.memref_squeeze %dma_wait3A_200 : memref<1x8000xi32, #tpu.memory_space<hbm>> -> memref<8000xi32, #tpu.memory_space<hbm>>
      %dma_wait3A_202 = arith.constant 0 : i32
      %dma_wait3A_203 = tpu.memref_slice %arg10[%dma_wait3A_196, %dma_wait3A_202] : memref<2x8000xi32, #tpu.memory_space<vmem>> -> memref<1x8000xi32, #tpu.memory_space<vmem>>
      %dma_wait3A_204 = tpu.memref_squeeze %dma_wait3A_203 : memref<1x8000xi32, #tpu.memory_space<vmem>> -> memref<8000xi32, #tpu.memory_space<vmem>>
      %dma_wait3A_205 = tpu.memref_slice %arg2[%dma_wait3A_195, %mul3A_183] : memref<2x320000xi32, #tpu.memory_space<hbm>> -> memref<1x8000xi32, #tpu.memory_space<hbm>>
      %dma_wait3A_206 = tpu.memref_squeeze %dma_wait3A_205 : memref<1x8000xi32, #tpu.memory_space<hbm>> -> memref<8000xi32, #tpu.memory_space<hbm>>
      tpu.wait_dma2 semaphore(%arg11 : memref<!tpu.dma_semaphore, #tpu.memory_space<semaphore_mem>>) src(%dma_wait3A_206 : memref<8000xi32, #tpu.memory_space<hbm>>) dst(%dma_wait3A_204 : memref<8000xi32, #tpu.memory_space<vmem>>)
      %scan3A_207 = arith.constant 0 : i32
      %scan3A_208 = arith.constant 50 : i32
      %scan3A_209 = arith.addi %scan3A_207, %scan3A_208 : i32
      %scan3A_210 = arith.constant 1 : i32
      scf.for %scan3A_257 = %scan3A_207 to %scan3A_209 step %scan3A_210  : i32 {
        %mul3A_258 = arith.constant 1 : i32
        %mul3A_259 = arith.muli %scan3A_257, %mul3A_258 : i32
        %add3A_260 = arith.constant 0 : i32
        %add3A_261 = arith.addi %add3A_260, %mul3A_259 : i32
        %mul3A_262 = arith.constant 160 : i32
        %mul3A_263 = arith.muli %add3A_261, %mul3A_262 : i32
        %add3A_264 = arith.constant 0 : i32
        %add3A_265 = arith.addi %mul3A_263, %add3A_264 : i32
        %get3A_266 = arith.constant 0 : i32
        %get3A_267 = arith.index_cast %get3A_266 : i32 to index
        %get3A_268 = arith.index_cast %add3A_265 : i32 to index
        %get3A_269 = tpu.vector_load %arg9[%get3A_267, %get3A_268] {strides = array<i32>} : memref<2x8000xi32, #tpu.memory_space<vmem>>, vector<16xi32>,
        %add3A_270 = arith.constant 16 : i32
        %add3A_271 = arith.addi %mul3A_263, %add3A_270 : i32
        %get3A_272 = arith.constant 0 : i32
        %get3A_273 = arith.index_cast %get3A_272 : i32 to index
        %get3A_274 = arith.index_cast %add3A_271 : i32 to index
        %get3A_275 = tpu.vector_load %arg9[%get3A_273, %get3A_274] {strides = array<i32>} : memref<2x8000xi32, #tpu.memory_space<vmem>>, vector<16xi32>,
        %add3A_276 = arith.constant 32 : i32
        %add3A_277 = arith.addi %mul3A_263, %add3A_276 : i32
        %get3A_278 = arith.constant 0 : i32
        %get3A_279 = arith.index_cast %get3A_278 : i32 to index
        %get3A_280 = arith.index_cast %add3A_277 : i32 to index
        %get3A_281 = tpu.vector_load %arg9[%get3A_279, %get3A_280] {strides = array<i32>} : memref<2x8000xi32, #tpu.memory_space<vmem>>, vector<16xi32>,
        %add3A_282 = arith.constant 48 : i32
        %add3A_283 = arith.addi %mul3A_263, %add3A_282 : i32
        %get3A_284 = arith.constant 0 : i32
        %get3A_285 = arith.index_cast %get3A_284 : i32 to index
        %get3A_286 = arith.index_cast %add3A_283 : i32 to index
        %get3A_287 = tpu.vector_load %arg9[%get3A_285, %get3A_286] {strides = array<i32>} : memref<2x8000xi32, #tpu.memory_space<vmem>>, vector<16xi32>,
        %add3A_288 = arith.constant 64 : i32
        %add3A_289 = arith.addi %mul3A_263, %add3A_288 : i32
        %get3A_290 = arith.constant 0 : i32
        %get3A_291 = arith.index_cast %get3A_290 : i32 to index
        %get3A_292 = arith.index_cast %add3A_289 : i32 to index
        %get3A_293 = tpu.vector_load %arg9[%get3A_291, %get3A_292] {strides = array<i32>} : memref<2x8000xi32, #tpu.memory_space<vmem>>, vector<16xi32>,
        %add3A_294 = arith.constant 80 : i32
        %add3A_295 = arith.addi %mul3A_263, %add3A_294 : i32
        %get3A_296 = arith.constant 0 : i32
        %get3A_297 = arith.index_cast %get3A_296 : i32 to index
        %get3A_298 = arith.index_cast %add3A_295 : i32 to index
        %get3A_299 = tpu.vector_load %arg9[%get3A_297, %get3A_298] {strides = array<i32>} : memref<2x8000xi32, #tpu.memory_space<vmem>>, vector<16xi32>,
        %add3A_300 = arith.constant 96 : i32
        %add3A_301 = arith.addi %mul3A_263, %add3A_300 : i32
        %get3A_302 = arith.constant 0 : i32
        %get3A_303 = arith.index_cast %get3A_302 : i32 to index
        %get3A_304 = arith.index_cast %add3A_301 : i32 to index
        %get3A_305 = tpu.vector_load %arg9[%get3A_303, %get3A_304] {strides = array<i32>} : memref<2x8000xi32, #tpu.memory_space<vmem>>, vector<16xi32>,
        %add3A_306 = arith.constant 112 : i32
        %add3A_307 = arith.addi %mul3A_263, %add3A_306 : i32
        %get3A_308 = arith.constant 0 : i32
        %get3A_309 = arith.index_cast %get3A_308 : i32 to index
        %get3A_310 = arith.index_cast %add3A_307 : i32 to index
        %get3A_311 = tpu.vector_load %arg9[%get3A_309, %get3A_310] {strides = array<i32>} : memref<2x8000xi32, #tpu.memory_space<vmem>>, vector<16xi32>,
        %add3A_312 = arith.constant 128 : i32
        %add3A_313 = arith.addi %mul3A_263, %add3A_312 : i32
        %get3A_314 = arith.constant 0 : i32
        %get3A_315 = arith.index_cast %get3A_314 : i32 to index
        %get3A_316 = arith.index_cast %add3A_313 : i32 to index
        %get3A_317 = tpu.vector_load %arg9[%get3A_315, %get3A_316] {strides = array<i32>} : memref<2x8000xi32, #tpu.memory_space<vmem>>, vector<16xi32>,
        %add3A_318 = arith.constant 144 : i32
        %add3A_319 = arith.addi %mul3A_263, %add3A_318 : i32
        %get3A_320 = arith.constant 0 : i32
        %get3A_321 = arith.index_cast %get3A_320 : i32 to index
        %get3A_322 = arith.index_cast %add3A_319 : i32 to index
        %get3A_323 = tpu.vector_load %arg9[%get3A_321, %get3A_322] {strides = array<i32>} : memref<2x8000xi32, #tpu.memory_space<vmem>>, vector<16xi32>,
        %add3A_324 = arith.constant 0 : i32
        %add3A_325 = arith.addi %mul3A_263, %add3A_324 : i32
        %get3A_326 = arith.constant 0 : i32
        %get3A_327 = arith.index_cast %get3A_326 : i32 to index
        %get3A_328 = arith.index_cast %add3A_325 : i32 to index
        %get3A_329 = tpu.vector_load %arg10[%get3A_327, %get3A_328] {strides = array<i32>} : memref<2x8000xi32, #tpu.memory_space<vmem>>, vector<16xi32>,
        %add3A_330 = arith.constant 16 : i32
        %add3A_331 = arith.addi %mul3A_263, %add3A_330 : i32
        %get3A_332 = arith.constant 0 : i32
        %get3A_333 = arith.index_cast %get3A_332 : i32 to index
        %get3A_334 = arith.index_cast %add3A_331 : i32 to index
        %get3A_335 = tpu.vector_load %arg10[%get3A_333, %get3A_334] {strides = array<i32>} : memref<2x8000xi32, #tpu.memory_space<vmem>>, vector<16xi32>,
        %add3A_336 = arith.constant 32 : i32
        %add3A_337 = arith.addi %mul3A_263, %add3A_336 : i32
        %get3A_338 = arith.constant 0 : i32
        %get3A_339 = arith.index_cast %get3A_338 : i32 to index
        %get3A_340 = arith.index_cast %add3A_337 : i32 to index
        %get3A_341 = tpu.vector_load %arg10[%get3A_339, %get3A_340] {strides = array<i32>} : memref<2x8000xi32, #tpu.memory_space<vmem>>, vector<16xi32>,
        %add3A_342 = arith.constant 48 : i32
        %add3A_343 = arith.addi %mul3A_263, %add3A_342 : i32
        %get3A_344 = arith.constant 0 : i32
        %get3A_345 = arith.index_cast %get3A_344 : i32 to index
        %get3A_346 = arith.index_cast %add3A_343 : i32 to index
        %get3A_347 = tpu.vector_load %arg10[%get3A_345, %get3A_346] {strides = array<i32>} : memref<2x8000xi32, #tpu.memory_space<vmem>>, vector<16xi32>,
        %add3A_348 = arith.constant 64 : i32
        %add3A_349 = arith.addi %mul3A_263, %add3A_348 : i32
        %get3A_350 = arith.constant 0 : i32
        %get3A_351 = arith.index_cast %get3A_350 : i32 to index
        %get3A_352 = arith.index_cast %add3A_349 : i32 to index
        %get3A_353 = tpu.vector_load %arg10[%get3A_351, %get3A_352] {strides = array<i32>} : memref<2x8000xi32, #tpu.memory_space<vmem>>, vector<16xi32>,
        %add3A_354 = arith.constant 80 : i32
        %add3A_355 = arith.addi %mul3A_263, %add3A_354 : i32
        %get3A_356 = arith.constant 0 : i32
        %get3A_357 = arith.index_cast %get3A_356 : i32 to index
        %get3A_358 = arith.index_cast %add3A_355 : i32 to index
        %get3A_359 = tpu.vector_load %arg10[%get3A_357, %get3A_358] {strides = array<i32>} : memref<2x8000xi32, #tpu.memory_space<vmem>>, vector<16xi32>,
        %add3A_360 = arith.constant 96 : i32
        %add3A_361 = arith.addi %mul3A_263, %add3A_360 : i32
        %get3A_362 = arith.constant 0 : i32
        %get3A_363 = arith.index_cast %get3A_362 : i32 to index
        %get3A_364 = arith.index_cast %add3A_361 : i32 to index
        %get3A_365 = tpu.vector_load %arg10[%get3A_363, %get3A_364] {strides = array<i32>} : memref<2x8000xi32, #tpu.memory_space<vmem>>, vector<16xi32>,
        %add3A_366 = arith.constant 112 : i32
        %add3A_367 = arith.addi %mul3A_263, %add3A_366 : i32
        %get3A_368 = arith.constant 0 : i32
        %get3A_369 = arith.index_cast %get3A_368 : i32 to index
        %get3A_370 = arith.index_cast %add3A_367 : i32 to index
        %get3A_371 = tpu.vector_load %arg10[%get3A_369, %get3A_370] {strides = array<i32>} : memref<2x8000xi32, #tpu.memory_space<vmem>>, vector<16xi32>,
        %add3A_372 = arith.constant 128 : i32
        %add3A_373 = arith.addi %mul3A_263, %add3A_372 : i32
        %get3A_374 = arith.constant 0 : i32
        %get3A_375 = arith.index_cast %get3A_374 : i32 to index
        %get3A_376 = arith.index_cast %add3A_373 : i32 to index
        %get3A_377 = tpu.vector_load %arg10[%get3A_375, %get3A_376] {strides = array<i32>} : memref<2x8000xi32, #tpu.memory_space<vmem>>, vector<16xi32>,
        %add3A_378 = arith.constant 144 : i32
        %add3A_379 = arith.addi %mul3A_263, %add3A_378 : i32
        %get3A_380 = arith.constant 0 : i32
        %get3A_381 = arith.index_cast %get3A_380 : i32 to index
        %get3A_382 = arith.index_cast %add3A_379 : i32 to index
        %get3A_383 = tpu.vector_load %arg10[%get3A_381, %get3A_382] {strides = array<i32>} : memref<2x8000xi32, #tpu.memory_space<vmem>>, vector<16xi32>,
        %gather3A = tpu.vector_load_idx %arg7[%get3A_269] : memref<10000xf32, #tpu.memory_space<vmem>>[vector<16xi32>], vector<16xf32>,
        %gather3A_384 = tpu.vector_load_idx %arg7[%get3A_275] : memref<10000xf32, #tpu.memory_space<vmem>>[vector<16xi32>], vector<16xf32>,
        %gather3A_385 = tpu.vector_load_idx %arg7[%get3A_281] : memref<10000xf32, #tpu.memory_space<vmem>>[vector<16xi32>], vector<16xf32>,
        %gather3A_386 = tpu.vector_load_idx %arg7[%get3A_287] : memref<10000xf32, #tpu.memory_space<vmem>>[vector<16xi32>], vector<16xf32>,
        %gather3A_387 = tpu.vector_load_idx %arg7[%get3A_293] : memref<10000xf32, #tpu.memory_space<vmem>>[vector<16xi32>], vector<16xf32>,
        %gather3A_388 = tpu.vector_load_idx %arg7[%get3A_299] : memref<10000xf32, #tpu.memory_space<vmem>>[vector<16xi32>], vector<16xf32>,
        %gather3A_389 = tpu.vector_load_idx %arg7[%get3A_305] : memref<10000xf32, #tpu.memory_space<vmem>>[vector<16xi32>], vector<16xf32>,
        %gather3A_390 = tpu.vector_load_idx %arg7[%get3A_311] : memref<10000xf32, #tpu.memory_space<vmem>>[vector<16xi32>], vector<16xf32>,
        %gather3A_391 = tpu.vector_load_idx %arg7[%get3A_317] : memref<10000xf32, #tpu.memory_space<vmem>>[vector<16xi32>], vector<16xf32>,
        %gather3A_392 = tpu.vector_load_idx %arg7[%get3A_323] : memref<10000xf32, #tpu.memory_space<vmem>>[vector<16xi32>], vector<16xf32>,
        tpu.vector_store_idx %arg8[%get3A_329], %gather3A {add = true} : memref<10000xf32, #tpu.memory_space<vmem>>[vector<16xi32>], vector<16xf32>,
        tpu.vector_store_idx %arg8[%get3A_335], %gather3A_384 {add = true} : memref<10000xf32, #tpu.memory_space<vmem>>[vector<16xi32>], vector<16xf32>,
        tpu.vector_store_idx %arg8[%get3A_341], %gather3A_385 {add = true} : memref<10000xf32, #tpu.memory_space<vmem>>[vector<16xi32>], vector<16xf32>,
        tpu.vector_store_idx %arg8[%get3A_347], %gather3A_386 {add = true} : memref<10000xf32, #tpu.memory_space<vmem>>[vector<16xi32>], vector<16xf32>,
        tpu.vector_store_idx %arg8[%get3A_353], %gather3A_387 {add = true} : memref<10000xf32, #tpu.memory_space<vmem>>[vector<16xi32>], vector<16xf32>,
        tpu.vector_store_idx %arg8[%get3A_359], %gather3A_388 {add = true} : memref<10000xf32, #tpu.memory_space<vmem>>[vector<16xi32>], vector<16xf32>,
        tpu.vector_store_idx %arg8[%get3A_365], %gather3A_389 {add = true} : memref<10000xf32, #tpu.memory_space<vmem>>[vector<16xi32>], vector<16xf32>,
        tpu.vector_store_idx %arg8[%get3A_371], %gather3A_390 {add = true} : memref<10000xf32, #tpu.memory_space<vmem>>[vector<16xi32>], vector<16xf32>,
        tpu.vector_store_idx %arg8[%get3A_377], %gather3A_391 {add = true} : memref<10000xf32, #tpu.memory_space<vmem>>[vector<16xi32>], vector<16xf32>,
        tpu.vector_store_idx %arg8[%get3A_383], %gather3A_392 {add = true} : memref<10000xf32, #tpu.memory_space<vmem>>[vector<16xi32>], vector<16xf32>,
      }
      %scan3A_211 = arith.constant 50 : i32
      %mul3A_212 = arith.constant 2 : i32
      %mul3A_213 = arith.muli %add3A_169, %mul3A_212 : i32
      %add3A_214 = arith.constant 1 : i32
      %add3A_215 = arith.addi %mul3A_213, %add3A_214 : i32
      %add3A_216 = arith.constant 1 : i32
      %add3A_217 = arith.addi %add3A_215, %add3A_216 : i32
      %lt3A_218 = arith.constant 40 : i32
      %lt3A_219 = arith.cmpi slt, %add3A_217, %lt3A_218 : i32
      %convert_element_type3A_220 = arith.extui %lt3A_219 : i1 to i32
      %cond3A_221 = arith.constant 0 : i32
      %cond3A_222 = arith.cmpi ne, %convert_element_type3A_220, %cond3A_221 : i32
      scf.if %cond3A_222 {
        %add3A_257 = arith.constant 1 : i32
        %add3A_258 = arith.addi %add3A_215, %add3A_257 : i32
        %mul3A_259 = arith.constant 40 : i32
        %mul3A_260 = arith.muli %scan3A_35, %mul3A_259 : i32
        %add3A_261 = arith.addi %mul3A_260, %add3A_258 : i32
        %mul3A_262 = arith.constant 8000 : i32
        %mul3A_263 = arith.muli %add3A_261, %mul3A_262 : i32
        %dma_start3A_264 = arith.constant 0 : i32
        %dma_start3A_265 = arith.constant 0 : i32
        %dma_start3A_266 = arith.constant 0 : i32
        %dma_start3A_267 = tpu.memref_slice %arg9[%dma_start3A_265, %dma_start3A_266] : memref<2x8000xi32, #tpu.memory_space<vmem>> -> memref<1x8000xi32, #tpu.memory_space<vmem>>
        %dma_start3A_268 = tpu.memref_squeeze %dma_start3A_267 : memref<1x8000xi32, #tpu.memory_space<vmem>> -> memref<8000xi32, #tpu.memory_space<vmem>>
        %dma_start3A_269 = tpu.memref_slice %arg2[%dma_start3A_264, %mul3A_263] : memref<2x320000xi32, #tpu.memory_space<hbm>> -> memref<1x8000xi32, #tpu.memory_space<hbm>>
        %dma_start3A_270 = tpu.memref_squeeze %dma_start3A_269 : memref<1x8000xi32, #tpu.memory_space<hbm>> -> memref<8000xi32, #tpu.memory_space<hbm>>
        %dma_start3A_271 = arith.constant 0 : i32
        %dma_start3A_272 = tpu.memref_slice %arg9[%dma_start3A_265, %dma_start3A_271] : memref<2x8000xi32, #tpu.memory_space<vmem>> -> memref<1x8000xi32, #tpu.memory_space<vmem>>
        %dma_start3A_273 = tpu.memref_squeeze %dma_start3A_272 : memref<1x8000xi32, #tpu.memory_space<vmem>> -> memref<8000xi32, #tpu.memory_space<vmem>>
        %dma_start3A_274 = tpu.memref_slice %arg2[%dma_start3A_264, %mul3A_263] : memref<2x320000xi32, #tpu.memory_space<hbm>> -> memref<1x8000xi32, #tpu.memory_space<hbm>>
        %dma_start3A_275 = tpu.memref_squeeze %dma_start3A_274 : memref<1x8000xi32, #tpu.memory_space<hbm>> -> memref<8000xi32, #tpu.memory_space<hbm>>
        tpu.enqueue_dma source(%dma_start3A_275 : memref<8000xi32, #tpu.memory_space<hbm>>) target(%dma_start3A_273 : memref<8000xi32, #tpu.memory_space<vmem>>) target_semaphore(%arg11 : memref<!tpu.dma_semaphore, #tpu.memory_space<semaphore_mem>>)
        %dma_start3A_276 = arith.constant 1 : i32
        %dma_start3A_277 = arith.constant 0 : i32
        %dma_start3A_278 = arith.constant 0 : i32
        %dma_start3A_279 = tpu.memref_slice %arg10[%dma_start3A_277, %dma_start3A_278] : memref<2x8000xi32, #tpu.memory_space<vmem>> -> memref<1x8000xi32, #tpu.memory_space<vmem>>
        %dma_start3A_280 = tpu.memref_squeeze %dma_start3A_279 : memref<1x8000xi32, #tpu.memory_space<vmem>> -> memref<8000xi32, #tpu.memory_space<vmem>>
        %dma_start3A_281 = tpu.memref_slice %arg2[%dma_start3A_276, %mul3A_263] : memref<2x320000xi32, #tpu.memory_space<hbm>> -> memref<1x8000xi32, #tpu.memory_space<hbm>>
        %dma_start3A_282 = tpu.memref_squeeze %dma_start3A_281 : memref<1x8000xi32, #tpu.memory_space<hbm>> -> memref<8000xi32, #tpu.memory_space<hbm>>
        %dma_start3A_283 = arith.constant 0 : i32
        %dma_start3A_284 = tpu.memref_slice %arg10[%dma_start3A_277, %dma_start3A_283] : memref<2x8000xi32, #tpu.memory_space<vmem>> -> memref<1x8000xi32, #tpu.memory_space<vmem>>
        %dma_start3A_285 = tpu.memref_squeeze %dma_start3A_284 : memref<1x8000xi32, #tpu.memory_space<vmem>> -> memref<8000xi32, #tpu.memory_space<vmem>>
        %dma_start3A_286 = tpu.memref_slice %arg2[%dma_start3A_276, %mul3A_263] : memref<2x320000xi32, #tpu.memory_space<hbm>> -> memref<1x8000xi32, #tpu.memory_space<hbm>>
        %dma_start3A_287 = tpu.memref_squeeze %dma_start3A_286 : memref<1x8000xi32, #tpu.memory_space<hbm>> -> memref<8000xi32, #tpu.memory_space<hbm>>
        tpu.enqueue_dma source(%dma_start3A_287 : memref<8000xi32, #tpu.memory_space<hbm>>) target(%dma_start3A_285 : memref<8000xi32, #tpu.memory_space<vmem>>) target_semaphore(%arg11 : memref<!tpu.dma_semaphore, #tpu.memory_space<semaphore_mem>>)
      } else {
      }
      %mul3A_223 = arith.constant 40 : i32
      %mul3A_224 = arith.muli %scan3A_35, %mul3A_223 : i32
      %add3A_225 = arith.addi %mul3A_224, %add3A_215 : i32
      %mul3A_226 = arith.constant 8000 : i32
      %mul3A_227 = arith.muli %add3A_225, %mul3A_226 : i32
      %dma_wait3A_228 = arith.constant 0 : i32
      %dma_wait3A_229 = arith.constant 1 : i32
      %dma_wait3A_230 = arith.constant 0 : i32
      %dma_wait3A_231 = tpu.memref_slice %arg9[%dma_wait3A_229, %dma_wait3A_230] : memref<2x8000xi32, #tpu.memory_space<vmem>> -> memref<1x8000xi32, #tpu.memory_space<vmem>>
      %dma_wait3A_232 = tpu.memref_squeeze %dma_wait3A_231 : memref<1x8000xi32, #tpu.memory_space<vmem>> -> memref<8000xi32, #tpu.memory_space<vmem>>
      %dma_wait3A_233 = tpu.memref_slice %arg2[%dma_wait3A_228, %mul3A_227] : memref<2x320000xi32, #tpu.memory_space<hbm>> -> memref<1x8000xi32, #tpu.memory_space<hbm>>
      %dma_wait3A_234 = tpu.memref_squeeze %dma_wait3A_233 : memref<1x8000xi32, #tpu.memory_space<hbm>> -> memref<8000xi32, #tpu.memory_space<hbm>>
      %dma_wait3A_235 = arith.constant 0 : i32
      %dma_wait3A_236 = tpu.memref_slice %arg9[%dma_wait3A_229, %dma_wait3A_235] : memref<2x8000xi32, #tpu.memory_space<vmem>> -> memref<1x8000xi32, #tpu.memory_space<vmem>>
      %dma_wait3A_237 = tpu.memref_squeeze %dma_wait3A_236 : memref<1x8000xi32, #tpu.memory_space<vmem>> -> memref<8000xi32, #tpu.memory_space<vmem>>
      %dma_wait3A_238 = tpu.memref_slice %arg2[%dma_wait3A_228, %mul3A_227] : memref<2x320000xi32, #tpu.memory_space<hbm>> -> memref<1x8000xi32, #tpu.memory_space<hbm>>
      %dma_wait3A_239 = tpu.memref_squeeze %dma_wait3A_238 : memref<1x8000xi32, #tpu.memory_space<hbm>> -> memref<8000xi32, #tpu.memory_space<hbm>>
      tpu.wait_dma2 semaphore(%arg12 : memref<!tpu.dma_semaphore, #tpu.memory_space<semaphore_mem>>) src(%dma_wait3A_239 : memref<8000xi32, #tpu.memory_space<hbm>>) dst(%dma_wait3A_237 : memref<8000xi32, #tpu.memory_space<vmem>>)
      %dma_wait3A_240 = arith.constant 1 : i32
      %dma_wait3A_241 = arith.constant 1 : i32
      %dma_wait3A_242 = arith.constant 0 : i32
      %dma_wait3A_243 = tpu.memref_slice %arg10[%dma_wait3A_241, %dma_wait3A_242] : memref<2x8000xi32, #tpu.memory_space<vmem>> -> memref<1x8000xi32, #tpu.memory_space<vmem>>
      %dma_wait3A_244 = tpu.memref_squeeze %dma_wait3A_243 : memref<1x8000xi32, #tpu.memory_space<vmem>> -> memref<8000xi32, #tpu.memory_space<vmem>>
      %dma_wait3A_245 = tpu.memref_slice %arg2[%dma_wait3A_240, %mul3A_227] : memref<2x320000xi32, #tpu.memory_space<hbm>> -> memref<1x8000xi32, #tpu.memory_space<hbm>>
      %dma_wait3A_246 = tpu.memref_squeeze %dma_wait3A_245 : memref<1x8000xi32, #tpu.memory_space<hbm>> -> memref<8000xi32, #tpu.memory_space<hbm>>
      %dma_wait3A_247 = arith.constant 0 : i32
      %dma_wait3A_248 = tpu.memref_slice %arg10[%dma_wait3A_241, %dma_wait3A_247] : memref<2x8000xi32, #tpu.memory_space<vmem>> -> memref<1x8000xi32, #tpu.memory_space<vmem>>
      %dma_wait3A_249 = tpu.memref_squeeze %dma_wait3A_248 : memref<1x8000xi32, #tpu.memory_space<vmem>> -> memref<8000xi32, #tpu.memory_space<vmem>>
      %dma_wait3A_250 = tpu.memref_slice %arg2[%dma_wait3A_240, %mul3A_227] : memref<2x320000xi32, #tpu.memory_space<hbm>> -> memref<1x8000xi32, #tpu.memory_space<hbm>>
      %dma_wait3A_251 = tpu.memref_squeeze %dma_wait3A_250 : memref<1x8000xi32, #tpu.memory_space<hbm>> -> memref<8000xi32, #tpu.memory_space<hbm>>
      tpu.wait_dma2 semaphore(%arg12 : memref<!tpu.dma_semaphore, #tpu.memory_space<semaphore_mem>>) src(%dma_wait3A_251 : memref<8000xi32, #tpu.memory_space<hbm>>) dst(%dma_wait3A_249 : memref<8000xi32, #tpu.memory_space<vmem>>)
      %scan3A_252 = arith.constant 0 : i32
      %scan3A_253 = arith.constant 50 : i32
      %scan3A_254 = arith.addi %scan3A_252, %scan3A_253 : i32
      %scan3A_255 = arith.constant 1 : i32
      scf.for %scan3A_257 = %scan3A_252 to %scan3A_254 step %scan3A_255  : i32 {
        %mul3A_258 = arith.constant 1 : i32
        %mul3A_259 = arith.muli %scan3A_257, %mul3A_258 : i32
        %add3A_260 = arith.constant 0 : i32
        %add3A_261 = arith.addi %add3A_260, %mul3A_259 : i32
        %mul3A_262 = arith.constant 160 : i32
        %mul3A_263 = arith.muli %add3A_261, %mul3A_262 : i32
        %add3A_264 = arith.constant 0 : i32
        %add3A_265 = arith.addi %mul3A_263, %add3A_264 : i32
        %get3A_266 = arith.constant 1 : i32
        %get3A_267 = arith.index_cast %get3A_266 : i32 to index
        %get3A_268 = arith.index_cast %add3A_265 : i32 to index
        %get3A_269 = tpu.vector_load %arg9[%get3A_267, %get3A_268] {strides = array<i32>} : memref<2x8000xi32, #tpu.memory_space<vmem>>, vector<16xi32>,
        %add3A_270 = arith.constant 16 : i32
        %add3A_271 = arith.addi %mul3A_263, %add3A_270 : i32
        %get3A_272 = arith.constant 1 : i32
        %get3A_273 = arith.index_cast %get3A_272 : i32 to index
        %get3A_274 = arith.index_cast %add3A_271 : i32 to index
        %get3A_275 = tpu.vector_load %arg9[%get3A_273, %get3A_274] {strides = array<i32>} : memref<2x8000xi32, #tpu.memory_space<vmem>>, vector<16xi32>,
        %add3A_276 = arith.constant 32 : i32
        %add3A_277 = arith.addi %mul3A_263, %add3A_276 : i32
        %get3A_278 = arith.constant 1 : i32
        %get3A_279 = arith.index_cast %get3A_278 : i32 to index
        %get3A_280 = arith.index_cast %add3A_277 : i32 to index
        %get3A_281 = tpu.vector_load %arg9[%get3A_279, %get3A_280] {strides = array<i32>} : memref<2x8000xi32, #tpu.memory_space<vmem>>, vector<16xi32>,
        %add3A_282 = arith.constant 48 : i32
        %add3A_283 = arith.addi %mul3A_263, %add3A_282 : i32
        %get3A_284 = arith.constant 1 : i32
        %get3A_285 = arith.index_cast %get3A_284 : i32 to index
        %get3A_286 = arith.index_cast %add3A_283 : i32 to index
        %get3A_287 = tpu.vector_load %arg9[%get3A_285, %get3A_286] {strides = array<i32>} : memref<2x8000xi32, #tpu.memory_space<vmem>>, vector<16xi32>,
        %add3A_288 = arith.constant 64 : i32
        %add3A_289 = arith.addi %mul3A_263, %add3A_288 : i32
        %get3A_290 = arith.constant 1 : i32
        %get3A_291 = arith.index_cast %get3A_290 : i32 to index
        %get3A_292 = arith.index_cast %add3A_289 : i32 to index
        %get3A_293 = tpu.vector_load %arg9[%get3A_291, %get3A_292] {strides = array<i32>} : memref<2x8000xi32, #tpu.memory_space<vmem>>, vector<16xi32>,
        %add3A_294 = arith.constant 80 : i32
        %add3A_295 = arith.addi %mul3A_263, %add3A_294 : i32
        %get3A_296 = arith.constant 1 : i32
        %get3A_297 = arith.index_cast %get3A_296 : i32 to index
        %get3A_298 = arith.index_cast %add3A_295 : i32 to index
        %get3A_299 = tpu.vector_load %arg9[%get3A_297, %get3A_298] {strides = array<i32>} : memref<2x8000xi32, #tpu.memory_space<vmem>>, vector<16xi32>,
        %add3A_300 = arith.constant 96 : i32
        %add3A_301 = arith.addi %mul3A_263, %add3A_300 : i32
        %get3A_302 = arith.constant 1 : i32
        %get3A_303 = arith.index_cast %get3A_302 : i32 to index
        %get3A_304 = arith.index_cast %add3A_301 : i32 to index
        %get3A_305 = tpu.vector_load %arg9[%get3A_303, %get3A_304] {strides = array<i32>} : memref<2x8000xi32, #tpu.memory_space<vmem>>, vector<16xi32>,
        %add3A_306 = arith.constant 112 : i32
        %add3A_307 = arith.addi %mul3A_263, %add3A_306 : i32
        %get3A_308 = arith.constant 1 : i32
        %get3A_309 = arith.index_cast %get3A_308 : i32 to index
        %get3A_310 = arith.index_cast %add3A_307 : i32 to index
        %get3A_311 = tpu.vector_load %arg9[%get3A_309, %get3A_310] {strides = array<i32>} : memref<2x8000xi32, #tpu.memory_space<vmem>>, vector<16xi32>,
        %add3A_312 = arith.constant 128 : i32
        %add3A_313 = arith.addi %mul3A_263, %add3A_312 : i32
        %get3A_314 = arith.constant 1 : i32
        %get3A_315 = arith.index_cast %get3A_314 : i32 to index
        %get3A_316 = arith.index_cast %add3A_313 : i32 to index
        %get3A_317 = tpu.vector_load %arg9[%get3A_315, %get3A_316] {strides = array<i32>} : memref<2x8000xi32, #tpu.memory_space<vmem>>, vector<16xi32>,
        %add3A_318 = arith.constant 144 : i32
        %add3A_319 = arith.addi %mul3A_263, %add3A_318 : i32
        %get3A_320 = arith.constant 1 : i32
        %get3A_321 = arith.index_cast %get3A_320 : i32 to index
        %get3A_322 = arith.index_cast %add3A_319 : i32 to index
        %get3A_323 = tpu.vector_load %arg9[%get3A_321, %get3A_322] {strides = array<i32>} : memref<2x8000xi32, #tpu.memory_space<vmem>>, vector<16xi32>,
        %add3A_324 = arith.constant 0 : i32
        %add3A_325 = arith.addi %mul3A_263, %add3A_324 : i32
        %get3A_326 = arith.constant 1 : i32
        %get3A_327 = arith.index_cast %get3A_326 : i32 to index
        %get3A_328 = arith.index_cast %add3A_325 : i32 to index
        %get3A_329 = tpu.vector_load %arg10[%get3A_327, %get3A_328] {strides = array<i32>} : memref<2x8000xi32, #tpu.memory_space<vmem>>, vector<16xi32>,
        %add3A_330 = arith.constant 16 : i32
        %add3A_331 = arith.addi %mul3A_263, %add3A_330 : i32
        %get3A_332 = arith.constant 1 : i32
        %get3A_333 = arith.index_cast %get3A_332 : i32 to index
        %get3A_334 = arith.index_cast %add3A_331 : i32 to index
        %get3A_335 = tpu.vector_load %arg10[%get3A_333, %get3A_334] {strides = array<i32>} : memref<2x8000xi32, #tpu.memory_space<vmem>>, vector<16xi32>,
        %add3A_336 = arith.constant 32 : i32
        %add3A_337 = arith.addi %mul3A_263, %add3A_336 : i32
        %get3A_338 = arith.constant 1 : i32
        %get3A_339 = arith.index_cast %get3A_338 : i32 to index
        %get3A_340 = arith.index_cast %add3A_337 : i32 to index
        %get3A_341 = tpu.vector_load %arg10[%get3A_339, %get3A_340] {strides = array<i32>} : memref<2x8000xi32, #tpu.memory_space<vmem>>, vector<16xi32>,
        %add3A_342 = arith.constant 48 : i32
        %add3A_343 = arith.addi %mul3A_263, %add3A_342 : i32
        %get3A_344 = arith.constant 1 : i32
        %get3A_345 = arith.index_cast %get3A_344 : i32 to index
        %get3A_346 = arith.index_cast %add3A_343 : i32 to index
        %get3A_347 = tpu.vector_load %arg10[%get3A_345, %get3A_346] {strides = array<i32>} : memref<2x8000xi32, #tpu.memory_space<vmem>>, vector<16xi32>,
        %add3A_348 = arith.constant 64 : i32
        %add3A_349 = arith.addi %mul3A_263, %add3A_348 : i32
        %get3A_350 = arith.constant 1 : i32
        %get3A_351 = arith.index_cast %get3A_350 : i32 to index
        %get3A_352 = arith.index_cast %add3A_349 : i32 to index
        %get3A_353 = tpu.vector_load %arg10[%get3A_351, %get3A_352] {strides = array<i32>} : memref<2x8000xi32, #tpu.memory_space<vmem>>, vector<16xi32>,
        %add3A_354 = arith.constant 80 : i32
        %add3A_355 = arith.addi %mul3A_263, %add3A_354 : i32
        %get3A_356 = arith.constant 1 : i32
        %get3A_357 = arith.index_cast %get3A_356 : i32 to index
        %get3A_358 = arith.index_cast %add3A_355 : i32 to index
        %get3A_359 = tpu.vector_load %arg10[%get3A_357, %get3A_358] {strides = array<i32>} : memref<2x8000xi32, #tpu.memory_space<vmem>>, vector<16xi32>,
        %add3A_360 = arith.constant 96 : i32
        %add3A_361 = arith.addi %mul3A_263, %add3A_360 : i32
        %get3A_362 = arith.constant 1 : i32
        %get3A_363 = arith.index_cast %get3A_362 : i32 to index
        %get3A_364 = arith.index_cast %add3A_361 : i32 to index
        %get3A_365 = tpu.vector_load %arg10[%get3A_363, %get3A_364] {strides = array<i32>} : memref<2x8000xi32, #tpu.memory_space<vmem>>, vector<16xi32>,
        %add3A_366 = arith.constant 112 : i32
        %add3A_367 = arith.addi %mul3A_263, %add3A_366 : i32
        %get3A_368 = arith.constant 1 : i32
        %get3A_369 = arith.index_cast %get3A_368 : i32 to index
        %get3A_370 = arith.index_cast %add3A_367 : i32 to index
        %get3A_371 = tpu.vector_load %arg10[%get3A_369, %get3A_370] {strides = array<i32>} : memref<2x8000xi32, #tpu.memory_space<vmem>>, vector<16xi32>,
        %add3A_372 = arith.constant 128 : i32
        %add3A_373 = arith.addi %mul3A_263, %add3A_372 : i32
        %get3A_374 = arith.constant 1 : i32
        %get3A_375 = arith.index_cast %get3A_374 : i32 to index
        %get3A_376 = arith.index_cast %add3A_373 : i32 to index
        %get3A_377 = tpu.vector_load %arg10[%get3A_375, %get3A_376] {strides = array<i32>} : memref<2x8000xi32, #tpu.memory_space<vmem>>, vector<16xi32>,
        %add3A_378 = arith.constant 144 : i32
        %add3A_379 = arith.addi %mul3A_263, %add3A_378 : i32
        %get3A_380 = arith.constant 1 : i32
        %get3A_381 = arith.index_cast %get3A_380 : i32 to index
        %get3A_382 = arith.index_cast %add3A_379 : i32 to index
        %get3A_383 = tpu.vector_load %arg10[%get3A_381, %get3A_382] {strides = array<i32>} : memref<2x8000xi32, #tpu.memory_space<vmem>>, vector<16xi32>,
        %gather3A = tpu.vector_load_idx %arg7[%get3A_269] : memref<10000xf32, #tpu.memory_space<vmem>>[vector<16xi32>], vector<16xf32>,
        %gather3A_384 = tpu.vector_load_idx %arg7[%get3A_275] : memref<10000xf32, #tpu.memory_space<vmem>>[vector<16xi32>], vector<16xf32>,
        %gather3A_385 = tpu.vector_load_idx %arg7[%get3A_281] : memref<10000xf32, #tpu.memory_space<vmem>>[vector<16xi32>], vector<16xf32>,
        %gather3A_386 = tpu.vector_load_idx %arg7[%get3A_287] : memref<10000xf32, #tpu.memory_space<vmem>>[vector<16xi32>], vector<16xf32>,
        %gather3A_387 = tpu.vector_load_idx %arg7[%get3A_293] : memref<10000xf32, #tpu.memory_space<vmem>>[vector<16xi32>], vector<16xf32>,
        %gather3A_388 = tpu.vector_load_idx %arg7[%get3A_299] : memref<10000xf32, #tpu.memory_space<vmem>>[vector<16xi32>], vector<16xf32>,
        %gather3A_389 = tpu.vector_load_idx %arg7[%get3A_305] : memref<10000xf32, #tpu.memory_space<vmem>>[vector<16xi32>], vector<16xf32>,
        %gather3A_390 = tpu.vector_load_idx %arg7[%get3A_311] : memref<10000xf32, #tpu.memory_space<vmem>>[vector<16xi32>], vector<16xf32>,
        %gather3A_391 = tpu.vector_load_idx %arg7[%get3A_317] : memref<10000xf32, #tpu.memory_space<vmem>>[vector<16xi32>], vector<16xf32>,
        %gather3A_392 = tpu.vector_load_idx %arg7[%get3A_323] : memref<10000xf32, #tpu.memory_space<vmem>>[vector<16xi32>], vector<16xf32>,
        tpu.vector_store_idx %arg8[%get3A_329], %gather3A {add = true} : memref<10000xf32, #tpu.memory_space<vmem>>[vector<16xi32>], vector<16xf32>,
        tpu.vector_store_idx %arg8[%get3A_335], %gather3A_384 {add = true} : memref<10000xf32, #tpu.memory_space<vmem>>[vector<16xi32>], vector<16xf32>,
        tpu.vector_store_idx %arg8[%get3A_341], %gather3A_385 {add = true} : memref<10000xf32, #tpu.memory_space<vmem>>[vector<16xi32>], vector<16xf32>,
        tpu.vector_store_idx %arg8[%get3A_347], %gather3A_386 {add = true} : memref<10000xf32, #tpu.memory_space<vmem>>[vector<16xi32>], vector<16xf32>,
        tpu.vector_store_idx %arg8[%get3A_353], %gather3A_387 {add = true} : memref<10000xf32, #tpu.memory_space<vmem>>[vector<16xi32>], vector<16xf32>,
        tpu.vector_store_idx %arg8[%get3A_359], %gather3A_388 {add = true} : memref<10000xf32, #tpu.memory_space<vmem>>[vector<16xi32>], vector<16xf32>,
        tpu.vector_store_idx %arg8[%get3A_365], %gather3A_389 {add = true} : memref<10000xf32, #tpu.memory_space<vmem>>[vector<16xi32>], vector<16xf32>,
        tpu.vector_store_idx %arg8[%get3A_371], %gather3A_390 {add = true} : memref<10000xf32, #tpu.memory_space<vmem>>[vector<16xi32>], vector<16xf32>,
        tpu.vector_store_idx %arg8[%get3A_377], %gather3A_391 {add = true} : memref<10000xf32, #tpu.memory_space<vmem>>[vector<16xi32>], vector<16xf32>,
        tpu.vector_store_idx %arg8[%get3A_383], %gather3A_392 {add = true} : memref<10000xf32, #tpu.memory_space<vmem>>[vector<16xi32>], vector<16xf32>,
      }
      %scan3A_256 = arith.constant 50 : i32
    }
    %scan3A_40 = arith.constant 20 : i32
    "tpu.region"() ({
      %run_scoped3A_165 = tpu.sem_alloc : memref<!tpu.dma_semaphore, #tpu.memory_space<semaphore_mem>>
      %dma_start3A_166 = arith.constant 0 : i32
      %dma_start3A_167 = tpu.memref_slice %arg17[%arg1, %dma_start3A_166] : memref<16x10000xf32, #tpu.memory_space<vmem_shared>> -> memref<1x10000xf32, #tpu.memory_space<vmem_shared>>
      %dma_start3A_168 = tpu.memref_squeeze %dma_start3A_167 : memref<1x10000xf32, #tpu.memory_space<vmem_shared>> -> memref<10000xf32, #tpu.memory_space<vmem_shared>>
      %dma_start3A_169 = arith.constant 0 : i32
      %dma_start3A_170 = tpu.memref_slice %arg17[%arg1, %dma_start3A_169] : memref<16x10000xf32, #tpu.memory_space<vmem_shared>> -> memref<1x10000xf32, #tpu.memory_space<vmem_shared>>
      %dma_start3A_171 = tpu.memref_squeeze %dma_start3A_170 : memref<1x10000xf32, #tpu.memory_space<vmem_shared>> -> memref<10000xf32, #tpu.memory_space<vmem_shared>>
      tpu.enqueue_dma source(%arg8 : memref<10000xf32, #tpu.memory_space<vmem>>) target(%dma_start3A_171 : memref<10000xf32, #tpu.memory_space<vmem_shared>>) target_semaphore(%run_scoped3A_165 : memref<!tpu.dma_semaphore, #tpu.memory_space<semaphore_mem>>)
      %dma_wait3A = arith.constant 0 : i32
      %dma_wait3A_172 = tpu.memref_slice %arg17[%arg1, %dma_wait3A] : memref<16x10000xf32, #tpu.memory_space<vmem_shared>> -> memref<1x10000xf32, #tpu.memory_space<vmem_shared>>
      %dma_wait3A_173 = tpu.memref_squeeze %dma_wait3A_172 : memref<1x10000xf32, #tpu.memory_space<vmem_shared>> -> memref<10000xf32, #tpu.memory_space<vmem_shared>>
      %dma_wait3A_174 = arith.constant 0 : i32
      %dma_wait3A_175 = tpu.memref_slice %arg17[%arg1, %dma_wait3A_174] : memref<16x10000xf32, #tpu.memory_space<vmem_shared>> -> memref<1x10000xf32, #tpu.memory_space<vmem_shared>>
      %dma_wait3A_176 = tpu.memref_squeeze %dma_wait3A_175 : memref<1x10000xf32, #tpu.memory_space<vmem_shared>> -> memref<10000xf32, #tpu.memory_space<vmem_shared>>
      tpu.wait_dma2 semaphore(%run_scoped3A_165 : memref<!tpu.dma_semaphore, #tpu.memory_space<semaphore_mem>>) src(%arg8 : memref<10000xf32, #tpu.memory_space<vmem>>) dst(%dma_wait3A_176 : memref<10000xf32, #tpu.memory_space<vmem_shared>>)
      tpu.yield
    }) : () -> ()
    %barrier3A = arith.constant 0 : index
    tpu.barrier barrier_id(%barrier3A)
    %mul3A_41 = arith.constant 8 : i32
    %mul3A_42 = arith.muli %arg0, %mul3A_41 : i32
    %jit3A = arith.constant 2 : i32
    %div3A = arith.divsi %arg1, %jit3A : i32
    %sign3A = arith.constant 0 : i32
    %sign3A_43 = arith.cmpi sgt, %arg1, %sign3A : i32
    %sign3A_44 = arith.extui %sign3A_43 : i1 to i32
    %sign3A_45 = arith.constant 0 : i32
    %sign3A_46 = arith.cmpi slt, %arg1, %sign3A_45 : i32
    %sign3A_47 = arith.extui %sign3A_46 : i1 to i32
    %sign3A_48 = arith.subi %sign3A_44, %sign3A_47 : i32
    %sign3A_49 = arith.constant 0 : i32
    %sign3A_50 = arith.cmpi sgt, %jit3A, %sign3A_49 : i32
    %sign3A_51 = arith.extui %sign3A_50 : i1 to i32
    %sign3A_52 = arith.constant 0 : i32
    %sign3A_53 = arith.cmpi slt, %jit3A, %sign3A_52 : i32
    %sign3A_54 = arith.extui %sign3A_53 : i1 to i32
    %sign3A_55 = arith.subi %sign3A_51, %sign3A_54 : i32
    %ne3A = arith.cmpi ne, %sign3A_48, %sign3A_55 : i32
    %rem3A = arith.remsi %arg1, %jit3A : i32
    %ne3A_56 = arith.constant 0 : i32
    %ne3A_57 = arith.cmpi ne, %rem3A, %ne3A_56 : i32
    %and3A = arith.andi %ne3A, %ne3A_57 : i1
    %sub3A = arith.constant 1 : i32
    %sub3A_58 = arith.subi %div3A, %sub3A : i32
    %select_n3A = arith.select %and3A, %sub3A_58, %div3A : i32
    %add3A_59 = arith.addi %mul3A_42, %select_n3A : i32
    %jit3A_60 = arith.constant 2 : i32
    %eq3A = arith.constant 0 : i32
    %eq3A_61 = arith.cmpi eq, %jit3A_60, %eq3A : i32
    %jit3A_62 = arith.constant 1 : i32
    %select_n3A_63 = arith.select %eq3A_61, %jit3A_62, %jit3A_60 : i32
    %rem3A_64 = arith.remsi %arg1, %select_n3A_63 : i32
    %ne3A_65 = arith.constant 0 : i32
    %ne3A_66 = arith.cmpi ne, %rem3A_64, %ne3A_65 : i32
    %lt3A = arith.constant 0 : i32
    %lt3A_67 = arith.cmpi slt, %rem3A_64, %lt3A : i32
    %lt3A_68 = arith.constant 0 : i32
    %lt3A_69 = arith.cmpi slt, %select_n3A_63, %lt3A_68 : i32
    %ne3A_70 = arith.xori %lt3A_67, %lt3A_69 : i1
    %and3A_71 = arith.andi %ne3A_70, %ne3A_66 : i1
    %add3A_72 = arith.addi %rem3A_64, %select_n3A_63 : i32
    %select_n3A_73 = arith.select %and3A_71, %add3A_72, %rem3A_64 : i32
    %jit3A_74 = arith.constant 2 : i32
    %div3A_75 = arith.divsi %arg1, %jit3A_74 : i32
    %sign3A_76 = arith.constant 0 : i32
    %sign3A_77 = arith.cmpi sgt, %arg1, %sign3A_76 : i32
    %sign3A_78 = arith.extui %sign3A_77 : i1 to i32
    %sign3A_79 = arith.constant 0 : i32
    %sign3A_80 = arith.cmpi slt, %arg1, %sign3A_79 : i32
    %sign3A_81 = arith.extui %sign3A_80 : i1 to i32
    %sign3A_82 = arith.subi %sign3A_78, %sign3A_81 : i32
    %sign3A_83 = arith.constant 0 : i32
    %sign3A_84 = arith.cmpi sgt, %jit3A_74, %sign3A_83 : i32
    %sign3A_85 = arith.extui %sign3A_84 : i1 to i32
    %sign3A_86 = arith.constant 0 : i32
    %sign3A_87 = arith.cmpi slt, %jit3A_74, %sign3A_86 : i32
    %sign3A_88 = arith.extui %sign3A_87 : i1 to i32
    %sign3A_89 = arith.subi %sign3A_85, %sign3A_88 : i32
    %ne3A_90 = arith.cmpi ne, %sign3A_82, %sign3A_89 : i32
    %rem3A_91 = arith.remsi %arg1, %jit3A_74 : i32
    %ne3A_92 = arith.constant 0 : i32
    %ne3A_93 = arith.cmpi ne, %rem3A_91, %ne3A_92 : i32
    %and3A_94 = arith.andi %ne3A_90, %ne3A_93 : i1
    %sub3A_95 = arith.constant 1 : i32
    %sub3A_96 = arith.subi %div3A_75, %sub3A_95 : i32
    %select_n3A_97 = arith.select %and3A_94, %sub3A_96, %div3A_75 : i32
    %mul3A_98 = arith.constant 2 : i32
    %mul3A_99 = arith.muli %mul3A_98, %select_n3A_97 : i32
    "tpu.region"() ({
      %run_scoped3A_165 = tpu.sem_alloc : memref<!tpu.dma_semaphore, #tpu.memory_space<semaphore_mem>>
      %dma_start3A_166 = arith.constant 0 : i32
      %dma_start3A_167 = tpu.memref_slice %arg17[%mul3A_99, %dma_start3A_166] : memref<16x10000xf32, #tpu.memory_space<vmem_shared>> -> memref<1x10000xf32, #tpu.memory_space<vmem_shared>>
      %dma_start3A_168 = tpu.memref_squeeze %dma_start3A_167 : memref<1x10000xf32, #tpu.memory_space<vmem_shared>> -> memref<10000xf32, #tpu.memory_space<vmem_shared>>
      %dma_start3A_169 = arith.constant 0 : i32
      %dma_start3A_170 = tpu.memref_slice %arg17[%mul3A_99, %dma_start3A_169] : memref<16x10000xf32, #tpu.memory_space<vmem_shared>> -> memref<1x10000xf32, #tpu.memory_space<vmem_shared>>
      %dma_start3A_171 = tpu.memref_squeeze %dma_start3A_170 : memref<1x10000xf32, #tpu.memory_space<vmem_shared>> -> memref<10000xf32, #tpu.memory_space<vmem_shared>>
      tpu.enqueue_dma source(%dma_start3A_171 : memref<10000xf32, #tpu.memory_space<vmem_shared>>) target(%arg14 : memref<10000xf32, #tpu.memory_space<vmem>>) target_semaphore(%run_scoped3A_165 : memref<!tpu.dma_semaphore, #tpu.memory_space<semaphore_mem>>)
      %dma_wait3A = arith.constant 0 : i32
      %dma_wait3A_172 = tpu.memref_slice %arg17[%mul3A_99, %dma_wait3A] : memref<16x10000xf32, #tpu.memory_space<vmem_shared>> -> memref<1x10000xf32, #tpu.memory_space<vmem_shared>>
      %dma_wait3A_173 = tpu.memref_squeeze %dma_wait3A_172 : memref<1x10000xf32, #tpu.memory_space<vmem_shared>> -> memref<10000xf32, #tpu.memory_space<vmem_shared>>
      %dma_wait3A_174 = arith.constant 0 : i32
      %dma_wait3A_175 = tpu.memref_slice %arg17[%mul3A_99, %dma_wait3A_174] : memref<16x10000xf32, #tpu.memory_space<vmem_shared>> -> memref<1x10000xf32, #tpu.memory_space<vmem_shared>>
      %dma_wait3A_176 = tpu.memref_squeeze %dma_wait3A_175 : memref<1x10000xf32, #tpu.memory_space<vmem_shared>> -> memref<10000xf32, #tpu.memory_space<vmem_shared>>
      tpu.wait_dma2 semaphore(%run_scoped3A_165 : memref<!tpu.dma_semaphore, #tpu.memory_space<semaphore_mem>>) src(%dma_wait3A_176 : memref<10000xf32, #tpu.memory_space<vmem_shared>>) dst(%arg14 : memref<10000xf32, #tpu.memory_space<vmem>>)
      tpu.yield
    }) : () -> ()
    %add3A_100 = arith.constant 1 : i32
    %add3A_101 = arith.addi %mul3A_99, %add3A_100 : i32
    "tpu.region"() ({
      %run_scoped3A_165 = tpu.sem_alloc : memref<!tpu.dma_semaphore, #tpu.memory_space<semaphore_mem>>
      %dma_start3A_166 = arith.constant 0 : i32
      %dma_start3A_167 = tpu.memref_slice %arg17[%add3A_101, %dma_start3A_166] : memref<16x10000xf32, #tpu.memory_space<vmem_shared>> -> memref<1x10000xf32, #tpu.memory_space<vmem_shared>>
      %dma_start3A_168 = tpu.memref_squeeze %dma_start3A_167 : memref<1x10000xf32, #tpu.memory_space<vmem_shared>> -> memref<10000xf32, #tpu.memory_space<vmem_shared>>
      %dma_start3A_169 = arith.constant 0 : i32
      %dma_start3A_170 = tpu.memref_slice %arg17[%add3A_101, %dma_start3A_169] : memref<16x10000xf32, #tpu.memory_space<vmem_shared>> -> memref<1x10000xf32, #tpu.memory_space<vmem_shared>>
      %dma_start3A_171 = tpu.memref_squeeze %dma_start3A_170 : memref<1x10000xf32, #tpu.memory_space<vmem_shared>> -> memref<10000xf32, #tpu.memory_space<vmem_shared>>
      tpu.enqueue_dma source(%dma_start3A_171 : memref<10000xf32, #tpu.memory_space<vmem_shared>>) target(%arg15 : memref<10000xf32, #tpu.memory_space<vmem>>) target_semaphore(%run_scoped3A_165 : memref<!tpu.dma_semaphore, #tpu.memory_space<semaphore_mem>>)
      %dma_wait3A = arith.constant 0 : i32
      %dma_wait3A_172 = tpu.memref_slice %arg17[%add3A_101, %dma_wait3A] : memref<16x10000xf32, #tpu.memory_space<vmem_shared>> -> memref<1x10000xf32, #tpu.memory_space<vmem_shared>>
      %dma_wait3A_173 = tpu.memref_squeeze %dma_wait3A_172 : memref<1x10000xf32, #tpu.memory_space<vmem_shared>> -> memref<10000xf32, #tpu.memory_space<vmem_shared>>
      %dma_wait3A_174 = arith.constant 0 : i32
      %dma_wait3A_175 = tpu.memref_slice %arg17[%add3A_101, %dma_wait3A_174] : memref<16x10000xf32, #tpu.memory_space<vmem_shared>> -> memref<1x10000xf32, #tpu.memory_space<vmem_shared>>
      %dma_wait3A_176 = tpu.memref_squeeze %dma_wait3A_175 : memref<1x10000xf32, #tpu.memory_space<vmem_shared>> -> memref<10000xf32, #tpu.memory_space<vmem_shared>>
      tpu.wait_dma2 semaphore(%run_scoped3A_165 : memref<!tpu.dma_semaphore, #tpu.memory_space<semaphore_mem>>) src(%dma_wait3A_176 : memref<10000xf32, #tpu.memory_space<vmem_shared>>) dst(%arg15 : memref<10000xf32, #tpu.memory_space<vmem>>)
      tpu.yield
    }) : () -> ()
    "tpu.region"() ({
      %run_scoped3A_165 = tpu.sem_alloc : memref<!tpu.dma_semaphore, #tpu.memory_space<semaphore_mem>>
      %dma_start3A_166 = arith.constant 0 : i32
      %dma_start3A_167 = arith.constant 0 : i32
      %dma_start3A_168 = tpu.memref_slice %arg5[%add3A_59, %dma_start3A_166, %dma_start3A_167] : memref<16x4x16xf32, #tpu.memory_space<hbm>> -> memref<1x4x16xf32, #tpu.memory_space<hbm>>
      %dma_start3A_169 = tpu.memref_squeeze %dma_start3A_168 : memref<1x4x16xf32, #tpu.memory_space<hbm>> -> memref<4x16xf32, #tpu.memory_space<hbm>>
      %dma_start3A_170 = arith.constant 0 : i32
      %dma_start3A_171 = arith.constant 0 : i32
      %dma_start3A_172 = tpu.memref_slice %arg5[%add3A_59, %dma_start3A_170, %dma_start3A_171] : memref<16x4x16xf32, #tpu.memory_space<hbm>> -> memref<1x4x16xf32, #tpu.memory_space<hbm>>
      %dma_start3A_173 = tpu.memref_squeeze %dma_start3A_172 : memref<1x4x16xf32, #tpu.memory_space<hbm>> -> memref<4x16xf32, #tpu.memory_space<hbm>>
      tpu.enqueue_dma source(%dma_start3A_173 : memref<4x16xf32, #tpu.memory_space<hbm>>) target(%arg16 : memref<4x16xf32, #tpu.memory_space<vmem>>) target_semaphore(%run_scoped3A_165 : memref<!tpu.dma_semaphore, #tpu.memory_space<semaphore_mem>>)
      %dma_wait3A = arith.constant 0 : i32
      %dma_wait3A_174 = arith.constant 0 : i32
      %dma_wait3A_175 = tpu.memref_slice %arg5[%add3A_59, %dma_wait3A, %dma_wait3A_174] : memref<16x4x16xf32, #tpu.memory_space<hbm>> -> memref<1x4x16xf32, #tpu.memory_space<hbm>>
      %dma_wait3A_176 = tpu.memref_squeeze %dma_wait3A_175 : memref<1x4x16xf32, #tpu.memory_space<hbm>> -> memref<4x16xf32, #tpu.memory_space<hbm>>
      %dma_wait3A_177 = arith.constant 0 : i32
      %dma_wait3A_178 = arith.constant 0 : i32
      %dma_wait3A_179 = tpu.memref_slice %arg5[%add3A_59, %dma_wait3A_177, %dma_wait3A_178] : memref<16x4x16xf32, #tpu.memory_space<hbm>> -> memref<1x4x16xf32, #tpu.memory_space<hbm>>
      %dma_wait3A_180 = tpu.memref_squeeze %dma_wait3A_179 : memref<1x4x16xf32, #tpu.memory_space<hbm>> -> memref<4x16xf32, #tpu.memory_space<hbm>>
      tpu.wait_dma2 semaphore(%run_scoped3A_165 : memref<!tpu.dma_semaphore, #tpu.memory_space<semaphore_mem>>) src(%dma_wait3A_180 : memref<4x16xf32, #tpu.memory_space<hbm>>) dst(%arg16 : memref<4x16xf32, #tpu.memory_space<vmem>>)
      tpu.yield
    }) : () -> ()
    %get3A = arith.constant 0 : i32
    %get3A_102 = arith.index_cast %get3A : i32 to index
    %get3A_103 = arith.constant 0 : index
    %get3A_104 = tpu.vector_load %arg16[%get3A_102, %get3A_103] {strides = array<i32>} : memref<4x16xf32, #tpu.memory_space<vmem>>, vector<16xf32>,
    %get3A_105 = arith.constant 1 : i32
    %get3A_106 = arith.index_cast %get3A_105 : i32 to index
    %get3A_107 = arith.constant 0 : index
    %get3A_108 = tpu.vector_load %arg16[%get3A_106, %get3A_107] {strides = array<i32>} : memref<4x16xf32, #tpu.memory_space<vmem>>, vector<16xf32>,
    %get3A_109 = arith.constant 2 : i32
    %get3A_110 = arith.index_cast %get3A_109 : i32 to index
    %get3A_111 = arith.constant 0 : index
    %get3A_112 = tpu.vector_load %arg16[%get3A_110, %get3A_111] {strides = array<i32>} : memref<4x16xf32, #tpu.memory_space<vmem>>, vector<16xf32>,
    %get3A_113 = arith.constant 3 : i32
    %get3A_114 = arith.index_cast %get3A_113 : i32 to index
    %get3A_115 = arith.constant 0 : index
    %get3A_116 = tpu.vector_load %arg16[%get3A_114, %get3A_115] {strides = array<i32>} : memref<4x16xf32, #tpu.memory_space<vmem>>, vector<16xf32>,
    %eq3A_117 = arith.constant 0 : i32
    %eq3A_118 = arith.cmpi eq, %select_n3A_73, %eq3A_117 : i32
    %jit3A_119 = arith.constant 1.000000e+00 : f32
    %jit3A_120 = arith.constant 0.000000e+00 : f32
    %select_n3A_121 = arith.select %eq3A_118, %jit3A_119, %jit3A_120 : f32
    %broadcast_in_dim3A = vector.broadcast %select_n3A_121 : f32 to vector<16xf32>
    %scan3A_122 = arith.constant 0 : i32
    %scan3A_123 = arith.constant 625 : i32
    %scan3A_124 = arith.addi %scan3A_122, %scan3A_123 : i32
    %scan3A_125 = arith.constant 1 : i32
    scf.for %scan3A_165 = %scan3A_122 to %scan3A_124 step %scan3A_125  : i32 {
      %mul3A_166 = arith.constant 1 : i32
      %mul3A_167 = arith.muli %scan3A_165, %mul3A_166 : i32
      %add3A_168 = arith.constant 0 : i32
      %add3A_169 = arith.addi %add3A_168, %mul3A_167 : i32
      %mul3A_170 = arith.constant 16 : i32
      %mul3A_171 = arith.muli %add3A_169, %mul3A_170 : i32
      %get3A_172 = arith.index_cast %mul3A_171 : i32 to index
      %get3A_173 = tpu.vector_load %arg13[%get3A_172] {strides = array<i32>} : memref<10000xf32, #tpu.memory_space<vmem>>, vector<16xf32>,
      %get3A_174 = arith.index_cast %mul3A_171 : i32 to index
      %get3A_175 = tpu.vector_load %arg14[%get3A_174] {strides = array<i32>} : memref<10000xf32, #tpu.memory_space<vmem>>, vector<16xf32>,
      %mul3A_176 = arith.mulf %get3A_175, %get3A_173 : vector<16xf32>
      %add3A_177 = arith.addf %mul3A_176, %get3A_112 : vector<16xf32>
      %max3A = arith.constant 0.000000e+00 : f32
      %max3A_178 = vector.broadcast %max3A : f32 to vector<16xf32>
      %max3A_179 = arith.maximumf %add3A_177, %max3A_178 : vector<16xf32>
      %get3A_180 = arith.index_cast %mul3A_171 : i32 to index
      %get3A_181 = tpu.vector_load %arg15[%get3A_180] {strides = array<i32>} : memref<10000xf32, #tpu.memory_space<vmem>>, vector<16xf32>,
      %mul3A_182 = arith.mulf %get3A_181, %get3A_173 : vector<16xf32>
      %add3A_183 = arith.addf %mul3A_182, %get3A_116 : vector<16xf32>
      %max3A_184 = arith.constant 0.000000e+00 : f32
      %max3A_185 = vector.broadcast %max3A_184 : f32 to vector<16xf32>
      %max3A_186 = arith.maximumf %add3A_183, %max3A_185 : vector<16xf32>
      %mul3A_187 = arith.mulf %get3A_104, %max3A_179 : vector<16xf32>
      %mul3A_188 = arith.mulf %get3A_108, %max3A_186 : vector<16xf32>
      %add3A_189 = arith.addf %mul3A_187, %mul3A_188 : vector<16xf32>
      %mul3A_190 = arith.mulf %get3A_173, %add3A_189 : vector<16xf32>
      %swap3A = arith.index_cast %mul3A_171 : i32 to index
      %swap3A_191 = tpu.vector_load %arg7[%swap3A] {strides = array<i32>} : memref<10000xf32, #tpu.memory_space<vmem>>, vector<16xf32>,
      tpu.vector_store %arg7[%swap3A], %mul3A_190 {strides = array<i32>} : memref<10000xf32, #tpu.memory_space<vmem>>, vector<16xf32>,
      %mul3A_192 = arith.mulf %mul3A_190, %broadcast_in_dim3A : vector<16xf32>
      %swap3A_193 = arith.index_cast %mul3A_171 : i32 to index
      %swap3A_194 = tpu.vector_load %arg8[%swap3A_193] {strides = array<i32>} : memref<10000xf32, #tpu.memory_space<vmem>>, vector<16xf32>,
      tpu.vector_store %arg8[%swap3A_193], %mul3A_192 {strides = array<i32>} : memref<10000xf32, #tpu.memory_space<vmem>>, vector<16xf32>,
    }
    %scan3A_126 = arith.constant 625 : i32
    %mul3A_127 = arith.constant 20 : i32
    %mul3A_128 = arith.muli %select_n3A_73, %mul3A_127 : i32
    %add3A_129 = arith.constant 0 : i32
    %add3A_130 = arith.addi %mul3A_128, %add3A_129 : i32
    %mul3A_131 = arith.constant 8000 : i32
    %mul3A_132 = arith.muli %add3A_130, %mul3A_131 : i32
    %dma_start3A_133 = arith.constant 0 : i32
    %dma_start3A_134 = arith.constant 0 : i32
    %dma_start3A_135 = arith.constant 0 : i32
    %dma_start3A_136 = tpu.memref_slice %arg9[%dma_start3A_134, %dma_start3A_135] : memref<2x8000xi32, #tpu.memory_space<vmem>> -> memref<1x8000xi32, #tpu.memory_space<vmem>>
    %dma_start3A_137 = tpu.memref_squeeze %dma_start3A_136 : memref<1x8000xi32, #tpu.memory_space<vmem>> -> memref<8000xi32, #tpu.memory_space<vmem>>
    %dma_start3A_138 = tpu.memref_slice %arg2[%dma_start3A_133, %mul3A_132] : memref<2x320000xi32, #tpu.memory_space<hbm>> -> memref<1x8000xi32, #tpu.memory_space<hbm>>
    %dma_start3A_139 = tpu.memref_squeeze %dma_start3A_138 : memref<1x8000xi32, #tpu.memory_space<hbm>> -> memref<8000xi32, #tpu.memory_space<hbm>>
    %dma_start3A_140 = arith.constant 0 : i32
    %dma_start3A_141 = tpu.memref_slice %arg9[%dma_start3A_134, %dma_start3A_140] : memref<2x8000xi32, #tpu.memory_space<vmem>> -> memref<1x8000xi32, #tpu.memory_space<vmem>>
    %dma_start3A_142 = tpu.memref_squeeze %dma_start3A_141 : memref<1x8000xi32, #tpu.memory_space<vmem>> -> memref<8000xi32, #tpu.memory_space<vmem>>
    %dma_start3A_143 = tpu.memref_slice %arg2[%dma_start3A_133, %mul3A_132] : memref<2x320000xi32, #tpu.memory_space<hbm>> -> memref<1x8000xi32, #tpu.memory_space<hbm>>
    %dma_start3A_144 = tpu.memref_squeeze %dma_start3A_143 : memref<1x8000xi32, #tpu.memory_space<hbm>> -> memref<8000xi32, #tpu.memory_space<hbm>>
    tpu.enqueue_dma source(%dma_start3A_144 : memref<8000xi32, #tpu.memory_space<hbm>>) target(%dma_start3A_142 : memref<8000xi32, #tpu.memory_space<vmem>>) target_semaphore(%arg11 : memref<!tpu.dma_semaphore, #tpu.memory_space<semaphore_mem>>)
    %dma_start3A_145 = arith.constant 1 : i32
    %dma_start3A_146 = arith.constant 0 : i32
    %dma_start3A_147 = arith.constant 0 : i32
    %dma_start3A_148 = tpu.memref_slice %arg10[%dma_start3A_146, %dma_start3A_147] : memref<2x8000xi32, #tpu.memory_space<vmem>> -> memref<1x8000xi32, #tpu.memory_space<vmem>>
    %dma_start3A_149 = tpu.memref_squeeze %dma_start3A_148 : memref<1x8000xi32, #tpu.memory_space<vmem>> -> memref<8000xi32, #tpu.memory_space<vmem>>
    %dma_start3A_150 = tpu.memref_slice %arg2[%dma_start3A_145, %mul3A_132] : memref<2x320000xi32, #tpu.memory_space<hbm>> -> memref<1x8000xi32, #tpu.memory_space<hbm>>
    %dma_start3A_151 = tpu.memref_squeeze %dma_start3A_150 : memref<1x8000xi32, #tpu.memory_space<hbm>> -> memref<8000xi32, #tpu.memory_space<hbm>>
    %dma_start3A_152 = arith.constant 0 : i32
    %dma_start3A_153 = tpu.memref_slice %arg10[%dma_start3A_146, %dma_start3A_152] : memref<2x8000xi32, #tpu.memory_space<vmem>> -> memref<1x8000xi32, #tpu.memory_space<vmem>>
    %dma_start3A_154 = tpu.memref_squeeze %dma_start3A_153 : memref<1x8000xi32, #tpu.memory_space<vmem>> -> memref<8000xi32, #tpu.memory_space<vmem>>
    %dma_start3A_155 = tpu.memref_slice %arg2[%dma_start3A_145, %mul3A_132] : memref<2x320000xi32, #tpu.memory_space<hbm>> -> memref<1x8000xi32, #tpu.memory_space<hbm>>
    %dma_start3A_156 = tpu.memref_squeeze %dma_start3A_155 : memref<1x8000xi32, #tpu.memory_space<hbm>> -> memref<8000xi32, #tpu.memory_space<hbm>>
    tpu.enqueue_dma source(%dma_start3A_156 : memref<8000xi32, #tpu.memory_space<hbm>>) target(%dma_start3A_154 : memref<8000xi32, #tpu.memory_space<vmem>>) target_semaphore(%arg11 : memref<!tpu.dma_semaphore, #tpu.memory_space<semaphore_mem>>)
    %scan3A_157 = arith.constant 0 : i32
    %scan3A_158 = arith.constant 10 : i32
    %scan3A_159 = arith.addi %scan3A_157, %scan3A_158 : i32
    %scan3A_160 = arith.constant 1 : i32
    scf.for %scan3A_165 = %scan3A_157 to %scan3A_159 step %scan3A_160  : i32 {
      %mul3A_166 = arith.constant 1 : i32
      %mul3A_167 = arith.muli %scan3A_165, %mul3A_166 : i32
      %add3A_168 = arith.constant 0 : i32
      %add3A_169 = arith.addi %add3A_168, %mul3A_167 : i32
      %mul3A_170 = arith.constant 2 : i32
      %mul3A_171 = arith.muli %add3A_169, %mul3A_170 : i32
      %add3A_172 = arith.constant 0 : i32
      %add3A_173 = arith.addi %mul3A_171, %add3A_172 : i32
      %add3A_174 = arith.constant 1 : i32
      %add3A_175 = arith.addi %add3A_173, %add3A_174 : i32
      %lt3A_176 = arith.constant 20 : i32
      %lt3A_177 = arith.cmpi slt, %add3A_175, %lt3A_176 : i32
      %convert_element_type3A = arith.extui %lt3A_177 : i1 to i32
      %cond3A = arith.constant 0 : i32
      %cond3A_178 = arith.cmpi ne, %convert_element_type3A, %cond3A : i32
      scf.if %cond3A_178 {
        %add3A_257 = arith.constant 1 : i32
        %add3A_258 = arith.addi %add3A_173, %add3A_257 : i32
        %mul3A_259 = arith.constant 20 : i32
        %mul3A_260 = arith.muli %select_n3A_73, %mul3A_259 : i32
        %add3A_261 = arith.addi %mul3A_260, %add3A_258 : i32
        %mul3A_262 = arith.constant 8000 : i32
        %mul3A_263 = arith.muli %add3A_261, %mul3A_262 : i32
        %dma_start3A_264 = arith.constant 0 : i32
        %dma_start3A_265 = arith.constant 1 : i32
        %dma_start3A_266 = arith.constant 0 : i32
        %dma_start3A_267 = tpu.memref_slice %arg9[%dma_start3A_265, %dma_start3A_266] : memref<2x8000xi32, #tpu.memory_space<vmem>> -> memref<1x8000xi32, #tpu.memory_space<vmem>>
        %dma_start3A_268 = tpu.memref_squeeze %dma_start3A_267 : memref<1x8000xi32, #tpu.memory_space<vmem>> -> memref<8000xi32, #tpu.memory_space<vmem>>
        %dma_start3A_269 = tpu.memref_slice %arg2[%dma_start3A_264, %mul3A_263] : memref<2x320000xi32, #tpu.memory_space<hbm>> -> memref<1x8000xi32, #tpu.memory_space<hbm>>
        %dma_start3A_270 = tpu.memref_squeeze %dma_start3A_269 : memref<1x8000xi32, #tpu.memory_space<hbm>> -> memref<8000xi32, #tpu.memory_space<hbm>>
        %dma_start3A_271 = arith.constant 0 : i32
        %dma_start3A_272 = tpu.memref_slice %arg9[%dma_start3A_265, %dma_start3A_271] : memref<2x8000xi32, #tpu.memory_space<vmem>> -> memref<1x8000xi32, #tpu.memory_space<vmem>>
        %dma_start3A_273 = tpu.memref_squeeze %dma_start3A_272 : memref<1x8000xi32, #tpu.memory_space<vmem>> -> memref<8000xi32, #tpu.memory_space<vmem>>
        %dma_start3A_274 = tpu.memref_slice %arg2[%dma_start3A_264, %mul3A_263] : memref<2x320000xi32, #tpu.memory_space<hbm>> -> memref<1x8000xi32, #tpu.memory_space<hbm>>
        %dma_start3A_275 = tpu.memref_squeeze %dma_start3A_274 : memref<1x8000xi32, #tpu.memory_space<hbm>> -> memref<8000xi32, #tpu.memory_space<hbm>>
        tpu.enqueue_dma source(%dma_start3A_275 : memref<8000xi32, #tpu.memory_space<hbm>>) target(%dma_start3A_273 : memref<8000xi32, #tpu.memory_space<vmem>>) target_semaphore(%arg12 : memref<!tpu.dma_semaphore, #tpu.memory_space<semaphore_mem>>)
        %dma_start3A_276 = arith.constant 1 : i32
        %dma_start3A_277 = arith.constant 1 : i32
        %dma_start3A_278 = arith.constant 0 : i32
        %dma_start3A_279 = tpu.memref_slice %arg10[%dma_start3A_277, %dma_start3A_278] : memref<2x8000xi32, #tpu.memory_space<vmem>> -> memref<1x8000xi32, #tpu.memory_space<vmem>>
        %dma_start3A_280 = tpu.memref_squeeze %dma_start3A_279 : memref<1x8000xi32, #tpu.memory_space<vmem>> -> memref<8000xi32, #tpu.memory_space<vmem>>
        %dma_start3A_281 = tpu.memref_slice %arg2[%dma_start3A_276, %mul3A_263] : memref<2x320000xi32, #tpu.memory_space<hbm>> -> memref<1x8000xi32, #tpu.memory_space<hbm>>
        %dma_start3A_282 = tpu.memref_squeeze %dma_start3A_281 : memref<1x8000xi32, #tpu.memory_space<hbm>> -> memref<8000xi32, #tpu.memory_space<hbm>>
        %dma_start3A_283 = arith.constant 0 : i32
        %dma_start3A_284 = tpu.memref_slice %arg10[%dma_start3A_277, %dma_start3A_283] : memref<2x8000xi32, #tpu.memory_space<vmem>> -> memref<1x8000xi32, #tpu.memory_space<vmem>>
        %dma_start3A_285 = tpu.memref_squeeze %dma_start3A_284 : memref<1x8000xi32, #tpu.memory_space<vmem>> -> memref<8000xi32, #tpu.memory_space<vmem>>
        %dma_start3A_286 = tpu.memref_slice %arg2[%dma_start3A_276, %mul3A_263] : memref<2x320000xi32, #tpu.memory_space<hbm>> -> memref<1x8000xi32, #tpu.memory_space<hbm>>
        %dma_start3A_287 = tpu.memref_squeeze %dma_start3A_286 : memref<1x8000xi32, #tpu.memory_space<hbm>> -> memref<8000xi32, #tpu.memory_space<hbm>>
        tpu.enqueue_dma source(%dma_start3A_287 : memref<8000xi32, #tpu.memory_space<hbm>>) target(%dma_start3A_285 : memref<8000xi32, #tpu.memory_space<vmem>>) target_semaphore(%arg12 : memref<!tpu.dma_semaphore, #tpu.memory_space<semaphore_mem>>)
      } else {
      }
      %mul3A_179 = arith.constant 20 : i32
      %mul3A_180 = arith.muli %select_n3A_73, %mul3A_179 : i32
      %add3A_181 = arith.addi %mul3A_180, %add3A_173 : i32
      %mul3A_182 = arith.constant 8000 : i32
      %mul3A_183 = arith.muli %add3A_181, %mul3A_182 : i32
      %dma_wait3A = arith.constant 0 : i32
      %dma_wait3A_184 = arith.constant 0 : i32
      %dma_wait3A_185 = arith.constant 0 : i32
      %dma_wait3A_186 = tpu.memref_slice %arg9[%dma_wait3A_184, %dma_wait3A_185] : memref<2x8000xi32, #tpu.memory_space<vmem>> -> memref<1x8000xi32, #tpu.memory_space<vmem>>
      %dma_wait3A_187 = tpu.memref_squeeze %dma_wait3A_186 : memref<1x8000xi32, #tpu.memory_space<vmem>> -> memref<8000xi32, #tpu.memory_space<vmem>>
      %dma_wait3A_188 = tpu.memref_slice %arg2[%dma_wait3A, %mul3A_183] : memref<2x320000xi32, #tpu.memory_space<hbm>> -> memref<1x8000xi32, #tpu.memory_space<hbm>>
      %dma_wait3A_189 = tpu.memref_squeeze %dma_wait3A_188 : memref<1x8000xi32, #tpu.memory_space<hbm>> -> memref<8000xi32, #tpu.memory_space<hbm>>
      %dma_wait3A_190 = arith.constant 0 : i32
      %dma_wait3A_191 = tpu.memref_slice %arg9[%dma_wait3A_184, %dma_wait3A_190] : memref<2x8000xi32, #tpu.memory_space<vmem>> -> memref<1x8000xi32, #tpu.memory_space<vmem>>
      %dma_wait3A_192 = tpu.memref_squeeze %dma_wait3A_191 : memref<1x8000xi32, #tpu.memory_space<vmem>> -> memref<8000xi32, #tpu.memory_space<vmem>>
      %dma_wait3A_193 = tpu.memref_slice %arg2[%dma_wait3A, %mul3A_183] : memref<2x320000xi32, #tpu.memory_space<hbm>> -> memref<1x8000xi32, #tpu.memory_space<hbm>>
      %dma_wait3A_194 = tpu.memref_squeeze %dma_wait3A_193 : memref<1x8000xi32, #tpu.memory_space<hbm>> -> memref<8000xi32, #tpu.memory_space<hbm>>
      tpu.wait_dma2 semaphore(%arg11 : memref<!tpu.dma_semaphore, #tpu.memory_space<semaphore_mem>>) src(%dma_wait3A_194 : memref<8000xi32, #tpu.memory_space<hbm>>) dst(%dma_wait3A_192 : memref<8000xi32, #tpu.memory_space<vmem>>)
      %dma_wait3A_195 = arith.constant 1 : i32
      %dma_wait3A_196 = arith.constant 0 : i32
      %dma_wait3A_197 = arith.constant 0 : i32
      %dma_wait3A_198 = tpu.memref_slice %arg10[%dma_wait3A_196, %dma_wait3A_197] : memref<2x8000xi32, #tpu.memory_space<vmem>> -> memref<1x8000xi32, #tpu.memory_space<vmem>>
      %dma_wait3A_199 = tpu.memref_squeeze %dma_wait3A_198 : memref<1x8000xi32, #tpu.memory_space<vmem>> -> memref<8000xi32, #tpu.memory_space<vmem>>
      %dma_wait3A_200 = tpu.memref_slice %arg2[%dma_wait3A_195, %mul3A_183] : memref<2x320000xi32, #tpu.memory_space<hbm>> -> memref<1x8000xi32, #tpu.memory_space<hbm>>
      %dma_wait3A_201 = tpu.memref_squeeze %dma_wait3A_200 : memref<1x8000xi32, #tpu.memory_space<hbm>> -> memref<8000xi32, #tpu.memory_space<hbm>>
      %dma_wait3A_202 = arith.constant 0 : i32
      %dma_wait3A_203 = tpu.memref_slice %arg10[%dma_wait3A_196, %dma_wait3A_202] : memref<2x8000xi32, #tpu.memory_space<vmem>> -> memref<1x8000xi32, #tpu.memory_space<vmem>>
      %dma_wait3A_204 = tpu.memref_squeeze %dma_wait3A_203 : memref<1x8000xi32, #tpu.memory_space<vmem>> -> memref<8000xi32, #tpu.memory_space<vmem>>
      %dma_wait3A_205 = tpu.memref_slice %arg2[%dma_wait3A_195, %mul3A_183] : memref<2x320000xi32, #tpu.memory_space<hbm>> -> memref<1x8000xi32, #tpu.memory_space<hbm>>
      %dma_wait3A_206 = tpu.memref_squeeze %dma_wait3A_205 : memref<1x8000xi32, #tpu.memory_space<hbm>> -> memref<8000xi32, #tpu.memory_space<hbm>>
      tpu.wait_dma2 semaphore(%arg11 : memref<!tpu.dma_semaphore, #tpu.memory_space<semaphore_mem>>) src(%dma_wait3A_206 : memref<8000xi32, #tpu.memory_space<hbm>>) dst(%dma_wait3A_204 : memref<8000xi32, #tpu.memory_space<vmem>>)
      %scan3A_207 = arith.constant 0 : i32
      %scan3A_208 = arith.constant 50 : i32
      %scan3A_209 = arith.addi %scan3A_207, %scan3A_208 : i32
      %scan3A_210 = arith.constant 1 : i32
      scf.for %scan3A_257 = %scan3A_207 to %scan3A_209 step %scan3A_210  : i32 {
        %mul3A_258 = arith.constant 1 : i32
        %mul3A_259 = arith.muli %scan3A_257, %mul3A_258 : i32
        %add3A_260 = arith.constant 0 : i32
        %add3A_261 = arith.addi %add3A_260, %mul3A_259 : i32
        %mul3A_262 = arith.constant 160 : i32
        %mul3A_263 = arith.muli %add3A_261, %mul3A_262 : i32
        %add3A_264 = arith.constant 0 : i32
        %add3A_265 = arith.addi %mul3A_263, %add3A_264 : i32
        %get3A_266 = arith.constant 0 : i32
        %get3A_267 = arith.index_cast %get3A_266 : i32 to index
        %get3A_268 = arith.index_cast %add3A_265 : i32 to index
        %get3A_269 = tpu.vector_load %arg9[%get3A_267, %get3A_268] {strides = array<i32>} : memref<2x8000xi32, #tpu.memory_space<vmem>>, vector<16xi32>,
        %add3A_270 = arith.constant 16 : i32
        %add3A_271 = arith.addi %mul3A_263, %add3A_270 : i32
        %get3A_272 = arith.constant 0 : i32
        %get3A_273 = arith.index_cast %get3A_272 : i32 to index
        %get3A_274 = arith.index_cast %add3A_271 : i32 to index
        %get3A_275 = tpu.vector_load %arg9[%get3A_273, %get3A_274] {strides = array<i32>} : memref<2x8000xi32, #tpu.memory_space<vmem>>, vector<16xi32>,
        %add3A_276 = arith.constant 32 : i32
        %add3A_277 = arith.addi %mul3A_263, %add3A_276 : i32
        %get3A_278 = arith.constant 0 : i32
        %get3A_279 = arith.index_cast %get3A_278 : i32 to index
        %get3A_280 = arith.index_cast %add3A_277 : i32 to index
        %get3A_281 = tpu.vector_load %arg9[%get3A_279, %get3A_280] {strides = array<i32>} : memref<2x8000xi32, #tpu.memory_space<vmem>>, vector<16xi32>,
        %add3A_282 = arith.constant 48 : i32
        %add3A_283 = arith.addi %mul3A_263, %add3A_282 : i32
        %get3A_284 = arith.constant 0 : i32
        %get3A_285 = arith.index_cast %get3A_284 : i32 to index
        %get3A_286 = arith.index_cast %add3A_283 : i32 to index
        %get3A_287 = tpu.vector_load %arg9[%get3A_285, %get3A_286] {strides = array<i32>} : memref<2x8000xi32, #tpu.memory_space<vmem>>, vector<16xi32>,
        %add3A_288 = arith.constant 64 : i32
        %add3A_289 = arith.addi %mul3A_263, %add3A_288 : i32
        %get3A_290 = arith.constant 0 : i32
        %get3A_291 = arith.index_cast %get3A_290 : i32 to index
        %get3A_292 = arith.index_cast %add3A_289 : i32 to index
        %get3A_293 = tpu.vector_load %arg9[%get3A_291, %get3A_292] {strides = array<i32>} : memref<2x8000xi32, #tpu.memory_space<vmem>>, vector<16xi32>,
        %add3A_294 = arith.constant 80 : i32
        %add3A_295 = arith.addi %mul3A_263, %add3A_294 : i32
        %get3A_296 = arith.constant 0 : i32
        %get3A_297 = arith.index_cast %get3A_296 : i32 to index
        %get3A_298 = arith.index_cast %add3A_295 : i32 to index
        %get3A_299 = tpu.vector_load %arg9[%get3A_297, %get3A_298] {strides = array<i32>} : memref<2x8000xi32, #tpu.memory_space<vmem>>, vector<16xi32>,
        %add3A_300 = arith.constant 96 : i32
        %add3A_301 = arith.addi %mul3A_263, %add3A_300 : i32
        %get3A_302 = arith.constant 0 : i32
        %get3A_303 = arith.index_cast %get3A_302 : i32 to index
        %get3A_304 = arith.index_cast %add3A_301 : i32 to index
        %get3A_305 = tpu.vector_load %arg9[%get3A_303, %get3A_304] {strides = array<i32>} : memref<2x8000xi32, #tpu.memory_space<vmem>>, vector<16xi32>,
        %add3A_306 = arith.constant 112 : i32
        %add3A_307 = arith.addi %mul3A_263, %add3A_306 : i32
        %get3A_308 = arith.constant 0 : i32
        %get3A_309 = arith.index_cast %get3A_308 : i32 to index
        %get3A_310 = arith.index_cast %add3A_307 : i32 to index
        %get3A_311 = tpu.vector_load %arg9[%get3A_309, %get3A_310] {strides = array<i32>} : memref<2x8000xi32, #tpu.memory_space<vmem>>, vector<16xi32>,
        %add3A_312 = arith.constant 128 : i32
        %add3A_313 = arith.addi %mul3A_263, %add3A_312 : i32
        %get3A_314 = arith.constant 0 : i32
        %get3A_315 = arith.index_cast %get3A_314 : i32 to index
        %get3A_316 = arith.index_cast %add3A_313 : i32 to index
        %get3A_317 = tpu.vector_load %arg9[%get3A_315, %get3A_316] {strides = array<i32>} : memref<2x8000xi32, #tpu.memory_space<vmem>>, vector<16xi32>,
        %add3A_318 = arith.constant 144 : i32
        %add3A_319 = arith.addi %mul3A_263, %add3A_318 : i32
        %get3A_320 = arith.constant 0 : i32
        %get3A_321 = arith.index_cast %get3A_320 : i32 to index
        %get3A_322 = arith.index_cast %add3A_319 : i32 to index
        %get3A_323 = tpu.vector_load %arg9[%get3A_321, %get3A_322] {strides = array<i32>} : memref<2x8000xi32, #tpu.memory_space<vmem>>, vector<16xi32>,
        %add3A_324 = arith.constant 0 : i32
        %add3A_325 = arith.addi %mul3A_263, %add3A_324 : i32
        %get3A_326 = arith.constant 0 : i32
        %get3A_327 = arith.index_cast %get3A_326 : i32 to index
        %get3A_328 = arith.index_cast %add3A_325 : i32 to index
        %get3A_329 = tpu.vector_load %arg10[%get3A_327, %get3A_328] {strides = array<i32>} : memref<2x8000xi32, #tpu.memory_space<vmem>>, vector<16xi32>,
        %add3A_330 = arith.constant 16 : i32
        %add3A_331 = arith.addi %mul3A_263, %add3A_330 : i32
        %get3A_332 = arith.constant 0 : i32
        %get3A_333 = arith.index_cast %get3A_332 : i32 to index
        %get3A_334 = arith.index_cast %add3A_331 : i32 to index
        %get3A_335 = tpu.vector_load %arg10[%get3A_333, %get3A_334] {strides = array<i32>} : memref<2x8000xi32, #tpu.memory_space<vmem>>, vector<16xi32>,
        %add3A_336 = arith.constant 32 : i32
        %add3A_337 = arith.addi %mul3A_263, %add3A_336 : i32
        %get3A_338 = arith.constant 0 : i32
        %get3A_339 = arith.index_cast %get3A_338 : i32 to index
        %get3A_340 = arith.index_cast %add3A_337 : i32 to index
        %get3A_341 = tpu.vector_load %arg10[%get3A_339, %get3A_340] {strides = array<i32>} : memref<2x8000xi32, #tpu.memory_space<vmem>>, vector<16xi32>,
        %add3A_342 = arith.constant 48 : i32
        %add3A_343 = arith.addi %mul3A_263, %add3A_342 : i32
        %get3A_344 = arith.constant 0 : i32
        %get3A_345 = arith.index_cast %get3A_344 : i32 to index
        %get3A_346 = arith.index_cast %add3A_343 : i32 to index
        %get3A_347 = tpu.vector_load %arg10[%get3A_345, %get3A_346] {strides = array<i32>} : memref<2x8000xi32, #tpu.memory_space<vmem>>, vector<16xi32>,
        %add3A_348 = arith.constant 64 : i32
        %add3A_349 = arith.addi %mul3A_263, %add3A_348 : i32
        %get3A_350 = arith.constant 0 : i32
        %get3A_351 = arith.index_cast %get3A_350 : i32 to index
        %get3A_352 = arith.index_cast %add3A_349 : i32 to index
        %get3A_353 = tpu.vector_load %arg10[%get3A_351, %get3A_352] {strides = array<i32>} : memref<2x8000xi32, #tpu.memory_space<vmem>>, vector<16xi32>,
        %add3A_354 = arith.constant 80 : i32
        %add3A_355 = arith.addi %mul3A_263, %add3A_354 : i32
        %get3A_356 = arith.constant 0 : i32
        %get3A_357 = arith.index_cast %get3A_356 : i32 to index
        %get3A_358 = arith.index_cast %add3A_355 : i32 to index
        %get3A_359 = tpu.vector_load %arg10[%get3A_357, %get3A_358] {strides = array<i32>} : memref<2x8000xi32, #tpu.memory_space<vmem>>, vector<16xi32>,
        %add3A_360 = arith.constant 96 : i32
        %add3A_361 = arith.addi %mul3A_263, %add3A_360 : i32
        %get3A_362 = arith.constant 0 : i32
        %get3A_363 = arith.index_cast %get3A_362 : i32 to index
        %get3A_364 = arith.index_cast %add3A_361 : i32 to index
        %get3A_365 = tpu.vector_load %arg10[%get3A_363, %get3A_364] {strides = array<i32>} : memref<2x8000xi32, #tpu.memory_space<vmem>>, vector<16xi32>,
        %add3A_366 = arith.constant 112 : i32
        %add3A_367 = arith.addi %mul3A_263, %add3A_366 : i32
        %get3A_368 = arith.constant 0 : i32
        %get3A_369 = arith.index_cast %get3A_368 : i32 to index
        %get3A_370 = arith.index_cast %add3A_367 : i32 to index
        %get3A_371 = tpu.vector_load %arg10[%get3A_369, %get3A_370] {strides = array<i32>} : memref<2x8000xi32, #tpu.memory_space<vmem>>, vector<16xi32>,
        %add3A_372 = arith.constant 128 : i32
        %add3A_373 = arith.addi %mul3A_263, %add3A_372 : i32
        %get3A_374 = arith.constant 0 : i32
        %get3A_375 = arith.index_cast %get3A_374 : i32 to index
        %get3A_376 = arith.index_cast %add3A_373 : i32 to index
        %get3A_377 = tpu.vector_load %arg10[%get3A_375, %get3A_376] {strides = array<i32>} : memref<2x8000xi32, #tpu.memory_space<vmem>>, vector<16xi32>,
        %add3A_378 = arith.constant 144 : i32
        %add3A_379 = arith.addi %mul3A_263, %add3A_378 : i32
        %get3A_380 = arith.constant 0 : i32
        %get3A_381 = arith.index_cast %get3A_380 : i32 to index
        %get3A_382 = arith.index_cast %add3A_379 : i32 to index
        %get3A_383 = tpu.vector_load %arg10[%get3A_381, %get3A_382] {strides = array<i32>} : memref<2x8000xi32, #tpu.memory_space<vmem>>, vector<16xi32>,
        %gather3A = tpu.vector_load_idx %arg7[%get3A_269] : memref<10000xf32, #tpu.memory_space<vmem>>[vector<16xi32>], vector<16xf32>,
        %gather3A_384 = tpu.vector_load_idx %arg7[%get3A_275] : memref<10000xf32, #tpu.memory_space<vmem>>[vector<16xi32>], vector<16xf32>,
        %gather3A_385 = tpu.vector_load_idx %arg7[%get3A_281] : memref<10000xf32, #tpu.memory_space<vmem>>[vector<16xi32>], vector<16xf32>,
        %gather3A_386 = tpu.vector_load_idx %arg7[%get3A_287] : memref<10000xf32, #tpu.memory_space<vmem>>[vector<16xi32>], vector<16xf32>,
        %gather3A_387 = tpu.vector_load_idx %arg7[%get3A_293] : memref<10000xf32, #tpu.memory_space<vmem>>[vector<16xi32>], vector<16xf32>,
        %gather3A_388 = tpu.vector_load_idx %arg7[%get3A_299] : memref<10000xf32, #tpu.memory_space<vmem>>[vector<16xi32>], vector<16xf32>,
        %gather3A_389 = tpu.vector_load_idx %arg7[%get3A_305] : memref<10000xf32, #tpu.memory_space<vmem>>[vector<16xi32>], vector<16xf32>,
        %gather3A_390 = tpu.vector_load_idx %arg7[%get3A_311] : memref<10000xf32, #tpu.memory_space<vmem>>[vector<16xi32>], vector<16xf32>,
        %gather3A_391 = tpu.vector_load_idx %arg7[%get3A_317] : memref<10000xf32, #tpu.memory_space<vmem>>[vector<16xi32>], vector<16xf32>,
        %gather3A_392 = tpu.vector_load_idx %arg7[%get3A_323] : memref<10000xf32, #tpu.memory_space<vmem>>[vector<16xi32>], vector<16xf32>,
        tpu.vector_store_idx %arg8[%get3A_329], %gather3A {add = true} : memref<10000xf32, #tpu.memory_space<vmem>>[vector<16xi32>], vector<16xf32>,
        tpu.vector_store_idx %arg8[%get3A_335], %gather3A_384 {add = true} : memref<10000xf32, #tpu.memory_space<vmem>>[vector<16xi32>], vector<16xf32>,
        tpu.vector_store_idx %arg8[%get3A_341], %gather3A_385 {add = true} : memref<10000xf32, #tpu.memory_space<vmem>>[vector<16xi32>], vector<16xf32>,
        tpu.vector_store_idx %arg8[%get3A_347], %gather3A_386 {add = true} : memref<10000xf32, #tpu.memory_space<vmem>>[vector<16xi32>], vector<16xf32>,
        tpu.vector_store_idx %arg8[%get3A_353], %gather3A_387 {add = true} : memref<10000xf32, #tpu.memory_space<vmem>>[vector<16xi32>], vector<16xf32>,
        tpu.vector_store_idx %arg8[%get3A_359], %gather3A_388 {add = true} : memref<10000xf32, #tpu.memory_space<vmem>>[vector<16xi32>], vector<16xf32>,
        tpu.vector_store_idx %arg8[%get3A_365], %gather3A_389 {add = true} : memref<10000xf32, #tpu.memory_space<vmem>>[vector<16xi32>], vector<16xf32>,
        tpu.vector_store_idx %arg8[%get3A_371], %gather3A_390 {add = true} : memref<10000xf32, #tpu.memory_space<vmem>>[vector<16xi32>], vector<16xf32>,
        tpu.vector_store_idx %arg8[%get3A_377], %gather3A_391 {add = true} : memref<10000xf32, #tpu.memory_space<vmem>>[vector<16xi32>], vector<16xf32>,
        tpu.vector_store_idx %arg8[%get3A_383], %gather3A_392 {add = true} : memref<10000xf32, #tpu.memory_space<vmem>>[vector<16xi32>], vector<16xf32>,
      }
      %scan3A_211 = arith.constant 50 : i32
      %mul3A_212 = arith.constant 2 : i32
      %mul3A_213 = arith.muli %add3A_169, %mul3A_212 : i32
      %add3A_214 = arith.constant 1 : i32
      %add3A_215 = arith.addi %mul3A_213, %add3A_214 : i32
      %add3A_216 = arith.constant 1 : i32
      %add3A_217 = arith.addi %add3A_215, %add3A_216 : i32
      %lt3A_218 = arith.constant 20 : i32
      %lt3A_219 = arith.cmpi slt, %add3A_217, %lt3A_218 : i32
      %convert_element_type3A_220 = arith.extui %lt3A_219 : i1 to i32
      %cond3A_221 = arith.constant 0 : i32
      %cond3A_222 = arith.cmpi ne, %convert_element_type3A_220, %cond3A_221 : i32
      scf.if %cond3A_222 {
        %add3A_257 = arith.constant 1 : i32
        %add3A_258 = arith.addi %add3A_215, %add3A_257 : i32
        %mul3A_259 = arith.constant 20 : i32
        %mul3A_260 = arith.muli %select_n3A_73, %mul3A_259 : i32
        %add3A_261 = arith.addi %mul3A_260, %add3A_258 : i32
        %mul3A_262 = arith.constant 8000 : i32
        %mul3A_263 = arith.muli %add3A_261, %mul3A_262 : i32
        %dma_start3A_264 = arith.constant 0 : i32
        %dma_start3A_265 = arith.constant 0 : i32
        %dma_start3A_266 = arith.constant 0 : i32
        %dma_start3A_267 = tpu.memref_slice %arg9[%dma_start3A_265, %dma_start3A_266] : memref<2x8000xi32, #tpu.memory_space<vmem>> -> memref<1x8000xi32, #tpu.memory_space<vmem>>
        %dma_start3A_268 = tpu.memref_squeeze %dma_start3A_267 : memref<1x8000xi32, #tpu.memory_space<vmem>> -> memref<8000xi32, #tpu.memory_space<vmem>>
        %dma_start3A_269 = tpu.memref_slice %arg2[%dma_start3A_264, %mul3A_263] : memref<2x320000xi32, #tpu.memory_space<hbm>> -> memref<1x8000xi32, #tpu.memory_space<hbm>>
        %dma_start3A_270 = tpu.memref_squeeze %dma_start3A_269 : memref<1x8000xi32, #tpu.memory_space<hbm>> -> memref<8000xi32, #tpu.memory_space<hbm>>
        %dma_start3A_271 = arith.constant 0 : i32
        %dma_start3A_272 = tpu.memref_slice %arg9[%dma_start3A_265, %dma_start3A_271] : memref<2x8000xi32, #tpu.memory_space<vmem>> -> memref<1x8000xi32, #tpu.memory_space<vmem>>
        %dma_start3A_273 = tpu.memref_squeeze %dma_start3A_272 : memref<1x8000xi32, #tpu.memory_space<vmem>> -> memref<8000xi32, #tpu.memory_space<vmem>>
        %dma_start3A_274 = tpu.memref_slice %arg2[%dma_start3A_264, %mul3A_263] : memref<2x320000xi32, #tpu.memory_space<hbm>> -> memref<1x8000xi32, #tpu.memory_space<hbm>>
        %dma_start3A_275 = tpu.memref_squeeze %dma_start3A_274 : memref<1x8000xi32, #tpu.memory_space<hbm>> -> memref<8000xi32, #tpu.memory_space<hbm>>
        tpu.enqueue_dma source(%dma_start3A_275 : memref<8000xi32, #tpu.memory_space<hbm>>) target(%dma_start3A_273 : memref<8000xi32, #tpu.memory_space<vmem>>) target_semaphore(%arg11 : memref<!tpu.dma_semaphore, #tpu.memory_space<semaphore_mem>>)
        %dma_start3A_276 = arith.constant 1 : i32
        %dma_start3A_277 = arith.constant 0 : i32
        %dma_start3A_278 = arith.constant 0 : i32
        %dma_start3A_279 = tpu.memref_slice %arg10[%dma_start3A_277, %dma_start3A_278] : memref<2x8000xi32, #tpu.memory_space<vmem>> -> memref<1x8000xi32, #tpu.memory_space<vmem>>
        %dma_start3A_280 = tpu.memref_squeeze %dma_start3A_279 : memref<1x8000xi32, #tpu.memory_space<vmem>> -> memref<8000xi32, #tpu.memory_space<vmem>>
        %dma_start3A_281 = tpu.memref_slice %arg2[%dma_start3A_276, %mul3A_263] : memref<2x320000xi32, #tpu.memory_space<hbm>> -> memref<1x8000xi32, #tpu.memory_space<hbm>>
        %dma_start3A_282 = tpu.memref_squeeze %dma_start3A_281 : memref<1x8000xi32, #tpu.memory_space<hbm>> -> memref<8000xi32, #tpu.memory_space<hbm>>
        %dma_start3A_283 = arith.constant 0 : i32
        %dma_start3A_284 = tpu.memref_slice %arg10[%dma_start3A_277, %dma_start3A_283] : memref<2x8000xi32, #tpu.memory_space<vmem>> -> memref<1x8000xi32, #tpu.memory_space<vmem>>
        %dma_start3A_285 = tpu.memref_squeeze %dma_start3A_284 : memref<1x8000xi32, #tpu.memory_space<vmem>> -> memref<8000xi32, #tpu.memory_space<vmem>>
        %dma_start3A_286 = tpu.memref_slice %arg2[%dma_start3A_276, %mul3A_263] : memref<2x320000xi32, #tpu.memory_space<hbm>> -> memref<1x8000xi32, #tpu.memory_space<hbm>>
        %dma_start3A_287 = tpu.memref_squeeze %dma_start3A_286 : memref<1x8000xi32, #tpu.memory_space<hbm>> -> memref<8000xi32, #tpu.memory_space<hbm>>
        tpu.enqueue_dma source(%dma_start3A_287 : memref<8000xi32, #tpu.memory_space<hbm>>) target(%dma_start3A_285 : memref<8000xi32, #tpu.memory_space<vmem>>) target_semaphore(%arg11 : memref<!tpu.dma_semaphore, #tpu.memory_space<semaphore_mem>>)
      } else {
      }
      %mul3A_223 = arith.constant 20 : i32
      %mul3A_224 = arith.muli %select_n3A_73, %mul3A_223 : i32
      %add3A_225 = arith.addi %mul3A_224, %add3A_215 : i32
      %mul3A_226 = arith.constant 8000 : i32
      %mul3A_227 = arith.muli %add3A_225, %mul3A_226 : i32
      %dma_wait3A_228 = arith.constant 0 : i32
      %dma_wait3A_229 = arith.constant 1 : i32
      %dma_wait3A_230 = arith.constant 0 : i32
      %dma_wait3A_231 = tpu.memref_slice %arg9[%dma_wait3A_229, %dma_wait3A_230] : memref<2x8000xi32, #tpu.memory_space<vmem>> -> memref<1x8000xi32, #tpu.memory_space<vmem>>
      %dma_wait3A_232 = tpu.memref_squeeze %dma_wait3A_231 : memref<1x8000xi32, #tpu.memory_space<vmem>> -> memref<8000xi32, #tpu.memory_space<vmem>>
      %dma_wait3A_233 = tpu.memref_slice %arg2[%dma_wait3A_228, %mul3A_227] : memref<2x320000xi32, #tpu.memory_space<hbm>> -> memref<1x8000xi32, #tpu.memory_space<hbm>>
      %dma_wait3A_234 = tpu.memref_squeeze %dma_wait3A_233 : memref<1x8000xi32, #tpu.memory_space<hbm>> -> memref<8000xi32, #tpu.memory_space<hbm>>
      %dma_wait3A_235 = arith.constant 0 : i32
      %dma_wait3A_236 = tpu.memref_slice %arg9[%dma_wait3A_229, %dma_wait3A_235] : memref<2x8000xi32, #tpu.memory_space<vmem>> -> memref<1x8000xi32, #tpu.memory_space<vmem>>
      %dma_wait3A_237 = tpu.memref_squeeze %dma_wait3A_236 : memref<1x8000xi32, #tpu.memory_space<vmem>> -> memref<8000xi32, #tpu.memory_space<vmem>>
      %dma_wait3A_238 = tpu.memref_slice %arg2[%dma_wait3A_228, %mul3A_227] : memref<2x320000xi32, #tpu.memory_space<hbm>> -> memref<1x8000xi32, #tpu.memory_space<hbm>>
      %dma_wait3A_239 = tpu.memref_squeeze %dma_wait3A_238 : memref<1x8000xi32, #tpu.memory_space<hbm>> -> memref<8000xi32, #tpu.memory_space<hbm>>
      tpu.wait_dma2 semaphore(%arg12 : memref<!tpu.dma_semaphore, #tpu.memory_space<semaphore_mem>>) src(%dma_wait3A_239 : memref<8000xi32, #tpu.memory_space<hbm>>) dst(%dma_wait3A_237 : memref<8000xi32, #tpu.memory_space<vmem>>)
      %dma_wait3A_240 = arith.constant 1 : i32
      %dma_wait3A_241 = arith.constant 1 : i32
      %dma_wait3A_242 = arith.constant 0 : i32
      %dma_wait3A_243 = tpu.memref_slice %arg10[%dma_wait3A_241, %dma_wait3A_242] : memref<2x8000xi32, #tpu.memory_space<vmem>> -> memref<1x8000xi32, #tpu.memory_space<vmem>>
      %dma_wait3A_244 = tpu.memref_squeeze %dma_wait3A_243 : memref<1x8000xi32, #tpu.memory_space<vmem>> -> memref<8000xi32, #tpu.memory_space<vmem>>
      %dma_wait3A_245 = tpu.memref_slice %arg2[%dma_wait3A_240, %mul3A_227] : memref<2x320000xi32, #tpu.memory_space<hbm>> -> memref<1x8000xi32, #tpu.memory_space<hbm>>
      %dma_wait3A_246 = tpu.memref_squeeze %dma_wait3A_245 : memref<1x8000xi32, #tpu.memory_space<hbm>> -> memref<8000xi32, #tpu.memory_space<hbm>>
      %dma_wait3A_247 = arith.constant 0 : i32
      %dma_wait3A_248 = tpu.memref_slice %arg10[%dma_wait3A_241, %dma_wait3A_247] : memref<2x8000xi32, #tpu.memory_space<vmem>> -> memref<1x8000xi32, #tpu.memory_space<vmem>>
      %dma_wait3A_249 = tpu.memref_squeeze %dma_wait3A_248 : memref<1x8000xi32, #tpu.memory_space<vmem>> -> memref<8000xi32, #tpu.memory_space<vmem>>
      %dma_wait3A_250 = tpu.memref_slice %arg2[%dma_wait3A_240, %mul3A_227] : memref<2x320000xi32, #tpu.memory_space<hbm>> -> memref<1x8000xi32, #tpu.memory_space<hbm>>
      %dma_wait3A_251 = tpu.memref_squeeze %dma_wait3A_250 : memref<1x8000xi32, #tpu.memory_space<hbm>> -> memref<8000xi32, #tpu.memory_space<hbm>>
      tpu.wait_dma2 semaphore(%arg12 : memref<!tpu.dma_semaphore, #tpu.memory_space<semaphore_mem>>) src(%dma_wait3A_251 : memref<8000xi32, #tpu.memory_space<hbm>>) dst(%dma_wait3A_249 : memref<8000xi32, #tpu.memory_space<vmem>>)
      %scan3A_252 = arith.constant 0 : i32
      %scan3A_253 = arith.constant 50 : i32
      %scan3A_254 = arith.addi %scan3A_252, %scan3A_253 : i32
      %scan3A_255 = arith.constant 1 : i32
      scf.for %scan3A_257 = %scan3A_252 to %scan3A_254 step %scan3A_255  : i32 {
        %mul3A_258 = arith.constant 1 : i32
        %mul3A_259 = arith.muli %scan3A_257, %mul3A_258 : i32
        %add3A_260 = arith.constant 0 : i32
        %add3A_261 = arith.addi %add3A_260, %mul3A_259 : i32
        %mul3A_262 = arith.constant 160 : i32
        %mul3A_263 = arith.muli %add3A_261, %mul3A_262 : i32
        %add3A_264 = arith.constant 0 : i32
        %add3A_265 = arith.addi %mul3A_263, %add3A_264 : i32
        %get3A_266 = arith.constant 1 : i32
        %get3A_267 = arith.index_cast %get3A_266 : i32 to index
        %get3A_268 = arith.index_cast %add3A_265 : i32 to index
        %get3A_269 = tpu.vector_load %arg9[%get3A_267, %get3A_268] {strides = array<i32>} : memref<2x8000xi32, #tpu.memory_space<vmem>>, vector<16xi32>,
        %add3A_270 = arith.constant 16 : i32
        %add3A_271 = arith.addi %mul3A_263, %add3A_270 : i32
        %get3A_272 = arith.constant 1 : i32
        %get3A_273 = arith.index_cast %get3A_272 : i32 to index
        %get3A_274 = arith.index_cast %add3A_271 : i32 to index
        %get3A_275 = tpu.vector_load %arg9[%get3A_273, %get3A_274] {strides = array<i32>} : memref<2x8000xi32, #tpu.memory_space<vmem>>, vector<16xi32>,
        %add3A_276 = arith.constant 32 : i32
        %add3A_277 = arith.addi %mul3A_263, %add3A_276 : i32
        %get3A_278 = arith.constant 1 : i32
        %get3A_279 = arith.index_cast %get3A_278 : i32 to index
        %get3A_280 = arith.index_cast %add3A_277 : i32 to index
        %get3A_281 = tpu.vector_load %arg9[%get3A_279, %get3A_280] {strides = array<i32>} : memref<2x8000xi32, #tpu.memory_space<vmem>>, vector<16xi32>,
        %add3A_282 = arith.constant 48 : i32
        %add3A_283 = arith.addi %mul3A_263, %add3A_282 : i32
        %get3A_284 = arith.constant 1 : i32
        %get3A_285 = arith.index_cast %get3A_284 : i32 to index
        %get3A_286 = arith.index_cast %add3A_283 : i32 to index
        %get3A_287 = tpu.vector_load %arg9[%get3A_285, %get3A_286] {strides = array<i32>} : memref<2x8000xi32, #tpu.memory_space<vmem>>, vector<16xi32>,
        %add3A_288 = arith.constant 64 : i32
        %add3A_289 = arith.addi %mul3A_263, %add3A_288 : i32
        %get3A_290 = arith.constant 1 : i32
        %get3A_291 = arith.index_cast %get3A_290 : i32 to index
        %get3A_292 = arith.index_cast %add3A_289 : i32 to index
        %get3A_293 = tpu.vector_load %arg9[%get3A_291, %get3A_292] {strides = array<i32>} : memref<2x8000xi32, #tpu.memory_space<vmem>>, vector<16xi32>,
        %add3A_294 = arith.constant 80 : i32
        %add3A_295 = arith.addi %mul3A_263, %add3A_294 : i32
        %get3A_296 = arith.constant 1 : i32
        %get3A_297 = arith.index_cast %get3A_296 : i32 to index
        %get3A_298 = arith.index_cast %add3A_295 : i32 to index
        %get3A_299 = tpu.vector_load %arg9[%get3A_297, %get3A_298] {strides = array<i32>} : memref<2x8000xi32, #tpu.memory_space<vmem>>, vector<16xi32>,
        %add3A_300 = arith.constant 96 : i32
        %add3A_301 = arith.addi %mul3A_263, %add3A_300 : i32
        %get3A_302 = arith.constant 1 : i32
        %get3A_303 = arith.index_cast %get3A_302 : i32 to index
        %get3A_304 = arith.index_cast %add3A_301 : i32 to index
        %get3A_305 = tpu.vector_load %arg9[%get3A_303, %get3A_304] {strides = array<i32>} : memref<2x8000xi32, #tpu.memory_space<vmem>>, vector<16xi32>,
        %add3A_306 = arith.constant 112 : i32
        %add3A_307 = arith.addi %mul3A_263, %add3A_306 : i32
        %get3A_308 = arith.constant 1 : i32
        %get3A_309 = arith.index_cast %get3A_308 : i32 to index
        %get3A_310 = arith.index_cast %add3A_307 : i32 to index
        %get3A_311 = tpu.vector_load %arg9[%get3A_309, %get3A_310] {strides = array<i32>} : memref<2x8000xi32, #tpu.memory_space<vmem>>, vector<16xi32>,
        %add3A_312 = arith.constant 128 : i32
        %add3A_313 = arith.addi %mul3A_263, %add3A_312 : i32
        %get3A_314 = arith.constant 1 : i32
        %get3A_315 = arith.index_cast %get3A_314 : i32 to index
        %get3A_316 = arith.index_cast %add3A_313 : i32 to index
        %get3A_317 = tpu.vector_load %arg9[%get3A_315, %get3A_316] {strides = array<i32>} : memref<2x8000xi32, #tpu.memory_space<vmem>>, vector<16xi32>,
        %add3A_318 = arith.constant 144 : i32
        %add3A_319 = arith.addi %mul3A_263, %add3A_318 : i32
        %get3A_320 = arith.constant 1 : i32
        %get3A_321 = arith.index_cast %get3A_320 : i32 to index
        %get3A_322 = arith.index_cast %add3A_319 : i32 to index
        %get3A_323 = tpu.vector_load %arg9[%get3A_321, %get3A_322] {strides = array<i32>} : memref<2x8000xi32, #tpu.memory_space<vmem>>, vector<16xi32>,
        %add3A_324 = arith.constant 0 : i32
        %add3A_325 = arith.addi %mul3A_263, %add3A_324 : i32
        %get3A_326 = arith.constant 1 : i32
        %get3A_327 = arith.index_cast %get3A_326 : i32 to index
        %get3A_328 = arith.index_cast %add3A_325 : i32 to index
        %get3A_329 = tpu.vector_load %arg10[%get3A_327, %get3A_328] {strides = array<i32>} : memref<2x8000xi32, #tpu.memory_space<vmem>>, vector<16xi32>,
        %add3A_330 = arith.constant 16 : i32
        %add3A_331 = arith.addi %mul3A_263, %add3A_330 : i32
        %get3A_332 = arith.constant 1 : i32
        %get3A_333 = arith.index_cast %get3A_332 : i32 to index
        %get3A_334 = arith.index_cast %add3A_331 : i32 to index
        %get3A_335 = tpu.vector_load %arg10[%get3A_333, %get3A_334] {strides = array<i32>} : memref<2x8000xi32, #tpu.memory_space<vmem>>, vector<16xi32>,
        %add3A_336 = arith.constant 32 : i32
        %add3A_337 = arith.addi %mul3A_263, %add3A_336 : i32
        %get3A_338 = arith.constant 1 : i32
        %get3A_339 = arith.index_cast %get3A_338 : i32 to index
        %get3A_340 = arith.index_cast %add3A_337 : i32 to index
        %get3A_341 = tpu.vector_load %arg10[%get3A_339, %get3A_340] {strides = array<i32>} : memref<2x8000xi32, #tpu.memory_space<vmem>>, vector<16xi32>,
        %add3A_342 = arith.constant 48 : i32
        %add3A_343 = arith.addi %mul3A_263, %add3A_342 : i32
        %get3A_344 = arith.constant 1 : i32
        %get3A_345 = arith.index_cast %get3A_344 : i32 to index
        %get3A_346 = arith.index_cast %add3A_343 : i32 to index
        %get3A_347 = tpu.vector_load %arg10[%get3A_345, %get3A_346] {strides = array<i32>} : memref<2x8000xi32, #tpu.memory_space<vmem>>, vector<16xi32>,
        %add3A_348 = arith.constant 64 : i32
        %add3A_349 = arith.addi %mul3A_263, %add3A_348 : i32
        %get3A_350 = arith.constant 1 : i32
        %get3A_351 = arith.index_cast %get3A_350 : i32 to index
        %get3A_352 = arith.index_cast %add3A_349 : i32 to index
        %get3A_353 = tpu.vector_load %arg10[%get3A_351, %get3A_352] {strides = array<i32>} : memref<2x8000xi32, #tpu.memory_space<vmem>>, vector<16xi32>,
        %add3A_354 = arith.constant 80 : i32
        %add3A_355 = arith.addi %mul3A_263, %add3A_354 : i32
        %get3A_356 = arith.constant 1 : i32
        %get3A_357 = arith.index_cast %get3A_356 : i32 to index
        %get3A_358 = arith.index_cast %add3A_355 : i32 to index
        %get3A_359 = tpu.vector_load %arg10[%get3A_357, %get3A_358] {strides = array<i32>} : memref<2x8000xi32, #tpu.memory_space<vmem>>, vector<16xi32>,
        %add3A_360 = arith.constant 96 : i32
        %add3A_361 = arith.addi %mul3A_263, %add3A_360 : i32
        %get3A_362 = arith.constant 1 : i32
        %get3A_363 = arith.index_cast %get3A_362 : i32 to index
        %get3A_364 = arith.index_cast %add3A_361 : i32 to index
        %get3A_365 = tpu.vector_load %arg10[%get3A_363, %get3A_364] {strides = array<i32>} : memref<2x8000xi32, #tpu.memory_space<vmem>>, vector<16xi32>,
        %add3A_366 = arith.constant 112 : i32
        %add3A_367 = arith.addi %mul3A_263, %add3A_366 : i32
        %get3A_368 = arith.constant 1 : i32
        %get3A_369 = arith.index_cast %get3A_368 : i32 to index
        %get3A_370 = arith.index_cast %add3A_367 : i32 to index
        %get3A_371 = tpu.vector_load %arg10[%get3A_369, %get3A_370] {strides = array<i32>} : memref<2x8000xi32, #tpu.memory_space<vmem>>, vector<16xi32>,
        %add3A_372 = arith.constant 128 : i32
        %add3A_373 = arith.addi %mul3A_263, %add3A_372 : i32
        %get3A_374 = arith.constant 1 : i32
        %get3A_375 = arith.index_cast %get3A_374 : i32 to index
        %get3A_376 = arith.index_cast %add3A_373 : i32 to index
        %get3A_377 = tpu.vector_load %arg10[%get3A_375, %get3A_376] {strides = array<i32>} : memref<2x8000xi32, #tpu.memory_space<vmem>>, vector<16xi32>,
        %add3A_378 = arith.constant 144 : i32
        %add3A_379 = arith.addi %mul3A_263, %add3A_378 : i32
        %get3A_380 = arith.constant 1 : i32
        %get3A_381 = arith.index_cast %get3A_380 : i32 to index
        %get3A_382 = arith.index_cast %add3A_379 : i32 to index
        %get3A_383 = tpu.vector_load %arg10[%get3A_381, %get3A_382] {strides = array<i32>} : memref<2x8000xi32, #tpu.memory_space<vmem>>, vector<16xi32>,
        %gather3A = tpu.vector_load_idx %arg7[%get3A_269] : memref<10000xf32, #tpu.memory_space<vmem>>[vector<16xi32>], vector<16xf32>,
        %gather3A_384 = tpu.vector_load_idx %arg7[%get3A_275] : memref<10000xf32, #tpu.memory_space<vmem>>[vector<16xi32>], vector<16xf32>,
        %gather3A_385 = tpu.vector_load_idx %arg7[%get3A_281] : memref<10000xf32, #tpu.memory_space<vmem>>[vector<16xi32>], vector<16xf32>,
        %gather3A_386 = tpu.vector_load_idx %arg7[%get3A_287] : memref<10000xf32, #tpu.memory_space<vmem>>[vector<16xi32>], vector<16xf32>,
        %gather3A_387 = tpu.vector_load_idx %arg7[%get3A_293] : memref<10000xf32, #tpu.memory_space<vmem>>[vector<16xi32>], vector<16xf32>,
        %gather3A_388 = tpu.vector_load_idx %arg7[%get3A_299] : memref<10000xf32, #tpu.memory_space<vmem>>[vector<16xi32>], vector<16xf32>,
        %gather3A_389 = tpu.vector_load_idx %arg7[%get3A_305] : memref<10000xf32, #tpu.memory_space<vmem>>[vector<16xi32>], vector<16xf32>,
        %gather3A_390 = tpu.vector_load_idx %arg7[%get3A_311] : memref<10000xf32, #tpu.memory_space<vmem>>[vector<16xi32>], vector<16xf32>,
        %gather3A_391 = tpu.vector_load_idx %arg7[%get3A_317] : memref<10000xf32, #tpu.memory_space<vmem>>[vector<16xi32>], vector<16xf32>,
        %gather3A_392 = tpu.vector_load_idx %arg7[%get3A_323] : memref<10000xf32, #tpu.memory_space<vmem>>[vector<16xi32>], vector<16xf32>,
        tpu.vector_store_idx %arg8[%get3A_329], %gather3A {add = true} : memref<10000xf32, #tpu.memory_space<vmem>>[vector<16xi32>], vector<16xf32>,
        tpu.vector_store_idx %arg8[%get3A_335], %gather3A_384 {add = true} : memref<10000xf32, #tpu.memory_space<vmem>>[vector<16xi32>], vector<16xf32>,
        tpu.vector_store_idx %arg8[%get3A_341], %gather3A_385 {add = true} : memref<10000xf32, #tpu.memory_space<vmem>>[vector<16xi32>], vector<16xf32>,
        tpu.vector_store_idx %arg8[%get3A_347], %gather3A_386 {add = true} : memref<10000xf32, #tpu.memory_space<vmem>>[vector<16xi32>], vector<16xf32>,
        tpu.vector_store_idx %arg8[%get3A_353], %gather3A_387 {add = true} : memref<10000xf32, #tpu.memory_space<vmem>>[vector<16xi32>], vector<16xf32>,
        tpu.vector_store_idx %arg8[%get3A_359], %gather3A_388 {add = true} : memref<10000xf32, #tpu.memory_space<vmem>>[vector<16xi32>], vector<16xf32>,
        tpu.vector_store_idx %arg8[%get3A_365], %gather3A_389 {add = true} : memref<10000xf32, #tpu.memory_space<vmem>>[vector<16xi32>], vector<16xf32>,
        tpu.vector_store_idx %arg8[%get3A_371], %gather3A_390 {add = true} : memref<10000xf32, #tpu.memory_space<vmem>>[vector<16xi32>], vector<16xf32>,
        tpu.vector_store_idx %arg8[%get3A_377], %gather3A_391 {add = true} : memref<10000xf32, #tpu.memory_space<vmem>>[vector<16xi32>], vector<16xf32>,
        tpu.vector_store_idx %arg8[%get3A_383], %gather3A_392 {add = true} : memref<10000xf32, #tpu.memory_space<vmem>>[vector<16xi32>], vector<16xf32>,
      }
      %scan3A_256 = arith.constant 50 : i32
    }
    %scan3A_161 = arith.constant 10 : i32
    %mul3A_162 = arith.constant 2 : i32
    %mul3A_163 = arith.muli %mul3A_162, %add3A_59 : i32
    %add3A_164 = arith.addi %mul3A_163, %select_n3A_73 : i32
    "tpu.region"() ({
      %run_scoped3A_165 = tpu.sem_alloc : memref<!tpu.dma_semaphore, #tpu.memory_space<semaphore_mem>>
      %dma_start3A_166 = arith.constant 0 : i32
      %dma_start3A_167 = tpu.memref_slice %arg6[%add3A_164, %dma_start3A_166] : memref<32x10000xf32, #tpu.memory_space<hbm>> -> memref<1x10000xf32, #tpu.memory_space<hbm>>
      %dma_start3A_168 = tpu.memref_squeeze %dma_start3A_167 : memref<1x10000xf32, #tpu.memory_space<hbm>> -> memref<10000xf32, #tpu.memory_space<hbm>>
      %dma_start3A_169 = arith.constant 0 : i32
      %dma_start3A_170 = tpu.memref_slice %arg6[%add3A_164, %dma_start3A_169] : memref<32x10000xf32, #tpu.memory_space<hbm>> -> memref<1x10000xf32, #tpu.memory_space<hbm>>
      %dma_start3A_171 = tpu.memref_squeeze %dma_start3A_170 : memref<1x10000xf32, #tpu.memory_space<hbm>> -> memref<10000xf32, #tpu.memory_space<hbm>>
      tpu.enqueue_dma source(%arg8 : memref<10000xf32, #tpu.memory_space<vmem>>) target(%dma_start3A_171 : memref<10000xf32, #tpu.memory_space<hbm>>) target_semaphore(%run_scoped3A_165 : memref<!tpu.dma_semaphore, #tpu.memory_space<semaphore_mem>>)
      %dma_wait3A = arith.constant 0 : i32
      %dma_wait3A_172 = tpu.memref_slice %arg6[%add3A_164, %dma_wait3A] : memref<32x10000xf32, #tpu.memory_space<hbm>> -> memref<1x10000xf32, #tpu.memory_space<hbm>>
      %dma_wait3A_173 = tpu.memref_squeeze %dma_wait3A_172 : memref<1x10000xf32, #tpu.memory_space<hbm>> -> memref<10000xf32, #tpu.memory_space<hbm>>
      %dma_wait3A_174 = arith.constant 0 : i32
      %dma_wait3A_175 = tpu.memref_slice %arg6[%add3A_164, %dma_wait3A_174] : memref<32x10000xf32, #tpu.memory_space<hbm>> -> memref<1x10000xf32, #tpu.memory_space<hbm>>
      %dma_wait3A_176 = tpu.memref_squeeze %dma_wait3A_175 : memref<1x10000xf32, #tpu.memory_space<hbm>> -> memref<10000xf32, #tpu.memory_space<hbm>>
      tpu.wait_dma2 semaphore(%run_scoped3A_165 : memref<!tpu.dma_semaphore, #tpu.memory_space<semaphore_mem>>) src(%arg8 : memref<10000xf32, #tpu.memory_space<vmem>>) dst(%dma_wait3A_176 : memref<10000xf32, #tpu.memory_space<hbm>>)
      tpu.yield
    }) : () -> ()
    return
  }
}

#map = affine_map<(d0, d1) -> (0, 0)>
module attributes {stable_mosaic.version = 14 : i64} {
  func.func @deg_kernel(%arg0: i32, %arg1: i32, %arg2: memref<2x320000xi32, #tpu.memory_space<hbm>>, %arg3: memref<32x10000xf32, #tpu.memory_space<hbm>>, %arg4: memref<10000xi32, #tpu.memory_space<vmem>>, %arg5: memref<10000xf32, #tpu.memory_space<vmem>>) attributes {dimension_semantics = [#tpu.dimension_semantics<core_parallel>, #tpu.dimension_semantics<subcore_parallel>], iteration_bounds = array<i64: 2, 16>, scalar_prefetch = 0 : i64, scratch_operands = 2 : i64, tpu.core_type = #tpu.core_type<sc_vector_subcore>, window_params = [{transform_indices = #map}, {transform_indices = #map}]} {
    %mul3A = arith.constant 2 : i32
    %mul3A_0 = arith.muli %arg1, %mul3A : i32
    %add3A = arith.addi %mul3A_0, %arg0 : i32
    %broadcast_in_dim3A = arith.constant 0.000000e+00 : f32
    %broadcast_in_dim3A_1 = vector.broadcast %broadcast_in_dim3A : f32 to vector<16xf32>
    %scan3A = arith.constant 0 : i32
    %scan3A_2 = arith.constant 625 : i32
    %scan3A_3 = arith.addi %scan3A, %scan3A_2 : i32
    %scan3A_4 = arith.constant 1 : i32
    scf.for %scan3A_24 = %scan3A to %scan3A_3 step %scan3A_4  : i32 {
      %mul3A_25 = arith.constant 1 : i32
      %mul3A_26 = arith.muli %scan3A_24, %mul3A_25 : i32
      %add3A_27 = arith.constant 0 : i32
      %add3A_28 = arith.addi %add3A_27, %mul3A_26 : i32
      %mul3A_29 = arith.constant 16 : i32
      %mul3A_30 = arith.muli %add3A_28, %mul3A_29 : i32
      %add3A_31 = arith.constant 0 : i32
      %add3A_32 = arith.addi %add3A_31, %mul3A_30 : i32
      %swap3A = arith.index_cast %add3A_32 : i32 to index
      %swap3A_33 = tpu.vector_load %arg5[%swap3A] {strides = array<i32>} : memref<10000xf32, #tpu.memory_space<vmem>>, vector<16xf32>,
      tpu.vector_store %arg5[%swap3A], %broadcast_in_dim3A_1 {strides = array<i32>} : memref<10000xf32, #tpu.memory_space<vmem>>, vector<16xf32>,
    }
    %scan3A_5 = arith.constant 625 : i32
    %mul3A_6 = arith.constant 10000 : i32
    %mul3A_7 = arith.muli %add3A, %mul3A_6 : i32
    %run_scoped3A = arith.constant 1 : i32
    "tpu.region"() ({
      %run_scoped3A_24 = tpu.sem_alloc : memref<!tpu.dma_semaphore, #tpu.memory_space<semaphore_mem>>
      %dma_start3A = tpu.memref_slice %arg2[%run_scoped3A, %mul3A_7] : memref<2x320000xi32, #tpu.memory_space<hbm>> -> memref<1x10000xi32, #tpu.memory_space<hbm>>
      %dma_start3A_25 = tpu.memref_squeeze %dma_start3A : memref<1x10000xi32, #tpu.memory_space<hbm>> -> memref<10000xi32, #tpu.memory_space<hbm>>
      %dma_start3A_26 = tpu.memref_slice %arg2[%run_scoped3A, %mul3A_7] : memref<2x320000xi32, #tpu.memory_space<hbm>> -> memref<1x10000xi32, #tpu.memory_space<hbm>>
      %dma_start3A_27 = tpu.memref_squeeze %dma_start3A_26 : memref<1x10000xi32, #tpu.memory_space<hbm>> -> memref<10000xi32, #tpu.memory_space<hbm>>
      tpu.enqueue_dma source(%dma_start3A_27 : memref<10000xi32, #tpu.memory_space<hbm>>) target(%arg4 : memref<10000xi32, #tpu.memory_space<vmem>>) target_semaphore(%run_scoped3A_24 : memref<!tpu.dma_semaphore, #tpu.memory_space<semaphore_mem>>)
      %dma_wait3A = tpu.memref_slice %arg2[%run_scoped3A, %mul3A_7] : memref<2x320000xi32, #tpu.memory_space<hbm>> -> memref<1x10000xi32, #tpu.memory_space<hbm>>
      %dma_wait3A_28 = tpu.memref_squeeze %dma_wait3A : memref<1x10000xi32, #tpu.memory_space<hbm>> -> memref<10000xi32, #tpu.memory_space<hbm>>
      %dma_wait3A_29 = tpu.memref_slice %arg2[%run_scoped3A, %mul3A_7] : memref<2x320000xi32, #tpu.memory_space<hbm>> -> memref<1x10000xi32, #tpu.memory_space<hbm>>
      %dma_wait3A_30 = tpu.memref_squeeze %dma_wait3A_29 : memref<1x10000xi32, #tpu.memory_space<hbm>> -> memref<10000xi32, #tpu.memory_space<hbm>>
      tpu.wait_dma2 semaphore(%run_scoped3A_24 : memref<!tpu.dma_semaphore, #tpu.memory_space<semaphore_mem>>) src(%dma_wait3A_30 : memref<10000xi32, #tpu.memory_space<hbm>>) dst(%arg4 : memref<10000xi32, #tpu.memory_space<vmem>>)
      tpu.yield
    }) : () -> ()
    %broadcast_in_dim3A_8 = arith.constant 1.000000e+00 : f32
    %broadcast_in_dim3A_9 = vector.broadcast %broadcast_in_dim3A_8 : f32 to vector<16xf32>
    %scan3A_10 = arith.constant 0 : i32
    %scan3A_11 = arith.constant 624 : i32
    %scan3A_12 = arith.addi %scan3A_10, %scan3A_11 : i32
    %scan3A_13 = arith.constant 8 : i32
    scf.for %scan3A_24 = %scan3A_10 to %scan3A_12 step %scan3A_13  : i32 {
      %mul3A_25 = arith.constant 1 : i32
      %mul3A_26 = arith.muli %scan3A_24, %mul3A_25 : i32
      %add3A_27 = arith.constant 0 : i32
      %add3A_28 = arith.addi %add3A_27, %mul3A_26 : i32
      %mul3A_29 = arith.constant 16 : i32
      %mul3A_30 = arith.muli %add3A_28, %mul3A_29 : i32
      %get3A_31 = arith.index_cast %mul3A_30 : i32 to index
      %get3A_32 = tpu.vector_load %arg4[%get3A_31] {strides = array<i32>} : memref<10000xi32, #tpu.memory_space<vmem>>, vector<16xi32>,
      tpu.vector_store_idx %arg5[%get3A_32], %broadcast_in_dim3A_9 {add = true} : memref<10000xf32, #tpu.memory_space<vmem>>[vector<16xi32>], vector<16xf32>,
      %scan3A_33 = arith.constant 1 : i32
      %scan3A_34 = arith.addi %scan3A_24, %scan3A_33 : i32
      %mul3A_35 = arith.constant 1 : i32
      %mul3A_36 = arith.muli %scan3A_34, %mul3A_35 : i32
      %add3A_37 = arith.constant 0 : i32
      %add3A_38 = arith.addi %add3A_37, %mul3A_36 : i32
      %mul3A_39 = arith.constant 16 : i32
      %mul3A_40 = arith.muli %add3A_38, %mul3A_39 : i32
      %get3A_41 = arith.index_cast %mul3A_40 : i32 to index
      %get3A_42 = tpu.vector_load %arg4[%get3A_41] {strides = array<i32>} : memref<10000xi32, #tpu.memory_space<vmem>>, vector<16xi32>,
      tpu.vector_store_idx %arg5[%get3A_42], %broadcast_in_dim3A_9 {add = true} : memref<10000xf32, #tpu.memory_space<vmem>>[vector<16xi32>], vector<16xf32>,
      %scan3A_43 = arith.constant 2 : i32
      %scan3A_44 = arith.addi %scan3A_24, %scan3A_43 : i32
      %mul3A_45 = arith.constant 1 : i32
      %mul3A_46 = arith.muli %scan3A_44, %mul3A_45 : i32
      %add3A_47 = arith.constant 0 : i32
      %add3A_48 = arith.addi %add3A_47, %mul3A_46 : i32
      %mul3A_49 = arith.constant 16 : i32
      %mul3A_50 = arith.muli %add3A_48, %mul3A_49 : i32
      %get3A_51 = arith.index_cast %mul3A_50 : i32 to index
      %get3A_52 = tpu.vector_load %arg4[%get3A_51] {strides = array<i32>} : memref<10000xi32, #tpu.memory_space<vmem>>, vector<16xi32>,
      tpu.vector_store_idx %arg5[%get3A_52], %broadcast_in_dim3A_9 {add = true} : memref<10000xf32, #tpu.memory_space<vmem>>[vector<16xi32>], vector<16xf32>,
      %scan3A_53 = arith.constant 3 : i32
      %scan3A_54 = arith.addi %scan3A_24, %scan3A_53 : i32
      %mul3A_55 = arith.constant 1 : i32
      %mul3A_56 = arith.muli %scan3A_54, %mul3A_55 : i32
      %add3A_57 = arith.constant 0 : i32
      %add3A_58 = arith.addi %add3A_57, %mul3A_56 : i32
      %mul3A_59 = arith.constant 16 : i32
      %mul3A_60 = arith.muli %add3A_58, %mul3A_59 : i32
      %get3A_61 = arith.index_cast %mul3A_60 : i32 to index
      %get3A_62 = tpu.vector_load %arg4[%get3A_61] {strides = array<i32>} : memref<10000xi32, #tpu.memory_space<vmem>>, vector<16xi32>,
      tpu.vector_store_idx %arg5[%get3A_62], %broadcast_in_dim3A_9 {add = true} : memref<10000xf32, #tpu.memory_space<vmem>>[vector<16xi32>], vector<16xf32>,
      %scan3A_63 = arith.constant 4 : i32
      %scan3A_64 = arith.addi %scan3A_24, %scan3A_63 : i32
      %mul3A_65 = arith.constant 1 : i32
      %mul3A_66 = arith.muli %scan3A_64, %mul3A_65 : i32
      %add3A_67 = arith.constant 0 : i32
      %add3A_68 = arith.addi %add3A_67, %mul3A_66 : i32
      %mul3A_69 = arith.constant 16 : i32
      %mul3A_70 = arith.muli %add3A_68, %mul3A_69 : i32
      %get3A_71 = arith.index_cast %mul3A_70 : i32 to index
      %get3A_72 = tpu.vector_load %arg4[%get3A_71] {strides = array<i32>} : memref<10000xi32, #tpu.memory_space<vmem>>, vector<16xi32>,
      tpu.vector_store_idx %arg5[%get3A_72], %broadcast_in_dim3A_9 {add = true} : memref<10000xf32, #tpu.memory_space<vmem>>[vector<16xi32>], vector<16xf32>,
      %scan3A_73 = arith.constant 5 : i32
      %scan3A_74 = arith.addi %scan3A_24, %scan3A_73 : i32
      %mul3A_75 = arith.constant 1 : i32
      %mul3A_76 = arith.muli %scan3A_74, %mul3A_75 : i32
      %add3A_77 = arith.constant 0 : i32
      %add3A_78 = arith.addi %add3A_77, %mul3A_76 : i32
      %mul3A_79 = arith.constant 16 : i32
      %mul3A_80 = arith.muli %add3A_78, %mul3A_79 : i32
      %get3A_81 = arith.index_cast %mul3A_80 : i32 to index
      %get3A_82 = tpu.vector_load %arg4[%get3A_81] {strides = array<i32>} : memref<10000xi32, #tpu.memory_space<vmem>>, vector<16xi32>,
      tpu.vector_store_idx %arg5[%get3A_82], %broadcast_in_dim3A_9 {add = true} : memref<10000xf32, #tpu.memory_space<vmem>>[vector<16xi32>], vector<16xf32>,
      %scan3A_83 = arith.constant 6 : i32
      %scan3A_84 = arith.addi %scan3A_24, %scan3A_83 : i32
      %mul3A_85 = arith.constant 1 : i32
      %mul3A_86 = arith.muli %scan3A_84, %mul3A_85 : i32
      %add3A_87 = arith.constant 0 : i32
      %add3A_88 = arith.addi %add3A_87, %mul3A_86 : i32
      %mul3A_89 = arith.constant 16 : i32
      %mul3A_90 = arith.muli %add3A_88, %mul3A_89 : i32
      %get3A_91 = arith.index_cast %mul3A_90 : i32 to index
      %get3A_92 = tpu.vector_load %arg4[%get3A_91] {strides = array<i32>} : memref<10000xi32, #tpu.memory_space<vmem>>, vector<16xi32>,
      tpu.vector_store_idx %arg5[%get3A_92], %broadcast_in_dim3A_9 {add = true} : memref<10000xf32, #tpu.memory_space<vmem>>[vector<16xi32>], vector<16xf32>,
      %scan3A_93 = arith.constant 7 : i32
      %scan3A_94 = arith.addi %scan3A_24, %scan3A_93 : i32
      %mul3A_95 = arith.constant 1 : i32
      %mul3A_96 = arith.muli %scan3A_94, %mul3A_95 : i32
      %add3A_97 = arith.constant 0 : i32
      %add3A_98 = arith.addi %add3A_97, %mul3A_96 : i32
      %mul3A_99 = arith.constant 16 : i32
      %mul3A_100 = arith.muli %add3A_98, %mul3A_99 : i32
      %get3A_101 = arith.index_cast %mul3A_100 : i32 to index
      %get3A_102 = tpu.vector_load %arg4[%get3A_101] {strides = array<i32>} : memref<10000xi32, #tpu.memory_space<vmem>>, vector<16xi32>,
      tpu.vector_store_idx %arg5[%get3A_102], %broadcast_in_dim3A_9 {add = true} : memref<10000xf32, #tpu.memory_space<vmem>>[vector<16xi32>], vector<16xf32>,
    }
    %scan3A_14 = arith.constant 624 : i32
    %scan3A_15 = arith.addi %scan3A_10, %scan3A_14 : i32
    %mul3A_16 = arith.constant 1 : i32
    %mul3A_17 = arith.muli %scan3A_15, %mul3A_16 : i32
    %add3A_18 = arith.constant 0 : i32
    %add3A_19 = arith.addi %add3A_18, %mul3A_17 : i32
    %mul3A_20 = arith.constant 16 : i32
    %mul3A_21 = arith.muli %add3A_19, %mul3A_20 : i32
    %get3A = arith.index_cast %mul3A_21 : i32 to index
    %get3A_22 = tpu.vector_load %arg4[%get3A] {strides = array<i32>} : memref<10000xi32, #tpu.memory_space<vmem>>, vector<16xi32>,
    tpu.vector_store_idx %arg5[%get3A_22], %broadcast_in_dim3A_9 {add = true} : memref<10000xf32, #tpu.memory_space<vmem>>[vector<16xi32>], vector<16xf32>,
    %scan3A_23 = arith.constant 625 : i32
    "tpu.region"() ({
      %run_scoped3A_24 = tpu.sem_alloc : memref<!tpu.dma_semaphore, #tpu.memory_space<semaphore_mem>>
      %dma_start3A = arith.constant 0 : i32
      %dma_start3A_25 = tpu.memref_slice %arg3[%add3A, %dma_start3A] : memref<32x10000xf32, #tpu.memory_space<hbm>> -> memref<1x10000xf32, #tpu.memory_space<hbm>>
      %dma_start3A_26 = tpu.memref_squeeze %dma_start3A_25 : memref<1x10000xf32, #tpu.memory_space<hbm>> -> memref<10000xf32, #tpu.memory_space<hbm>>
      %dma_start3A_27 = arith.constant 0 : i32
      %dma_start3A_28 = tpu.memref_slice %arg3[%add3A, %dma_start3A_27] : memref<32x10000xf32, #tpu.memory_space<hbm>> -> memref<1x10000xf32, #tpu.memory_space<hbm>>
      %dma_start3A_29 = tpu.memref_squeeze %dma_start3A_28 : memref<1x10000xf32, #tpu.memory_space<hbm>> -> memref<10000xf32, #tpu.memory_space<hbm>>
      tpu.enqueue_dma source(%arg5 : memref<10000xf32, #tpu.memory_space<vmem>>) target(%dma_start3A_29 : memref<10000xf32, #tpu.memory_space<hbm>>) target_semaphore(%run_scoped3A_24 : memref<!tpu.dma_semaphore, #tpu.memory_space<semaphore_mem>>)
      %dma_wait3A = arith.constant 0 : i32
      %dma_wait3A_30 = tpu.memref_slice %arg3[%add3A, %dma_wait3A] : memref<32x10000xf32, #tpu.memory_space<hbm>> -> memref<1x10000xf32, #tpu.memory_space<hbm>>
      %dma_wait3A_31 = tpu.memref_squeeze %dma_wait3A_30 : memref<1x10000xf32, #tpu.memory_space<hbm>> -> memref<10000xf32, #tpu.memory_space<hbm>>
      %dma_wait3A_32 = arith.constant 0 : i32
      %dma_wait3A_33 = tpu.memref_slice %arg3[%add3A, %dma_wait3A_32] : memref<32x10000xf32, #tpu.memory_space<hbm>> -> memref<1x10000xf32, #tpu.memory_space<hbm>>
      %dma_wait3A_34 = tpu.memref_squeeze %dma_wait3A_33 : memref<1x10000xf32, #tpu.memory_space<hbm>> -> memref<10000xf32, #tpu.memory_space<hbm>>
      tpu.wait_dma2 semaphore(%run_scoped3A_24 : memref<!tpu.dma_semaphore, #tpu.memory_space<semaphore_mem>>) src(%arg5 : memref<10000xf32, #tpu.memory_space<vmem>>) dst(%dma_wait3A_34 : memref<10000xf32, #tpu.memory_space<hbm>>)
      tpu.yield
    }) : () -> ()
    return
  }
}

module attributes {stable_mosaic.version = 14 : i64} {
  func.func @_mm_kernel(%arg0: i32, %arg1: memref<1x10000x128xf32, #tpu.memory_space<vmem>>, %arg2: memref<1x32x128xf32, #tpu.memory_space<vmem>>, %arg3: memref<32x10000xf32, #tpu.memory_space<vmem>>) attributes {dimension_semantics = [#tpu.dimension_semantics<arbitrary>], iteration_bounds = array<i64: 15>, scalar_prefetch = 0 : i64, scratch_operands = 0 : i64, tpu.core_type = #tpu.core_type<tc>, window_params = [{transform_indices = @transform_0, window_bounds = array<i64: 1, 10000, 128>}, {transform_indices = @transform_1, window_bounds = array<i64: 1, 32, 128>}, {pipeline_mode = #tpu.pipeline_mode<synchronous>, transform_indices = @transform_2, window_bounds = array<i64: 32, 10000>}]} {
    %get3A = arith.constant 0 : index
    %get3A_0 = arith.constant 0 : index
    %get3A_1 = arith.constant 0 : index
    %get3A_2 = vector.load %arg2[%get3A, %get3A_0, %get3A_1] : memref<1x32x128xf32, #tpu.memory_space<vmem>>, vector<1x32x128xf32>
    %get3A_3 = vector.shape_cast %get3A_2 : vector<1x32x128xf32> to vector<32x128xf32>
    %get3A_4 = arith.constant 0 : index
    %get3A_5 = arith.constant 0 : index
    %get3A_6 = arith.constant 0 : index
    %get3A_7 = vector.load %arg1[%get3A_4, %get3A_5, %get3A_6] : memref<1x10000x128xf32, #tpu.memory_space<vmem>>, vector<1x10000x128xf32>
    %get3A_8 = vector.shape_cast %get3A_7 : vector<1x10000x128xf32> to vector<10000x128xf32>
    %dot_general3A = arith.constant dense<0.000000e+00> : vector<32x10000xf32>
    %dot_general3A_9 = tpu.matmul %get3A_3, %get3A_8, %dot_general3A {dimension_numbers = #tpu.dot_dimension_numbers<[1], [1], [0], [0], [0, 0, 1, 0], [], []>, transpose_lhs_hint = false} : vector<32x128xf32>, vector<10000x128xf32>, vector<32x10000xf32> -> vector<32x10000xf32>
    %eq3A = arith.constant 0 : i32
    %eq3A_10 = arith.cmpi eq, %arg0, %eq3A : i32
    %convert_element_type3A = arith.extui %eq3A_10 : i1 to i32
    %cond3A = arith.constant 0 : i32
    %cond3A_11 = arith.cmpi ne, %convert_element_type3A, %cond3A : i32
    scf.if %cond3A_11 {
      %swap3A = arith.constant 0 : index
      %swap3A_16 = arith.constant 0 : index
      %swap3A_17 = vector.load %arg3[%swap3A, %swap3A_16] : memref<32x10000xf32, #tpu.memory_space<vmem>>, vector<32x10000xf32>
      tpu.vector_store %arg3[%swap3A, %swap3A_16], %dot_general3A_9 {strides = array<i32>} : memref<32x10000xf32, #tpu.memory_space<vmem>>, vector<32x10000xf32>,
    } else {
    }
    %gt3A = arith.constant 0 : i32
    %gt3A_12 = arith.cmpi sgt, %arg0, %gt3A : i32
    %convert_element_type3A_13 = arith.extui %gt3A_12 : i1 to i32
    %cond3A_14 = arith.constant 0 : i32
    %cond3A_15 = arith.cmpi ne, %convert_element_type3A_13, %cond3A_14 : i32
    scf.if %cond3A_15 {
      %get3A_16 = arith.constant 0 : index
      %get3A_17 = arith.constant 0 : index
      %get3A_18 = vector.load %arg3[%get3A_16, %get3A_17] : memref<32x10000xf32, #tpu.memory_space<vmem>>, vector<32x10000xf32>
      %add3A = arith.addf %get3A_18, %dot_general3A_9 : vector<32x10000xf32>
      %swap3A = arith.constant 0 : index
      %swap3A_19 = arith.constant 0 : index
      %swap3A_20 = vector.load %arg3[%swap3A, %swap3A_19] : memref<32x10000xf32, #tpu.memory_space<vmem>>, vector<32x10000xf32>
      tpu.vector_store %arg3[%swap3A, %swap3A_19], %add3A {strides = array<i32>} : memref<32x10000xf32, #tpu.memory_space<vmem>>, vector<32x10000xf32>,
    } else {
    }
    return
  }
  func.func @transform_0(%arg0: i32) -> (i32, i32, i32) {
    %c0_i32 = arith.constant 0 : i32
    %c0_i32_0 = arith.constant 0 : i32
    %c0_i32_1 = arith.constant 0 : i32
    return %arg0, %c0_i32, %c0_i32_0 : i32, i32, i32
  }
  func.func @transform_1(%arg0: i32) -> (i32, i32, i32) {
    %c0_i32 = arith.constant 0 : i32
    %c0_i32_0 = arith.constant 0 : i32
    %c0_i32_1 = arith.constant 0 : i32
    return %arg0, %c0_i32, %c0_i32_0 : i32, i32, i32
  }
  func.func @transform_2(%arg0: i32) -> (i32, i32) {
    %c0_i32 = arith.constant 0 : i32
    %c0_i32_0 = arith.constant 0 : i32
    %c0_i32_1 = arith.constant 0 : i32
    return %c0_i32, %c0_i32_0 : i32, i32
  }
}

module attributes {stable_mosaic.version = 14 : i64} {
  func.func @_dinv_kernel(%arg0: memref<32x10000xf32, #tpu.memory_space<vmem>>, %arg1: memref<1x10000xf32, #tpu.memory_space<vmem>>) attributes {dimension_semantics = [], scalar_prefetch = 0 : i64, scratch_operands = 0 : i64, tpu.core_type = #tpu.core_type<tc>} {
    %get3A = arith.constant 0 : index
    %get3A_0 = arith.constant 0 : index
    %get3A_1 = vector.load %arg0[%get3A, %get3A_0] : memref<32x10000xf32, #tpu.memory_space<vmem>>, vector<32x10000xf32>
    %reduce_sum3A = arith.constant dense<0.000000e+00> : vector<10000xf32>
    %reduce_sum3A_2 = vector.multi_reduction <add>, %get3A_1, %reduce_sum3A [0] : vector<32x10000xf32> to vector<10000xf32>
    %broadcast_in_dim3A = vector.shape_cast %reduce_sum3A_2 : vector<10000xf32> to vector<1x10000xf32>
    %add3A = arith.constant 1.000000e+00 : f32
    %add3A_3 = vector.broadcast %add3A : f32 to vector<1x10000xf32>
    %add3A_4 = arith.addf %broadcast_in_dim3A, %add3A_3 : vector<1x10000xf32>
    %rsqrt3A = math.rsqrt %add3A_4 : vector<1x10000xf32>
    %swap3A = arith.constant 0 : index
    %swap3A_5 = arith.constant 0 : index
    %swap3A_6 = vector.load %arg1[%swap3A, %swap3A_5] : memref<1x10000xf32, #tpu.memory_space<vmem>>, vector<1x10000xf32>
    tpu.vector_store %arg1[%swap3A, %swap3A_5], %rsqrt3A {strides = array<i32>} : memref<1x10000xf32, #tpu.memory_space<vmem>>, vector<1x10000xf32>,
    return
  }
}

module attributes {stable_mosaic.version = 14 : i64} {
  func.func @_gru_kernel(%arg0: memref<32x10000xf32, #tpu.memory_space<vmem>>, %arg1: memref<1x10000xf32, #tpu.memory_space<vmem>>, %arg2: memref<15x1xf32, #tpu.memory_space<vmem>>, %arg3: memref<192x10000xf32, #tpu.memory_space<vmem>>, %arg4: memref<64x192xf32, #tpu.memory_space<vmem>>, %arg5: memref<1x192xf32, #tpu.memory_space<vmem>>, %arg6: memref<1x192xf32, #tpu.memory_space<vmem>>, %arg7: memref<64x192xf32, #tpu.memory_space<vmem>>, %arg8: memref<64x192xf32, #tpu.memory_space<vmem>>, %arg9: memref<1x192xf32, #tpu.memory_space<vmem>>, %arg10: memref<1x192xf32, #tpu.memory_space<vmem>>, %arg11: memref<15x64xf32, #tpu.memory_space<vmem>>, %arg12: memref<2x64xf32, #tpu.memory_space<vmem>>) attributes {dimension_semantics = [], scalar_prefetch = 0 : i64, scratch_operands = 0 : i64, tpu.core_type = #tpu.core_type<tc>} {
    %get3A = arith.constant 0 : index
    %get3A_0 = arith.constant 0 : index
    %get3A_1 = vector.load %arg0[%get3A, %get3A_0] : memref<32x10000xf32, #tpu.memory_space<vmem>>, vector<1x10000xf32>
    %get3A_2 = arith.constant 1 : index
    %get3A_3 = arith.constant 0 : index
    %get3A_4 = vector.load %arg0[%get3A_2, %get3A_3] : memref<32x10000xf32, #tpu.memory_space<vmem>>, vector<1x10000xf32>
    %add3A = arith.addf %get3A_1, %get3A_4 : vector<1x10000xf32>
    %get3A_5 = arith.constant 2 : index
    %get3A_6 = arith.constant 0 : index
    %get3A_7 = vector.load %arg0[%get3A_5, %get3A_6] : memref<32x10000xf32, #tpu.memory_space<vmem>>, vector<1x10000xf32>
    %get3A_8 = arith.constant 3 : index
    %get3A_9 = arith.constant 0 : index
    %get3A_10 = vector.load %arg0[%get3A_8, %get3A_9] : memref<32x10000xf32, #tpu.memory_space<vmem>>, vector<1x10000xf32>
    %add3A_11 = arith.addf %get3A_7, %get3A_10 : vector<1x10000xf32>
    %get3A_12 = arith.constant 4 : index
    %get3A_13 = arith.constant 0 : index
    %get3A_14 = vector.load %arg0[%get3A_12, %get3A_13] : memref<32x10000xf32, #tpu.memory_space<vmem>>, vector<1x10000xf32>
    %get3A_15 = arith.constant 5 : index
    %get3A_16 = arith.constant 0 : index
    %get3A_17 = vector.load %arg0[%get3A_15, %get3A_16] : memref<32x10000xf32, #tpu.memory_space<vmem>>, vector<1x10000xf32>
    %add3A_18 = arith.addf %get3A_14, %get3A_17 : vector<1x10000xf32>
    %get3A_19 = arith.constant 6 : index
    %get3A_20 = arith.constant 0 : index
    %get3A_21 = vector.load %arg0[%get3A_19, %get3A_20] : memref<32x10000xf32, #tpu.memory_space<vmem>>, vector<1x10000xf32>
    %get3A_22 = arith.constant 7 : index
    %get3A_23 = arith.constant 0 : index
    %get3A_24 = vector.load %arg0[%get3A_22, %get3A_23] : memref<32x10000xf32, #tpu.memory_space<vmem>>, vector<1x10000xf32>
    %add3A_25 = arith.addf %get3A_21, %get3A_24 : vector<1x10000xf32>
    %get3A_26 = arith.constant 8 : index
    %get3A_27 = arith.constant 0 : index
    %get3A_28 = vector.load %arg0[%get3A_26, %get3A_27] : memref<32x10000xf32, #tpu.memory_space<vmem>>, vector<1x10000xf32>
    %get3A_29 = arith.constant 9 : index
    %get3A_30 = arith.constant 0 : index
    %get3A_31 = vector.load %arg0[%get3A_29, %get3A_30] : memref<32x10000xf32, #tpu.memory_space<vmem>>, vector<1x10000xf32>
    %add3A_32 = arith.addf %get3A_28, %get3A_31 : vector<1x10000xf32>
    %get3A_33 = arith.constant 10 : index
    %get3A_34 = arith.constant 0 : index
    %get3A_35 = vector.load %arg0[%get3A_33, %get3A_34] : memref<32x10000xf32, #tpu.memory_space<vmem>>, vector<1x10000xf32>
    %get3A_36 = arith.constant 11 : index
    %get3A_37 = arith.constant 0 : index
    %get3A_38 = vector.load %arg0[%get3A_36, %get3A_37] : memref<32x10000xf32, #tpu.memory_space<vmem>>, vector<1x10000xf32>
    %add3A_39 = arith.addf %get3A_35, %get3A_38 : vector<1x10000xf32>
    %get3A_40 = arith.constant 12 : index
    %get3A_41 = arith.constant 0 : index
    %get3A_42 = vector.load %arg0[%get3A_40, %get3A_41] : memref<32x10000xf32, #tpu.memory_space<vmem>>, vector<1x10000xf32>
    %get3A_43 = arith.constant 13 : index
    %get3A_44 = arith.constant 0 : index
    %get3A_45 = vector.load %arg0[%get3A_43, %get3A_44] : memref<32x10000xf32, #tpu.memory_space<vmem>>, vector<1x10000xf32>
    %add3A_46 = arith.addf %get3A_42, %get3A_45 : vector<1x10000xf32>
    %get3A_47 = arith.constant 14 : index
    %get3A_48 = arith.constant 0 : index
    %get3A_49 = vector.load %arg0[%get3A_47, %get3A_48] : memref<32x10000xf32, #tpu.memory_space<vmem>>, vector<1x10000xf32>
    %get3A_50 = arith.constant 15 : index
    %get3A_51 = arith.constant 0 : index
    %get3A_52 = vector.load %arg0[%get3A_50, %get3A_51] : memref<32x10000xf32, #tpu.memory_space<vmem>>, vector<1x10000xf32>
    %add3A_53 = arith.addf %get3A_49, %get3A_52 : vector<1x10000xf32>
    %get3A_54 = arith.constant 16 : index
    %get3A_55 = arith.constant 0 : index
    %get3A_56 = vector.load %arg0[%get3A_54, %get3A_55] : memref<32x10000xf32, #tpu.memory_space<vmem>>, vector<1x10000xf32>
    %get3A_57 = arith.constant 17 : index
    %get3A_58 = arith.constant 0 : index
    %get3A_59 = vector.load %arg0[%get3A_57, %get3A_58] : memref<32x10000xf32, #tpu.memory_space<vmem>>, vector<1x10000xf32>
    %add3A_60 = arith.addf %get3A_56, %get3A_59 : vector<1x10000xf32>
    %get3A_61 = arith.constant 18 : index
    %get3A_62 = arith.constant 0 : index
    %get3A_63 = vector.load %arg0[%get3A_61, %get3A_62] : memref<32x10000xf32, #tpu.memory_space<vmem>>, vector<1x10000xf32>
    %get3A_64 = arith.constant 19 : index
    %get3A_65 = arith.constant 0 : index
    %get3A_66 = vector.load %arg0[%get3A_64, %get3A_65] : memref<32x10000xf32, #tpu.memory_space<vmem>>, vector<1x10000xf32>
    %add3A_67 = arith.addf %get3A_63, %get3A_66 : vector<1x10000xf32>
    %get3A_68 = arith.constant 20 : index
    %get3A_69 = arith.constant 0 : index
    %get3A_70 = vector.load %arg0[%get3A_68, %get3A_69] : memref<32x10000xf32, #tpu.memory_space<vmem>>, vector<1x10000xf32>
    %get3A_71 = arith.constant 21 : index
    %get3A_72 = arith.constant 0 : index
    %get3A_73 = vector.load %arg0[%get3A_71, %get3A_72] : memref<32x10000xf32, #tpu.memory_space<vmem>>, vector<1x10000xf32>
    %add3A_74 = arith.addf %get3A_70, %get3A_73 : vector<1x10000xf32>
    %get3A_75 = arith.constant 22 : index
    %get3A_76 = arith.constant 0 : index
    %get3A_77 = vector.load %arg0[%get3A_75, %get3A_76] : memref<32x10000xf32, #tpu.memory_space<vmem>>, vector<1x10000xf32>
    %get3A_78 = arith.constant 23 : index
    %get3A_79 = arith.constant 0 : index
    %get3A_80 = vector.load %arg0[%get3A_78, %get3A_79] : memref<32x10000xf32, #tpu.memory_space<vmem>>, vector<1x10000xf32>
    %add3A_81 = arith.addf %get3A_77, %get3A_80 : vector<1x10000xf32>
    %get3A_82 = arith.constant 24 : index
    %get3A_83 = arith.constant 0 : index
    %get3A_84 = vector.load %arg0[%get3A_82, %get3A_83] : memref<32x10000xf32, #tpu.memory_space<vmem>>, vector<1x10000xf32>
    %get3A_85 = arith.constant 25 : index
    %get3A_86 = arith.constant 0 : index
    %get3A_87 = vector.load %arg0[%get3A_85, %get3A_86] : memref<32x10000xf32, #tpu.memory_space<vmem>>, vector<1x10000xf32>
    %add3A_88 = arith.addf %get3A_84, %get3A_87 : vector<1x10000xf32>
    %get3A_89 = arith.constant 26 : index
    %get3A_90 = arith.constant 0 : index
    %get3A_91 = vector.load %arg0[%get3A_89, %get3A_90] : memref<32x10000xf32, #tpu.memory_space<vmem>>, vector<1x10000xf32>
    %get3A_92 = arith.constant 27 : index
    %get3A_93 = arith.constant 0 : index
    %get3A_94 = vector.load %arg0[%get3A_92, %get3A_93] : memref<32x10000xf32, #tpu.memory_space<vmem>>, vector<1x10000xf32>
    %add3A_95 = arith.addf %get3A_91, %get3A_94 : vector<1x10000xf32>
    %get3A_96 = arith.constant 28 : index
    %get3A_97 = arith.constant 0 : index
    %get3A_98 = vector.load %arg0[%get3A_96, %get3A_97] : memref<32x10000xf32, #tpu.memory_space<vmem>>, vector<1x10000xf32>
    %get3A_99 = arith.constant 29 : index
    %get3A_100 = arith.constant 0 : index
    %get3A_101 = vector.load %arg0[%get3A_99, %get3A_100] : memref<32x10000xf32, #tpu.memory_space<vmem>>, vector<1x10000xf32>
    %add3A_102 = arith.addf %get3A_98, %get3A_101 : vector<1x10000xf32>
    %concatenate3A = tpu.concatenate %add3A, %add3A_11, %add3A_18, %add3A_25, %add3A_32, %add3A_39, %add3A_46, %add3A_53, %add3A_60, %add3A_67, %add3A_74, %add3A_81, %add3A_88, %add3A_95, %add3A_102 in 0 : vector<1x10000xf32>, vector<1x10000xf32>, vector<1x10000xf32>, vector<1x10000xf32>, vector<1x10000xf32>, vector<1x10000xf32>, vector<1x10000xf32>, vector<1x10000xf32>, vector<1x10000xf32>, vector<1x10000xf32>, vector<1x10000xf32>, vector<1x10000xf32>, vector<1x10000xf32>, vector<1x10000xf32>, vector<1x10000xf32> -> vector<15x10000xf32>
    %get3A_103 = arith.constant 0 : index
    %get3A_104 = arith.constant 0 : index
    %get3A_105 = vector.load %arg1[%get3A_103, %get3A_104] : memref<1x10000xf32, #tpu.memory_space<vmem>>, vector<1x10000xf32>
    %mul3A = vector.broadcast %get3A_105 : vector<1x10000xf32> to vector<15x10000xf32>
    %mul3A_106 = arith.mulf %concatenate3A, %mul3A : vector<15x10000xf32>
    %get3A_107 = arith.constant 0 : index
    %get3A_108 = arith.constant 0 : index
    %get3A_109 = vector.load %arg2[%get3A_107, %get3A_108] : memref<15x1xf32, #tpu.memory_space<vmem>>, vector<15x1xf32>
    %add3A_110 = vector.broadcast %get3A_109 : vector<15x1xf32> to vector<15x10000xf32>
    %add3A_111 = arith.addf %mul3A_106, %add3A_110 : vector<15x10000xf32>
    %tanh3A = math.tanh %add3A_111 : vector<15x10000xf32>
    %get3A_112 = arith.constant 0 : index
    %get3A_113 = arith.constant 0 : index
    %get3A_114 = vector.load %arg3[%get3A_112, %get3A_113] : memref<192x10000xf32, #tpu.memory_space<vmem>>, vector<192x10000xf32>
    %dot_general3A = arith.constant dense<0.000000e+00> : vector<15x192xf32>
    %dot_general3A_115 = tpu.matmul %tanh3A, %get3A_114, %dot_general3A {dimension_numbers = #tpu.dot_dimension_numbers<[1], [1], [0], [0], [0, 0, 1, 0], [], []>, transpose_lhs_hint = false} : vector<15x10000xf32>, vector<192x10000xf32>, vector<15x192xf32> -> vector<15x192xf32>
    %get3A_116 = arith.constant 0 : index
    %get3A_117 = arith.constant 0 : index
    %get3A_118 = vector.load %arg5[%get3A_116, %get3A_117] : memref<1x192xf32, #tpu.memory_space<vmem>>, vector<1x192xf32>
    %add3A_119 = vector.broadcast %get3A_118 : vector<1x192xf32> to vector<15x192xf32>
    %add3A_120 = arith.addf %dot_general3A_115, %add3A_119 : vector<15x192xf32>
    %broadcast_in_dim3A = arith.constant 0.000000e+00 : f32
    %broadcast_in_dim3A_121 = vector.broadcast %broadcast_in_dim3A : f32 to vector<1x64xf32>
    %slice3A = vector.extract_strided_slice %add3A_120 {offsets = [0, 0], sizes = [1, 192], strides = [1, 1]} : vector<15x192xf32> to vector<1x192xf32>
    %get3A_122 = arith.constant 0 : index
    %get3A_123 = arith.constant 0 : index
    %get3A_124 = vector.load %arg4[%get3A_122, %get3A_123] : memref<64x192xf32, #tpu.memory_space<vmem>>, vector<64x192xf32>
    %dot_general3A_125 = arith.constant dense<0.000000e+00> : vector<1x192xf32>
    %dot_general3A_126 = tpu.matmul %broadcast_in_dim3A_121, %get3A_124, %dot_general3A_125 {dimension_numbers = #tpu.dot_dimension_numbers<[1], [0], [0], [1], [0, 0, 1, 1], [], []>, transpose_lhs_hint = false} : vector<1x64xf32>, vector<64x192xf32>, vector<1x192xf32> -> vector<1x192xf32>
    %get3A_127 = arith.constant 0 : index
    %get3A_128 = arith.constant 0 : index
    %get3A_129 = vector.load %arg6[%get3A_127, %get3A_128] : memref<1x192xf32, #tpu.memory_space<vmem>>, vector<1x192xf32>
    %add3A_130 = arith.addf %dot_general3A_126, %get3A_129 : vector<1x192xf32>
    %slice3A_131 = vector.extract_strided_slice %slice3A {offsets = [0, 0], sizes = [1, 64], strides = [1, 1]} : vector<1x192xf32> to vector<1x64xf32>
    %slice3A_132 = vector.extract_strided_slice %add3A_130 {offsets = [0, 0], sizes = [1, 64], strides = [1, 1]} : vector<1x192xf32> to vector<1x64xf32>
    %add3A_133 = arith.addf %slice3A_131, %slice3A_132 : vector<1x64xf32>
    %logistic3A = arith.negf %add3A_133 : vector<1x64xf32>
    %logistic3A_134 = math.exp %logistic3A : vector<1x64xf32>
    %logistic3A_135 = arith.constant 1.000000e+00 : f32
    %logistic3A_136 = vector.broadcast %logistic3A_135 : f32 to vector<1x64xf32>
    %logistic3A_137 = arith.addf %logistic3A_136, %logistic3A_134 : vector<1x64xf32>
    %logistic3A_138 = arith.divf %logistic3A_136, %logistic3A_137 : vector<1x64xf32>
    %slice3A_139 = vector.extract_strided_slice %slice3A {offsets = [0, 64], sizes = [1, 64], strides = [1, 1]} : vector<1x192xf32> to vector<1x64xf32>
    %slice3A_140 = vector.extract_strided_slice %add3A_130 {offsets = [0, 64], sizes = [1, 64], strides = [1, 1]} : vector<1x192xf32> to vector<1x64xf32>
    %add3A_141 = arith.addf %slice3A_139, %slice3A_140 : vector<1x64xf32>
    %logistic3A_142 = arith.negf %add3A_141 : vector<1x64xf32>
    %logistic3A_143 = math.exp %logistic3A_142 : vector<1x64xf32>
    %logistic3A_144 = arith.constant 1.000000e+00 : f32
    %logistic3A_145 = vector.broadcast %logistic3A_144 : f32 to vector<1x64xf32>
    %logistic3A_146 = arith.addf %logistic3A_145, %logistic3A_143 : vector<1x64xf32>
    %logistic3A_147 = arith.divf %logistic3A_145, %logistic3A_146 : vector<1x64xf32>
    %slice3A_148 = vector.extract_strided_slice %slice3A {offsets = [0, 128], sizes = [1, 64], strides = [1, 1]} : vector<1x192xf32> to vector<1x64xf32>
    %slice3A_149 = vector.extract_strided_slice %add3A_130 {offsets = [0, 128], sizes = [1, 64], strides = [1, 1]} : vector<1x192xf32> to vector<1x64xf32>
    %mul3A_150 = arith.mulf %logistic3A_138, %slice3A_149 : vector<1x64xf32>
    %add3A_151 = arith.addf %slice3A_148, %mul3A_150 : vector<1x64xf32>
    %tanh3A_152 = math.tanh %add3A_151 : vector<1x64xf32>
    %sub3A = arith.constant 1.000000e+00 : f32
    %sub3A_153 = vector.broadcast %sub3A : f32 to vector<1x64xf32>
    %sub3A_154 = arith.subf %sub3A_153, %logistic3A_147 : vector<1x64xf32>
    %mul3A_155 = arith.mulf %sub3A_154, %tanh3A_152 : vector<1x64xf32>
    %mul3A_156 = arith.mulf %logistic3A_147, %broadcast_in_dim3A_121 : vector<1x64xf32>
    %add3A_157 = arith.addf %mul3A_155, %mul3A_156 : vector<1x64xf32>
    %slice3A_158 = vector.extract_strided_slice %add3A_120 {offsets = [1, 0], sizes = [1, 192], strides = [1, 1]} : vector<15x192xf32> to vector<1x192xf32>
    %get3A_159 = arith.constant 0 : index
    %get3A_160 = arith.constant 0 : index
    %get3A_161 = vector.load %arg4[%get3A_159, %get3A_160] : memref<64x192xf32, #tpu.memory_space<vmem>>, vector<64x192xf32>
    %dot_general3A_162 = arith.constant dense<0.000000e+00> : vector<1x192xf32>
    %dot_general3A_163 = tpu.matmul %add3A_157, %get3A_161, %dot_general3A_162 {dimension_numbers = #tpu.dot_dimension_numbers<[1], [0], [0], [1], [0, 0, 1, 1], [], []>, transpose_lhs_hint = false} : vector<1x64xf32>, vector<64x192xf32>, vector<1x192xf32> -> vector<1x192xf32>
    %get3A_164 = arith.constant 0 : index
    %get3A_165 = arith.constant 0 : index
    %get3A_166 = vector.load %arg6[%get3A_164, %get3A_165] : memref<1x192xf32, #tpu.memory_space<vmem>>, vector<1x192xf32>
    %add3A_167 = arith.addf %dot_general3A_163, %get3A_166 : vector<1x192xf32>
    %slice3A_168 = vector.extract_strided_slice %slice3A_158 {offsets = [0, 0], sizes = [1, 64], strides = [1, 1]} : vector<1x192xf32> to vector<1x64xf32>
    %slice3A_169 = vector.extract_strided_slice %add3A_167 {offsets = [0, 0], sizes = [1, 64], strides = [1, 1]} : vector<1x192xf32> to vector<1x64xf32>
    %add3A_170 = arith.addf %slice3A_168, %slice3A_169 : vector<1x64xf32>
    %logistic3A_171 = arith.negf %add3A_170 : vector<1x64xf32>
    %logistic3A_172 = math.exp %logistic3A_171 : vector<1x64xf32>
    %logistic3A_173 = arith.constant 1.000000e+00 : f32
    %logistic3A_174 = vector.broadcast %logistic3A_173 : f32 to vector<1x64xf32>
    %logistic3A_175 = arith.addf %logistic3A_174, %logistic3A_172 : vector<1x64xf32>
    %logistic3A_176 = arith.divf %logistic3A_174, %logistic3A_175 : vector<1x64xf32>
    %slice3A_177 = vector.extract_strided_slice %slice3A_158 {offsets = [0, 64], sizes = [1, 64], strides = [1, 1]} : vector<1x192xf32> to vector<1x64xf32>
    %slice3A_178 = vector.extract_strided_slice %add3A_167 {offsets = [0, 64], sizes = [1, 64], strides = [1, 1]} : vector<1x192xf32> to vector<1x64xf32>
    %add3A_179 = arith.addf %slice3A_177, %slice3A_178 : vector<1x64xf32>
    %logistic3A_180 = arith.negf %add3A_179 : vector<1x64xf32>
    %logistic3A_181 = math.exp %logistic3A_180 : vector<1x64xf32>
    %logistic3A_182 = arith.constant 1.000000e+00 : f32
    %logistic3A_183 = vector.broadcast %logistic3A_182 : f32 to vector<1x64xf32>
    %logistic3A_184 = arith.addf %logistic3A_183, %logistic3A_181 : vector<1x64xf32>
    %logistic3A_185 = arith.divf %logistic3A_183, %logistic3A_184 : vector<1x64xf32>
    %slice3A_186 = vector.extract_strided_slice %slice3A_158 {offsets = [0, 128], sizes = [1, 64], strides = [1, 1]} : vector<1x192xf32> to vector<1x64xf32>
    %slice3A_187 = vector.extract_strided_slice %add3A_167 {offsets = [0, 128], sizes = [1, 64], strides = [1, 1]} : vector<1x192xf32> to vector<1x64xf32>
    %mul3A_188 = arith.mulf %logistic3A_176, %slice3A_187 : vector<1x64xf32>
    %add3A_189 = arith.addf %slice3A_186, %mul3A_188 : vector<1x64xf32>
    %tanh3A_190 = math.tanh %add3A_189 : vector<1x64xf32>
    %sub3A_191 = arith.constant 1.000000e+00 : f32
    %sub3A_192 = vector.broadcast %sub3A_191 : f32 to vector<1x64xf32>
    %sub3A_193 = arith.subf %sub3A_192, %logistic3A_185 : vector<1x64xf32>
    %mul3A_194 = arith.mulf %sub3A_193, %tanh3A_190 : vector<1x64xf32>
    %mul3A_195 = arith.mulf %logistic3A_185, %add3A_157 : vector<1x64xf32>
    %add3A_196 = arith.addf %mul3A_194, %mul3A_195 : vector<1x64xf32>
    %slice3A_197 = vector.extract_strided_slice %add3A_120 {offsets = [2, 0], sizes = [1, 192], strides = [1, 1]} : vector<15x192xf32> to vector<1x192xf32>
    %get3A_198 = arith.constant 0 : index
    %get3A_199 = arith.constant 0 : index
    %get3A_200 = vector.load %arg4[%get3A_198, %get3A_199] : memref<64x192xf32, #tpu.memory_space<vmem>>, vector<64x192xf32>
    %dot_general3A_201 = arith.constant dense<0.000000e+00> : vector<1x192xf32>
    %dot_general3A_202 = tpu.matmul %add3A_196, %get3A_200, %dot_general3A_201 {dimension_numbers = #tpu.dot_dimension_numbers<[1], [0], [0], [1], [0, 0, 1, 1], [], []>, transpose_lhs_hint = false} : vector<1x64xf32>, vector<64x192xf32>, vector<1x192xf32> -> vector<1x192xf32>
    %get3A_203 = arith.constant 0 : index
    %get3A_204 = arith.constant 0 : index
    %get3A_205 = vector.load %arg6[%get3A_203, %get3A_204] : memref<1x192xf32, #tpu.memory_space<vmem>>, vector<1x192xf32>
    %add3A_206 = arith.addf %dot_general3A_202, %get3A_205 : vector<1x192xf32>
    %slice3A_207 = vector.extract_strided_slice %slice3A_197 {offsets = [0, 0], sizes = [1, 64], strides = [1, 1]} : vector<1x192xf32> to vector<1x64xf32>
    %slice3A_208 = vector.extract_strided_slice %add3A_206 {offsets = [0, 0], sizes = [1, 64], strides = [1, 1]} : vector<1x192xf32> to vector<1x64xf32>
    %add3A_209 = arith.addf %slice3A_207, %slice3A_208 : vector<1x64xf32>
    %logistic3A_210 = arith.negf %add3A_209 : vector<1x64xf32>
    %logistic3A_211 = math.exp %logistic3A_210 : vector<1x64xf32>
    %logistic3A_212 = arith.constant 1.000000e+00 : f32
    %logistic3A_213 = vector.broadcast %logistic3A_212 : f32 to vector<1x64xf32>
    %logistic3A_214 = arith.addf %logistic3A_213, %logistic3A_211 : vector<1x64xf32>
    %logistic3A_215 = arith.divf %logistic3A_213, %logistic3A_214 : vector<1x64xf32>
    %slice3A_216 = vector.extract_strided_slice %slice3A_197 {offsets = [0, 64], sizes = [1, 64], strides = [1, 1]} : vector<1x192xf32> to vector<1x64xf32>
    %slice3A_217 = vector.extract_strided_slice %add3A_206 {offsets = [0, 64], sizes = [1, 64], strides = [1, 1]} : vector<1x192xf32> to vector<1x64xf32>
    %add3A_218 = arith.addf %slice3A_216, %slice3A_217 : vector<1x64xf32>
    %logistic3A_219 = arith.negf %add3A_218 : vector<1x64xf32>
    %logistic3A_220 = math.exp %logistic3A_219 : vector<1x64xf32>
    %logistic3A_221 = arith.constant 1.000000e+00 : f32
    %logistic3A_222 = vector.broadcast %logistic3A_221 : f32 to vector<1x64xf32>
    %logistic3A_223 = arith.addf %logistic3A_222, %logistic3A_220 : vector<1x64xf32>
    %logistic3A_224 = arith.divf %logistic3A_222, %logistic3A_223 : vector<1x64xf32>
    %slice3A_225 = vector.extract_strided_slice %slice3A_197 {offsets = [0, 128], sizes = [1, 64], strides = [1, 1]} : vector<1x192xf32> to vector<1x64xf32>
    %slice3A_226 = vector.extract_strided_slice %add3A_206 {offsets = [0, 128], sizes = [1, 64], strides = [1, 1]} : vector<1x192xf32> to vector<1x64xf32>
    %mul3A_227 = arith.mulf %logistic3A_215, %slice3A_226 : vector<1x64xf32>
    %add3A_228 = arith.addf %slice3A_225, %mul3A_227 : vector<1x64xf32>
    %tanh3A_229 = math.tanh %add3A_228 : vector<1x64xf32>
    %sub3A_230 = arith.constant 1.000000e+00 : f32
    %sub3A_231 = vector.broadcast %sub3A_230 : f32 to vector<1x64xf32>
    %sub3A_232 = arith.subf %sub3A_231, %logistic3A_224 : vector<1x64xf32>
    %mul3A_233 = arith.mulf %sub3A_232, %tanh3A_229 : vector<1x64xf32>
    %mul3A_234 = arith.mulf %logistic3A_224, %add3A_196 : vector<1x64xf32>
    %add3A_235 = arith.addf %mul3A_233, %mul3A_234 : vector<1x64xf32>
    %slice3A_236 = vector.extract_strided_slice %add3A_120 {offsets = [3, 0], sizes = [1, 192], strides = [1, 1]} : vector<15x192xf32> to vector<1x192xf32>
    %get3A_237 = arith.constant 0 : index
    %get3A_238 = arith.constant 0 : index
    %get3A_239 = vector.load %arg4[%get3A_237, %get3A_238] : memref<64x192xf32, #tpu.memory_space<vmem>>, vector<64x192xf32>
    %dot_general3A_240 = arith.constant dense<0.000000e+00> : vector<1x192xf32>
    %dot_general3A_241 = tpu.matmul %add3A_235, %get3A_239, %dot_general3A_240 {dimension_numbers = #tpu.dot_dimension_numbers<[1], [0], [0], [1], [0, 0, 1, 1], [], []>, transpose_lhs_hint = false} : vector<1x64xf32>, vector<64x192xf32>, vector<1x192xf32> -> vector<1x192xf32>
    %get3A_242 = arith.constant 0 : index
    %get3A_243 = arith.constant 0 : index
    %get3A_244 = vector.load %arg6[%get3A_242, %get3A_243] : memref<1x192xf32, #tpu.memory_space<vmem>>, vector<1x192xf32>
    %add3A_245 = arith.addf %dot_general3A_241, %get3A_244 : vector<1x192xf32>
    %slice3A_246 = vector.extract_strided_slice %slice3A_236 {offsets = [0, 0], sizes = [1, 64], strides = [1, 1]} : vector<1x192xf32> to vector<1x64xf32>
    %slice3A_247 = vector.extract_strided_slice %add3A_245 {offsets = [0, 0], sizes = [1, 64], strides = [1, 1]} : vector<1x192xf32> to vector<1x64xf32>
    %add3A_248 = arith.addf %slice3A_246, %slice3A_247 : vector<1x64xf32>
    %logistic3A_249 = arith.negf %add3A_248 : vector<1x64xf32>
    %logistic3A_250 = math.exp %logistic3A_249 : vector<1x64xf32>
    %logistic3A_251 = arith.constant 1.000000e+00 : f32
    %logistic3A_252 = vector.broadcast %logistic3A_251 : f32 to vector<1x64xf32>
    %logistic3A_253 = arith.addf %logistic3A_252, %logistic3A_250 : vector<1x64xf32>
    %logistic3A_254 = arith.divf %logistic3A_252, %logistic3A_253 : vector<1x64xf32>
    %slice3A_255 = vector.extract_strided_slice %slice3A_236 {offsets = [0, 64], sizes = [1, 64], strides = [1, 1]} : vector<1x192xf32> to vector<1x64xf32>
    %slice3A_256 = vector.extract_strided_slice %add3A_245 {offsets = [0, 64], sizes = [1, 64], strides = [1, 1]} : vector<1x192xf32> to vector<1x64xf32>
    %add3A_257 = arith.addf %slice3A_255, %slice3A_256 : vector<1x64xf32>
    %logistic3A_258 = arith.negf %add3A_257 : vector<1x64xf32>
    %logistic3A_259 = math.exp %logistic3A_258 : vector<1x64xf32>
    %logistic3A_260 = arith.constant 1.000000e+00 : f32
    %logistic3A_261 = vector.broadcast %logistic3A_260 : f32 to vector<1x64xf32>
    %logistic3A_262 = arith.addf %logistic3A_261, %logistic3A_259 : vector<1x64xf32>
    %logistic3A_263 = arith.divf %logistic3A_261, %logistic3A_262 : vector<1x64xf32>
    %slice3A_264 = vector.extract_strided_slice %slice3A_236 {offsets = [0, 128], sizes = [1, 64], strides = [1, 1]} : vector<1x192xf32> to vector<1x64xf32>
    %slice3A_265 = vector.extract_strided_slice %add3A_245 {offsets = [0, 128], sizes = [1, 64], strides = [1, 1]} : vector<1x192xf32> to vector<1x64xf32>
    %mul3A_266 = arith.mulf %logistic3A_254, %slice3A_265 : vector<1x64xf32>
    %add3A_267 = arith.addf %slice3A_264, %mul3A_266 : vector<1x64xf32>
    %tanh3A_268 = math.tanh %add3A_267 : vector<1x64xf32>
    %sub3A_269 = arith.constant 1.000000e+00 : f32
    %sub3A_270 = vector.broadcast %sub3A_269 : f32 to vector<1x64xf32>
    %sub3A_271 = arith.subf %sub3A_270, %logistic3A_263 : vector<1x64xf32>
    %mul3A_272 = arith.mulf %sub3A_271, %tanh3A_268 : vector<1x64xf32>
    %mul3A_273 = arith.mulf %logistic3A_263, %add3A_235 : vector<1x64xf32>
    %add3A_274 = arith.addf %mul3A_272, %mul3A_273 : vector<1x64xf32>
    %slice3A_275 = vector.extract_strided_slice %add3A_120 {offsets = [4, 0], sizes = [1, 192], strides = [1, 1]} : vector<15x192xf32> to vector<1x192xf32>
    %get3A_276 = arith.constant 0 : index
    %get3A_277 = arith.constant 0 : index
    %get3A_278 = vector.load %arg4[%get3A_276, %get3A_277] : memref<64x192xf32, #tpu.memory_space<vmem>>, vector<64x192xf32>
    %dot_general3A_279 = arith.constant dense<0.000000e+00> : vector<1x192xf32>
    %dot_general3A_280 = tpu.matmul %add3A_274, %get3A_278, %dot_general3A_279 {dimension_numbers = #tpu.dot_dimension_numbers<[1], [0], [0], [1], [0, 0, 1, 1], [], []>, transpose_lhs_hint = false} : vector<1x64xf32>, vector<64x192xf32>, vector<1x192xf32> -> vector<1x192xf32>
    %get3A_281 = arith.constant 0 : index
    %get3A_282 = arith.constant 0 : index
    %get3A_283 = vector.load %arg6[%get3A_281, %get3A_282] : memref<1x192xf32, #tpu.memory_space<vmem>>, vector<1x192xf32>
    %add3A_284 = arith.addf %dot_general3A_280, %get3A_283 : vector<1x192xf32>
    %slice3A_285 = vector.extract_strided_slice %slice3A_275 {offsets = [0, 0], sizes = [1, 64], strides = [1, 1]} : vector<1x192xf32> to vector<1x64xf32>
    %slice3A_286 = vector.extract_strided_slice %add3A_284 {offsets = [0, 0], sizes = [1, 64], strides = [1, 1]} : vector<1x192xf32> to vector<1x64xf32>
    %add3A_287 = arith.addf %slice3A_285, %slice3A_286 : vector<1x64xf32>
    %logistic3A_288 = arith.negf %add3A_287 : vector<1x64xf32>
    %logistic3A_289 = math.exp %logistic3A_288 : vector<1x64xf32>
    %logistic3A_290 = arith.constant 1.000000e+00 : f32
    %logistic3A_291 = vector.broadcast %logistic3A_290 : f32 to vector<1x64xf32>
    %logistic3A_292 = arith.addf %logistic3A_291, %logistic3A_289 : vector<1x64xf32>
    %logistic3A_293 = arith.divf %logistic3A_291, %logistic3A_292 : vector<1x64xf32>
    %slice3A_294 = vector.extract_strided_slice %slice3A_275 {offsets = [0, 64], sizes = [1, 64], strides = [1, 1]} : vector<1x192xf32> to vector<1x64xf32>
    %slice3A_295 = vector.extract_strided_slice %add3A_284 {offsets = [0, 64], sizes = [1, 64], strides = [1, 1]} : vector<1x192xf32> to vector<1x64xf32>
    %add3A_296 = arith.addf %slice3A_294, %slice3A_295 : vector<1x64xf32>
    %logistic3A_297 = arith.negf %add3A_296 : vector<1x64xf32>
    %logistic3A_298 = math.exp %logistic3A_297 : vector<1x64xf32>
    %logistic3A_299 = arith.constant 1.000000e+00 : f32
    %logistic3A_300 = vector.broadcast %logistic3A_299 : f32 to vector<1x64xf32>
    %logistic3A_301 = arith.addf %logistic3A_300, %logistic3A_298 : vector<1x64xf32>
    %logistic3A_302 = arith.divf %logistic3A_300, %logistic3A_301 : vector<1x64xf32>
    %slice3A_303 = vector.extract_strided_slice %slice3A_275 {offsets = [0, 128], sizes = [1, 64], strides = [1, 1]} : vector<1x192xf32> to vector<1x64xf32>
    %slice3A_304 = vector.extract_strided_slice %add3A_284 {offsets = [0, 128], sizes = [1, 64], strides = [1, 1]} : vector<1x192xf32> to vector<1x64xf32>
    %mul3A_305 = arith.mulf %logistic3A_293, %slice3A_304 : vector<1x64xf32>
    %add3A_306 = arith.addf %slice3A_303, %mul3A_305 : vector<1x64xf32>
    %tanh3A_307 = math.tanh %add3A_306 : vector<1x64xf32>
    %sub3A_308 = arith.constant 1.000000e+00 : f32
    %sub3A_309 = vector.broadcast %sub3A_308 : f32 to vector<1x64xf32>
    %sub3A_310 = arith.subf %sub3A_309, %logistic3A_302 : vector<1x64xf32>
    %mul3A_311 = arith.mulf %sub3A_310, %tanh3A_307 : vector<1x64xf32>
    %mul3A_312 = arith.mulf %logistic3A_302, %add3A_274 : vector<1x64xf32>
    %add3A_313 = arith.addf %mul3A_311, %mul3A_312 : vector<1x64xf32>
    %slice3A_314 = vector.extract_strided_slice %add3A_120 {offsets = [5, 0], sizes = [1, 192], strides = [1, 1]} : vector<15x192xf32> to vector<1x192xf32>
    %get3A_315 = arith.constant 0 : index
    %get3A_316 = arith.constant 0 : index
    %get3A_317 = vector.load %arg4[%get3A_315, %get3A_316] : memref<64x192xf32, #tpu.memory_space<vmem>>, vector<64x192xf32>
    %dot_general3A_318 = arith.constant dense<0.000000e+00> : vector<1x192xf32>
    %dot_general3A_319 = tpu.matmul %add3A_313, %get3A_317, %dot_general3A_318 {dimension_numbers = #tpu.dot_dimension_numbers<[1], [0], [0], [1], [0, 0, 1, 1], [], []>, transpose_lhs_hint = false} : vector<1x64xf32>, vector<64x192xf32>, vector<1x192xf32> -> vector<1x192xf32>
    %get3A_320 = arith.constant 0 : index
    %get3A_321 = arith.constant 0 : index
    %get3A_322 = vector.load %arg6[%get3A_320, %get3A_321] : memref<1x192xf32, #tpu.memory_space<vmem>>, vector<1x192xf32>
    %add3A_323 = arith.addf %dot_general3A_319, %get3A_322 : vector<1x192xf32>
    %slice3A_324 = vector.extract_strided_slice %slice3A_314 {offsets = [0, 0], sizes = [1, 64], strides = [1, 1]} : vector<1x192xf32> to vector<1x64xf32>
    %slice3A_325 = vector.extract_strided_slice %add3A_323 {offsets = [0, 0], sizes = [1, 64], strides = [1, 1]} : vector<1x192xf32> to vector<1x64xf32>
    %add3A_326 = arith.addf %slice3A_324, %slice3A_325 : vector<1x64xf32>
    %logistic3A_327 = arith.negf %add3A_326 : vector<1x64xf32>
    %logistic3A_328 = math.exp %logistic3A_327 : vector<1x64xf32>
    %logistic3A_329 = arith.constant 1.000000e+00 : f32
    %logistic3A_330 = vector.broadcast %logistic3A_329 : f32 to vector<1x64xf32>
    %logistic3A_331 = arith.addf %logistic3A_330, %logistic3A_328 : vector<1x64xf32>
    %logistic3A_332 = arith.divf %logistic3A_330, %logistic3A_331 : vector<1x64xf32>
    %slice3A_333 = vector.extract_strided_slice %slice3A_314 {offsets = [0, 64], sizes = [1, 64], strides = [1, 1]} : vector<1x192xf32> to vector<1x64xf32>
    %slice3A_334 = vector.extract_strided_slice %add3A_323 {offsets = [0, 64], sizes = [1, 64], strides = [1, 1]} : vector<1x192xf32> to vector<1x64xf32>
    %add3A_335 = arith.addf %slice3A_333, %slice3A_334 : vector<1x64xf32>
    %logistic3A_336 = arith.negf %add3A_335 : vector<1x64xf32>
    %logistic3A_337 = math.exp %logistic3A_336 : vector<1x64xf32>
    %logistic3A_338 = arith.constant 1.000000e+00 : f32
    %logistic3A_339 = vector.broadcast %logistic3A_338 : f32 to vector<1x64xf32>
    %logistic3A_340 = arith.addf %logistic3A_339, %logistic3A_337 : vector<1x64xf32>
    %logistic3A_341 = arith.divf %logistic3A_339, %logistic3A_340 : vector<1x64xf32>
    %slice3A_342 = vector.extract_strided_slice %slice3A_314 {offsets = [0, 128], sizes = [1, 64], strides = [1, 1]} : vector<1x192xf32> to vector<1x64xf32>
    %slice3A_343 = vector.extract_strided_slice %add3A_323 {offsets = [0, 128], sizes = [1, 64], strides = [1, 1]} : vector<1x192xf32> to vector<1x64xf32>
    %mul3A_344 = arith.mulf %logistic3A_332, %slice3A_343 : vector<1x64xf32>
    %add3A_345 = arith.addf %slice3A_342, %mul3A_344 : vector<1x64xf32>
    %tanh3A_346 = math.tanh %add3A_345 : vector<1x64xf32>
    %sub3A_347 = arith.constant 1.000000e+00 : f32
    %sub3A_348 = vector.broadcast %sub3A_347 : f32 to vector<1x64xf32>
    %sub3A_349 = arith.subf %sub3A_348, %logistic3A_341 : vector<1x64xf32>
    %mul3A_350 = arith.mulf %sub3A_349, %tanh3A_346 : vector<1x64xf32>
    %mul3A_351 = arith.mulf %logistic3A_341, %add3A_313 : vector<1x64xf32>
    %add3A_352 = arith.addf %mul3A_350, %mul3A_351 : vector<1x64xf32>
    %slice3A_353 = vector.extract_strided_slice %add3A_120 {offsets = [6, 0], sizes = [1, 192], strides = [1, 1]} : vector<15x192xf32> to vector<1x192xf32>
    %get3A_354 = arith.constant 0 : index
    %get3A_355 = arith.constant 0 : index
    %get3A_356 = vector.load %arg4[%get3A_354, %get3A_355] : memref<64x192xf32, #tpu.memory_space<vmem>>, vector<64x192xf32>
    %dot_general3A_357 = arith.constant dense<0.000000e+00> : vector<1x192xf32>
    %dot_general3A_358 = tpu.matmul %add3A_352, %get3A_356, %dot_general3A_357 {dimension_numbers = #tpu.dot_dimension_numbers<[1], [0], [0], [1], [0, 0, 1, 1], [], []>, transpose_lhs_hint = false} : vector<1x64xf32>, vector<64x192xf32>, vector<1x192xf32> -> vector<1x192xf32>
    %get3A_359 = arith.constant 0 : index
    %get3A_360 = arith.constant 0 : index
    %get3A_361 = vector.load %arg6[%get3A_359, %get3A_360] : memref<1x192xf32, #tpu.memory_space<vmem>>, vector<1x192xf32>
    %add3A_362 = arith.addf %dot_general3A_358, %get3A_361 : vector<1x192xf32>
    %slice3A_363 = vector.extract_strided_slice %slice3A_353 {offsets = [0, 0], sizes = [1, 64], strides = [1, 1]} : vector<1x192xf32> to vector<1x64xf32>
    %slice3A_364 = vector.extract_strided_slice %add3A_362 {offsets = [0, 0], sizes = [1, 64], strides = [1, 1]} : vector<1x192xf32> to vector<1x64xf32>
    %add3A_365 = arith.addf %slice3A_363, %slice3A_364 : vector<1x64xf32>
    %logistic3A_366 = arith.negf %add3A_365 : vector<1x64xf32>
    %logistic3A_367 = math.exp %logistic3A_366 : vector<1x64xf32>
    %logistic3A_368 = arith.constant 1.000000e+00 : f32
    %logistic3A_369 = vector.broadcast %logistic3A_368 : f32 to vector<1x64xf32>
    %logistic3A_370 = arith.addf %logistic3A_369, %logistic3A_367 : vector<1x64xf32>
    %logistic3A_371 = arith.divf %logistic3A_369, %logistic3A_370 : vector<1x64xf32>
    %slice3A_372 = vector.extract_strided_slice %slice3A_353 {offsets = [0, 64], sizes = [1, 64], strides = [1, 1]} : vector<1x192xf32> to vector<1x64xf32>
    %slice3A_373 = vector.extract_strided_slice %add3A_362 {offsets = [0, 64], sizes = [1, 64], strides = [1, 1]} : vector<1x192xf32> to vector<1x64xf32>
    %add3A_374 = arith.addf %slice3A_372, %slice3A_373 : vector<1x64xf32>
    %logistic3A_375 = arith.negf %add3A_374 : vector<1x64xf32>
    %logistic3A_376 = math.exp %logistic3A_375 : vector<1x64xf32>
    %logistic3A_377 = arith.constant 1.000000e+00 : f32
    %logistic3A_378 = vector.broadcast %logistic3A_377 : f32 to vector<1x64xf32>
    %logistic3A_379 = arith.addf %logistic3A_378, %logistic3A_376 : vector<1x64xf32>
    %logistic3A_380 = arith.divf %logistic3A_378, %logistic3A_379 : vector<1x64xf32>
    %slice3A_381 = vector.extract_strided_slice %slice3A_353 {offsets = [0, 128], sizes = [1, 64], strides = [1, 1]} : vector<1x192xf32> to vector<1x64xf32>
    %slice3A_382 = vector.extract_strided_slice %add3A_362 {offsets = [0, 128], sizes = [1, 64], strides = [1, 1]} : vector<1x192xf32> to vector<1x64xf32>
    %mul3A_383 = arith.mulf %logistic3A_371, %slice3A_382 : vector<1x64xf32>
    %add3A_384 = arith.addf %slice3A_381, %mul3A_383 : vector<1x64xf32>
    %tanh3A_385 = math.tanh %add3A_384 : vector<1x64xf32>
    %sub3A_386 = arith.constant 1.000000e+00 : f32
    %sub3A_387 = vector.broadcast %sub3A_386 : f32 to vector<1x64xf32>
    %sub3A_388 = arith.subf %sub3A_387, %logistic3A_380 : vector<1x64xf32>
    %mul3A_389 = arith.mulf %sub3A_388, %tanh3A_385 : vector<1x64xf32>
    %mul3A_390 = arith.mulf %logistic3A_380, %add3A_352 : vector<1x64xf32>
    %add3A_391 = arith.addf %mul3A_389, %mul3A_390 : vector<1x64xf32>
    %slice3A_392 = vector.extract_strided_slice %add3A_120 {offsets = [7, 0], sizes = [1, 192], strides = [1, 1]} : vector<15x192xf32> to vector<1x192xf32>
    %get3A_393 = arith.constant 0 : index
    %get3A_394 = arith.constant 0 : index
    %get3A_395 = vector.load %arg4[%get3A_393, %get3A_394] : memref<64x192xf32, #tpu.memory_space<vmem>>, vector<64x192xf32>
    %dot_general3A_396 = arith.constant dense<0.000000e+00> : vector<1x192xf32>
    %dot_general3A_397 = tpu.matmul %add3A_391, %get3A_395, %dot_general3A_396 {dimension_numbers = #tpu.dot_dimension_numbers<[1], [0], [0], [1], [0, 0, 1, 1], [], []>, transpose_lhs_hint = false} : vector<1x64xf32>, vector<64x192xf32>, vector<1x192xf32> -> vector<1x192xf32>
    %get3A_398 = arith.constant 0 : index
    %get3A_399 = arith.constant 0 : index
    %get3A_400 = vector.load %arg6[%get3A_398, %get3A_399] : memref<1x192xf32, #tpu.memory_space<vmem>>, vector<1x192xf32>
    %add3A_401 = arith.addf %dot_general3A_397, %get3A_400 : vector<1x192xf32>
    %slice3A_402 = vector.extract_strided_slice %slice3A_392 {offsets = [0, 0], sizes = [1, 64], strides = [1, 1]} : vector<1x192xf32> to vector<1x64xf32>
    %slice3A_403 = vector.extract_strided_slice %add3A_401 {offsets = [0, 0], sizes = [1, 64], strides = [1, 1]} : vector<1x192xf32> to vector<1x64xf32>
    %add3A_404 = arith.addf %slice3A_402, %slice3A_403 : vector<1x64xf32>
    %logistic3A_405 = arith.negf %add3A_404 : vector<1x64xf32>
    %logistic3A_406 = math.exp %logistic3A_405 : vector<1x64xf32>
    %logistic3A_407 = arith.constant 1.000000e+00 : f32
    %logistic3A_408 = vector.broadcast %logistic3A_407 : f32 to vector<1x64xf32>
    %logistic3A_409 = arith.addf %logistic3A_408, %logistic3A_406 : vector<1x64xf32>
    %logistic3A_410 = arith.divf %logistic3A_408, %logistic3A_409 : vector<1x64xf32>
    %slice3A_411 = vector.extract_strided_slice %slice3A_392 {offsets = [0, 64], sizes = [1, 64], strides = [1, 1]} : vector<1x192xf32> to vector<1x64xf32>
    %slice3A_412 = vector.extract_strided_slice %add3A_401 {offsets = [0, 64], sizes = [1, 64], strides = [1, 1]} : vector<1x192xf32> to vector<1x64xf32>
    %add3A_413 = arith.addf %slice3A_411, %slice3A_412 : vector<1x64xf32>
    %logistic3A_414 = arith.negf %add3A_413 : vector<1x64xf32>
    %logistic3A_415 = math.exp %logistic3A_414 : vector<1x64xf32>
    %logistic3A_416 = arith.constant 1.000000e+00 : f32
    %logistic3A_417 = vector.broadcast %logistic3A_416 : f32 to vector<1x64xf32>
    %logistic3A_418 = arith.addf %logistic3A_417, %logistic3A_415 : vector<1x64xf32>
    %logistic3A_419 = arith.divf %logistic3A_417, %logistic3A_418 : vector<1x64xf32>
    %slice3A_420 = vector.extract_strided_slice %slice3A_392 {offsets = [0, 128], sizes = [1, 64], strides = [1, 1]} : vector<1x192xf32> to vector<1x64xf32>
    %slice3A_421 = vector.extract_strided_slice %add3A_401 {offsets = [0, 128], sizes = [1, 64], strides = [1, 1]} : vector<1x192xf32> to vector<1x64xf32>
    %mul3A_422 = arith.mulf %logistic3A_410, %slice3A_421 : vector<1x64xf32>
    %add3A_423 = arith.addf %slice3A_420, %mul3A_422 : vector<1x64xf32>
    %tanh3A_424 = math.tanh %add3A_423 : vector<1x64xf32>
    %sub3A_425 = arith.constant 1.000000e+00 : f32
    %sub3A_426 = vector.broadcast %sub3A_425 : f32 to vector<1x64xf32>
    %sub3A_427 = arith.subf %sub3A_426, %logistic3A_419 : vector<1x64xf32>
    %mul3A_428 = arith.mulf %sub3A_427, %tanh3A_424 : vector<1x64xf32>
    %mul3A_429 = arith.mulf %logistic3A_419, %add3A_391 : vector<1x64xf32>
    %add3A_430 = arith.addf %mul3A_428, %mul3A_429 : vector<1x64xf32>
    %slice3A_431 = vector.extract_strided_slice %add3A_120 {offsets = [8, 0], sizes = [1, 192], strides = [1, 1]} : vector<15x192xf32> to vector<1x192xf32>
    %get3A_432 = arith.constant 0 : index
    %get3A_433 = arith.constant 0 : index
    %get3A_434 = vector.load %arg4[%get3A_432, %get3A_433] : memref<64x192xf32, #tpu.memory_space<vmem>>, vector<64x192xf32>
    %dot_general3A_435 = arith.constant dense<0.000000e+00> : vector<1x192xf32>
    %dot_general3A_436 = tpu.matmul %add3A_430, %get3A_434, %dot_general3A_435 {dimension_numbers = #tpu.dot_dimension_numbers<[1], [0], [0], [1], [0, 0, 1, 1], [], []>, transpose_lhs_hint = false} : vector<1x64xf32>, vector<64x192xf32>, vector<1x192xf32> -> vector<1x192xf32>
    %get3A_437 = arith.constant 0 : index
    %get3A_438 = arith.constant 0 : index
    %get3A_439 = vector.load %arg6[%get3A_437, %get3A_438] : memref<1x192xf32, #tpu.memory_space<vmem>>, vector<1x192xf32>
    %add3A_440 = arith.addf %dot_general3A_436, %get3A_439 : vector<1x192xf32>
    %slice3A_441 = vector.extract_strided_slice %slice3A_431 {offsets = [0, 0], sizes = [1, 64], strides = [1, 1]} : vector<1x192xf32> to vector<1x64xf32>
    %slice3A_442 = vector.extract_strided_slice %add3A_440 {offsets = [0, 0], sizes = [1, 64], strides = [1, 1]} : vector<1x192xf32> to vector<1x64xf32>
    %add3A_443 = arith.addf %slice3A_441, %slice3A_442 : vector<1x64xf32>
    %logistic3A_444 = arith.negf %add3A_443 : vector<1x64xf32>
    %logistic3A_445 = math.exp %logistic3A_444 : vector<1x64xf32>
    %logistic3A_446 = arith.constant 1.000000e+00 : f32
    %logistic3A_447 = vector.broadcast %logistic3A_446 : f32 to vector<1x64xf32>
    %logistic3A_448 = arith.addf %logistic3A_447, %logistic3A_445 : vector<1x64xf32>
    %logistic3A_449 = arith.divf %logistic3A_447, %logistic3A_448 : vector<1x64xf32>
    %slice3A_450 = vector.extract_strided_slice %slice3A_431 {offsets = [0, 64], sizes = [1, 64], strides = [1, 1]} : vector<1x192xf32> to vector<1x64xf32>
    %slice3A_451 = vector.extract_strided_slice %add3A_440 {offsets = [0, 64], sizes = [1, 64], strides = [1, 1]} : vector<1x192xf32> to vector<1x64xf32>
    %add3A_452 = arith.addf %slice3A_450, %slice3A_451 : vector<1x64xf32>
    %logistic3A_453 = arith.negf %add3A_452 : vector<1x64xf32>
    %logistic3A_454 = math.exp %logistic3A_453 : vector<1x64xf32>
    %logistic3A_455 = arith.constant 1.000000e+00 : f32
    %logistic3A_456 = vector.broadcast %logistic3A_455 : f32 to vector<1x64xf32>
    %logistic3A_457 = arith.addf %logistic3A_456, %logistic3A_454 : vector<1x64xf32>
    %logistic3A_458 = arith.divf %logistic3A_456, %logistic3A_457 : vector<1x64xf32>
    %slice3A_459 = vector.extract_strided_slice %slice3A_431 {offsets = [0, 128], sizes = [1, 64], strides = [1, 1]} : vector<1x192xf32> to vector<1x64xf32>
    %slice3A_460 = vector.extract_strided_slice %add3A_440 {offsets = [0, 128], sizes = [1, 64], strides = [1, 1]} : vector<1x192xf32> to vector<1x64xf32>
    %mul3A_461 = arith.mulf %logistic3A_449, %slice3A_460 : vector<1x64xf32>
    %add3A_462 = arith.addf %slice3A_459, %mul3A_461 : vector<1x64xf32>
    %tanh3A_463 = math.tanh %add3A_462 : vector<1x64xf32>
    %sub3A_464 = arith.constant 1.000000e+00 : f32
    %sub3A_465 = vector.broadcast %sub3A_464 : f32 to vector<1x64xf32>
    %sub3A_466 = arith.subf %sub3A_465, %logistic3A_458 : vector<1x64xf32>
    %mul3A_467 = arith.mulf %sub3A_466, %tanh3A_463 : vector<1x64xf32>
    %mul3A_468 = arith.mulf %logistic3A_458, %add3A_430 : vector<1x64xf32>
    %add3A_469 = arith.addf %mul3A_467, %mul3A_468 : vector<1x64xf32>
    %slice3A_470 = vector.extract_strided_slice %add3A_120 {offsets = [9, 0], sizes = [1, 192], strides = [1, 1]} : vector<15x192xf32> to vector<1x192xf32>
    %get3A_471 = arith.constant 0 : index
    %get3A_472 = arith.constant 0 : index
    %get3A_473 = vector.load %arg4[%get3A_471, %get3A_472] : memref<64x192xf32, #tpu.memory_space<vmem>>, vector<64x192xf32>
    %dot_general3A_474 = arith.constant dense<0.000000e+00> : vector<1x192xf32>
    %dot_general3A_475 = tpu.matmul %add3A_469, %get3A_473, %dot_general3A_474 {dimension_numbers = #tpu.dot_dimension_numbers<[1], [0], [0], [1], [0, 0, 1, 1], [], []>, transpose_lhs_hint = false} : vector<1x64xf32>, vector<64x192xf32>, vector<1x192xf32> -> vector<1x192xf32>
    %get3A_476 = arith.constant 0 : index
    %get3A_477 = arith.constant 0 : index
    %get3A_478 = vector.load %arg6[%get3A_476, %get3A_477] : memref<1x192xf32, #tpu.memory_space<vmem>>, vector<1x192xf32>
    %add3A_479 = arith.addf %dot_general3A_475, %get3A_478 : vector<1x192xf32>
    %slice3A_480 = vector.extract_strided_slice %slice3A_470 {offsets = [0, 0], sizes = [1, 64], strides = [1, 1]} : vector<1x192xf32> to vector<1x64xf32>
    %slice3A_481 = vector.extract_strided_slice %add3A_479 {offsets = [0, 0], sizes = [1, 64], strides = [1, 1]} : vector<1x192xf32> to vector<1x64xf32>
    %add3A_482 = arith.addf %slice3A_480, %slice3A_481 : vector<1x64xf32>
    %logistic3A_483 = arith.negf %add3A_482 : vector<1x64xf32>
    %logistic3A_484 = math.exp %logistic3A_483 : vector<1x64xf32>
    %logistic3A_485 = arith.constant 1.000000e+00 : f32
    %logistic3A_486 = vector.broadcast %logistic3A_485 : f32 to vector<1x64xf32>
    %logistic3A_487 = arith.addf %logistic3A_486, %logistic3A_484 : vector<1x64xf32>
    %logistic3A_488 = arith.divf %logistic3A_486, %logistic3A_487 : vector<1x64xf32>
    %slice3A_489 = vector.extract_strided_slice %slice3A_470 {offsets = [0, 64], sizes = [1, 64], strides = [1, 1]} : vector<1x192xf32> to vector<1x64xf32>
    %slice3A_490 = vector.extract_strided_slice %add3A_479 {offsets = [0, 64], sizes = [1, 64], strides = [1, 1]} : vector<1x192xf32> to vector<1x64xf32>
    %add3A_491 = arith.addf %slice3A_489, %slice3A_490 : vector<1x64xf32>
    %logistic3A_492 = arith.negf %add3A_491 : vector<1x64xf32>
    %logistic3A_493 = math.exp %logistic3A_492 : vector<1x64xf32>
    %logistic3A_494 = arith.constant 1.000000e+00 : f32
    %logistic3A_495 = vector.broadcast %logistic3A_494 : f32 to vector<1x64xf32>
    %logistic3A_496 = arith.addf %logistic3A_495, %logistic3A_493 : vector<1x64xf32>
    %logistic3A_497 = arith.divf %logistic3A_495, %logistic3A_496 : vector<1x64xf32>
    %slice3A_498 = vector.extract_strided_slice %slice3A_470 {offsets = [0, 128], sizes = [1, 64], strides = [1, 1]} : vector<1x192xf32> to vector<1x64xf32>
    %slice3A_499 = vector.extract_strided_slice %add3A_479 {offsets = [0, 128], sizes = [1, 64], strides = [1, 1]} : vector<1x192xf32> to vector<1x64xf32>
    %mul3A_500 = arith.mulf %logistic3A_488, %slice3A_499 : vector<1x64xf32>
    %add3A_501 = arith.addf %slice3A_498, %mul3A_500 : vector<1x64xf32>
    %tanh3A_502 = math.tanh %add3A_501 : vector<1x64xf32>
    %sub3A_503 = arith.constant 1.000000e+00 : f32
    %sub3A_504 = vector.broadcast %sub3A_503 : f32 to vector<1x64xf32>
    %sub3A_505 = arith.subf %sub3A_504, %logistic3A_497 : vector<1x64xf32>
    %mul3A_506 = arith.mulf %sub3A_505, %tanh3A_502 : vector<1x64xf32>
    %mul3A_507 = arith.mulf %logistic3A_497, %add3A_469 : vector<1x64xf32>
    %add3A_508 = arith.addf %mul3A_506, %mul3A_507 : vector<1x64xf32>
    %slice3A_509 = vector.extract_strided_slice %add3A_120 {offsets = [10, 0], sizes = [1, 192], strides = [1, 1]} : vector<15x192xf32> to vector<1x192xf32>
    %get3A_510 = arith.constant 0 : index
    %get3A_511 = arith.constant 0 : index
    %get3A_512 = vector.load %arg4[%get3A_510, %get3A_511] : memref<64x192xf32, #tpu.memory_space<vmem>>, vector<64x192xf32>
    %dot_general3A_513 = arith.constant dense<0.000000e+00> : vector<1x192xf32>
    %dot_general3A_514 = tpu.matmul %add3A_508, %get3A_512, %dot_general3A_513 {dimension_numbers = #tpu.dot_dimension_numbers<[1], [0], [0], [1], [0, 0, 1, 1], [], []>, transpose_lhs_hint = false} : vector<1x64xf32>, vector<64x192xf32>, vector<1x192xf32> -> vector<1x192xf32>
    %get3A_515 = arith.constant 0 : index
    %get3A_516 = arith.constant 0 : index
    %get3A_517 = vector.load %arg6[%get3A_515, %get3A_516] : memref<1x192xf32, #tpu.memory_space<vmem>>, vector<1x192xf32>
    %add3A_518 = arith.addf %dot_general3A_514, %get3A_517 : vector<1x192xf32>
    %slice3A_519 = vector.extract_strided_slice %slice3A_509 {offsets = [0, 0], sizes = [1, 64], strides = [1, 1]} : vector<1x192xf32> to vector<1x64xf32>
    %slice3A_520 = vector.extract_strided_slice %add3A_518 {offsets = [0, 0], sizes = [1, 64], strides = [1, 1]} : vector<1x192xf32> to vector<1x64xf32>
    %add3A_521 = arith.addf %slice3A_519, %slice3A_520 : vector<1x64xf32>
    %logistic3A_522 = arith.negf %add3A_521 : vector<1x64xf32>
    %logistic3A_523 = math.exp %logistic3A_522 : vector<1x64xf32>
    %logistic3A_524 = arith.constant 1.000000e+00 : f32
    %logistic3A_525 = vector.broadcast %logistic3A_524 : f32 to vector<1x64xf32>
    %logistic3A_526 = arith.addf %logistic3A_525, %logistic3A_523 : vector<1x64xf32>
    %logistic3A_527 = arith.divf %logistic3A_525, %logistic3A_526 : vector<1x64xf32>
    %slice3A_528 = vector.extract_strided_slice %slice3A_509 {offsets = [0, 64], sizes = [1, 64], strides = [1, 1]} : vector<1x192xf32> to vector<1x64xf32>
    %slice3A_529 = vector.extract_strided_slice %add3A_518 {offsets = [0, 64], sizes = [1, 64], strides = [1, 1]} : vector<1x192xf32> to vector<1x64xf32>
    %add3A_530 = arith.addf %slice3A_528, %slice3A_529 : vector<1x64xf32>
    %logistic3A_531 = arith.negf %add3A_530 : vector<1x64xf32>
    %logistic3A_532 = math.exp %logistic3A_531 : vector<1x64xf32>
    %logistic3A_533 = arith.constant 1.000000e+00 : f32
    %logistic3A_534 = vector.broadcast %logistic3A_533 : f32 to vector<1x64xf32>
    %logistic3A_535 = arith.addf %logistic3A_534, %logistic3A_532 : vector<1x64xf32>
    %logistic3A_536 = arith.divf %logistic3A_534, %logistic3A_535 : vector<1x64xf32>
    %slice3A_537 = vector.extract_strided_slice %slice3A_509 {offsets = [0, 128], sizes = [1, 64], strides = [1, 1]} : vector<1x192xf32> to vector<1x64xf32>
    %slice3A_538 = vector.extract_strided_slice %add3A_518 {offsets = [0, 128], sizes = [1, 64], strides = [1, 1]} : vector<1x192xf32> to vector<1x64xf32>
    %mul3A_539 = arith.mulf %logistic3A_527, %slice3A_538 : vector<1x64xf32>
    %add3A_540 = arith.addf %slice3A_537, %mul3A_539 : vector<1x64xf32>
    %tanh3A_541 = math.tanh %add3A_540 : vector<1x64xf32>
    %sub3A_542 = arith.constant 1.000000e+00 : f32
    %sub3A_543 = vector.broadcast %sub3A_542 : f32 to vector<1x64xf32>
    %sub3A_544 = arith.subf %sub3A_543, %logistic3A_536 : vector<1x64xf32>
    %mul3A_545 = arith.mulf %sub3A_544, %tanh3A_541 : vector<1x64xf32>
    %mul3A_546 = arith.mulf %logistic3A_536, %add3A_508 : vector<1x64xf32>
    %add3A_547 = arith.addf %mul3A_545, %mul3A_546 : vector<1x64xf32>
    %slice3A_548 = vector.extract_strided_slice %add3A_120 {offsets = [11, 0], sizes = [1, 192], strides = [1, 1]} : vector<15x192xf32> to vector<1x192xf32>
    %get3A_549 = arith.constant 0 : index
    %get3A_550 = arith.constant 0 : index
    %get3A_551 = vector.load %arg4[%get3A_549, %get3A_550] : memref<64x192xf32, #tpu.memory_space<vmem>>, vector<64x192xf32>
    %dot_general3A_552 = arith.constant dense<0.000000e+00> : vector<1x192xf32>
    %dot_general3A_553 = tpu.matmul %add3A_547, %get3A_551, %dot_general3A_552 {dimension_numbers = #tpu.dot_dimension_numbers<[1], [0], [0], [1], [0, 0, 1, 1], [], []>, transpose_lhs_hint = false} : vector<1x64xf32>, vector<64x192xf32>, vector<1x192xf32> -> vector<1x192xf32>
    %get3A_554 = arith.constant 0 : index
    %get3A_555 = arith.constant 0 : index
    %get3A_556 = vector.load %arg6[%get3A_554, %get3A_555] : memref<1x192xf32, #tpu.memory_space<vmem>>, vector<1x192xf32>
    %add3A_557 = arith.addf %dot_general3A_553, %get3A_556 : vector<1x192xf32>
    %slice3A_558 = vector.extract_strided_slice %slice3A_548 {offsets = [0, 0], sizes = [1, 64], strides = [1, 1]} : vector<1x192xf32> to vector<1x64xf32>
    %slice3A_559 = vector.extract_strided_slice %add3A_557 {offsets = [0, 0], sizes = [1, 64], strides = [1, 1]} : vector<1x192xf32> to vector<1x64xf32>
    %add3A_560 = arith.addf %slice3A_558, %slice3A_559 : vector<1x64xf32>
    %logistic3A_561 = arith.negf %add3A_560 : vector<1x64xf32>
    %logistic3A_562 = math.exp %logistic3A_561 : vector<1x64xf32>
    %logistic3A_563 = arith.constant 1.000000e+00 : f32
    %logistic3A_564 = vector.broadcast %logistic3A_563 : f32 to vector<1x64xf32>
    %logistic3A_565 = arith.addf %logistic3A_564, %logistic3A_562 : vector<1x64xf32>
    %logistic3A_566 = arith.divf %logistic3A_564, %logistic3A_565 : vector<1x64xf32>
    %slice3A_567 = vector.extract_strided_slice %slice3A_548 {offsets = [0, 64], sizes = [1, 64], strides = [1, 1]} : vector<1x192xf32> to vector<1x64xf32>
    %slice3A_568 = vector.extract_strided_slice %add3A_557 {offsets = [0, 64], sizes = [1, 64], strides = [1, 1]} : vector<1x192xf32> to vector<1x64xf32>
    %add3A_569 = arith.addf %slice3A_567, %slice3A_568 : vector<1x64xf32>
    %logistic3A_570 = arith.negf %add3A_569 : vector<1x64xf32>
    %logistic3A_571 = math.exp %logistic3A_570 : vector<1x64xf32>
    %logistic3A_572 = arith.constant 1.000000e+00 : f32
    %logistic3A_573 = vector.broadcast %logistic3A_572 : f32 to vector<1x64xf32>
    %logistic3A_574 = arith.addf %logistic3A_573, %logistic3A_571 : vector<1x64xf32>
    %logistic3A_575 = arith.divf %logistic3A_573, %logistic3A_574 : vector<1x64xf32>
    %slice3A_576 = vector.extract_strided_slice %slice3A_548 {offsets = [0, 128], sizes = [1, 64], strides = [1, 1]} : vector<1x192xf32> to vector<1x64xf32>
    %slice3A_577 = vector.extract_strided_slice %add3A_557 {offsets = [0, 128], sizes = [1, 64], strides = [1, 1]} : vector<1x192xf32> to vector<1x64xf32>
    %mul3A_578 = arith.mulf %logistic3A_566, %slice3A_577 : vector<1x64xf32>
    %add3A_579 = arith.addf %slice3A_576, %mul3A_578 : vector<1x64xf32>
    %tanh3A_580 = math.tanh %add3A_579 : vector<1x64xf32>
    %sub3A_581 = arith.constant 1.000000e+00 : f32
    %sub3A_582 = vector.broadcast %sub3A_581 : f32 to vector<1x64xf32>
    %sub3A_583 = arith.subf %sub3A_582, %logistic3A_575 : vector<1x64xf32>
    %mul3A_584 = arith.mulf %sub3A_583, %tanh3A_580 : vector<1x64xf32>
    %mul3A_585 = arith.mulf %logistic3A_575, %add3A_547 : vector<1x64xf32>
    %add3A_586 = arith.addf %mul3A_584, %mul3A_585 : vector<1x64xf32>
    %slice3A_587 = vector.extract_strided_slice %add3A_120 {offsets = [12, 0], sizes = [1, 192], strides = [1, 1]} : vector<15x192xf32> to vector<1x192xf32>
    %get3A_588 = arith.constant 0 : index
    %get3A_589 = arith.constant 0 : index
    %get3A_590 = vector.load %arg4[%get3A_588, %get3A_589] : memref<64x192xf32, #tpu.memory_space<vmem>>, vector<64x192xf32>
    %dot_general3A_591 = arith.constant dense<0.000000e+00> : vector<1x192xf32>
    %dot_general3A_592 = tpu.matmul %add3A_586, %get3A_590, %dot_general3A_591 {dimension_numbers = #tpu.dot_dimension_numbers<[1], [0], [0], [1], [0, 0, 1, 1], [], []>, transpose_lhs_hint = false} : vector<1x64xf32>, vector<64x192xf32>, vector<1x192xf32> -> vector<1x192xf32>
    %get3A_593 = arith.constant 0 : index
    %get3A_594 = arith.constant 0 : index
    %get3A_595 = vector.load %arg6[%get3A_593, %get3A_594] : memref<1x192xf32, #tpu.memory_space<vmem>>, vector<1x192xf32>
    %add3A_596 = arith.addf %dot_general3A_592, %get3A_595 : vector<1x192xf32>
    %slice3A_597 = vector.extract_strided_slice %slice3A_587 {offsets = [0, 0], sizes = [1, 64], strides = [1, 1]} : vector<1x192xf32> to vector<1x64xf32>
    %slice3A_598 = vector.extract_strided_slice %add3A_596 {offsets = [0, 0], sizes = [1, 64], strides = [1, 1]} : vector<1x192xf32> to vector<1x64xf32>
    %add3A_599 = arith.addf %slice3A_597, %slice3A_598 : vector<1x64xf32>
    %logistic3A_600 = arith.negf %add3A_599 : vector<1x64xf32>
    %logistic3A_601 = math.exp %logistic3A_600 : vector<1x64xf32>
    %logistic3A_602 = arith.constant 1.000000e+00 : f32
    %logistic3A_603 = vector.broadcast %logistic3A_602 : f32 to vector<1x64xf32>
    %logistic3A_604 = arith.addf %logistic3A_603, %logistic3A_601 : vector<1x64xf32>
    %logistic3A_605 = arith.divf %logistic3A_603, %logistic3A_604 : vector<1x64xf32>
    %slice3A_606 = vector.extract_strided_slice %slice3A_587 {offsets = [0, 64], sizes = [1, 64], strides = [1, 1]} : vector<1x192xf32> to vector<1x64xf32>
    %slice3A_607 = vector.extract_strided_slice %add3A_596 {offsets = [0, 64], sizes = [1, 64], strides = [1, 1]} : vector<1x192xf32> to vector<1x64xf32>
    %add3A_608 = arith.addf %slice3A_606, %slice3A_607 : vector<1x64xf32>
    %logistic3A_609 = arith.negf %add3A_608 : vector<1x64xf32>
    %logistic3A_610 = math.exp %logistic3A_609 : vector<1x64xf32>
    %logistic3A_611 = arith.constant 1.000000e+00 : f32
    %logistic3A_612 = vector.broadcast %logistic3A_611 : f32 to vector<1x64xf32>
    %logistic3A_613 = arith.addf %logistic3A_612, %logistic3A_610 : vector<1x64xf32>
    %logistic3A_614 = arith.divf %logistic3A_612, %logistic3A_613 : vector<1x64xf32>
    %slice3A_615 = vector.extract_strided_slice %slice3A_587 {offsets = [0, 128], sizes = [1, 64], strides = [1, 1]} : vector<1x192xf32> to vector<1x64xf32>
    %slice3A_616 = vector.extract_strided_slice %add3A_596 {offsets = [0, 128], sizes = [1, 64], strides = [1, 1]} : vector<1x192xf32> to vector<1x64xf32>
    %mul3A_617 = arith.mulf %logistic3A_605, %slice3A_616 : vector<1x64xf32>
    %add3A_618 = arith.addf %slice3A_615, %mul3A_617 : vector<1x64xf32>
    %tanh3A_619 = math.tanh %add3A_618 : vector<1x64xf32>
    %sub3A_620 = arith.constant 1.000000e+00 : f32
    %sub3A_621 = vector.broadcast %sub3A_620 : f32 to vector<1x64xf32>
    %sub3A_622 = arith.subf %sub3A_621, %logistic3A_614 : vector<1x64xf32>
    %mul3A_623 = arith.mulf %sub3A_622, %tanh3A_619 : vector<1x64xf32>
    %mul3A_624 = arith.mulf %logistic3A_614, %add3A_586 : vector<1x64xf32>
    %add3A_625 = arith.addf %mul3A_623, %mul3A_624 : vector<1x64xf32>
    %slice3A_626 = vector.extract_strided_slice %add3A_120 {offsets = [13, 0], sizes = [1, 192], strides = [1, 1]} : vector<15x192xf32> to vector<1x192xf32>
    %get3A_627 = arith.constant 0 : index
    %get3A_628 = arith.constant 0 : index
    %get3A_629 = vector.load %arg4[%get3A_627, %get3A_628] : memref<64x192xf32, #tpu.memory_space<vmem>>, vector<64x192xf32>
    %dot_general3A_630 = arith.constant dense<0.000000e+00> : vector<1x192xf32>
    %dot_general3A_631 = tpu.matmul %add3A_625, %get3A_629, %dot_general3A_630 {dimension_numbers = #tpu.dot_dimension_numbers<[1], [0], [0], [1], [0, 0, 1, 1], [], []>, transpose_lhs_hint = false} : vector<1x64xf32>, vector<64x192xf32>, vector<1x192xf32> -> vector<1x192xf32>
    %get3A_632 = arith.constant 0 : index
    %get3A_633 = arith.constant 0 : index
    %get3A_634 = vector.load %arg6[%get3A_632, %get3A_633] : memref<1x192xf32, #tpu.memory_space<vmem>>, vector<1x192xf32>
    %add3A_635 = arith.addf %dot_general3A_631, %get3A_634 : vector<1x192xf32>
    %slice3A_636 = vector.extract_strided_slice %slice3A_626 {offsets = [0, 0], sizes = [1, 64], strides = [1, 1]} : vector<1x192xf32> to vector<1x64xf32>
    %slice3A_637 = vector.extract_strided_slice %add3A_635 {offsets = [0, 0], sizes = [1, 64], strides = [1, 1]} : vector<1x192xf32> to vector<1x64xf32>
    %add3A_638 = arith.addf %slice3A_636, %slice3A_637 : vector<1x64xf32>
    %logistic3A_639 = arith.negf %add3A_638 : vector<1x64xf32>
    %logistic3A_640 = math.exp %logistic3A_639 : vector<1x64xf32>
    %logistic3A_641 = arith.constant 1.000000e+00 : f32
    %logistic3A_642 = vector.broadcast %logistic3A_641 : f32 to vector<1x64xf32>
    %logistic3A_643 = arith.addf %logistic3A_642, %logistic3A_640 : vector<1x64xf32>
    %logistic3A_644 = arith.divf %logistic3A_642, %logistic3A_643 : vector<1x64xf32>
    %slice3A_645 = vector.extract_strided_slice %slice3A_626 {offsets = [0, 64], sizes = [1, 64], strides = [1, 1]} : vector<1x192xf32> to vector<1x64xf32>
    %slice3A_646 = vector.extract_strided_slice %add3A_635 {offsets = [0, 64], sizes = [1, 64], strides = [1, 1]} : vector<1x192xf32> to vector<1x64xf32>
    %add3A_647 = arith.addf %slice3A_645, %slice3A_646 : vector<1x64xf32>
    %logistic3A_648 = arith.negf %add3A_647 : vector<1x64xf32>
    %logistic3A_649 = math.exp %logistic3A_648 : vector<1x64xf32>
    %logistic3A_650 = arith.constant 1.000000e+00 : f32
    %logistic3A_651 = vector.broadcast %logistic3A_650 : f32 to vector<1x64xf32>
    %logistic3A_652 = arith.addf %logistic3A_651, %logistic3A_649 : vector<1x64xf32>
    %logistic3A_653 = arith.divf %logistic3A_651, %logistic3A_652 : vector<1x64xf32>
    %slice3A_654 = vector.extract_strided_slice %slice3A_626 {offsets = [0, 128], sizes = [1, 64], strides = [1, 1]} : vector<1x192xf32> to vector<1x64xf32>
    %slice3A_655 = vector.extract_strided_slice %add3A_635 {offsets = [0, 128], sizes = [1, 64], strides = [1, 1]} : vector<1x192xf32> to vector<1x64xf32>
    %mul3A_656 = arith.mulf %logistic3A_644, %slice3A_655 : vector<1x64xf32>
    %add3A_657 = arith.addf %slice3A_654, %mul3A_656 : vector<1x64xf32>
    %tanh3A_658 = math.tanh %add3A_657 : vector<1x64xf32>
    %sub3A_659 = arith.constant 1.000000e+00 : f32
    %sub3A_660 = vector.broadcast %sub3A_659 : f32 to vector<1x64xf32>
    %sub3A_661 = arith.subf %sub3A_660, %logistic3A_653 : vector<1x64xf32>
    %mul3A_662 = arith.mulf %sub3A_661, %tanh3A_658 : vector<1x64xf32>
    %mul3A_663 = arith.mulf %logistic3A_653, %add3A_625 : vector<1x64xf32>
    %add3A_664 = arith.addf %mul3A_662, %mul3A_663 : vector<1x64xf32>
    %slice3A_665 = vector.extract_strided_slice %add3A_120 {offsets = [14, 0], sizes = [1, 192], strides = [1, 1]} : vector<15x192xf32> to vector<1x192xf32>
    %get3A_666 = arith.constant 0 : index
    %get3A_667 = arith.constant 0 : index
    %get3A_668 = vector.load %arg4[%get3A_666, %get3A_667] : memref<64x192xf32, #tpu.memory_space<vmem>>, vector<64x192xf32>
    %dot_general3A_669 = arith.constant dense<0.000000e+00> : vector<1x192xf32>
    %dot_general3A_670 = tpu.matmul %add3A_664, %get3A_668, %dot_general3A_669 {dimension_numbers = #tpu.dot_dimension_numbers<[1], [0], [0], [1], [0, 0, 1, 1], [], []>, transpose_lhs_hint = false} : vector<1x64xf32>, vector<64x192xf32>, vector<1x192xf32> -> vector<1x192xf32>
    %get3A_671 = arith.constant 0 : index
    %get3A_672 = arith.constant 0 : index
    %get3A_673 = vector.load %arg6[%get3A_671, %get3A_672] : memref<1x192xf32, #tpu.memory_space<vmem>>, vector<1x192xf32>
    %add3A_674 = arith.addf %dot_general3A_670, %get3A_673 : vector<1x192xf32>
    %slice3A_675 = vector.extract_strided_slice %slice3A_665 {offsets = [0, 0], sizes = [1, 64], strides = [1, 1]} : vector<1x192xf32> to vector<1x64xf32>
    %slice3A_676 = vector.extract_strided_slice %add3A_674 {offsets = [0, 0], sizes = [1, 64], strides = [1, 1]} : vector<1x192xf32> to vector<1x64xf32>
    %add3A_677 = arith.addf %slice3A_675, %slice3A_676 : vector<1x64xf32>
    %logistic3A_678 = arith.negf %add3A_677 : vector<1x64xf32>
    %logistic3A_679 = math.exp %logistic3A_678 : vector<1x64xf32>
    %logistic3A_680 = arith.constant 1.000000e+00 : f32
    %logistic3A_681 = vector.broadcast %logistic3A_680 : f32 to vector<1x64xf32>
    %logistic3A_682 = arith.addf %logistic3A_681, %logistic3A_679 : vector<1x64xf32>
    %logistic3A_683 = arith.divf %logistic3A_681, %logistic3A_682 : vector<1x64xf32>
    %slice3A_684 = vector.extract_strided_slice %slice3A_665 {offsets = [0, 64], sizes = [1, 64], strides = [1, 1]} : vector<1x192xf32> to vector<1x64xf32>
    %slice3A_685 = vector.extract_strided_slice %add3A_674 {offsets = [0, 64], sizes = [1, 64], strides = [1, 1]} : vector<1x192xf32> to vector<1x64xf32>
    %add3A_686 = arith.addf %slice3A_684, %slice3A_685 : vector<1x64xf32>
    %logistic3A_687 = arith.negf %add3A_686 : vector<1x64xf32>
    %logistic3A_688 = math.exp %logistic3A_687 : vector<1x64xf32>
    %logistic3A_689 = arith.constant 1.000000e+00 : f32
    %logistic3A_690 = vector.broadcast %logistic3A_689 : f32 to vector<1x64xf32>
    %logistic3A_691 = arith.addf %logistic3A_690, %logistic3A_688 : vector<1x64xf32>
    %logistic3A_692 = arith.divf %logistic3A_690, %logistic3A_691 : vector<1x64xf32>
    %slice3A_693 = vector.extract_strided_slice %slice3A_665 {offsets = [0, 128], sizes = [1, 64], strides = [1, 1]} : vector<1x192xf32> to vector<1x64xf32>
    %slice3A_694 = vector.extract_strided_slice %add3A_674 {offsets = [0, 128], sizes = [1, 64], strides = [1, 1]} : vector<1x192xf32> to vector<1x64xf32>
    %mul3A_695 = arith.mulf %logistic3A_683, %slice3A_694 : vector<1x64xf32>
    %add3A_696 = arith.addf %slice3A_693, %mul3A_695 : vector<1x64xf32>
    %tanh3A_697 = math.tanh %add3A_696 : vector<1x64xf32>
    %sub3A_698 = arith.constant 1.000000e+00 : f32
    %sub3A_699 = vector.broadcast %sub3A_698 : f32 to vector<1x64xf32>
    %sub3A_700 = arith.subf %sub3A_699, %logistic3A_692 : vector<1x64xf32>
    %mul3A_701 = arith.mulf %sub3A_700, %tanh3A_697 : vector<1x64xf32>
    %mul3A_702 = arith.mulf %logistic3A_692, %add3A_664 : vector<1x64xf32>
    %add3A_703 = arith.addf %mul3A_701, %mul3A_702 : vector<1x64xf32>
    %concatenate3A_704 = tpu.concatenate %add3A_157, %add3A_196, %add3A_235, %add3A_274, %add3A_313, %add3A_352, %add3A_391, %add3A_430, %add3A_469, %add3A_508, %add3A_547, %add3A_586, %add3A_625, %add3A_664, %add3A_703 in 0 : vector<1x64xf32>, vector<1x64xf32>, vector<1x64xf32>, vector<1x64xf32>, vector<1x64xf32>, vector<1x64xf32>, vector<1x64xf32>, vector<1x64xf32>, vector<1x64xf32>, vector<1x64xf32>, vector<1x64xf32>, vector<1x64xf32>, vector<1x64xf32>, vector<1x64xf32>, vector<1x64xf32> -> vector<15x64xf32>
    %get3A_705 = arith.constant 0 : index
    %get3A_706 = arith.constant 0 : index
    %get3A_707 = vector.load %arg7[%get3A_705, %get3A_706] : memref<64x192xf32, #tpu.memory_space<vmem>>, vector<64x192xf32>
    %dot_general3A_708 = arith.constant dense<0.000000e+00> : vector<15x192xf32>
    %dot_general3A_709 = tpu.matmul %concatenate3A_704, %get3A_707, %dot_general3A_708 {dimension_numbers = #tpu.dot_dimension_numbers<[1], [0], [0], [1], [0, 0, 1, 1], [], []>, transpose_lhs_hint = false} : vector<15x64xf32>, vector<64x192xf32>, vector<15x192xf32> -> vector<15x192xf32>
    %get3A_710 = arith.constant 0 : index
    %get3A_711 = arith.constant 0 : index
    %get3A_712 = vector.load %arg9[%get3A_710, %get3A_711] : memref<1x192xf32, #tpu.memory_space<vmem>>, vector<1x192xf32>
    %add3A_713 = vector.broadcast %get3A_712 : vector<1x192xf32> to vector<15x192xf32>
    %add3A_714 = arith.addf %dot_general3A_709, %add3A_713 : vector<15x192xf32>
    %broadcast_in_dim3A_715 = arith.constant 0.000000e+00 : f32
    %broadcast_in_dim3A_716 = vector.broadcast %broadcast_in_dim3A_715 : f32 to vector<1x64xf32>
    %slice3A_717 = vector.extract_strided_slice %add3A_714 {offsets = [0, 0], sizes = [1, 192], strides = [1, 1]} : vector<15x192xf32> to vector<1x192xf32>
    %get3A_718 = arith.constant 0 : index
    %get3A_719 = arith.constant 0 : index
    %get3A_720 = vector.load %arg8[%get3A_718, %get3A_719] : memref<64x192xf32, #tpu.memory_space<vmem>>, vector<64x192xf32>
    %dot_general3A_721 = arith.constant dense<0.000000e+00> : vector<1x192xf32>
    %dot_general3A_722 = tpu.matmul %broadcast_in_dim3A_716, %get3A_720, %dot_general3A_721 {dimension_numbers = #tpu.dot_dimension_numbers<[1], [0], [0], [1], [0, 0, 1, 1], [], []>, transpose_lhs_hint = false} : vector<1x64xf32>, vector<64x192xf32>, vector<1x192xf32> -> vector<1x192xf32>
    %get3A_723 = arith.constant 0 : index
    %get3A_724 = arith.constant 0 : index
    %get3A_725 = vector.load %arg10[%get3A_723, %get3A_724] : memref<1x192xf32, #tpu.memory_space<vmem>>, vector<1x192xf32>
    %add3A_726 = arith.addf %dot_general3A_722, %get3A_725 : vector<1x192xf32>
    %slice3A_727 = vector.extract_strided_slice %slice3A_717 {offsets = [0, 0], sizes = [1, 64], strides = [1, 1]} : vector<1x192xf32> to vector<1x64xf32>
    %slice3A_728 = vector.extract_strided_slice %add3A_726 {offsets = [0, 0], sizes = [1, 64], strides = [1, 1]} : vector<1x192xf32> to vector<1x64xf32>
    %add3A_729 = arith.addf %slice3A_727, %slice3A_728 : vector<1x64xf32>
    %logistic3A_730 = arith.negf %add3A_729 : vector<1x64xf32>
    %logistic3A_731 = math.exp %logistic3A_730 : vector<1x64xf32>
    %logistic3A_732 = arith.constant 1.000000e+00 : f32
    %logistic3A_733 = vector.broadcast %logistic3A_732 : f32 to vector<1x64xf32>
    %logistic3A_734 = arith.addf %logistic3A_733, %logistic3A_731 : vector<1x64xf32>
    %logistic3A_735 = arith.divf %logistic3A_733, %logistic3A_734 : vector<1x64xf32>
    %slice3A_736 = vector.extract_strided_slice %slice3A_717 {offsets = [0, 64], sizes = [1, 64], strides = [1, 1]} : vector<1x192xf32> to vector<1x64xf32>
    %slice3A_737 = vector.extract_strided_slice %add3A_726 {offsets = [0, 64], sizes = [1, 64], strides = [1, 1]} : vector<1x192xf32> to vector<1x64xf32>
    %add3A_738 = arith.addf %slice3A_736, %slice3A_737 : vector<1x64xf32>
    %logistic3A_739 = arith.negf %add3A_738 : vector<1x64xf32>
    %logistic3A_740 = math.exp %logistic3A_739 : vector<1x64xf32>
    %logistic3A_741 = arith.constant 1.000000e+00 : f32
    %logistic3A_742 = vector.broadcast %logistic3A_741 : f32 to vector<1x64xf32>
    %logistic3A_743 = arith.addf %logistic3A_742, %logistic3A_740 : vector<1x64xf32>
    %logistic3A_744 = arith.divf %logistic3A_742, %logistic3A_743 : vector<1x64xf32>
    %slice3A_745 = vector.extract_strided_slice %slice3A_717 {offsets = [0, 128], sizes = [1, 64], strides = [1, 1]} : vector<1x192xf32> to vector<1x64xf32>
    %slice3A_746 = vector.extract_strided_slice %add3A_726 {offsets = [0, 128], sizes = [1, 64], strides = [1, 1]} : vector<1x192xf32> to vector<1x64xf32>
    %mul3A_747 = arith.mulf %logistic3A_735, %slice3A_746 : vector<1x64xf32>
    %add3A_748 = arith.addf %slice3A_745, %mul3A_747 : vector<1x64xf32>
    %tanh3A_749 = math.tanh %add3A_748 : vector<1x64xf32>
    %sub3A_750 = arith.constant 1.000000e+00 : f32
    %sub3A_751 = vector.broadcast %sub3A_750 : f32 to vector<1x64xf32>
    %sub3A_752 = arith.subf %sub3A_751, %logistic3A_744 : vector<1x64xf32>
    %mul3A_753 = arith.mulf %sub3A_752, %tanh3A_749 : vector<1x64xf32>
    %mul3A_754 = arith.mulf %logistic3A_744, %broadcast_in_dim3A_716 : vector<1x64xf32>
    %add3A_755 = arith.addf %mul3A_753, %mul3A_754 : vector<1x64xf32>
    %slice3A_756 = vector.extract_strided_slice %add3A_714 {offsets = [1, 0], sizes = [1, 192], strides = [1, 1]} : vector<15x192xf32> to vector<1x192xf32>
    %get3A_757 = arith.constant 0 : index
    %get3A_758 = arith.constant 0 : index
    %get3A_759 = vector.load %arg8[%get3A_757, %get3A_758] : memref<64x192xf32, #tpu.memory_space<vmem>>, vector<64x192xf32>
    %dot_general3A_760 = arith.constant dense<0.000000e+00> : vector<1x192xf32>
    %dot_general3A_761 = tpu.matmul %add3A_755, %get3A_759, %dot_general3A_760 {dimension_numbers = #tpu.dot_dimension_numbers<[1], [0], [0], [1], [0, 0, 1, 1], [], []>, transpose_lhs_hint = false} : vector<1x64xf32>, vector<64x192xf32>, vector<1x192xf32> -> vector<1x192xf32>
    %get3A_762 = arith.constant 0 : index
    %get3A_763 = arith.constant 0 : index
    %get3A_764 = vector.load %arg10[%get3A_762, %get3A_763] : memref<1x192xf32, #tpu.memory_space<vmem>>, vector<1x192xf32>
    %add3A_765 = arith.addf %dot_general3A_761, %get3A_764 : vector<1x192xf32>
    %slice3A_766 = vector.extract_strided_slice %slice3A_756 {offsets = [0, 0], sizes = [1, 64], strides = [1, 1]} : vector<1x192xf32> to vector<1x64xf32>
    %slice3A_767 = vector.extract_strided_slice %add3A_765 {offsets = [0, 0], sizes = [1, 64], strides = [1, 1]} : vector<1x192xf32> to vector<1x64xf32>
    %add3A_768 = arith.addf %slice3A_766, %slice3A_767 : vector<1x64xf32>
    %logistic3A_769 = arith.negf %add3A_768 : vector<1x64xf32>
    %logistic3A_770 = math.exp %logistic3A_769 : vector<1x64xf32>
    %logistic3A_771 = arith.constant 1.000000e+00 : f32
    %logistic3A_772 = vector.broadcast %logistic3A_771 : f32 to vector<1x64xf32>
    %logistic3A_773 = arith.addf %logistic3A_772, %logistic3A_770 : vector<1x64xf32>
    %logistic3A_774 = arith.divf %logistic3A_772, %logistic3A_773 : vector<1x64xf32>
    %slice3A_775 = vector.extract_strided_slice %slice3A_756 {offsets = [0, 64], sizes = [1, 64], strides = [1, 1]} : vector<1x192xf32> to vector<1x64xf32>
    %slice3A_776 = vector.extract_strided_slice %add3A_765 {offsets = [0, 64], sizes = [1, 64], strides = [1, 1]} : vector<1x192xf32> to vector<1x64xf32>
    %add3A_777 = arith.addf %slice3A_775, %slice3A_776 : vector<1x64xf32>
    %logistic3A_778 = arith.negf %add3A_777 : vector<1x64xf32>
    %logistic3A_779 = math.exp %logistic3A_778 : vector<1x64xf32>
    %logistic3A_780 = arith.constant 1.000000e+00 : f32
    %logistic3A_781 = vector.broadcast %logistic3A_780 : f32 to vector<1x64xf32>
    %logistic3A_782 = arith.addf %logistic3A_781, %logistic3A_779 : vector<1x64xf32>
    %logistic3A_783 = arith.divf %logistic3A_781, %logistic3A_782 : vector<1x64xf32>
    %slice3A_784 = vector.extract_strided_slice %slice3A_756 {offsets = [0, 128], sizes = [1, 64], strides = [1, 1]} : vector<1x192xf32> to vector<1x64xf32>
    %slice3A_785 = vector.extract_strided_slice %add3A_765 {offsets = [0, 128], sizes = [1, 64], strides = [1, 1]} : vector<1x192xf32> to vector<1x64xf32>
    %mul3A_786 = arith.mulf %logistic3A_774, %slice3A_785 : vector<1x64xf32>
    %add3A_787 = arith.addf %slice3A_784, %mul3A_786 : vector<1x64xf32>
    %tanh3A_788 = math.tanh %add3A_787 : vector<1x64xf32>
    %sub3A_789 = arith.constant 1.000000e+00 : f32
    %sub3A_790 = vector.broadcast %sub3A_789 : f32 to vector<1x64xf32>
    %sub3A_791 = arith.subf %sub3A_790, %logistic3A_783 : vector<1x64xf32>
    %mul3A_792 = arith.mulf %sub3A_791, %tanh3A_788 : vector<1x64xf32>
    %mul3A_793 = arith.mulf %logistic3A_783, %add3A_755 : vector<1x64xf32>
    %add3A_794 = arith.addf %mul3A_792, %mul3A_793 : vector<1x64xf32>
    %slice3A_795 = vector.extract_strided_slice %add3A_714 {offsets = [2, 0], sizes = [1, 192], strides = [1, 1]} : vector<15x192xf32> to vector<1x192xf32>
    %get3A_796 = arith.constant 0 : index
    %get3A_797 = arith.constant 0 : index
    %get3A_798 = vector.load %arg8[%get3A_796, %get3A_797] : memref<64x192xf32, #tpu.memory_space<vmem>>, vector<64x192xf32>
    %dot_general3A_799 = arith.constant dense<0.000000e+00> : vector<1x192xf32>
    %dot_general3A_800 = tpu.matmul %add3A_794, %get3A_798, %dot_general3A_799 {dimension_numbers = #tpu.dot_dimension_numbers<[1], [0], [0], [1], [0, 0, 1, 1], [], []>, transpose_lhs_hint = false} : vector<1x64xf32>, vector<64x192xf32>, vector<1x192xf32> -> vector<1x192xf32>
    %get3A_801 = arith.constant 0 : index
    %get3A_802 = arith.constant 0 : index
    %get3A_803 = vector.load %arg10[%get3A_801, %get3A_802] : memref<1x192xf32, #tpu.memory_space<vmem>>, vector<1x192xf32>
    %add3A_804 = arith.addf %dot_general3A_800, %get3A_803 : vector<1x192xf32>
    %slice3A_805 = vector.extract_strided_slice %slice3A_795 {offsets = [0, 0], sizes = [1, 64], strides = [1, 1]} : vector<1x192xf32> to vector<1x64xf32>
    %slice3A_806 = vector.extract_strided_slice %add3A_804 {offsets = [0, 0], sizes = [1, 64], strides = [1, 1]} : vector<1x192xf32> to vector<1x64xf32>
    %add3A_807 = arith.addf %slice3A_805, %slice3A_806 : vector<1x64xf32>
    %logistic3A_808 = arith.negf %add3A_807 : vector<1x64xf32>
    %logistic3A_809 = math.exp %logistic3A_808 : vector<1x64xf32>
    %logistic3A_810 = arith.constant 1.000000e+00 : f32
    %logistic3A_811 = vector.broadcast %logistic3A_810 : f32 to vector<1x64xf32>
    %logistic3A_812 = arith.addf %logistic3A_811, %logistic3A_809 : vector<1x64xf32>
    %logistic3A_813 = arith.divf %logistic3A_811, %logistic3A_812 : vector<1x64xf32>
    %slice3A_814 = vector.extract_strided_slice %slice3A_795 {offsets = [0, 64], sizes = [1, 64], strides = [1, 1]} : vector<1x192xf32> to vector<1x64xf32>
    %slice3A_815 = vector.extract_strided_slice %add3A_804 {offsets = [0, 64], sizes = [1, 64], strides = [1, 1]} : vector<1x192xf32> to vector<1x64xf32>
    %add3A_816 = arith.addf %slice3A_814, %slice3A_815 : vector<1x64xf32>
    %logistic3A_817 = arith.negf %add3A_816 : vector<1x64xf32>
    %logistic3A_818 = math.exp %logistic3A_817 : vector<1x64xf32>
    %logistic3A_819 = arith.constant 1.000000e+00 : f32
    %logistic3A_820 = vector.broadcast %logistic3A_819 : f32 to vector<1x64xf32>
    %logistic3A_821 = arith.addf %logistic3A_820, %logistic3A_818 : vector<1x64xf32>
    %logistic3A_822 = arith.divf %logistic3A_820, %logistic3A_821 : vector<1x64xf32>
    %slice3A_823 = vector.extract_strided_slice %slice3A_795 {offsets = [0, 128], sizes = [1, 64], strides = [1, 1]} : vector<1x192xf32> to vector<1x64xf32>
    %slice3A_824 = vector.extract_strided_slice %add3A_804 {offsets = [0, 128], sizes = [1, 64], strides = [1, 1]} : vector<1x192xf32> to vector<1x64xf32>
    %mul3A_825 = arith.mulf %logistic3A_813, %slice3A_824 : vector<1x64xf32>
    %add3A_826 = arith.addf %slice3A_823, %mul3A_825 : vector<1x64xf32>
    %tanh3A_827 = math.tanh %add3A_826 : vector<1x64xf32>
    %sub3A_828 = arith.constant 1.000000e+00 : f32
    %sub3A_829 = vector.broadcast %sub3A_828 : f32 to vector<1x64xf32>
    %sub3A_830 = arith.subf %sub3A_829, %logistic3A_822 : vector<1x64xf32>
    %mul3A_831 = arith.mulf %sub3A_830, %tanh3A_827 : vector<1x64xf32>
    %mul3A_832 = arith.mulf %logistic3A_822, %add3A_794 : vector<1x64xf32>
    %add3A_833 = arith.addf %mul3A_831, %mul3A_832 : vector<1x64xf32>
    %slice3A_834 = vector.extract_strided_slice %add3A_714 {offsets = [3, 0], sizes = [1, 192], strides = [1, 1]} : vector<15x192xf32> to vector<1x192xf32>
    %get3A_835 = arith.constant 0 : index
    %get3A_836 = arith.constant 0 : index
    %get3A_837 = vector.load %arg8[%get3A_835, %get3A_836] : memref<64x192xf32, #tpu.memory_space<vmem>>, vector<64x192xf32>
    %dot_general3A_838 = arith.constant dense<0.000000e+00> : vector<1x192xf32>
    %dot_general3A_839 = tpu.matmul %add3A_833, %get3A_837, %dot_general3A_838 {dimension_numbers = #tpu.dot_dimension_numbers<[1], [0], [0], [1], [0, 0, 1, 1], [], []>, transpose_lhs_hint = false} : vector<1x64xf32>, vector<64x192xf32>, vector<1x192xf32> -> vector<1x192xf32>
    %get3A_840 = arith.constant 0 : index
    %get3A_841 = arith.constant 0 : index
    %get3A_842 = vector.load %arg10[%get3A_840, %get3A_841] : memref<1x192xf32, #tpu.memory_space<vmem>>, vector<1x192xf32>
    %add3A_843 = arith.addf %dot_general3A_839, %get3A_842 : vector<1x192xf32>
    %slice3A_844 = vector.extract_strided_slice %slice3A_834 {offsets = [0, 0], sizes = [1, 64], strides = [1, 1]} : vector<1x192xf32> to vector<1x64xf32>
    %slice3A_845 = vector.extract_strided_slice %add3A_843 {offsets = [0, 0], sizes = [1, 64], strides = [1, 1]} : vector<1x192xf32> to vector<1x64xf32>
    %add3A_846 = arith.addf %slice3A_844, %slice3A_845 : vector<1x64xf32>
    %logistic3A_847 = arith.negf %add3A_846 : vector<1x64xf32>
    %logistic3A_848 = math.exp %logistic3A_847 : vector<1x64xf32>
    %logistic3A_849 = arith.constant 1.000000e+00 : f32
    %logistic3A_850 = vector.broadcast %logistic3A_849 : f32 to vector<1x64xf32>
    %logistic3A_851 = arith.addf %logistic3A_850, %logistic3A_848 : vector<1x64xf32>
    %logistic3A_852 = arith.divf %logistic3A_850, %logistic3A_851 : vector<1x64xf32>
    %slice3A_853 = vector.extract_strided_slice %slice3A_834 {offsets = [0, 64], sizes = [1, 64], strides = [1, 1]} : vector<1x192xf32> to vector<1x64xf32>
    %slice3A_854 = vector.extract_strided_slice %add3A_843 {offsets = [0, 64], sizes = [1, 64], strides = [1, 1]} : vector<1x192xf32> to vector<1x64xf32>
    %add3A_855 = arith.addf %slice3A_853, %slice3A_854 : vector<1x64xf32>
    %logistic3A_856 = arith.negf %add3A_855 : vector<1x64xf32>
    %logistic3A_857 = math.exp %logistic3A_856 : vector<1x64xf32>
    %logistic3A_858 = arith.constant 1.000000e+00 : f32
    %logistic3A_859 = vector.broadcast %logistic3A_858 : f32 to vector<1x64xf32>
    %logistic3A_860 = arith.addf %logistic3A_859, %logistic3A_857 : vector<1x64xf32>
    %logistic3A_861 = arith.divf %logistic3A_859, %logistic3A_860 : vector<1x64xf32>
    %slice3A_862 = vector.extract_strided_slice %slice3A_834 {offsets = [0, 128], sizes = [1, 64], strides = [1, 1]} : vector<1x192xf32> to vector<1x64xf32>
    %slice3A_863 = vector.extract_strided_slice %add3A_843 {offsets = [0, 128], sizes = [1, 64], strides = [1, 1]} : vector<1x192xf32> to vector<1x64xf32>
    %mul3A_864 = arith.mulf %logistic3A_852, %slice3A_863 : vector<1x64xf32>
    %add3A_865 = arith.addf %slice3A_862, %mul3A_864 : vector<1x64xf32>
    %tanh3A_866 = math.tanh %add3A_865 : vector<1x64xf32>
    %sub3A_867 = arith.constant 1.000000e+00 : f32
    %sub3A_868 = vector.broadcast %sub3A_867 : f32 to vector<1x64xf32>
    %sub3A_869 = arith.subf %sub3A_868, %logistic3A_861 : vector<1x64xf32>
    %mul3A_870 = arith.mulf %sub3A_869, %tanh3A_866 : vector<1x64xf32>
    %mul3A_871 = arith.mulf %logistic3A_861, %add3A_833 : vector<1x64xf32>
    %add3A_872 = arith.addf %mul3A_870, %mul3A_871 : vector<1x64xf32>
    %slice3A_873 = vector.extract_strided_slice %add3A_714 {offsets = [4, 0], sizes = [1, 192], strides = [1, 1]} : vector<15x192xf32> to vector<1x192xf32>
    %get3A_874 = arith.constant 0 : index
    %get3A_875 = arith.constant 0 : index
    %get3A_876 = vector.load %arg8[%get3A_874, %get3A_875] : memref<64x192xf32, #tpu.memory_space<vmem>>, vector<64x192xf32>
    %dot_general3A_877 = arith.constant dense<0.000000e+00> : vector<1x192xf32>
    %dot_general3A_878 = tpu.matmul %add3A_872, %get3A_876, %dot_general3A_877 {dimension_numbers = #tpu.dot_dimension_numbers<[1], [0], [0], [1], [0, 0, 1, 1], [], []>, transpose_lhs_hint = false} : vector<1x64xf32>, vector<64x192xf32>, vector<1x192xf32> -> vector<1x192xf32>
    %get3A_879 = arith.constant 0 : index
    %get3A_880 = arith.constant 0 : index
    %get3A_881 = vector.load %arg10[%get3A_879, %get3A_880] : memref<1x192xf32, #tpu.memory_space<vmem>>, vector<1x192xf32>
    %add3A_882 = arith.addf %dot_general3A_878, %get3A_881 : vector<1x192xf32>
    %slice3A_883 = vector.extract_strided_slice %slice3A_873 {offsets = [0, 0], sizes = [1, 64], strides = [1, 1]} : vector<1x192xf32> to vector<1x64xf32>
    %slice3A_884 = vector.extract_strided_slice %add3A_882 {offsets = [0, 0], sizes = [1, 64], strides = [1, 1]} : vector<1x192xf32> to vector<1x64xf32>
    %add3A_885 = arith.addf %slice3A_883, %slice3A_884 : vector<1x64xf32>
    %logistic3A_886 = arith.negf %add3A_885 : vector<1x64xf32>
    %logistic3A_887 = math.exp %logistic3A_886 : vector<1x64xf32>
    %logistic3A_888 = arith.constant 1.000000e+00 : f32
    %logistic3A_889 = vector.broadcast %logistic3A_888 : f32 to vector<1x64xf32>
    %logistic3A_890 = arith.addf %logistic3A_889, %logistic3A_887 : vector<1x64xf32>
    %logistic3A_891 = arith.divf %logistic3A_889, %logistic3A_890 : vector<1x64xf32>
    %slice3A_892 = vector.extract_strided_slice %slice3A_873 {offsets = [0, 64], sizes = [1, 64], strides = [1, 1]} : vector<1x192xf32> to vector<1x64xf32>
    %slice3A_893 = vector.extract_strided_slice %add3A_882 {offsets = [0, 64], sizes = [1, 64], strides = [1, 1]} : vector<1x192xf32> to vector<1x64xf32>
    %add3A_894 = arith.addf %slice3A_892, %slice3A_893 : vector<1x64xf32>
    %logistic3A_895 = arith.negf %add3A_894 : vector<1x64xf32>
    %logistic3A_896 = math.exp %logistic3A_895 : vector<1x64xf32>
    %logistic3A_897 = arith.constant 1.000000e+00 : f32
    %logistic3A_898 = vector.broadcast %logistic3A_897 : f32 to vector<1x64xf32>
    %logistic3A_899 = arith.addf %logistic3A_898, %logistic3A_896 : vector<1x64xf32>
    %logistic3A_900 = arith.divf %logistic3A_898, %logistic3A_899 : vector<1x64xf32>
    %slice3A_901 = vector.extract_strided_slice %slice3A_873 {offsets = [0, 128], sizes = [1, 64], strides = [1, 1]} : vector<1x192xf32> to vector<1x64xf32>
    %slice3A_902 = vector.extract_strided_slice %add3A_882 {offsets = [0, 128], sizes = [1, 64], strides = [1, 1]} : vector<1x192xf32> to vector<1x64xf32>
    %mul3A_903 = arith.mulf %logistic3A_891, %slice3A_902 : vector<1x64xf32>
    %add3A_904 = arith.addf %slice3A_901, %mul3A_903 : vector<1x64xf32>
    %tanh3A_905 = math.tanh %add3A_904 : vector<1x64xf32>
    %sub3A_906 = arith.constant 1.000000e+00 : f32
    %sub3A_907 = vector.broadcast %sub3A_906 : f32 to vector<1x64xf32>
    %sub3A_908 = arith.subf %sub3A_907, %logistic3A_900 : vector<1x64xf32>
    %mul3A_909 = arith.mulf %sub3A_908, %tanh3A_905 : vector<1x64xf32>
    %mul3A_910 = arith.mulf %logistic3A_900, %add3A_872 : vector<1x64xf32>
    %add3A_911 = arith.addf %mul3A_909, %mul3A_910 : vector<1x64xf32>
    %slice3A_912 = vector.extract_strided_slice %add3A_714 {offsets = [5, 0], sizes = [1, 192], strides = [1, 1]} : vector<15x192xf32> to vector<1x192xf32>
    %get3A_913 = arith.constant 0 : index
    %get3A_914 = arith.constant 0 : index
    %get3A_915 = vector.load %arg8[%get3A_913, %get3A_914] : memref<64x192xf32, #tpu.memory_space<vmem>>, vector<64x192xf32>
    %dot_general3A_916 = arith.constant dense<0.000000e+00> : vector<1x192xf32>
    %dot_general3A_917 = tpu.matmul %add3A_911, %get3A_915, %dot_general3A_916 {dimension_numbers = #tpu.dot_dimension_numbers<[1], [0], [0], [1], [0, 0, 1, 1], [], []>, transpose_lhs_hint = false} : vector<1x64xf32>, vector<64x192xf32>, vector<1x192xf32> -> vector<1x192xf32>
    %get3A_918 = arith.constant 0 : index
    %get3A_919 = arith.constant 0 : index
    %get3A_920 = vector.load %arg10[%get3A_918, %get3A_919] : memref<1x192xf32, #tpu.memory_space<vmem>>, vector<1x192xf32>
    %add3A_921 = arith.addf %dot_general3A_917, %get3A_920 : vector<1x192xf32>
    %slice3A_922 = vector.extract_strided_slice %slice3A_912 {offsets = [0, 0], sizes = [1, 64], strides = [1, 1]} : vector<1x192xf32> to vector<1x64xf32>
    %slice3A_923 = vector.extract_strided_slice %add3A_921 {offsets = [0, 0], sizes = [1, 64], strides = [1, 1]} : vector<1x192xf32> to vector<1x64xf32>
    %add3A_924 = arith.addf %slice3A_922, %slice3A_923 : vector<1x64xf32>
    %logistic3A_925 = arith.negf %add3A_924 : vector<1x64xf32>
    %logistic3A_926 = math.exp %logistic3A_925 : vector<1x64xf32>
    %logistic3A_927 = arith.constant 1.000000e+00 : f32
    %logistic3A_928 = vector.broadcast %logistic3A_927 : f32 to vector<1x64xf32>
    %logistic3A_929 = arith.addf %logistic3A_928, %logistic3A_926 : vector<1x64xf32>
    %logistic3A_930 = arith.divf %logistic3A_928, %logistic3A_929 : vector<1x64xf32>
    %slice3A_931 = vector.extract_strided_slice %slice3A_912 {offsets = [0, 64], sizes = [1, 64], strides = [1, 1]} : vector<1x192xf32> to vector<1x64xf32>
    %slice3A_932 = vector.extract_strided_slice %add3A_921 {offsets = [0, 64], sizes = [1, 64], strides = [1, 1]} : vector<1x192xf32> to vector<1x64xf32>
    %add3A_933 = arith.addf %slice3A_931, %slice3A_932 : vector<1x64xf32>
    %logistic3A_934 = arith.negf %add3A_933 : vector<1x64xf32>
    %logistic3A_935 = math.exp %logistic3A_934 : vector<1x64xf32>
    %logistic3A_936 = arith.constant 1.000000e+00 : f32
    %logistic3A_937 = vector.broadcast %logistic3A_936 : f32 to vector<1x64xf32>
    %logistic3A_938 = arith.addf %logistic3A_937, %logistic3A_935 : vector<1x64xf32>
    %logistic3A_939 = arith.divf %logistic3A_937, %logistic3A_938 : vector<1x64xf32>
    %slice3A_940 = vector.extract_strided_slice %slice3A_912 {offsets = [0, 128], sizes = [1, 64], strides = [1, 1]} : vector<1x192xf32> to vector<1x64xf32>
    %slice3A_941 = vector.extract_strided_slice %add3A_921 {offsets = [0, 128], sizes = [1, 64], strides = [1, 1]} : vector<1x192xf32> to vector<1x64xf32>
    %mul3A_942 = arith.mulf %logistic3A_930, %slice3A_941 : vector<1x64xf32>
    %add3A_943 = arith.addf %slice3A_940, %mul3A_942 : vector<1x64xf32>
    %tanh3A_944 = math.tanh %add3A_943 : vector<1x64xf32>
    %sub3A_945 = arith.constant 1.000000e+00 : f32
    %sub3A_946 = vector.broadcast %sub3A_945 : f32 to vector<1x64xf32>
    %sub3A_947 = arith.subf %sub3A_946, %logistic3A_939 : vector<1x64xf32>
    %mul3A_948 = arith.mulf %sub3A_947, %tanh3A_944 : vector<1x64xf32>
    %mul3A_949 = arith.mulf %logistic3A_939, %add3A_911 : vector<1x64xf32>
    %add3A_950 = arith.addf %mul3A_948, %mul3A_949 : vector<1x64xf32>
    %slice3A_951 = vector.extract_strided_slice %add3A_714 {offsets = [6, 0], sizes = [1, 192], strides = [1, 1]} : vector<15x192xf32> to vector<1x192xf32>
    %get3A_952 = arith.constant 0 : index
    %get3A_953 = arith.constant 0 : index
    %get3A_954 = vector.load %arg8[%get3A_952, %get3A_953] : memref<64x192xf32, #tpu.memory_space<vmem>>, vector<64x192xf32>
    %dot_general3A_955 = arith.constant dense<0.000000e+00> : vector<1x192xf32>
    %dot_general3A_956 = tpu.matmul %add3A_950, %get3A_954, %dot_general3A_955 {dimension_numbers = #tpu.dot_dimension_numbers<[1], [0], [0], [1], [0, 0, 1, 1], [], []>, transpose_lhs_hint = false} : vector<1x64xf32>, vector<64x192xf32>, vector<1x192xf32> -> vector<1x192xf32>
    %get3A_957 = arith.constant 0 : index
    %get3A_958 = arith.constant 0 : index
    %get3A_959 = vector.load %arg10[%get3A_957, %get3A_958] : memref<1x192xf32, #tpu.memory_space<vmem>>, vector<1x192xf32>
    %add3A_960 = arith.addf %dot_general3A_956, %get3A_959 : vector<1x192xf32>
    %slice3A_961 = vector.extract_strided_slice %slice3A_951 {offsets = [0, 0], sizes = [1, 64], strides = [1, 1]} : vector<1x192xf32> to vector<1x64xf32>
    %slice3A_962 = vector.extract_strided_slice %add3A_960 {offsets = [0, 0], sizes = [1, 64], strides = [1, 1]} : vector<1x192xf32> to vector<1x64xf32>
    %add3A_963 = arith.addf %slice3A_961, %slice3A_962 : vector<1x64xf32>
    %logistic3A_964 = arith.negf %add3A_963 : vector<1x64xf32>
    %logistic3A_965 = math.exp %logistic3A_964 : vector<1x64xf32>
    %logistic3A_966 = arith.constant 1.000000e+00 : f32
    %logistic3A_967 = vector.broadcast %logistic3A_966 : f32 to vector<1x64xf32>
    %logistic3A_968 = arith.addf %logistic3A_967, %logistic3A_965 : vector<1x64xf32>
    %logistic3A_969 = arith.divf %logistic3A_967, %logistic3A_968 : vector<1x64xf32>
    %slice3A_970 = vector.extract_strided_slice %slice3A_951 {offsets = [0, 64], sizes = [1, 64], strides = [1, 1]} : vector<1x192xf32> to vector<1x64xf32>
    %slice3A_971 = vector.extract_strided_slice %add3A_960 {offsets = [0, 64], sizes = [1, 64], strides = [1, 1]} : vector<1x192xf32> to vector<1x64xf32>
    %add3A_972 = arith.addf %slice3A_970, %slice3A_971 : vector<1x64xf32>
    %logistic3A_973 = arith.negf %add3A_972 : vector<1x64xf32>
    %logistic3A_974 = math.exp %logistic3A_973 : vector<1x64xf32>
    %logistic3A_975 = arith.constant 1.000000e+00 : f32
    %logistic3A_976 = vector.broadcast %logistic3A_975 : f32 to vector<1x64xf32>
    %logistic3A_977 = arith.addf %logistic3A_976, %logistic3A_974 : vector<1x64xf32>
    %logistic3A_978 = arith.divf %logistic3A_976, %logistic3A_977 : vector<1x64xf32>
    %slice3A_979 = vector.extract_strided_slice %slice3A_951 {offsets = [0, 128], sizes = [1, 64], strides = [1, 1]} : vector<1x192xf32> to vector<1x64xf32>
    %slice3A_980 = vector.extract_strided_slice %add3A_960 {offsets = [0, 128], sizes = [1, 64], strides = [1, 1]} : vector<1x192xf32> to vector<1x64xf32>
    %mul3A_981 = arith.mulf %logistic3A_969, %slice3A_980 : vector<1x64xf32>
    %add3A_982 = arith.addf %slice3A_979, %mul3A_981 : vector<1x64xf32>
    %tanh3A_983 = math.tanh %add3A_982 : vector<1x64xf32>
    %sub3A_984 = arith.constant 1.000000e+00 : f32
    %sub3A_985 = vector.broadcast %sub3A_984 : f32 to vector<1x64xf32>
    %sub3A_986 = arith.subf %sub3A_985, %logistic3A_978 : vector<1x64xf32>
    %mul3A_987 = arith.mulf %sub3A_986, %tanh3A_983 : vector<1x64xf32>
    %mul3A_988 = arith.mulf %logistic3A_978, %add3A_950 : vector<1x64xf32>
    %add3A_989 = arith.addf %mul3A_987, %mul3A_988 : vector<1x64xf32>
    %slice3A_990 = vector.extract_strided_slice %add3A_714 {offsets = [7, 0], sizes = [1, 192], strides = [1, 1]} : vector<15x192xf32> to vector<1x192xf32>
    %get3A_991 = arith.constant 0 : index
    %get3A_992 = arith.constant 0 : index
    %get3A_993 = vector.load %arg8[%get3A_991, %get3A_992] : memref<64x192xf32, #tpu.memory_space<vmem>>, vector<64x192xf32>
    %dot_general3A_994 = arith.constant dense<0.000000e+00> : vector<1x192xf32>
    %dot_general3A_995 = tpu.matmul %add3A_989, %get3A_993, %dot_general3A_994 {dimension_numbers = #tpu.dot_dimension_numbers<[1], [0], [0], [1], [0, 0, 1, 1], [], []>, transpose_lhs_hint = false} : vector<1x64xf32>, vector<64x192xf32>, vector<1x192xf32> -> vector<1x192xf32>
    %get3A_996 = arith.constant 0 : index
    %get3A_997 = arith.constant 0 : index
    %get3A_998 = vector.load %arg10[%get3A_996, %get3A_997] : memref<1x192xf32, #tpu.memory_space<vmem>>, vector<1x192xf32>
    %add3A_999 = arith.addf %dot_general3A_995, %get3A_998 : vector<1x192xf32>
    %slice3A_1000 = vector.extract_strided_slice %slice3A_990 {offsets = [0, 0], sizes = [1, 64], strides = [1, 1]} : vector<1x192xf32> to vector<1x64xf32>
    %slice3A_1001 = vector.extract_strided_slice %add3A_999 {offsets = [0, 0], sizes = [1, 64], strides = [1, 1]} : vector<1x192xf32> to vector<1x64xf32>
    %add3A_1002 = arith.addf %slice3A_1000, %slice3A_1001 : vector<1x64xf32>
    %logistic3A_1003 = arith.negf %add3A_1002 : vector<1x64xf32>
    %logistic3A_1004 = math.exp %logistic3A_1003 : vector<1x64xf32>
    %logistic3A_1005 = arith.constant 1.000000e+00 : f32
    %logistic3A_1006 = vector.broadcast %logistic3A_1005 : f32 to vector<1x64xf32>
    %logistic3A_1007 = arith.addf %logistic3A_1006, %logistic3A_1004 : vector<1x64xf32>
    %logistic3A_1008 = arith.divf %logistic3A_1006, %logistic3A_1007 : vector<1x64xf32>
    %slice3A_1009 = vector.extract_strided_slice %slice3A_990 {offsets = [0, 64], sizes = [1, 64], strides = [1, 1]} : vector<1x192xf32> to vector<1x64xf32>
    %slice3A_1010 = vector.extract_strided_slice %add3A_999 {offsets = [0, 64], sizes = [1, 64], strides = [1, 1]} : vector<1x192xf32> to vector<1x64xf32>
    %add3A_1011 = arith.addf %slice3A_1009, %slice3A_1010 : vector<1x64xf32>
    %logistic3A_1012 = arith.negf %add3A_1011 : vector<1x64xf32>
    %logistic3A_1013 = math.exp %logistic3A_1012 : vector<1x64xf32>
    %logistic3A_1014 = arith.constant 1.000000e+00 : f32
    %logistic3A_1015 = vector.broadcast %logistic3A_1014 : f32 to vector<1x64xf32>
    %logistic3A_1016 = arith.addf %logistic3A_1015, %logistic3A_1013 : vector<1x64xf32>
    %logistic3A_1017 = arith.divf %logistic3A_1015, %logistic3A_1016 : vector<1x64xf32>
    %slice3A_1018 = vector.extract_strided_slice %slice3A_990 {offsets = [0, 128], sizes = [1, 64], strides = [1, 1]} : vector<1x192xf32> to vector<1x64xf32>
    %slice3A_1019 = vector.extract_strided_slice %add3A_999 {offsets = [0, 128], sizes = [1, 64], strides = [1, 1]} : vector<1x192xf32> to vector<1x64xf32>
    %mul3A_1020 = arith.mulf %logistic3A_1008, %slice3A_1019 : vector<1x64xf32>
    %add3A_1021 = arith.addf %slice3A_1018, %mul3A_1020 : vector<1x64xf32>
    %tanh3A_1022 = math.tanh %add3A_1021 : vector<1x64xf32>
    %sub3A_1023 = arith.constant 1.000000e+00 : f32
    %sub3A_1024 = vector.broadcast %sub3A_1023 : f32 to vector<1x64xf32>
    %sub3A_1025 = arith.subf %sub3A_1024, %logistic3A_1017 : vector<1x64xf32>
    %mul3A_1026 = arith.mulf %sub3A_1025, %tanh3A_1022 : vector<1x64xf32>
    %mul3A_1027 = arith.mulf %logistic3A_1017, %add3A_989 : vector<1x64xf32>
    %add3A_1028 = arith.addf %mul3A_1026, %mul3A_1027 : vector<1x64xf32>
    %slice3A_1029 = vector.extract_strided_slice %add3A_714 {offsets = [8, 0], sizes = [1, 192], strides = [1, 1]} : vector<15x192xf32> to vector<1x192xf32>
    %get3A_1030 = arith.constant 0 : index
    %get3A_1031 = arith.constant 0 : index
    %get3A_1032 = vector.load %arg8[%get3A_1030, %get3A_1031] : memref<64x192xf32, #tpu.memory_space<vmem>>, vector<64x192xf32>
    %dot_general3A_1033 = arith.constant dense<0.000000e+00> : vector<1x192xf32>
    %dot_general3A_1034 = tpu.matmul %add3A_1028, %get3A_1032, %dot_general3A_1033 {dimension_numbers = #tpu.dot_dimension_numbers<[1], [0], [0], [1], [0, 0, 1, 1], [], []>, transpose_lhs_hint = false} : vector<1x64xf32>, vector<64x192xf32>, vector<1x192xf32> -> vector<1x192xf32>
    %get3A_1035 = arith.constant 0 : index
    %get3A_1036 = arith.constant 0 : index
    %get3A_1037 = vector.load %arg10[%get3A_1035, %get3A_1036] : memref<1x192xf32, #tpu.memory_space<vmem>>, vector<1x192xf32>
    %add3A_1038 = arith.addf %dot_general3A_1034, %get3A_1037 : vector<1x192xf32>
    %slice3A_1039 = vector.extract_strided_slice %slice3A_1029 {offsets = [0, 0], sizes = [1, 64], strides = [1, 1]} : vector<1x192xf32> to vector<1x64xf32>
    %slice3A_1040 = vector.extract_strided_slice %add3A_1038 {offsets = [0, 0], sizes = [1, 64], strides = [1, 1]} : vector<1x192xf32> to vector<1x64xf32>
    %add3A_1041 = arith.addf %slice3A_1039, %slice3A_1040 : vector<1x64xf32>
    %logistic3A_1042 = arith.negf %add3A_1041 : vector<1x64xf32>
    %logistic3A_1043 = math.exp %logistic3A_1042 : vector<1x64xf32>
    %logistic3A_1044 = arith.constant 1.000000e+00 : f32
    %logistic3A_1045 = vector.broadcast %logistic3A_1044 : f32 to vector<1x64xf32>
    %logistic3A_1046 = arith.addf %logistic3A_1045, %logistic3A_1043 : vector<1x64xf32>
    %logistic3A_1047 = arith.divf %logistic3A_1045, %logistic3A_1046 : vector<1x64xf32>
    %slice3A_1048 = vector.extract_strided_slice %slice3A_1029 {offsets = [0, 64], sizes = [1, 64], strides = [1, 1]} : vector<1x192xf32> to vector<1x64xf32>
    %slice3A_1049 = vector.extract_strided_slice %add3A_1038 {offsets = [0, 64], sizes = [1, 64], strides = [1, 1]} : vector<1x192xf32> to vector<1x64xf32>
    %add3A_1050 = arith.addf %slice3A_1048, %slice3A_1049 : vector<1x64xf32>
    %logistic3A_1051 = arith.negf %add3A_1050 : vector<1x64xf32>
    %logistic3A_1052 = math.exp %logistic3A_1051 : vector<1x64xf32>
    %logistic3A_1053 = arith.constant 1.000000e+00 : f32
    %logistic3A_1054 = vector.broadcast %logistic3A_1053 : f32 to vector<1x64xf32>
    %logistic3A_1055 = arith.addf %logistic3A_1054, %logistic3A_1052 : vector<1x64xf32>
    %logistic3A_1056 = arith.divf %logistic3A_1054, %logistic3A_1055 : vector<1x64xf32>
    %slice3A_1057 = vector.extract_strided_slice %slice3A_1029 {offsets = [0, 128], sizes = [1, 64], strides = [1, 1]} : vector<1x192xf32> to vector<1x64xf32>
    %slice3A_1058 = vector.extract_strided_slice %add3A_1038 {offsets = [0, 128], sizes = [1, 64], strides = [1, 1]} : vector<1x192xf32> to vector<1x64xf32>
    %mul3A_1059 = arith.mulf %logistic3A_1047, %slice3A_1058 : vector<1x64xf32>
    %add3A_1060 = arith.addf %slice3A_1057, %mul3A_1059 : vector<1x64xf32>
    %tanh3A_1061 = math.tanh %add3A_1060 : vector<1x64xf32>
    %sub3A_1062 = arith.constant 1.000000e+00 : f32
    %sub3A_1063 = vector.broadcast %sub3A_1062 : f32 to vector<1x64xf32>
    %sub3A_1064 = arith.subf %sub3A_1063, %logistic3A_1056 : vector<1x64xf32>
    %mul3A_1065 = arith.mulf %sub3A_1064, %tanh3A_1061 : vector<1x64xf32>
    %mul3A_1066 = arith.mulf %logistic3A_1056, %add3A_1028 : vector<1x64xf32>
    %add3A_1067 = arith.addf %mul3A_1065, %mul3A_1066 : vector<1x64xf32>
    %slice3A_1068 = vector.extract_strided_slice %add3A_714 {offsets = [9, 0], sizes = [1, 192], strides = [1, 1]} : vector<15x192xf32> to vector<1x192xf32>
    %get3A_1069 = arith.constant 0 : index
    %get3A_1070 = arith.constant 0 : index
    %get3A_1071 = vector.load %arg8[%get3A_1069, %get3A_1070] : memref<64x192xf32, #tpu.memory_space<vmem>>, vector<64x192xf32>
    %dot_general3A_1072 = arith.constant dense<0.000000e+00> : vector<1x192xf32>
    %dot_general3A_1073 = tpu.matmul %add3A_1067, %get3A_1071, %dot_general3A_1072 {dimension_numbers = #tpu.dot_dimension_numbers<[1], [0], [0], [1], [0, 0, 1, 1], [], []>, transpose_lhs_hint = false} : vector<1x64xf32>, vector<64x192xf32>, vector<1x192xf32> -> vector<1x192xf32>
    %get3A_1074 = arith.constant 0 : index
    %get3A_1075 = arith.constant 0 : index
    %get3A_1076 = vector.load %arg10[%get3A_1074, %get3A_1075] : memref<1x192xf32, #tpu.memory_space<vmem>>, vector<1x192xf32>
    %add3A_1077 = arith.addf %dot_general3A_1073, %get3A_1076 : vector<1x192xf32>
    %slice3A_1078 = vector.extract_strided_slice %slice3A_1068 {offsets = [0, 0], sizes = [1, 64], strides = [1, 1]} : vector<1x192xf32> to vector<1x64xf32>
    %slice3A_1079 = vector.extract_strided_slice %add3A_1077 {offsets = [0, 0], sizes = [1, 64], strides = [1, 1]} : vector<1x192xf32> to vector<1x64xf32>
    %add3A_1080 = arith.addf %slice3A_1078, %slice3A_1079 : vector<1x64xf32>
    %logistic3A_1081 = arith.negf %add3A_1080 : vector<1x64xf32>
    %logistic3A_1082 = math.exp %logistic3A_1081 : vector<1x64xf32>
    %logistic3A_1083 = arith.constant 1.000000e+00 : f32
    %logistic3A_1084 = vector.broadcast %logistic3A_1083 : f32 to vector<1x64xf32>
    %logistic3A_1085 = arith.addf %logistic3A_1084, %logistic3A_1082 : vector<1x64xf32>
    %logistic3A_1086 = arith.divf %logistic3A_1084, %logistic3A_1085 : vector<1x64xf32>
    %slice3A_1087 = vector.extract_strided_slice %slice3A_1068 {offsets = [0, 64], sizes = [1, 64], strides = [1, 1]} : vector<1x192xf32> to vector<1x64xf32>
    %slice3A_1088 = vector.extract_strided_slice %add3A_1077 {offsets = [0, 64], sizes = [1, 64], strides = [1, 1]} : vector<1x192xf32> to vector<1x64xf32>
    %add3A_1089 = arith.addf %slice3A_1087, %slice3A_1088 : vector<1x64xf32>
    %logistic3A_1090 = arith.negf %add3A_1089 : vector<1x64xf32>
    %logistic3A_1091 = math.exp %logistic3A_1090 : vector<1x64xf32>
    %logistic3A_1092 = arith.constant 1.000000e+00 : f32
    %logistic3A_1093 = vector.broadcast %logistic3A_1092 : f32 to vector<1x64xf32>
    %logistic3A_1094 = arith.addf %logistic3A_1093, %logistic3A_1091 : vector<1x64xf32>
    %logistic3A_1095 = arith.divf %logistic3A_1093, %logistic3A_1094 : vector<1x64xf32>
    %slice3A_1096 = vector.extract_strided_slice %slice3A_1068 {offsets = [0, 128], sizes = [1, 64], strides = [1, 1]} : vector<1x192xf32> to vector<1x64xf32>
    %slice3A_1097 = vector.extract_strided_slice %add3A_1077 {offsets = [0, 128], sizes = [1, 64], strides = [1, 1]} : vector<1x192xf32> to vector<1x64xf32>
    %mul3A_1098 = arith.mulf %logistic3A_1086, %slice3A_1097 : vector<1x64xf32>
    %add3A_1099 = arith.addf %slice3A_1096, %mul3A_1098 : vector<1x64xf32>
    %tanh3A_1100 = math.tanh %add3A_1099 : vector<1x64xf32>
    %sub3A_1101 = arith.constant 1.000000e+00 : f32
    %sub3A_1102 = vector.broadcast %sub3A_1101 : f32 to vector<1x64xf32>
    %sub3A_1103 = arith.subf %sub3A_1102, %logistic3A_1095 : vector<1x64xf32>
    %mul3A_1104 = arith.mulf %sub3A_1103, %tanh3A_1100 : vector<1x64xf32>
    %mul3A_1105 = arith.mulf %logistic3A_1095, %add3A_1067 : vector<1x64xf32>
    %add3A_1106 = arith.addf %mul3A_1104, %mul3A_1105 : vector<1x64xf32>
    %slice3A_1107 = vector.extract_strided_slice %add3A_714 {offsets = [10, 0], sizes = [1, 192], strides = [1, 1]} : vector<15x192xf32> to vector<1x192xf32>
    %get3A_1108 = arith.constant 0 : index
    %get3A_1109 = arith.constant 0 : index
    %get3A_1110 = vector.load %arg8[%get3A_1108, %get3A_1109] : memref<64x192xf32, #tpu.memory_space<vmem>>, vector<64x192xf32>
    %dot_general3A_1111 = arith.constant dense<0.000000e+00> : vector<1x192xf32>
    %dot_general3A_1112 = tpu.matmul %add3A_1106, %get3A_1110, %dot_general3A_1111 {dimension_numbers = #tpu.dot_dimension_numbers<[1], [0], [0], [1], [0, 0, 1, 1], [], []>, transpose_lhs_hint = false} : vector<1x64xf32>, vector<64x192xf32>, vector<1x192xf32> -> vector<1x192xf32>
    %get3A_1113 = arith.constant 0 : index
    %get3A_1114 = arith.constant 0 : index
    %get3A_1115 = vector.load %arg10[%get3A_1113, %get3A_1114] : memref<1x192xf32, #tpu.memory_space<vmem>>, vector<1x192xf32>
    %add3A_1116 = arith.addf %dot_general3A_1112, %get3A_1115 : vector<1x192xf32>
    %slice3A_1117 = vector.extract_strided_slice %slice3A_1107 {offsets = [0, 0], sizes = [1, 64], strides = [1, 1]} : vector<1x192xf32> to vector<1x64xf32>
    %slice3A_1118 = vector.extract_strided_slice %add3A_1116 {offsets = [0, 0], sizes = [1, 64], strides = [1, 1]} : vector<1x192xf32> to vector<1x64xf32>
    %add3A_1119 = arith.addf %slice3A_1117, %slice3A_1118 : vector<1x64xf32>
    %logistic3A_1120 = arith.negf %add3A_1119 : vector<1x64xf32>
    %logistic3A_1121 = math.exp %logistic3A_1120 : vector<1x64xf32>
    %logistic3A_1122 = arith.constant 1.000000e+00 : f32
    %logistic3A_1123 = vector.broadcast %logistic3A_1122 : f32 to vector<1x64xf32>
    %logistic3A_1124 = arith.addf %logistic3A_1123, %logistic3A_1121 : vector<1x64xf32>
    %logistic3A_1125 = arith.divf %logistic3A_1123, %logistic3A_1124 : vector<1x64xf32>
    %slice3A_1126 = vector.extract_strided_slice %slice3A_1107 {offsets = [0, 64], sizes = [1, 64], strides = [1, 1]} : vector<1x192xf32> to vector<1x64xf32>
    %slice3A_1127 = vector.extract_strided_slice %add3A_1116 {offsets = [0, 64], sizes = [1, 64], strides = [1, 1]} : vector<1x192xf32> to vector<1x64xf32>
    %add3A_1128 = arith.addf %slice3A_1126, %slice3A_1127 : vector<1x64xf32>
    %logistic3A_1129 = arith.negf %add3A_1128 : vector<1x64xf32>
    %logistic3A_1130 = math.exp %logistic3A_1129 : vector<1x64xf32>
    %logistic3A_1131 = arith.constant 1.000000e+00 : f32
    %logistic3A_1132 = vector.broadcast %logistic3A_1131 : f32 to vector<1x64xf32>
    %logistic3A_1133 = arith.addf %logistic3A_1132, %logistic3A_1130 : vector<1x64xf32>
    %logistic3A_1134 = arith.divf %logistic3A_1132, %logistic3A_1133 : vector<1x64xf32>
    %slice3A_1135 = vector.extract_strided_slice %slice3A_1107 {offsets = [0, 128], sizes = [1, 64], strides = [1, 1]} : vector<1x192xf32> to vector<1x64xf32>
    %slice3A_1136 = vector.extract_strided_slice %add3A_1116 {offsets = [0, 128], sizes = [1, 64], strides = [1, 1]} : vector<1x192xf32> to vector<1x64xf32>
    %mul3A_1137 = arith.mulf %logistic3A_1125, %slice3A_1136 : vector<1x64xf32>
    %add3A_1138 = arith.addf %slice3A_1135, %mul3A_1137 : vector<1x64xf32>
    %tanh3A_1139 = math.tanh %add3A_1138 : vector<1x64xf32>
    %sub3A_1140 = arith.constant 1.000000e+00 : f32
    %sub3A_1141 = vector.broadcast %sub3A_1140 : f32 to vector<1x64xf32>
    %sub3A_1142 = arith.subf %sub3A_1141, %logistic3A_1134 : vector<1x64xf32>
    %mul3A_1143 = arith.mulf %sub3A_1142, %tanh3A_1139 : vector<1x64xf32>
    %mul3A_1144 = arith.mulf %logistic3A_1134, %add3A_1106 : vector<1x64xf32>
    %add3A_1145 = arith.addf %mul3A_1143, %mul3A_1144 : vector<1x64xf32>
    %slice3A_1146 = vector.extract_strided_slice %add3A_714 {offsets = [11, 0], sizes = [1, 192], strides = [1, 1]} : vector<15x192xf32> to vector<1x192xf32>
    %get3A_1147 = arith.constant 0 : index
    %get3A_1148 = arith.constant 0 : index
    %get3A_1149 = vector.load %arg8[%get3A_1147, %get3A_1148] : memref<64x192xf32, #tpu.memory_space<vmem>>, vector<64x192xf32>
    %dot_general3A_1150 = arith.constant dense<0.000000e+00> : vector<1x192xf32>
    %dot_general3A_1151 = tpu.matmul %add3A_1145, %get3A_1149, %dot_general3A_1150 {dimension_numbers = #tpu.dot_dimension_numbers<[1], [0], [0], [1], [0, 0, 1, 1], [], []>, transpose_lhs_hint = false} : vector<1x64xf32>, vector<64x192xf32>, vector<1x192xf32> -> vector<1x192xf32>
    %get3A_1152 = arith.constant 0 : index
    %get3A_1153 = arith.constant 0 : index
    %get3A_1154 = vector.load %arg10[%get3A_1152, %get3A_1153] : memref<1x192xf32, #tpu.memory_space<vmem>>, vector<1x192xf32>
    %add3A_1155 = arith.addf %dot_general3A_1151, %get3A_1154 : vector<1x192xf32>
    %slice3A_1156 = vector.extract_strided_slice %slice3A_1146 {offsets = [0, 0], sizes = [1, 64], strides = [1, 1]} : vector<1x192xf32> to vector<1x64xf32>
    %slice3A_1157 = vector.extract_strided_slice %add3A_1155 {offsets = [0, 0], sizes = [1, 64], strides = [1, 1]} : vector<1x192xf32> to vector<1x64xf32>
    %add3A_1158 = arith.addf %slice3A_1156, %slice3A_1157 : vector<1x64xf32>
    %logistic3A_1159 = arith.negf %add3A_1158 : vector<1x64xf32>
    %logistic3A_1160 = math.exp %logistic3A_1159 : vector<1x64xf32>
    %logistic3A_1161 = arith.constant 1.000000e+00 : f32
    %logistic3A_1162 = vector.broadcast %logistic3A_1161 : f32 to vector<1x64xf32>
    %logistic3A_1163 = arith.addf %logistic3A_1162, %logistic3A_1160 : vector<1x64xf32>
    %logistic3A_1164 = arith.divf %logistic3A_1162, %logistic3A_1163 : vector<1x64xf32>
    %slice3A_1165 = vector.extract_strided_slice %slice3A_1146 {offsets = [0, 64], sizes = [1, 64], strides = [1, 1]} : vector<1x192xf32> to vector<1x64xf32>
    %slice3A_1166 = vector.extract_strided_slice %add3A_1155 {offsets = [0, 64], sizes = [1, 64], strides = [1, 1]} : vector<1x192xf32> to vector<1x64xf32>
    %add3A_1167 = arith.addf %slice3A_1165, %slice3A_1166 : vector<1x64xf32>
    %logistic3A_1168 = arith.negf %add3A_1167 : vector<1x64xf32>
    %logistic3A_1169 = math.exp %logistic3A_1168 : vector<1x64xf32>
    %logistic3A_1170 = arith.constant 1.000000e+00 : f32
    %logistic3A_1171 = vector.broadcast %logistic3A_1170 : f32 to vector<1x64xf32>
    %logistic3A_1172 = arith.addf %logistic3A_1171, %logistic3A_1169 : vector<1x64xf32>
    %logistic3A_1173 = arith.divf %logistic3A_1171, %logistic3A_1172 : vector<1x64xf32>
    %slice3A_1174 = vector.extract_strided_slice %slice3A_1146 {offsets = [0, 128], sizes = [1, 64], strides = [1, 1]} : vector<1x192xf32> to vector<1x64xf32>
    %slice3A_1175 = vector.extract_strided_slice %add3A_1155 {offsets = [0, 128], sizes = [1, 64], strides = [1, 1]} : vector<1x192xf32> to vector<1x64xf32>
    %mul3A_1176 = arith.mulf %logistic3A_1164, %slice3A_1175 : vector<1x64xf32>
    %add3A_1177 = arith.addf %slice3A_1174, %mul3A_1176 : vector<1x64xf32>
    %tanh3A_1178 = math.tanh %add3A_1177 : vector<1x64xf32>
    %sub3A_1179 = arith.constant 1.000000e+00 : f32
    %sub3A_1180 = vector.broadcast %sub3A_1179 : f32 to vector<1x64xf32>
    %sub3A_1181 = arith.subf %sub3A_1180, %logistic3A_1173 : vector<1x64xf32>
    %mul3A_1182 = arith.mulf %sub3A_1181, %tanh3A_1178 : vector<1x64xf32>
    %mul3A_1183 = arith.mulf %logistic3A_1173, %add3A_1145 : vector<1x64xf32>
    %add3A_1184 = arith.addf %mul3A_1182, %mul3A_1183 : vector<1x64xf32>
    %slice3A_1185 = vector.extract_strided_slice %add3A_714 {offsets = [12, 0], sizes = [1, 192], strides = [1, 1]} : vector<15x192xf32> to vector<1x192xf32>
    %get3A_1186 = arith.constant 0 : index
    %get3A_1187 = arith.constant 0 : index
    %get3A_1188 = vector.load %arg8[%get3A_1186, %get3A_1187] : memref<64x192xf32, #tpu.memory_space<vmem>>, vector<64x192xf32>
    %dot_general3A_1189 = arith.constant dense<0.000000e+00> : vector<1x192xf32>
    %dot_general3A_1190 = tpu.matmul %add3A_1184, %get3A_1188, %dot_general3A_1189 {dimension_numbers = #tpu.dot_dimension_numbers<[1], [0], [0], [1], [0, 0, 1, 1], [], []>, transpose_lhs_hint = false} : vector<1x64xf32>, vector<64x192xf32>, vector<1x192xf32> -> vector<1x192xf32>
    %get3A_1191 = arith.constant 0 : index
    %get3A_1192 = arith.constant 0 : index
    %get3A_1193 = vector.load %arg10[%get3A_1191, %get3A_1192] : memref<1x192xf32, #tpu.memory_space<vmem>>, vector<1x192xf32>
    %add3A_1194 = arith.addf %dot_general3A_1190, %get3A_1193 : vector<1x192xf32>
    %slice3A_1195 = vector.extract_strided_slice %slice3A_1185 {offsets = [0, 0], sizes = [1, 64], strides = [1, 1]} : vector<1x192xf32> to vector<1x64xf32>
    %slice3A_1196 = vector.extract_strided_slice %add3A_1194 {offsets = [0, 0], sizes = [1, 64], strides = [1, 1]} : vector<1x192xf32> to vector<1x64xf32>
    %add3A_1197 = arith.addf %slice3A_1195, %slice3A_1196 : vector<1x64xf32>
    %logistic3A_1198 = arith.negf %add3A_1197 : vector<1x64xf32>
    %logistic3A_1199 = math.exp %logistic3A_1198 : vector<1x64xf32>
    %logistic3A_1200 = arith.constant 1.000000e+00 : f32
    %logistic3A_1201 = vector.broadcast %logistic3A_1200 : f32 to vector<1x64xf32>
    %logistic3A_1202 = arith.addf %logistic3A_1201, %logistic3A_1199 : vector<1x64xf32>
    %logistic3A_1203 = arith.divf %logistic3A_1201, %logistic3A_1202 : vector<1x64xf32>
    %slice3A_1204 = vector.extract_strided_slice %slice3A_1185 {offsets = [0, 64], sizes = [1, 64], strides = [1, 1]} : vector<1x192xf32> to vector<1x64xf32>
    %slice3A_1205 = vector.extract_strided_slice %add3A_1194 {offsets = [0, 64], sizes = [1, 64], strides = [1, 1]} : vector<1x192xf32> to vector<1x64xf32>
    %add3A_1206 = arith.addf %slice3A_1204, %slice3A_1205 : vector<1x64xf32>
    %logistic3A_1207 = arith.negf %add3A_1206 : vector<1x64xf32>
    %logistic3A_1208 = math.exp %logistic3A_1207 : vector<1x64xf32>
    %logistic3A_1209 = arith.constant 1.000000e+00 : f32
    %logistic3A_1210 = vector.broadcast %logistic3A_1209 : f32 to vector<1x64xf32>
    %logistic3A_1211 = arith.addf %logistic3A_1210, %logistic3A_1208 : vector<1x64xf32>
    %logistic3A_1212 = arith.divf %logistic3A_1210, %logistic3A_1211 : vector<1x64xf32>
    %slice3A_1213 = vector.extract_strided_slice %slice3A_1185 {offsets = [0, 128], sizes = [1, 64], strides = [1, 1]} : vector<1x192xf32> to vector<1x64xf32>
    %slice3A_1214 = vector.extract_strided_slice %add3A_1194 {offsets = [0, 128], sizes = [1, 64], strides = [1, 1]} : vector<1x192xf32> to vector<1x64xf32>
    %mul3A_1215 = arith.mulf %logistic3A_1203, %slice3A_1214 : vector<1x64xf32>
    %add3A_1216 = arith.addf %slice3A_1213, %mul3A_1215 : vector<1x64xf32>
    %tanh3A_1217 = math.tanh %add3A_1216 : vector<1x64xf32>
    %sub3A_1218 = arith.constant 1.000000e+00 : f32
    %sub3A_1219 = vector.broadcast %sub3A_1218 : f32 to vector<1x64xf32>
    %sub3A_1220 = arith.subf %sub3A_1219, %logistic3A_1212 : vector<1x64xf32>
    %mul3A_1221 = arith.mulf %sub3A_1220, %tanh3A_1217 : vector<1x64xf32>
    %mul3A_1222 = arith.mulf %logistic3A_1212, %add3A_1184 : vector<1x64xf32>
    %add3A_1223 = arith.addf %mul3A_1221, %mul3A_1222 : vector<1x64xf32>
    %slice3A_1224 = vector.extract_strided_slice %add3A_714 {offsets = [13, 0], sizes = [1, 192], strides = [1, 1]} : vector<15x192xf32> to vector<1x192xf32>
    %get3A_1225 = arith.constant 0 : index
    %get3A_1226 = arith.constant 0 : index
    %get3A_1227 = vector.load %arg8[%get3A_1225, %get3A_1226] : memref<64x192xf32, #tpu.memory_space<vmem>>, vector<64x192xf32>
    %dot_general3A_1228 = arith.constant dense<0.000000e+00> : vector<1x192xf32>
    %dot_general3A_1229 = tpu.matmul %add3A_1223, %get3A_1227, %dot_general3A_1228 {dimension_numbers = #tpu.dot_dimension_numbers<[1], [0], [0], [1], [0, 0, 1, 1], [], []>, transpose_lhs_hint = false} : vector<1x64xf32>, vector<64x192xf32>, vector<1x192xf32> -> vector<1x192xf32>
    %get3A_1230 = arith.constant 0 : index
    %get3A_1231 = arith.constant 0 : index
    %get3A_1232 = vector.load %arg10[%get3A_1230, %get3A_1231] : memref<1x192xf32, #tpu.memory_space<vmem>>, vector<1x192xf32>
    %add3A_1233 = arith.addf %dot_general3A_1229, %get3A_1232 : vector<1x192xf32>
    %slice3A_1234 = vector.extract_strided_slice %slice3A_1224 {offsets = [0, 0], sizes = [1, 64], strides = [1, 1]} : vector<1x192xf32> to vector<1x64xf32>
    %slice3A_1235 = vector.extract_strided_slice %add3A_1233 {offsets = [0, 0], sizes = [1, 64], strides = [1, 1]} : vector<1x192xf32> to vector<1x64xf32>
    %add3A_1236 = arith.addf %slice3A_1234, %slice3A_1235 : vector<1x64xf32>
    %logistic3A_1237 = arith.negf %add3A_1236 : vector<1x64xf32>
    %logistic3A_1238 = math.exp %logistic3A_1237 : vector<1x64xf32>
    %logistic3A_1239 = arith.constant 1.000000e+00 : f32
    %logistic3A_1240 = vector.broadcast %logistic3A_1239 : f32 to vector<1x64xf32>
    %logistic3A_1241 = arith.addf %logistic3A_1240, %logistic3A_1238 : vector<1x64xf32>
    %logistic3A_1242 = arith.divf %logistic3A_1240, %logistic3A_1241 : vector<1x64xf32>
    %slice3A_1243 = vector.extract_strided_slice %slice3A_1224 {offsets = [0, 64], sizes = [1, 64], strides = [1, 1]} : vector<1x192xf32> to vector<1x64xf32>
    %slice3A_1244 = vector.extract_strided_slice %add3A_1233 {offsets = [0, 64], sizes = [1, 64], strides = [1, 1]} : vector<1x192xf32> to vector<1x64xf32>
    %add3A_1245 = arith.addf %slice3A_1243, %slice3A_1244 : vector<1x64xf32>
    %logistic3A_1246 = arith.negf %add3A_1245 : vector<1x64xf32>
    %logistic3A_1247 = math.exp %logistic3A_1246 : vector<1x64xf32>
    %logistic3A_1248 = arith.constant 1.000000e+00 : f32
    %logistic3A_1249 = vector.broadcast %logistic3A_1248 : f32 to vector<1x64xf32>
    %logistic3A_1250 = arith.addf %logistic3A_1249, %logistic3A_1247 : vector<1x64xf32>
    %logistic3A_1251 = arith.divf %logistic3A_1249, %logistic3A_1250 : vector<1x64xf32>
    %slice3A_1252 = vector.extract_strided_slice %slice3A_1224 {offsets = [0, 128], sizes = [1, 64], strides = [1, 1]} : vector<1x192xf32> to vector<1x64xf32>
    %slice3A_1253 = vector.extract_strided_slice %add3A_1233 {offsets = [0, 128], sizes = [1, 64], strides = [1, 1]} : vector<1x192xf32> to vector<1x64xf32>
    %mul3A_1254 = arith.mulf %logistic3A_1242, %slice3A_1253 : vector<1x64xf32>
    %add3A_1255 = arith.addf %slice3A_1252, %mul3A_1254 : vector<1x64xf32>
    %tanh3A_1256 = math.tanh %add3A_1255 : vector<1x64xf32>
    %sub3A_1257 = arith.constant 1.000000e+00 : f32
    %sub3A_1258 = vector.broadcast %sub3A_1257 : f32 to vector<1x64xf32>
    %sub3A_1259 = arith.subf %sub3A_1258, %logistic3A_1251 : vector<1x64xf32>
    %mul3A_1260 = arith.mulf %sub3A_1259, %tanh3A_1256 : vector<1x64xf32>
    %mul3A_1261 = arith.mulf %logistic3A_1251, %add3A_1223 : vector<1x64xf32>
    %add3A_1262 = arith.addf %mul3A_1260, %mul3A_1261 : vector<1x64xf32>
    %slice3A_1263 = vector.extract_strided_slice %add3A_714 {offsets = [14, 0], sizes = [1, 192], strides = [1, 1]} : vector<15x192xf32> to vector<1x192xf32>
    %get3A_1264 = arith.constant 0 : index
    %get3A_1265 = arith.constant 0 : index
    %get3A_1266 = vector.load %arg8[%get3A_1264, %get3A_1265] : memref<64x192xf32, #tpu.memory_space<vmem>>, vector<64x192xf32>
    %dot_general3A_1267 = arith.constant dense<0.000000e+00> : vector<1x192xf32>
    %dot_general3A_1268 = tpu.matmul %add3A_1262, %get3A_1266, %dot_general3A_1267 {dimension_numbers = #tpu.dot_dimension_numbers<[1], [0], [0], [1], [0, 0, 1, 1], [], []>, transpose_lhs_hint = false} : vector<1x64xf32>, vector<64x192xf32>, vector<1x192xf32> -> vector<1x192xf32>
    %get3A_1269 = arith.constant 0 : index
    %get3A_1270 = arith.constant 0 : index
    %get3A_1271 = vector.load %arg10[%get3A_1269, %get3A_1270] : memref<1x192xf32, #tpu.memory_space<vmem>>, vector<1x192xf32>
    %add3A_1272 = arith.addf %dot_general3A_1268, %get3A_1271 : vector<1x192xf32>
    %slice3A_1273 = vector.extract_strided_slice %slice3A_1263 {offsets = [0, 0], sizes = [1, 64], strides = [1, 1]} : vector<1x192xf32> to vector<1x64xf32>
    %slice3A_1274 = vector.extract_strided_slice %add3A_1272 {offsets = [0, 0], sizes = [1, 64], strides = [1, 1]} : vector<1x192xf32> to vector<1x64xf32>
    %add3A_1275 = arith.addf %slice3A_1273, %slice3A_1274 : vector<1x64xf32>
    %logistic3A_1276 = arith.negf %add3A_1275 : vector<1x64xf32>
    %logistic3A_1277 = math.exp %logistic3A_1276 : vector<1x64xf32>
    %logistic3A_1278 = arith.constant 1.000000e+00 : f32
    %logistic3A_1279 = vector.broadcast %logistic3A_1278 : f32 to vector<1x64xf32>
    %logistic3A_1280 = arith.addf %logistic3A_1279, %logistic3A_1277 : vector<1x64xf32>
    %logistic3A_1281 = arith.divf %logistic3A_1279, %logistic3A_1280 : vector<1x64xf32>
    %slice3A_1282 = vector.extract_strided_slice %slice3A_1263 {offsets = [0, 64], sizes = [1, 64], strides = [1, 1]} : vector<1x192xf32> to vector<1x64xf32>
    %slice3A_1283 = vector.extract_strided_slice %add3A_1272 {offsets = [0, 64], sizes = [1, 64], strides = [1, 1]} : vector<1x192xf32> to vector<1x64xf32>
    %add3A_1284 = arith.addf %slice3A_1282, %slice3A_1283 : vector<1x64xf32>
    %logistic3A_1285 = arith.negf %add3A_1284 : vector<1x64xf32>
    %logistic3A_1286 = math.exp %logistic3A_1285 : vector<1x64xf32>
    %logistic3A_1287 = arith.constant 1.000000e+00 : f32
    %logistic3A_1288 = vector.broadcast %logistic3A_1287 : f32 to vector<1x64xf32>
    %logistic3A_1289 = arith.addf %logistic3A_1288, %logistic3A_1286 : vector<1x64xf32>
    %logistic3A_1290 = arith.divf %logistic3A_1288, %logistic3A_1289 : vector<1x64xf32>
    %slice3A_1291 = vector.extract_strided_slice %slice3A_1263 {offsets = [0, 128], sizes = [1, 64], strides = [1, 1]} : vector<1x192xf32> to vector<1x64xf32>
    %slice3A_1292 = vector.extract_strided_slice %add3A_1272 {offsets = [0, 128], sizes = [1, 64], strides = [1, 1]} : vector<1x192xf32> to vector<1x64xf32>
    %mul3A_1293 = arith.mulf %logistic3A_1281, %slice3A_1292 : vector<1x64xf32>
    %add3A_1294 = arith.addf %slice3A_1291, %mul3A_1293 : vector<1x64xf32>
    %tanh3A_1295 = math.tanh %add3A_1294 : vector<1x64xf32>
    %sub3A_1296 = arith.constant 1.000000e+00 : f32
    %sub3A_1297 = vector.broadcast %sub3A_1296 : f32 to vector<1x64xf32>
    %sub3A_1298 = arith.subf %sub3A_1297, %logistic3A_1290 : vector<1x64xf32>
    %mul3A_1299 = arith.mulf %sub3A_1298, %tanh3A_1295 : vector<1x64xf32>
    %mul3A_1300 = arith.mulf %logistic3A_1290, %add3A_1262 : vector<1x64xf32>
    %add3A_1301 = arith.addf %mul3A_1299, %mul3A_1300 : vector<1x64xf32>
    %concatenate3A_1302 = tpu.concatenate %add3A_755, %add3A_794, %add3A_833, %add3A_872, %add3A_911, %add3A_950, %add3A_989, %add3A_1028, %add3A_1067, %add3A_1106, %add3A_1145, %add3A_1184, %add3A_1223, %add3A_1262, %add3A_1301 in 0 : vector<1x64xf32>, vector<1x64xf32>, vector<1x64xf32>, vector<1x64xf32>, vector<1x64xf32>, vector<1x64xf32>, vector<1x64xf32>, vector<1x64xf32>, vector<1x64xf32>, vector<1x64xf32>, vector<1x64xf32>, vector<1x64xf32>, vector<1x64xf32>, vector<1x64xf32>, vector<1x64xf32> -> vector<15x64xf32>
    %swap3A = arith.constant 0 : index
    %swap3A_1303 = arith.constant 0 : index
    %swap3A_1304 = vector.load %arg11[%swap3A, %swap3A_1303] : memref<15x64xf32, #tpu.memory_space<vmem>>, vector<15x64xf32>
    tpu.vector_store %arg11[%swap3A, %swap3A_1303], %concatenate3A_1302 {strides = array<i32>} : memref<15x64xf32, #tpu.memory_space<vmem>>, vector<15x64xf32>,
    %concatenate3A_1305 = tpu.concatenate %add3A_703, %add3A_1301 in 0 : vector<1x64xf32>, vector<1x64xf32> -> vector<2x64xf32>
    %swap3A_1306 = arith.constant 0 : index
    %swap3A_1307 = arith.constant 0 : index
    %swap3A_1308 = vector.load %arg12[%swap3A_1306, %swap3A_1307] : memref<2x64xf32, #tpu.memory_space<vmem>>, vector<2x64xf32>
    tpu.vector_store %arg12[%swap3A_1306, %swap3A_1307], %concatenate3A_1305 {strides = array<i32>} : memref<2x64xf32, #tpu.memory_space<vmem>>, vector<2x64xf32>,
    return
  }
}

</mosaic_0001>

<sc_bundles>
// kernel: kernel.10.cloned.1.call-start
scs
__scs_entry_jumppad:
0x0: {  	(pc) =	sbr.rel $0x88, $3  }
0x1: {  	(tag) =	ssettag $0x0;
	lr =	simm.s32 $0x1  }
0x2: {  	[smem:$0x3F93] =	sst lr;
	_ =	strace $0xD0000000  }
0x3: {  	_ = 	snop  }
0x4: {  	_ = 	snop  }
0x5: {  	_ = 	snop  }
0x6: {  	_ = 	snop  }
0x7: {  	_ = 	snop  }
__scs_overlays_trampoline_lowered:
0x8: {  	[smem:$0x3FA2] =	sst s0  }
0x9: {  	[smem:$0x3FA3] =	sst s1  }
0xa: {  	[smem:$0x3FA4] =	sst s2  }
0xb: {  	[smem:$0x3FA5] =	sst s3  }
0xc: {  	[smem:$0x3FA6] =	sst s4  }
0xd: {  	[smem:$0x3FA7] =	sst s5  }
0xe: {  	[smem:$0x3FA8] =	sst s6  }
0xf: {  	[smem:$0x3FA9] =	sst s7  }
0x10: {  	[smem:$0x3FAA] =	sst s8  }
0x11: {  	[smem:$0x3FAB] =	sst s9;
	s0 =	simm.s32 @!p0 $0x0  }
0x12: {  	s1 =	sld [smem:$0x3F91];
	s0 =	simm.s32 @p0 $0x1  }
0x13: {  	[smem:$0x3FAC] =	sst s0;
	s0 =	simm.s32 @!p1 $0x0  }
0x14: {  	s2 =	sld [smem:$0x3F90];
	s0 =	simm.s32 @p1 $0x1  }
0x15: {  	[smem:$0x3FAD] =	sst s0;
	s0 =	simm.s32 @!p2 $0x0  }
0x16: {  	s3 =	sld [smem:$0x3FDB];
	s0 =	simm.s32 @p2 $0x1  }
0x17: {  	s4 =	simm.s32 $0x1BF5;
	[smem:$0x3FAF] =	sst s0  }
0x18: {  	s0 =	sld [smem:$0x3F92];
	_ =	swait.ge [sflag:s4], $0x0  }
0x19: {  	s7 =	sld [smem:$0x3F93]  }
0x1a: {  	s8 =	sadd.s32 $0xFFFFE003, lr  }
0x1b: {  	s9 =	sadd.s32 $0xFFFFFEF7, lr;
	s5 =	simm.s32 $0xFFFFFFFF;
	p2 =	slt.u32 s8, $0xFFFFF086  }
0x1c: {  	p1 =	slt.u32 s9, $0xF7A;
	s5 =	simm.s32 @!p2 $0x0  }
0x1d: {  	s5 =	simm.s32 @p1 $0x1;
	p0 =	seq.s32 s7, s2  }
0x1e: {  	s7 =	smul.u32 @!p0 $0xF7A, s2;
	p2 =	seq.s32 @!p0 s5, $0x0  }
0x1f: {  	s9 =	smul.u32 $0xF7A, s1;
	s8 =	simm.s32 @!p0 $0x1BF5;
	p2 =	por !p2, p0  }
0x20: {  	[sflag:s8] =	ssyncset.s32 @!p0 $0xFFFFF086;
	s6 =	sadd.s32 @!p0 s3, s7;
	s7 =	simm.s32 @!p0 $0x108  }
0x21: {  	s3 =	sadd.s32 s3, s9;
	s6 =	sadd.s32 @!p0 $0x88, s6;
	s7 =	simm.s32 @p2 $0x1082  }
0x22: {  	[simem:s7], [sflag:s8] =	dma.local @!p0 [hbm:s6], $0xF7A  }
0x23: {  	s9 =	sor.u32 $0xD0000000, s2;
	s6 =	simm.s32 $0x108;
	_ =	swait.ge @!p0 [sflag:s8], $0x0  }
0x24: {  	s3 =	sadd.s32 $0x88, s3;
	s6 =	simm.s32 @!p1 $0x1082;
	[sflag:s4] =	ssyncset.s32 $0xFFFFF086  }
0x25: {  	[simem:s6], [sflag:s4] =	dma.local [hbm:s3], $0xF7A  }
0x26: {  	[smem:$0x3F93] =	sst s1;
	(tag) =	ssettag s2;
	_ =	strace s9  }
0x27: {  	s1 =	sld [smem:$0x3FA3]  }
0x28: {  	s2 =	sld [smem:$0x3FA4]  }
0x29: {  	s4 =	sld [smem:$0x3FA6]  }
0x2a: {  	p0 =	seq.s32 s5, $0x0;
	s5 =	sld [smem:$0x3FA7]  }
0x2b: {  	s6 =	sld [smem:$0x3FA8]  }
0x2c: {  	s7 =	sld [smem:$0x3FA9]  }
0x2d: {  	s3 =	simm.s32 $0x108;
	s8 =	sld [smem:$0x3FAA]  }
0x2e: {  	s3 =	simm.s32 @!p0 $0x1082;
	s9 =	sld [smem:$0x3FAB]  }
0x2f: {  	lr =	sadd.s32 s0, s3;
	s0 =	sld [smem:$0x3FA2]  }
0x30: {  	s3 =	sld [smem:$0x3FA5]  }
0x31: {  	[smem:$0x3FAE] =	sst s10  }
0x32: {  	s10 =	sld [smem:$0x3FAC];
	_ =	sdelay $0x3  }
0x33: {  	p0 =	seq.s32 s10, $0x1;
	s10 =	sld [smem:$0x3FAE];
	_ =	sdelay $0x3  }
0x34: {  	[smem:$0x3FAE] =	sst s10  }
0x35: {  	s10 =	sld [smem:$0x3FAD];
	_ =	sdelay $0x3  }
0x36: {  	p1 =	seq.s32 s10, $0x1;
	s10 =	sld [smem:$0x3FAE];
	_ =	sdelay $0x3  }
0x37: {  	[smem:$0x3FAE] =	sst s10  }
0x38: {  	s10 =	sld [smem:$0x3FAF]  }
0x39: {  	_ = 	snop;
	(pc) =	sbr.ind lr, $3  }
0x3a: {  	_ = 	snop  }
0x3b: {  	_ = 	snop  }
0x3c: {  	p2 =	seq.s32 s10, $0x1;
	s10 =	sld [smem:$0x3FAE]  }
0x3d: {  	_ =	shalt  }
0x3e: {  	_ =	shalt  }
0x3f: {  	_ =	shalt  }
0x40: {  	_ =	shalt  }
0x41: {  	_ =	shalt  }
0x42: {  	_ =	shalt  }
0x43: {  	_ =	shalt  }
0x44: {  	_ =	shalt  }
0x45: {  	_ =	shalt  }
0x46: {  	_ =	shalt  }
0x47: {  	_ =	shalt  }
0x48: {  	_ =	shalt  }
0x49: {  	_ =	shalt  }
0x4a: {  	_ =	shalt  }
0x4b: {  	_ =	shalt  }
0x4c: {  	_ =	shalt  }
0x4d: {  	_ =	shalt  }
0x4e: {  	_ =	shalt  }
0x4f: {  	_ =	shalt  }
0x50: {  	_ =	shalt  }
0x51: {  	_ =	shalt  }
0x52: {  	_ =	shalt  }
0x53: {  	_ =	shalt  }
0x54: {  	_ =	shalt  }
0x55: {  	_ =	shalt  }
0x56: {  	_ =	shalt  }
0x57: {  	_ =	shalt  }
0x58: {  	_ =	shalt  }
0x59: {  	_ =	shalt  }
0x5a: {  	_ =	shalt  }
0x5b: {  	_ =	shalt  }
0x5c: {  	_ =	shalt  }
0x5d: {  	_ =	shalt  }
0x5e: {  	_ =	shalt  }
0x5f: {  	_ =	shalt  }
0x60: {  	_ =	shalt  }
0x61: {  	_ =	shalt  }
0x62: {  	_ =	shalt  }
0x63: {  	_ =	shalt  }
0x64: {  	_ =	shalt  }
0x65: {  	_ =	shalt  }
0x66: {  	_ =	shalt  }
0x67: {  	_ =	shalt  }
0x68: {  	_ =	shalt  }
0x69: {  	_ =	shalt  }
0x6a: {  	_ =	shalt  }
0x6b: {  	_ =	shalt  }
0x6c: {  	_ =	shalt  }
0x6d: {  	_ =	shalt  }
0x6e: {  	_ =	shalt  }
0x6f: {  	_ =	shalt  }
0x70: {  	_ =	shalt  }
0x71: {  	_ =	shalt  }
0x72: {  	_ =	shalt  }
0x73: {  	_ =	shalt  }
0x74: {  	_ =	shalt  }
0x75: {  	_ =	shalt  }
0x76: {  	_ =	shalt  }
0x77: {  	_ =	shalt  }
0x78: {  	_ =	shalt  }
0x79: {  	_ =	shalt  }
0x7a: {  	_ =	shalt  }
0x7b: {  	_ =	shalt  }
0x7c: {  	_ =	shalt  }
0x7d: {  	_ =	shalt  }
0x7e: {  	_ =	shalt  }
0x7f: {  	_ =	shalt  }
0x80: {  	_ =	shalt  }
0x81: {  	_ =	shalt  }
0x82: {  	_ =	shalt  }
0x83: {  	_ =	shalt  }
0x84: {  	_ =	shalt  }
0x85: {  	_ =	shalt  }
0x86: {  	_ =	shalt  }
0x87: {  	_ =	shalt  }
.Lfunc_end0:
.L_simem_size_0:
called_computation.1_lowered:
.L_overlay_start_0:
0x88: {  	s2 =	sld [smem:$0x3FD9]  }
0x89: {  	s3 =	sld [smem:$0x3FFE];
	_ =	sdelay $0x1  }
0x8a: {  	s1 =	srdreg.scid  }
0x8b: {  	s0 =	sand.u32 $0x1, s1  }
0x8c: {  	s14 =	sshll.u32 s0, $0xA;
	s2 =	sadd.s32 s3, s2  }
0x8d: {  	s2 =	sadd.s32 s2, s14  }
0x8e: {  	[smem:$0x3FBA] =	sst s2  }
0x8f: {  	_ = 	snop  }
0x90: {  	s2 =	sld [smem:$0x3FD0];
	_ =	sdelay $0x2  }
0x91: {  	s15 =	simm.s32 $0xA;
	s4 =	simm.s32 $0x10  }
0x92: {  	[smem:s4], [sflag:s15] =	dma.local [hbm:s2], $0x1  }
0x93: {  	_ =	swait.eq [sflag:s15], $0x1  }
0x94: {  	[sflag:s15] =	ssyncset.done $0x0  }
0x95: {  	[sflag:s15] =	ssyncadd.s32 $0xFFFFFFFF  }
0x96: {  	s16 =	sld [smem:$0x10];
	(tm) =	ssettm $0x1  }
0x97: {  	s17 =	sld [smem:$0x3FFB];
	_ =	sdelay $0x3  }
0x98: {  	_ =	strace s17  }
0x99: {  	s3 =	sld [smem:$0x3FFC];
	_ =	sdelay $0x3  }
0x9a: {  	_ =	strace s3  }
0x9b: {  	s3 =	sld [smem:$0x3FFD];
	_ =	sdelay $0x3  }
0x9c: {  	_ =	strace s3  }
0x9d: {  	_ =	strace $0x8FFFFFFF  }
0x9e: {  	s18 =	sld [smem:$0x3FDB];
	_ =	sdelay $0x1  }
0x9f: {  	s19 =	simm.s32 $_scs_section_size  }
0xa0: {  	s5 =	simm.s32 $_size__tile_overlayer_lowered;
	s6 =	simm.s32 $_tile_overlayer_lowered  }
0xa1: {  	s22 =	simm.s32 $0x1BFF;
	s21 =	sshll.u32 s6, $0x1;
	s3 =	sadd.s32 s19, s18  }
0xa2: {  	s7 =	simm.s32 $0x0;
	s20 =	sshll.u32 s5, $0x1;
	s5 =	sadd.s32 s21, s3  }
0xa3: {  	[timem:s7], [sflag:s22] =	dma.local [hbm:s5], s20  }
0xa4: {  	_ =	swait.ge [sflag:s22], s20  }
0xa5: {  	s4 =	ssub.s32 $0x0, s20;
	[sflag:s22] =	ssyncset.done $0x0  }
0xa6: {  	[sflag:s22] =	ssyncadd.s32 s4;
	_ =	sdelay $0x1  }
0xa7: {  	s23 =	simm.s32 $0x1B8B  }
0xa8: {  	_ =	swait.ge [sflag:s23], $0x1  }
0xa9: {  	[sflag:s23] =	ssyncset.done $0x0  }
0xaa: {  	s25 =	simm.s32 $0x1B8E;
	s24 =	sld [smem:$0x3FFE];
	[sflag:s23] =	ssyncadd.s32 $0xFFFFFFFF  }
0xab: {  	s26 =	simm.s32 $execute0_lowered;
	[smem:$0x3FD2] =	sst s25  }
0xac: {  	s5 =	sshll.u32 s26, $0x1;
	_ =	strace $0x80000049;
	[dreg:$0x1] =	wrdreg $0xFFFFFFFF  }
0xad: {  	s28 =	simm.s32 $_size_execute0_lowered;
	s3 =	sadd.s32 s3, s5;
	[dreg:$0x0] =	wrdreg $0x0  }
0xae: {  	s5 =	sshll.u32 s28, $0x1;
	[dreg:$0x2] =	wrdreg s3  }
0xaf: {  	[dreg:$0x3] =	wrdreg s5  }
0xb0: {  	[dreg:$0x4] =	wrdreg $0xC0  }
0xb1: {  	_ =	task [dreg:s7], $0x5FFFF  }
0xb2: {  	[dreg:$0x1] =	wrdreg $0xFFFFFFFF  }
0xb3: {  	[dreg:$0x0] =	wrdreg $0x60  }
0xb4: {  	[dreg:$0x2] =	wrdreg s24  }
0xb5: {  	[dreg:$0x3] =	wrdreg s16  }
0xb6: {  	[dreg:$0x4] =	wrdreg $0x140900  }
0xb7: {  	[dreg:$0x5] =	wrdreg $0x9  }
0xb8: {  	_ =	task.clear_ibuf [dreg:s7], $0x6FFFF;
	_ =	strace $0x90000049  }
0xb9: {  	s29 =	simm.s32 $0x9;
	_ =	strace $0x8000004B  }
0xba: {  	_ =	swait.ge [sflag:s29], $0x1  }
0xbb: {  	[sflag:s29] =	ssyncadd.s32 $0xFFFFFFFF  }
0xbc: {  	_ =	strace $0x9000004B  }
0xbd: {  	_ =	sfence  }
0xbe: {  	s30 =	sld [smem:$0x0];
	_ =	sdelay $0x2  }
0xbf: {  	s31 =	sshll.u32 s1, $0xD;
	s1 =	sshrl.u32 s1, $0x2  }
0xc0: {  	s3 =	sand.u32 $0x4000, s31;
	s1 =	sadd.s32 s1, s30  }
0xc1: {  	s0 =	sor.u32 s3, s0;
	s1 =	sshll.u32 s1, $0x11  }
0xc2: {  	s0 =	sor.u32 s1, s0  }
0xc3: {  	s0 =	sadd.s32 $0x8F2B, s0  }
0xc4: {  	[sflag:s0] =	ssyncadd.remote.s32 $0x1  }
0xc5: {  	_ =	sfence.sel $0xFFFF  }
0xc6: {  	[dreg:$0x0] =	wrdreg $0xFFFFFFFF;
	(pc) =	sbr.abs _section_cstart, $3  }
0xc7: {  	[dreg:$0x1] =	wrdreg $0xFFFFFFFF  }
0xc8: {  	_ =	task.clear_ibuf [dreg:s7], $0x2FFFF;
	_ =	strace $0x9FFFFFFF  }
0xc9: {  	(tm) =	ssettm $0x7FFFFFFF  }
tec
execute0_lowered:
.L_overlay_start_1:
0x0: {  	(tag) =	ssettag $0x1  }
0x1: {  	s0 =	rddreg [dreg:$0x0]  }
0x2: {  	s1 =	rddreg [dreg:$0x1];
	s2 =	srdreg.scid  }
0x3: {  	s8 =	rddreg [dreg:$0x2];
	s12 =	stileid.u32  }
0x4: {  	s18 =	simm.f32 $1.000000000e+00;
	s17 =	simm.s32 $0x3;
	s19 =	simm.s32 $0x4E20  }
0x5: {  	s20 =	simm.s32 $0x8CA0;
	s21 =	simm.s32 $0x6D60;
	s22 =	simm.s32 $0xABE0  }
0x6: {  	s29 =	simm.s32 $0x14050;
	s30 =	simm.s32 $0x0;
	s4 =	sand.u32 $0x1, s2  }
0x7: {  	s5 =	sshrl.u32 s12, $0x1;
	s2 =	simm.s32 $0x0;
	s11 =	sand.u32 $0x1, s12  }
0x8: {  	s3 =	sshll.u32 s4, $0x3;
	s6 =	sshll.u32 s4, $0x4;
	s14 =	smul.u32 $0x13880, s5  }
0x9: {  	[smem:$0x7FF] =	sst s2;
	s9 =	ssub.s32 $0x2, s4;
	s28 =	smul.u32 $0x27100, s11  }
0xa: {  	s4 =	sadd.s32 $0x16200, s0;
	p0 =	seq.s32 s11, $0x0;
	s31 =	smul.u32 $0x14, s11  }
0xb: {  	s10 =	sor.u32 s5, s3;
	s23 =	sor.u32 s12, s6;
	_ =	strace $0x8000004A  }
0xc: {  	s3 =	sadd.s32 $0x2800, s0;
	s12 =	smul.u32 $0x9C40, s12;
	s13 =	sshrl.u32 s9, $0x1  }
0xd: {  	s18 =	simm.s32 @!p0 $0x0;
	s24 =	sshll.u32 s10, $0x1;
	s7 =	smul.u32 $0x4E2, s23  }
0xe: {  	s16 =	ssub.s32 s9, s13;
	s26 =	sshrl.u32 s14, $0x2;
	s10 =	sshll.u32 s10, $0x3  }
0xf: {  	s13 =	sor.u32 $0x1, s31;
	s14 =	sor.u32 $0x2, s31;
	s23 =	simm.s32 $0x1  }
0x10: {  	s6 =	sor.u32 s11, s24;
	s25 =	sshrl.u32 s12, $0x2;
	s10 =	sadd.s32 s1, s10  }
0x11: {  	s16 =	smax.u32 s16, $0x1;
	s6 =	smul.u32 $0x4E2, s6;
	s7 =	sadd.s32 s7, s0  }
0x12: {  	s24 =	simm.s32 $0x2710;
	s5 =	sadd.s32 $0x20000, s7;
	s7 =	sadd.s32 s25, s8  }
0x13: {  	s15 =	sadd.s32 s6, s0;
	s6 =	sadd.s32 $0xC440, s0;
	s0 =	sshrl.u32 s28, $0x3  }
0x14: {  	s8 =	sadd.s32 s26, s8;
	s25 =	simm.s32 $0x2;
	s11 =	sadd.s32 s3, s0  }
0x15: {  	v0 =	vmov s18;
	s9 =	sadd.s32 $0x2710, s8;
	s15 =	sadd.s32 $0x29E00, s15;
	s12 =	sadd.s32 $0x9C40, s11  }
.LBB2_1:
0x16: {  	[tilespmem:s2], [sflag:$0x3] =	stream.linear.gather [hbm4b:s5+s2], $0x2710, $0x38;
	[tilespmem:$0x167A0] =	vst v63  }
0x17: {  	_ =	swait.ge [sflag:s17], $0x2710  }
0x18: {  	[sflag:s17] =	ssyncset.done $0x0  }
0x19: {  	s0 =	simm.s32 $0xCB20;
	[sflag:s17] =	ssyncadd.s32 $0xFFFFD8F0  }
0x1a: {  	[tilespmem:s0], [sflag:$0x3] =	stream.linear.gather [hbm4b:s4+s2], $0x2710, $0x38;
	[tilespmem:$0x167A0] =	vst v63  }
0x1b: {  	_ =	swait.ge [sflag:s17], $0x2710  }
0x1c: {  	[sflag:s17] =	ssyncset.done $0x0  }
0x1d: {  	s0 =	simm.s32 $0x0;
	[sflag:s17] =	ssyncadd.s32 $0xFFFFD8F0  }
0x1e: {  	v1 =	vld [tilespmem:s0+$0xCB20]  }
0x1f: {  	v2 =	vld [tilespmem:s0+$0x0];
	_ =	sdelay $0x4  }
0x20: {  	v1 =	vmul.f32 v1, v2  }
0x21: {  	s18 =	simm.s32 $0x10  }
0x22: {  	s1 =	simm.s32 $0x80;
	v2 =	vld [tilespmem:s18+$0xCB20];
	[tilespmem:s0+$0x0] =	vst v1  }
.LBB2_2:
0x23: {  	p0 =	sne.s32 s1, $0x9C00;
	v3 =	vld [tilespmem:s18+$0x0];
	[tilespmem:s0+$0x2710] =	vst v1;
	s0 =	smov.u32 s18;
	_ =	sdelay $0x2  }
.Ltmp0:
0x24: {  	(pc) =	sbr.rel @p0 .LBB2_2-.Ltmp0, $4  }
0x25: {  	_ = 	snop  }
0x26: {  	v1 =	vmul.f32 v2, v3  }
0x27: {  	s18 =	sshra.s32 s1, $0x2  }
0x28: {  	s1 =	sadd.s32 $0x40, s1;
	v2 =	vld [tilespmem:s18+$0xCB20];
	[tilespmem:s0+$0x0] =	vst v1  }
0x29: {  	v3 =	vld [tilespmem:s18+$0x0];
	_ =	sdelay $0x4  }
0x2a: {  	v2 =	vmul.f32 v2, v3  }
0x2b: {  	[tilespmem:s0+$0x2710] =	vst v1  }
0x2c: {  	[tilespmem:s18+$0x0] =	vst v2  }
0x2d: {  	s31 =	simm.s32 $0x0;
	[tilespmem:s18+$0x2710] =	vst v2  }
0x2e: {  	[tilespmem:s19], [sflag:$0x1] =	stream.linear.gather [hbm4b:s3+s31], $0x1F40, $0x38;
	[tilespmem:$0x167A0] =	vst v63  }
0x2f: {  	s0 =	simm.s32 $0x0  }
0x30: {  	[tilespmem:s20], [sflag:$0x1] =	stream.linear.gather [hbm4b:s6+s31], $0x1F40, $0x38;
	[tilespmem:$0x167A0] =	vst v63  }
.LBB2_4:
0x31: {  	s1 =	smul.u32 $0x3E80, s0;
	_ =	sdelay $0x1  }
0x32: {  	s18 =	sshrl.u32 s1, $0x3  }
0x33: {  	s18 =	sadd.s32 s3, s18  }
0x34: {  	s26 =	sadd.s32 $0x3E8, s18  }
0x35: {  	[tilespmem:s21], [sflag:$0x2] =	stream.linear.gather [hbm4b:s26+s31], $0x1F40, $0x38;
	[tilespmem:$0x167A0] =	vst v63  }
0x36: {  	s18 =	sadd.s32 $0xA028, s18  }
0x37: {  	[tilespmem:s22], [sflag:$0x2] =	stream.linear.gather [hbm4b:s18+s31], $0x1F40, $0x38;
	[tilespmem:$0x167A0] =	vst v63  }
0x38: {  	_ =	swait.ge [sflag:s23], $0x1F40  }
0x39: {  	[sflag:s23] =	ssyncset.done $0x0  }
0x3a: {  	[sflag:s23] =	ssyncadd.s32 $0xFFFFE0C0  }
0x3b: {  	_ =	swait.ge [sflag:s23], $0x1F40  }
0x3c: {  	[sflag:s23] =	ssyncset.done $0x0  }
0x3d: {  	s28 =	simm.s32 $0x0;
	[sflag:s23] =	ssyncadd.s32 $0xFFFFE0C0  }
0x3e: {  	v1 =	vld [tilespmem:s28+$0x8D20]  }
0x3f: {  	v5 =	vld [tilespmem:s28+$0x8CD0]  }
0x40: {  	v6 =	vld [tilespmem:s28+$0x8CB0]  }
0x41: {  	v7 =	vld [tilespmem:s28+$0x8CC0]  }
0x42: {  	v8 =	vld [tilespmem:s28+$0x8CE0]  }
0x43: {  	v9 =	vld [tilespmem:s28+$0x8D00]  }
0x44: {  	v2 =	vld [tilespmem:s28+$0x4EA0]  }
0x45: {  	v10 =	vld [tilespmem:s28+$0x8CF0]  }
0x46: {  	v4 =	vld [tilespmem:s28+$0x4EB0]  }
0x47: {  	v3 =	vld [tilespmem:s28+$0x4E50]  }
0x48: {  	v11 =	vld [tilespmem:s28+$0x4E70]  }
0x49: {  	v12 =	vld [tilespmem:s28+$0x4E60]  }
0x4a: {  	v13 =	vld [tilespmem:s28+$0x4E40]  }
0x4b: {  	v14 =	vld [tilespmem:s28+$0x4E90]  }
0x4c: {  	v15 =	vld [tilespmem:s28+$0x4E80]  }
0x4d: {  	v16 =	vld [tilespmem:s28+$0x4E30]  }
0x4e: {  	v17 =	vld [tilespmem:s28+$0x4E20]  }
0x4f: {  	v18 =	vld [tilespmem:s28+$0x8CA0]  }
0x50: {  	v20 =	vld [tilespmem:s28+$0x8D10]  }
0x51: {  	v2 =	vld.idx.msk [tilespmem:v2+s2+$0x0], $0xffff  }
0x52: {  	v19 =	vld.idx.msk [tilespmem:v3+s2+$0x0], $0xffff  }
0x53: {  	v13 =	vld.idx.msk [tilespmem:v13+s2+$0x0], $0xffff  }
0x54: {  	v12 =	vld.idx.msk [tilespmem:v12+s2+$0x0], $0xffff  }
0x55: {  	v3 =	vld [tilespmem:s28+$0x8D30]  }
0x56: {  	v16 =	vld.idx.msk [tilespmem:v16+s2+$0x0], $0xffff  }
0x57: {  	v17 =	vld.idx.msk [tilespmem:v17+s2+$0x0], $0xffff  }
0x58: {  	v14 =	vld.idx.msk [tilespmem:v14+s2+$0x0], $0xffff  }
0x59: {  	v15 =	vld.idx.msk [tilespmem:v15+s2+$0x0], $0xffff  }
0x5a: {  	v4 =	vld.idx.msk [tilespmem:v4+s2+$0x0], $0xffff  }
0x5b: {  	v11 =	vld.idx.msk [tilespmem:v11+s2+$0x0], $0xffff  }
0x5c: {  	[tilespmem:v18+s24+$0x0] =	vst.idx.add.f32.msk $0xffff, v17  }
0x5d: {  	[tilespmem:v6+s24+$0x0] =	vst.idx.add.f32.msk $0xffff, v16  }
0x5e: {  	[tilespmem:v7+s24+$0x0] =	vst.idx.add.f32.msk $0xffff, v13  }
0x5f: {  	[tilespmem:v5+s24+$0x0] =	vst.idx.add.f32.msk $0xffff, v19  }
0x60: {  	[tilespmem:v8+s24+$0x0] =	vst.idx.add.f32.msk $0xffff, v12  }
0x61: {  	[tilespmem:v10+s24+$0x0] =	vst.idx.add.f32.msk $0xffff, v11  }
0x62: {  	[tilespmem:v9+s24+$0x0] =	vst.idx.add.f32.msk $0xffff, v15  }
0x63: {  	s18 =	simm.s32 $0x280;
	[tilespmem:v20+s24+$0x0] =	vst.idx.add.f32.msk $0xffff, v14  }
.LBB2_5:
0x64: {  	s26 =	sshra.s32 s18, $0x2;
	p0 =	sne.s32 s18, $0x7A80;
	s18 =	sadd.s32 $0x280, s18;
	[tilespmem:v1+s24+$0x0] =	vst.idx.add.f32.msk $0xffff, v2  }
0x65: {  	[tilespmem:v3+s24+$0x0] =	vst.idx.add.f32.msk $0xffff, v4  }
0x66: {  	v1 =	vld [tilespmem:s26+$0x8D20]  }
0x67: {  	v5 =	vld [tilespmem:s26+$0x8CD0]  }
0x68: {  	v6 =	vld [tilespmem:s26+$0x8CB0]  }
0x69: {  	v7 =	vld [tilespmem:s26+$0x8CC0]  }
0x6a: {  	v8 =	vld [tilespmem:s26+$0x8CE0]  }
0x6b: {  	v9 =	vld [tilespmem:s26+$0x8D00]  }
0x6c: {  	v2 =	vld [tilespmem:s26+$0x4EA0]  }
0x6d: {  	v10 =	vld [tilespmem:s26+$0x8CF0]  }
0x6e: {  	v4 =	vld [tilespmem:s26+$0x4EB0]  }
0x6f: {  	v3 =	vld [tilespmem:s26+$0x4E50]  }
0x70: {  	v11 =	vld [tilespmem:s26+$0x4E70]  }
0x71: {  	v12 =	vld [tilespmem:s26+$0x4E60]  }
0x72: {  	v13 =	vld [tilespmem:s26+$0x4E40]  }
0x73: {  	v14 =	vld [tilespmem:s26+$0x4E90]  }
0x74: {  	v15 =	vld [tilespmem:s26+$0x4E80]  }
0x75: {  	v16 =	vld [tilespmem:s26+$0x4E30]  }
0x76: {  	v17 =	vld [tilespmem:s26+$0x4E20]  }
0x77: {  	v18 =	vld [tilespmem:s26+$0x8CA0]  }
0x78: {  	v2 =	vld.idx.msk [tilespmem:v2+s2+$0x0], $0xffff  }
0x79: {  	v19 =	vld.idx.msk [tilespmem:v3+s2+$0x0], $0xffff  }
0x7a: {  	v13 =	vld.idx.msk [tilespmem:v13+s2+$0x0], $0xffff  }
0x7b: {  	v12 =	vld.idx.msk [tilespmem:v12+s2+$0x0], $0xffff  }
0x7c: {  	v3 =	vld [tilespmem:s26+$0x8D30]  }
0x7d: {  	v16 =	vld.idx.msk [tilespmem:v16+s2+$0x0], $0xffff  }
0x7e: {  	v17 =	vld.idx.msk [tilespmem:v17+s2+$0x0], $0xffff  }
0x7f: {  	v14 =	vld.idx.msk [tilespmem:v14+s2+$0x0], $0xffff  }
0x80: {  	v20 =	vld [tilespmem:s26+$0x8D10]  }
0x81: {  	v15 =	vld.idx.msk [tilespmem:v15+s2+$0x0], $0xffff  }
0x82: {  	v4 =	vld.idx.msk [tilespmem:v4+s2+$0x0], $0xffff  }
0x83: {  	v11 =	vld.idx.msk [tilespmem:v11+s2+$0x0], $0xffff  }
0x84: {  	[tilespmem:v18+s24+$0x0] =	vst.idx.add.f32.msk $0xffff, v17  }
0x85: {  	[tilespmem:v6+s24+$0x0] =	vst.idx.add.f32.msk $0xffff, v16  }
0x86: {  	[tilespmem:v7+s24+$0x0] =	vst.idx.add.f32.msk $0xffff, v13  }
.Ltmp1:
0x87: {  	[tilespmem:v5+s24+$0x0] =	vst.idx.add.f32.msk $0xffff, v19;
	(pc) =	sbr.rel @p0 .LBB2_5-.Ltmp1, $4  }
0x88: {  	[tilespmem:v8+s24+$0x0] =	vst.idx.add.f32.msk $0xffff, v12  }
0x89: {  	[tilespmem:v10+s24+$0x0] =	vst.idx.add.f32.msk $0xffff, v11  }
0x8a: {  	[tilespmem:v9+s24+$0x0] =	vst.idx.add.f32.msk $0xffff, v15  }
0x8b: {  	[tilespmem:v20+s24+$0x0] =	vst.idx.add.f32.msk $0xffff, v14  }
0x8c: {  	_ =	sdelay $0x1  }
0x8d: {  	p0 =	seq.s32 s0, $0x13  }
0x8e: {  	s1 =	sshrl.u32 @!p0 s1, $0x3  }
0x8f: {  	[tilespmem:v1+s24+$0x0] =	vst.idx.add.f32.msk $0xffff, v2;
	s1 =	sadd.s32 @!p0 s3, s1  }
0x90: {  	[tilespmem:v3+s24+$0x0] =	vst.idx.add.f32.msk $0xffff, v4;
	s26 =	simm.s32 @!p0 $0x0;
	s28 =	simm.s32 @!p0 $0x4E20;
	s18 =	sadd.s32 @!p0 $0x7D0, s1  }
0x91: {  	[tilespmem:s28], [sflag:$0x1] =	stream.linear.gather @!p0 [hbm4b:s18+s26], $0x1F40, $0x38;
	[tilespmem:$0x167A0] =	vst v63  }
0x92: {  	s1 =	sadd.s32 @!p0 $0xA410, s1;
	s18 =	simm.s32 @!p0 $0x8CA0  }
0x93: {  	[tilespmem:s18], [sflag:$0x1] =	stream.linear.gather @!p0 [hbm4b:s1+s26], $0x1F40, $0x38;
	[tilespmem:$0x167A0] =	vst v63  }
0x94: {  	_ =	swait.ge [sflag:s25], $0x1F40  }
0x95: {  	[sflag:s25] =	ssyncset.done $0x0  }
0x96: {  	[sflag:s25] =	ssyncadd.s32 $0xFFFFE0C0  }
0x97: {  	_ =	swait.ge [sflag:s25], $0x1F40  }
0x98: {  	[sflag:s25] =	ssyncset.done $0x0  }
0x99: {  	s28 =	simm.s32 $0x0;
	[sflag:s25] =	ssyncadd.s32 $0xFFFFE0C0  }
0x9a: {  	v1 =	vld [tilespmem:s28+$0xAC60]  }
0x9b: {  	v5 =	vld [tilespmem:s28+$0xAC10]  }
0x9c: {  	v6 =	vld [tilespmem:s28+$0xABF0]  }
0x9d: {  	v7 =	vld [tilespmem:s28+$0xAC00]  }
0x9e: {  	v8 =	vld [tilespmem:s28+$0xAC20]  }
0x9f: {  	v9 =	vld [tilespmem:s28+$0xAC40]  }
0xa0: {  	v2 =	vld [tilespmem:s28+$0x6DE0]  }
0xa1: {  	v10 =	vld [tilespmem:s28+$0xAC30]  }
0xa2: {  	v4 =	vld [tilespmem:s28+$0x6DF0]  }
0xa3: {  	v3 =	vld [tilespmem:s28+$0x6D90]  }
0xa4: {  	v11 =	vld [tilespmem:s28+$0x6DB0]  }
0xa5: {  	v12 =	vld [tilespmem:s28+$0x6DA0]  }
0xa6: {  	v13 =	vld [tilespmem:s28+$0x6D80]  }
0xa7: {  	v14 =	vld [tilespmem:s28+$0x6DD0]  }
0xa8: {  	v15 =	vld [tilespmem:s28+$0x6DC0]  }
0xa9: {  	v16 =	vld [tilespmem:s28+$0x6D70]  }
0xaa: {  	v17 =	vld [tilespmem:s28+$0x6D60]  }
0xab: {  	v18 =	vld [tilespmem:s28+$0xABE0]  }
0xac: {  	v20 =	vld [tilespmem:s28+$0xAC50]  }
0xad: {  	v2 =	vld.idx.msk [tilespmem:v2+s2+$0x0], $0xffff  }
0xae: {  	v19 =	vld.idx.msk [tilespmem:v3+s2+$0x0], $0xffff  }
0xaf: {  	v13 =	vld.idx.msk [tilespmem:v13+s2+$0x0], $0xffff  }
0xb0: {  	v12 =	vld.idx.msk [tilespmem:v12+s2+$0x0], $0xffff  }
0xb1: {  	v3 =	vld [tilespmem:s28+$0xAC70]  }
0xb2: {  	v16 =	vld.idx.msk [tilespmem:v16+s2+$0x0], $0xffff  }
0xb3: {  	v17 =	vld.idx.msk [tilespmem:v17+s2+$0x0], $0xffff  }
0xb4: {  	v14 =	vld.idx.msk [tilespmem:v14+s2+$0x0], $0xffff  }
0xb5: {  	v15 =	vld.idx.msk [tilespmem:v15+s2+$0x0], $0xffff  }
0xb6: {  	v4 =	vld.idx.msk [tilespmem:v4+s2+$0x0], $0xffff  }
0xb7: {  	v11 =	vld.idx.msk [tilespmem:v11+s2+$0x0], $0xffff  }
0xb8: {  	[tilespmem:v18+s24+$0x0] =	vst.idx.add.f32.msk $0xffff, v17  }
0xb9: {  	[tilespmem:v6+s24+$0x0] =	vst.idx.add.f32.msk $0xffff, v16  }
0xba: {  	[tilespmem:v7+s24+$0x0] =	vst.idx.add.f32.msk $0xffff, v13  }
0xbb: {  	[tilespmem:v5+s24+$0x0] =	vst.idx.add.f32.msk $0xffff, v19  }
0xbc: {  	[tilespmem:v8+s24+$0x0] =	vst.idx.add.f32.msk $0xffff, v12  }
0xbd: {  	[tilespmem:v10+s24+$0x0] =	vst.idx.add.f32.msk $0xffff, v11  }
0xbe: {  	[tilespmem:v9+s24+$0x0] =	vst.idx.add.f32.msk $0xffff, v15  }
0xbf: {  	s1 =	simm.s32 $0x280;
	[tilespmem:v20+s24+$0x0] =	vst.idx.add.f32.msk $0xffff, v14  }
.LBB2_7:
0xc0: {  	s18 =	sshra.s32 s1, $0x2;
	p0 =	sne.s32 s1, $0x7A80;
	s1 =	sadd.s32 $0x280, s1;
	[tilespmem:v1+s24+$0x0] =	vst.idx.add.f32.msk $0xffff, v2  }
0xc1: {  	[tilespmem:v3+s24+$0x0] =	vst.idx.add.f32.msk $0xffff, v4  }
0xc2: {  	v1 =	vld [tilespmem:s18+$0xAC60]  }
0xc3: {  	v5 =	vld [tilespmem:s18+$0xAC10]  }
0xc4: {  	v6 =	vld [tilespmem:s18+$0xABF0]  }
0xc5: {  	v7 =	vld [tilespmem:s18+$0xAC00]  }
0xc6: {  	v8 =	vld [tilespmem:s18+$0xAC20]  }
0xc7: {  	v9 =	vld [tilespmem:s18+$0xAC40]  }
0xc8: {  	v2 =	vld [tilespmem:s18+$0x6DE0]  }
0xc9: {  	v10 =	vld [tilespmem:s18+$0xAC30]  }
0xca: {  	v4 =	vld [tilespmem:s18+$0x6DF0]  }
0xcb: {  	v3 =	vld [tilespmem:s18+$0x6D90]  }
0xcc: {  	v11 =	vld [tilespmem:s18+$0x6DB0]  }
0xcd: {  	v12 =	vld [tilespmem:s18+$0x6DA0]  }
0xce: {  	v13 =	vld [tilespmem:s18+$0x6D80]  }
0xcf: {  	v14 =	vld [tilespmem:s18+$0x6DD0]  }
0xd0: {  	v15 =	vld [tilespmem:s18+$0x6DC0]  }
0xd1: {  	v16 =	vld [tilespmem:s18+$0x6D70]  }
0xd2: {  	v17 =	vld [tilespmem:s18+$0x6D60]  }
0xd3: {  	v18 =	vld [tilespmem:s18+$0xABE0]  }
0xd4: {  	v2 =	vld.idx.msk [tilespmem:v2+s2+$0x0], $0xffff  }
0xd5: {  	v19 =	vld.idx.msk [tilespmem:v3+s2+$0x0], $0xffff  }
0xd6: {  	v13 =	vld.idx.msk [tilespmem:v13+s2+$0x0], $0xffff  }
0xd7: {  	v12 =	vld.idx.msk [tilespmem:v12+s2+$0x0], $0xffff  }
0xd8: {  	v3 =	vld [tilespmem:s18+$0xAC70]  }
0xd9: {  	v16 =	vld.idx.msk [tilespmem:v16+s2+$0x0], $0xffff  }
0xda: {  	v17 =	vld.idx.msk [tilespmem:v17+s2+$0x0], $0xffff  }
0xdb: {  	v14 =	vld.idx.msk [tilespmem:v14+s2+$0x0], $0xffff  }
0xdc: {  	v20 =	vld [tilespmem:s18+$0xAC50]  }
0xdd: {  	v15 =	vld.idx.msk [tilespmem:v15+s2+$0x0], $0xffff  }
0xde: {  	v4 =	vld.idx.msk [tilespmem:v4+s2+$0x0], $0xffff  }
0xdf: {  	v11 =	vld.idx.msk [tilespmem:v11+s2+$0x0], $0xffff  }
0xe0: {  	[tilespmem:v18+s24+$0x0] =	vst.idx.add.f32.msk $0xffff, v17  }
0xe1: {  	[tilespmem:v6+s24+$0x0] =	vst.idx.add.f32.msk $0xffff, v16  }
0xe2: {  	[tilespmem:v7+s24+$0x0] =	vst.idx.add.f32.msk $0xffff, v13  }
.Ltmp2:
0xe3: {  	[tilespmem:v5+s24+$0x0] =	vst.idx.add.f32.msk $0xffff, v19;
	(pc) =	sbr.rel @p0 .LBB2_7-.Ltmp2, $4  }
0xe4: {  	[tilespmem:v8+s24+$0x0] =	vst.idx.add.f32.msk $0xffff, v12  }
0xe5: {  	[tilespmem:v10+s24+$0x0] =	vst.idx.add.f32.msk $0xffff, v11  }
0xe6: {  	[tilespmem:v9+s24+$0x0] =	vst.idx.add.f32.msk $0xffff, v15  }
0xe7: {  	[tilespmem:v20+s24+$0x0] =	vst.idx.add.f32.msk $0xffff, v14  }
0xe8: {  	s0 =	sadd.s32 $0x1, s0  }
0xe9: {  	p0 =	sne.s32 s0, $0x14  }
.Ltmp3:
0xea: {  	_ = 	snop;
	(pc) =	sbr.rel @p0 .LBB2_4-.Ltmp3, $3  }
0xeb: {  	_ =	sdelay $0x1  }
0xec: {  	[tilespmem:v1+s24+$0x0] =	vst.idx.add.f32.msk $0xffff, v2  }
0xed: {  	[tilespmem:v3+s24+$0x0] =	vst.idx.add.f32.msk $0xffff, v4  }
0xee: {  	[spmem:s7] =	stream.linear.scatter [tilespmem:s24], [sflag:$0x3], $0x2710, $0x38;
	[tilespmem:$0x167A0] =	vst v63  }
0xef: {  	_ =	swait.ge [sflag:s17], $0x2710  }
0xf0: {  	[sflag:s17] =	ssyncset.done $0x0  }
0xf1: {  	[sflag:s17] =	ssyncadd.s32 $0xFFFFD8F0  }
0xf2: {  	s0 =	simm.s32 $0xF230;
	[bflag:$0x0] =	sbarrier.arrive $0xFFFF  }
0xf3: {  	[tilespmem:s0], [sflag:$0x3] =	stream.linear.gather [spmem:s8], $0x2710, $0x38;
	[tilespmem:$0x167A0] =	vst v63  }
0xf4: {  	_ =	swait.ge [sflag:s17], $0x2710  }
0xf5: {  	[sflag:s17] =	ssyncset.done $0x0  }
0xf6: {  	s26 =	simm.s32 $0x11940;
	[sflag:s17] =	ssyncadd.s32 $0xFFFFD8F0  }
0xf7: {  	[tilespmem:s26], [sflag:$0x3] =	stream.linear.gather [spmem:s9], $0x2710, $0x38;
	[tilespmem:$0x167A0] =	vst v63  }
0xf8: {  	_ =	swait.ge [sflag:s17], $0x2710  }
0xf9: {  	[sflag:s17] =	ssyncset.done $0x0  }
0xfa: {  	s28 =	simm.s32 $0x0;
	[sflag:s17] =	ssyncadd.s32 $0xFFFFD8F0  }
0xfb: {  	[tilespmem:s29], [sflag:$0x3] =	stream.linear.gather [hbm4b:s10+s28], $0x40, $0x38;
	[tilespmem:$0x167A0] =	vst v63  }
0xfc: {  	_ =	swait.ge [sflag:s17], $0x40  }
0xfd: {  	[sflag:s17] =	ssyncset.done $0x0  }
0xfe: {  	[sflag:s17] =	ssyncadd.s32 $0xFFFFFFC0  }
0xff: {  	s0 =	simm.s32 $0x0;
	v1 =	vld [tilespmem:$0x14050]  }
0x100: {  	v4 =	vld [tilespmem:s0+$0xCB20]  }
0x101: {  	v7 =	vld [tilespmem:s0+$0xF230]  }
0x102: {  	v8 =	vld [tilespmem:s0+$0x11940]  }
0x103: {  	v5 =	vld [tilespmem:$0x14070]  }
0x104: {  	v6 =	vld [tilespmem:$0x14080]  }
0x105: {  	s1 =	simm.s32 $0x10;
	v2 =	vld [tilespmem:$0x14060]  }
0x106: {  	v3 =	vld [tilespmem:s1+$0xCB20];
	v7 =	vmul.f32 v7, v4  }
0x107: {  	v9 =	vld [tilespmem:s1+$0xF230];
	v8 =	vmul.f32 v8, v4  }
0x108: {  	v10 =	vld [tilespmem:s1+$0x11940];
	v7 =	vadd.f32 v7, v5  }
0x109: {  	v8 =	vadd.f32 v8, v6  }
0x10a: {  	s18 =	simm.s32 $0x20;
	v7 =	vmax.f32 v7, $0.0e+00  }
0x10b: {  	v8 =	vmax.f32 v8, $0.0e+00;
	v12 =	vmul.f32 v7, v1;
	v7 =	vld [tilespmem:s18+$0xCB20]  }
0x10c: {  	v9 =	vmul.f32 v9, v3;
	v13 =	vmul.f32 v8, v2;
	v8 =	vld [tilespmem:s18+$0xF230]  }
0x10d: {  	v14 =	vmul.f32 v10, v3  }
0x10e: {  	v11 =	vadd.f32 v9, v5;
	v9 =	vld [tilespmem:s18+$0x11940];
	v10 =	vadd.f32 v13, v12  }
0x10f: {  	s31 =	simm.s32 $0xC0;
	v12 =	vadd.f32 v14, v6  }
.LBB2_10:
0x110: {  	s26 =	sshra.s32 s31, $0x2;
	v11 =	vmax.f32 v11, $0.0e+00;
	v10 =	vmul.f32 v10, v4;
	v4 =	vmovc v3;
	v3 =	vmov v7;
	p0 =	sne.s32 s31, $0x9C00  }
.Ltmp4:
0x111: {  	v7 =	vld [tilespmem:s26+$0xCB20];
	v13 =	vmul.f32 v8, v3;
	v12 =	vmax.f32 v12, $0.0e+00;
	v14 =	vmul.f32 v11, v1;
	(pc) =	sbr.rel @p0 .LBB2_10-.Ltmp4, $4  }
0x112: {  	v8 =	vld [tilespmem:s26+$0xF230];
	v12 =	vmul.f32 v12, v2;
	[tilespmem:s0+$0x0] =	vst v10;
	v15 =	vmul.f32 v10, v0  }
0x113: {  	s31 =	sadd.s32 $0x40, s31;
	v16 =	vmul.f32 v9, v3  }
0x114: {  	v11 =	vadd.f32 v13, v5;
	v9 =	vld [tilespmem:s26+$0x11940];
	v10 =	vadd.f32 v12, v14;
	[tilespmem:s0+$0x2710] =	vst v15;
	s0 =	smov.u32 s1;
	s1 =	smov.u32 s18;
	s18 =	smov.u32 s26  }
0x115: {  	v12 =	vadd.f32 v16, v6  }
0x116: {  	_ =	sdelay $0x2  }
0x117: {  	v8 =	vmul.f32 v8, v7;
	v9 =	vmul.f32 v9, v7  }
0x118: {  	v11 =	vmax.f32 v11, $0.0e+00  }
0x119: {  	v12 =	vmax.f32 v12, $0.0e+00;
	v5 =	vadd.f32 v8, v5;
	v6 =	vadd.f32 v9, v6  }
0x11a: {  	v61 =	vmul.f32 v11, v1;
	v62 =	vmul.f32 v12, v2  }
0x11b: {  	v4 =	vmul.f32 v10, v4;
	v5 =	vmax.f32 v5, $0.0e+00;
	v6 =	vmax.f32 v6, $0.0e+00  }
0x11c: {  	v8 =	vadd.f32 v62, v61;
	v1 =	vmul.f32 v5, v1;
	v2 =	vmul.f32 v6, v2;
	_ =	sdelay $0x1  }
0x11d: {  	v63 =	vmul.f32 v4, v0;
	v3 =	vmul.f32 v8, v3;
	v1 =	vadd.f32 v2, v1  }
0x11e: {  	[tilespmem:s0+$0x0] =	vst v4  }
0x11f: {  	[tilespmem:s0+$0x2710] =	vst v63;
	v2 =	vmul.f32 v3, v0;
	v1 =	vmul.f32 v1, v7  }
0x120: {  	[tilespmem:s1+$0x0] =	vst v3  }
0x121: {  	[tilespmem:s1+$0x2710] =	vst v2;
	v2 =	vmul.f32 v1, v0  }
0x122: {  	[tilespmem:s18+$0x0] =	vst v1  }
0x123: {  	s31 =	simm.s32 $0x0;
	[tilespmem:s18+$0x2710] =	vst v2  }
0x124: {  	[tilespmem:s19], [sflag:$0x1] =	stream.linear.gather [hbm4b:s11+s31], $0x1F40, $0x38;
	[tilespmem:$0x167A0] =	vst v63  }
0x125: {  	s0 =	simm.s32 $0x0  }
0x126: {  	[tilespmem:s20], [sflag:$0x1] =	stream.linear.gather [hbm4b:s12+s31], $0x1F40, $0x38;
	[tilespmem:$0x167A0] =	vst v63  }
.LBB2_12:
0x127: {  	s1 =	sshll.u32 s0, $0x1  }
0x128: {  	s18 =	sadd.s32 s1, s13  }
0x129: {  	s18 =	smul.u32 $0x1F40, s18;
	_ =	sdelay $0x1  }
0x12a: {  	s18 =	sshrl.u32 s18, $0x3  }
0x12b: {  	s18 =	sadd.s32 s3, s18  }
0x12c: {  	[tilespmem:s21], [sflag:$0x2] =	stream.linear.gather [hbm4b:s18+s31], $0x1F40, $0x38;
	[tilespmem:$0x167A0] =	vst v63  }
0x12d: {  	s18 =	sadd.s32 $0x9C40, s18  }
0x12e: {  	[tilespmem:s22], [sflag:$0x2] =	stream.linear.gather [hbm4b:s18+s31], $0x1F40, $0x38;
	[tilespmem:$0x167A0] =	vst v63  }
0x12f: {  	_ =	swait.ge [sflag:s23], $0x1F40  }
0x130: {  	[sflag:s23] =	ssyncset.done $0x0  }
0x131: {  	[sflag:s23] =	ssyncadd.s32 $0xFFFFE0C0  }
0x132: {  	_ =	swait.ge [sflag:s23], $0x1F40  }
0x133: {  	[sflag:s23] =	ssyncset.done $0x0  }
0x134: {  	s28 =	simm.s32 $0x0;
	[sflag:s23] =	ssyncadd.s32 $0xFFFFE0C0  }
0x135: {  	v1 =	vld [tilespmem:s28+$0x8D20]  }
0x136: {  	v5 =	vld [tilespmem:s28+$0x8CD0]  }
0x137: {  	v6 =	vld [tilespmem:s28+$0x8CB0]  }
0x138: {  	v7 =	vld [tilespmem:s28+$0x8CC0]  }
0x139: {  	v8 =	vld [tilespmem:s28+$0x8CE0]  }
0x13a: {  	v9 =	vld [tilespmem:s28+$0x8D00]  }
0x13b: {  	v2 =	vld [tilespmem:s28+$0x4EA0]  }
0x13c: {  	v10 =	vld [tilespmem:s28+$0x8CF0]  }
0x13d: {  	v4 =	vld [tilespmem:s28+$0x4EB0]  }
0x13e: {  	v3 =	vld [tilespmem:s28+$0x4E50]  }
0x13f: {  	v11 =	vld [tilespmem:s28+$0x4E70]  }
0x140: {  	v12 =	vld [tilespmem:s28+$0x4E60]  }
0x141: {  	v13 =	vld [tilespmem:s28+$0x4E40]  }
0x142: {  	v14 =	vld [tilespmem:s28+$0x4E90]  }
0x143: {  	v15 =	vld [tilespmem:s28+$0x4E80]  }
0x144: {  	v16 =	vld [tilespmem:s28+$0x4E30]  }
0x145: {  	v17 =	vld [tilespmem:s28+$0x4E20]  }
0x146: {  	v18 =	vld [tilespmem:s28+$0x8CA0]  }
0x147: {  	v20 =	vld [tilespmem:s28+$0x8D10]  }
0x148: {  	v2 =	vld.idx.msk [tilespmem:v2+s2+$0x0], $0xffff  }
0x149: {  	v19 =	vld.idx.msk [tilespmem:v3+s2+$0x0], $0xffff  }
0x14a: {  	v13 =	vld.idx.msk [tilespmem:v13+s2+$0x0], $0xffff  }
0x14b: {  	v12 =	vld.idx.msk [tilespmem:v12+s2+$0x0], $0xffff  }
0x14c: {  	v3 =	vld [tilespmem:s28+$0x8D30]  }
0x14d: {  	v16 =	vld.idx.msk [tilespmem:v16+s2+$0x0], $0xffff  }
0x14e: {  	v17 =	vld.idx.msk [tilespmem:v17+s2+$0x0], $0xffff  }
0x14f: {  	v14 =	vld.idx.msk [tilespmem:v14+s2+$0x0], $0xffff  }
0x150: {  	v15 =	vld.idx.msk [tilespmem:v15+s2+$0x0], $0xffff  }
0x151: {  	v4 =	vld.idx.msk [tilespmem:v4+s2+$0x0], $0xffff  }
0x152: {  	v11 =	vld.idx.msk [tilespmem:v11+s2+$0x0], $0xffff  }
0x153: {  	[tilespmem:v18+s24+$0x0] =	vst.idx.add.f32.msk $0xffff, v17  }
0x154: {  	[tilespmem:v6+s24+$0x0] =	vst.idx.add.f32.msk $0xffff, v16  }
0x155: {  	[tilespmem:v7+s24+$0x0] =	vst.idx.add.f32.msk $0xffff, v13  }
0x156: {  	[tilespmem:v5+s24+$0x0] =	vst.idx.add.f32.msk $0xffff, v19  }
0x157: {  	[tilespmem:v8+s24+$0x0] =	vst.idx.add.f32.msk $0xffff, v12  }
0x158: {  	[tilespmem:v10+s24+$0x0] =	vst.idx.add.f32.msk $0xffff, v11  }
0x159: {  	[tilespmem:v9+s24+$0x0] =	vst.idx.add.f32.msk $0xffff, v15  }
0x15a: {  	s18 =	simm.s32 $0x280;
	[tilespmem:v20+s24+$0x0] =	vst.idx.add.f32.msk $0xffff, v14  }
.LBB2_13:
0x15b: {  	s26 =	sshra.s32 s18, $0x2;
	p0 =	sne.s32 s18, $0x7A80;
	s18 =	sadd.s32 $0x280, s18;
	[tilespmem:v1+s24+$0x0] =	vst.idx.add.f32.msk $0xffff, v2  }
0x15c: {  	[tilespmem:v3+s24+$0x0] =	vst.idx.add.f32.msk $0xffff, v4  }
0x15d: {  	v1 =	vld [tilespmem:s26+$0x8D20]  }
0x15e: {  	v5 =	vld [tilespmem:s26+$0x8CD0]  }
0x15f: {  	v6 =	vld [tilespmem:s26+$0x8CB0]  }
0x160: {  	v7 =	vld [tilespmem:s26+$0x8CC0]  }
0x161: {  	v8 =	vld [tilespmem:s26+$0x8CE0]  }
0x162: {  	v9 =	vld [tilespmem:s26+$0x8D00]  }
0x163: {  	v2 =	vld [tilespmem:s26+$0x4EA0]  }
0x164: {  	v10 =	vld [tilespmem:s26+$0x8CF0]  }
0x165: {  	v4 =	vld [tilespmem:s26+$0x4EB0]  }
0x166: {  	v3 =	vld [tilespmem:s26+$0x4E50]  }
0x167: {  	v11 =	vld [tilespmem:s26+$0x4E70]  }
0x168: {  	v12 =	vld [tilespmem:s26+$0x4E60]  }
0x169: {  	v13 =	vld [tilespmem:s26+$0x4E40]  }
0x16a: {  	v14 =	vld [tilespmem:s26+$0x4E90]  }
0x16b: {  	v15 =	vld [tilespmem:s26+$0x4E80]  }
0x16c: {  	v16 =	vld [tilespmem:s26+$0x4E30]  }
0x16d: {  	v17 =	vld [tilespmem:s26+$0x4E20]  }
0x16e: {  	v18 =	vld [tilespmem:s26+$0x8CA0]  }
0x16f: {  	v2 =	vld.idx.msk [tilespmem:v2+s2+$0x0], $0xffff  }
0x170: {  	v19 =	vld.idx.msk [tilespmem:v3+s2+$0x0], $0xffff  }
0x171: {  	v13 =	vld.idx.msk [tilespmem:v13+s2+$0x0], $0xffff  }
0x172: {  	v12 =	vld.idx.msk [tilespmem:v12+s2+$0x0], $0xffff  }
0x173: {  	v3 =	vld [tilespmem:s26+$0x8D30]  }
0x174: {  	v16 =	vld.idx.msk [tilespmem:v16+s2+$0x0], $0xffff  }
0x175: {  	v17 =	vld.idx.msk [tilespmem:v17+s2+$0x0], $0xffff  }
0x176: {  	v14 =	vld.idx.msk [tilespmem:v14+s2+$0x0], $0xffff  }
0x177: {  	v20 =	vld [tilespmem:s26+$0x8D10]  }
0x178: {  	v15 =	vld.idx.msk [tilespmem:v15+s2+$0x0], $0xffff  }
0x179: {  	v4 =	vld.idx.msk [tilespmem:v4+s2+$0x0], $0xffff  }
0x17a: {  	v11 =	vld.idx.msk [tilespmem:v11+s2+$0x0], $0xffff  }
0x17b: {  	[tilespmem:v18+s24+$0x0] =	vst.idx.add.f32.msk $0xffff, v17  }
0x17c: {  	[tilespmem:v6+s24+$0x0] =	vst.idx.add.f32.msk $0xffff, v16  }
0x17d: {  	[tilespmem:v7+s24+$0x0] =	vst.idx.add.f32.msk $0xffff, v13  }
.Ltmp5:
0x17e: {  	[tilespmem:v5+s24+$0x0] =	vst.idx.add.f32.msk $0xffff, v19;
	(pc) =	sbr.rel @p0 .LBB2_13-.Ltmp5, $4  }
0x17f: {  	[tilespmem:v8+s24+$0x0] =	vst.idx.add.f32.msk $0xffff, v12  }
0x180: {  	[tilespmem:v10+s24+$0x0] =	vst.idx.add.f32.msk $0xffff, v11  }
0x181: {  	[tilespmem:v9+s24+$0x0] =	vst.idx.add.f32.msk $0xffff, v15  }
0x182: {  	[tilespmem:v20+s24+$0x0] =	vst.idx.add.f32.msk $0xffff, v14  }
0x183: {  	p0 =	seq.s32 s0, $0x9  }
0x184: {  	s1 =	sadd.s32 @!p0 s1, s14  }
0x185: {  	s1 =	smul.u32 @!p0 $0x1F40, s1;
	_ =	sdelay $0x1  }
0x186: {  	[tilespmem:v1+s24+$0x0] =	vst.idx.add.f32.msk $0xffff, v2;
	s1 =	sshrl.u32 @!p0 s1, $0x3  }
0x187: {  	[tilespmem:v3+s24+$0x0] =	vst.idx.add.f32.msk $0xffff, v4;
	s18 =	simm.s32 @!p0 $0x0;
	s26 =	simm.s32 @!p0 $0x4E20;
	s1 =	sadd.s32 @!p0 s3, s1  }
0x188: {  	[tilespmem:s26], [sflag:$0x1] =	stream.linear.gather @!p0 [hbm4b:s1+s18], $0x1F40, $0x38;
	[tilespmem:$0x167A0] =	vst v63  }
0x189: {  	s1 =	sadd.s32 @!p0 $0x9C40, s1;
	s26 =	simm.s32 @!p0 $0x8CA0  }
0x18a: {  	[tilespmem:s26], [sflag:$0x1] =	stream.linear.gather @!p0 [hbm4b:s1+s18], $0x1F40, $0x38;
	[tilespmem:$0x167A0] =	vst v63  }
0x18b: {  	_ =	swait.ge [sflag:s25], $0x1F40  }
0x18c: {  	[sflag:s25] =	ssyncset.done $0x0  }
0x18d: {  	[sflag:s25] =	ssyncadd.s32 $0xFFFFE0C0  }
0x18e: {  	_ =	swait.ge [sflag:s25], $0x1F40  }
0x18f: {  	[sflag:s25] =	ssyncset.done $0x0  }
0x190: {  	s28 =	simm.s32 $0x0;
	[sflag:s25] =	ssyncadd.s32 $0xFFFFE0C0  }
0x191: {  	v1 =	vld [tilespmem:s28+$0xAC60]  }
0x192: {  	v5 =	vld [tilespmem:s28+$0xAC10]  }
0x193: {  	v6 =	vld [tilespmem:s28+$0xABF0]  }
0x194: {  	v7 =	vld [tilespmem:s28+$0xAC00]  }
0x195: {  	v8 =	vld [tilespmem:s28+$0xAC20]  }
0x196: {  	v9 =	vld [tilespmem:s28+$0xAC40]  }
0x197: {  	v2 =	vld [tilespmem:s28+$0x6DE0]  }
0x198: {  	v10 =	vld [tilespmem:s28+$0xAC30]  }
0x199: {  	v4 =	vld [tilespmem:s28+$0x6DF0]  }
0x19a: {  	v3 =	vld [tilespmem:s28+$0x6D90]  }
0x19b: {  	v11 =	vld [tilespmem:s28+$0x6DB0]  }
0x19c: {  	v12 =	vld [tilespmem:s28+$0x6DA0]  }
0x19d: {  	v13 =	vld [tilespmem:s28+$0x6D80]  }
0x19e: {  	v14 =	vld [tilespmem:s28+$0x6DD0]  }
0x19f: {  	v15 =	vld [tilespmem:s28+$0x6DC0]  }
0x1a0: {  	v16 =	vld [tilespmem:s28+$0x6D70]  }
0x1a1: {  	v17 =	vld [tilespmem:s28+$0x6D60]  }
0x1a2: {  	v18 =	vld [tilespmem:s28+$0xABE0]  }
0x1a3: {  	v20 =	vld [tilespmem:s28+$0xAC50]  }
0x1a4: {  	v2 =	vld.idx.msk [tilespmem:v2+s2+$0x0], $0xffff  }
0x1a5: {  	v19 =	vld.idx.msk [tilespmem:v3+s2+$0x0], $0xffff  }
0x1a6: {  	v13 =	vld.idx.msk [tilespmem:v13+s2+$0x0], $0xffff  }
0x1a7: {  	v12 =	vld.idx.msk [tilespmem:v12+s2+$0x0], $0xffff  }
0x1a8: {  	v3 =	vld [tilespmem:s28+$0xAC70]  }
0x1a9: {  	v16 =	vld.idx.msk [tilespmem:v16+s2+$0x0], $0xffff  }
0x1aa: {  	v17 =	vld.idx.msk [tilespmem:v17+s2+$0x0], $0xffff  }
0x1ab: {  	v14 =	vld.idx.msk [tilespmem:v14+s2+$0x0], $0xffff  }
0x1ac: {  	v15 =	vld.idx.msk [tilespmem:v15+s2+$0x0], $0xffff  }
0x1ad: {  	v4 =	vld.idx.msk [tilespmem:v4+s2+$0x0], $0xffff  }
0x1ae: {  	v11 =	vld.idx.msk [tilespmem:v11+s2+$0x0], $0xffff  }
0x1af: {  	[tilespmem:v18+s24+$0x0] =	vst.idx.add.f32.msk $0xffff, v17  }
0x1b0: {  	[tilespmem:v6+s24+$0x0] =	vst.idx.add.f32.msk $0xffff, v16  }
0x1b1: {  	[tilespmem:v7+s24+$0x0] =	vst.idx.add.f32.msk $0xffff, v13  }
0x1b2: {  	[tilespmem:v5+s24+$0x0] =	vst.idx.add.f32.msk $0xffff, v19  }
0x1b3: {  	[tilespmem:v8+s24+$0x0] =	vst.idx.add.f32.msk $0xffff, v12  }
0x1b4: {  	[tilespmem:v10+s24+$0x0] =	vst.idx.add.f32.msk $0xffff, v11  }
0x1b5: {  	[tilespmem:v9+s24+$0x0] =	vst.idx.add.f32.msk $0xffff, v15  }
0x1b6: {  	s1 =	simm.s32 $0x280;
	[tilespmem:v20+s24+$0x0] =	vst.idx.add.f32.msk $0xffff, v14  }
.LBB2_15:
0x1b7: {  	s18 =	sshra.s32 s1, $0x2;
	p0 =	sne.s32 s1, $0x7A80;
	s1 =	sadd.s32 $0x280, s1;
	[tilespmem:v1+s24+$0x0] =	vst.idx.add.f32.msk $0xffff, v2  }
0x1b8: {  	[tilespmem:v3+s24+$0x0] =	vst.idx.add.f32.msk $0xffff, v4  }
0x1b9: {  	v1 =	vld [tilespmem:s18+$0xAC60]  }
0x1ba: {  	v5 =	vld [tilespmem:s18+$0xAC10]  }
0x1bb: {  	v6 =	vld [tilespmem:s18+$0xABF0]  }
0x1bc: {  	v7 =	vld [tilespmem:s18+$0xAC00]  }
0x1bd: {  	v8 =	vld [tilespmem:s18+$0xAC20]  }
0x1be: {  	v9 =	vld [tilespmem:s18+$0xAC40]  }
0x1bf: {  	v2 =	vld [tilespmem:s18+$0x6DE0]  }
0x1c0: {  	v10 =	vld [tilespmem:s18+$0xAC30]  }
0x1c1: {  	v4 =	vld [tilespmem:s18+$0x6DF0]  }
0x1c2: {  	v3 =	vld [tilespmem:s18+$0x6D90]  }
0x1c3: {  	v11 =	vld [tilespmem:s18+$0x6DB0]  }
0x1c4: {  	v12 =	vld [tilespmem:s18+$0x6DA0]  }
0x1c5: {  	v13 =	vld [tilespmem:s18+$0x6D80]  }
0x1c6: {  	v14 =	vld [tilespmem:s18+$0x6DD0]  }
0x1c7: {  	v15 =	vld [tilespmem:s18+$0x6DC0]  }
0x1c8: {  	v16 =	vld [tilespmem:s18+$0x6D70]  }
0x1c9: {  	v17 =	vld [tilespmem:s18+$0x6D60]  }
0x1ca: {  	v18 =	vld [tilespmem:s18+$0xABE0]  }
0x1cb: {  	v2 =	vld.idx.msk [tilespmem:v2+s2+$0x0], $0xffff  }
0x1cc: {  	v19 =	vld.idx.msk [tilespmem:v3+s2+$0x0], $0xffff  }
0x1cd: {  	v13 =	vld.idx.msk [tilespmem:v13+s2+$0x0], $0xffff  }
0x1ce: {  	v12 =	vld.idx.msk [tilespmem:v12+s2+$0x0], $0xffff  }
0x1cf: {  	v3 =	vld [tilespmem:s18+$0xAC70]  }
0x1d0: {  	v16 =	vld.idx.msk [tilespmem:v16+s2+$0x0], $0xffff  }
0x1d1: {  	v17 =	vld.idx.msk [tilespmem:v17+s2+$0x0], $0xffff  }
0x1d2: {  	v14 =	vld.idx.msk [tilespmem:v14+s2+$0x0], $0xffff  }
0x1d3: {  	v20 =	vld [tilespmem:s18+$0xAC50]  }
0x1d4: {  	v15 =	vld.idx.msk [tilespmem:v15+s2+$0x0], $0xffff  }
0x1d5: {  	v4 =	vld.idx.msk [tilespmem:v4+s2+$0x0], $0xffff  }
0x1d6: {  	v11 =	vld.idx.msk [tilespmem:v11+s2+$0x0], $0xffff  }
0x1d7: {  	[tilespmem:v18+s24+$0x0] =	vst.idx.add.f32.msk $0xffff, v17  }
0x1d8: {  	[tilespmem:v6+s24+$0x0] =	vst.idx.add.f32.msk $0xffff, v16  }
0x1d9: {  	[tilespmem:v7+s24+$0x0] =	vst.idx.add.f32.msk $0xffff, v13  }
.Ltmp6:
0x1da: {  	[tilespmem:v5+s24+$0x0] =	vst.idx.add.f32.msk $0xffff, v19;
	(pc) =	sbr.rel @p0 .LBB2_15-.Ltmp6, $4  }
0x1db: {  	[tilespmem:v8+s24+$0x0] =	vst.idx.add.f32.msk $0xffff, v12  }
0x1dc: {  	[tilespmem:v10+s24+$0x0] =	vst.idx.add.f32.msk $0xffff, v11  }
0x1dd: {  	[tilespmem:v9+s24+$0x0] =	vst.idx.add.f32.msk $0xffff, v15  }
0x1de: {  	[tilespmem:v20+s24+$0x0] =	vst.idx.add.f32.msk $0xffff, v14  }
0x1df: {  	s0 =	sadd.s32 $0x1, s0  }
0x1e0: {  	p0 =	sne.s32 s0, $0xA  }
.Ltmp7:
0x1e1: {  	_ = 	snop;
	(pc) =	sbr.rel @p0 .LBB2_12-.Ltmp7, $3  }
0x1e2: {  	_ =	sdelay $0x1  }
0x1e3: {  	[tilespmem:v1+s24+$0x0] =	vst.idx.add.f32.msk $0xffff, v2  }
0x1e4: {  	[tilespmem:v3+s24+$0x0] =	vst.idx.add.f32.msk $0xffff, v4  }
0x1e5: {  	s30 =	sadd.s32 $0x1, s30  }
0x1e6: {  	p0 =	sne.s32 s30, s16  }
.Ltmp8:
0x1e7: {  	_ = 	snop;
	(pc) =	sbr.rel @p0 .LBB2_1-.Ltmp8, $4  }
0x1e8: {  	[hbm4b:s15+s2] =	stream.linear.scatter [tilespmem:s24], [sflag:$0x3], $0x2710, $0x38;
	[tilespmem:$0x167A0] =	vst v63  }
0x1e9: {  	_ =	swait.ge [sflag:s17], $0x2710  }
0x1ea: {  	[sflag:s17] =	ssyncset.done $0x0  }
0x1eb: {  	[sflag:s17] =	ssyncadd.s32 $0xFFFFD8F0  }
0x1ec: {  	_ =	sfence.sel $0x180000  }
0x1ed: {  	[bflag:$0x0] =	sbarrier.arrive $0xFFFF  }
0x1ee: {  	_ =	strace $0x9000004A  }
0x1ef: {  	s0 =	stileid.u32;
	[bflag:$0x2] =	sbarrier.arrive $0xFFFF  }
0x1f0: {  	p0 =	sne.s32 s0, $0x0;
	s0 =	rddreg [dreg:$0x3]  }
0x1f1: {  	s0 =	sadd.s32 @!p0 $0x100000, s0  }
0x1f2: {  	[sflag:s0] =	ssyncadd.tile.s32 @!p0 $0x1;
	_ =	shalt  }
.Lfunc_end2:
_tile_overlayer_lowered:
.L_overlay_start_2:
0x1f3: {  	(tag) =	ssettag $0x2  }
0x1f4: {  	s0 =	rddreg [dreg:$0x0];
	s2 =	stileid.u32  }
0x1f5: {  	s1 =	rddreg [dreg:$0x1];
	p0 =	sne.s32 s2, $0x0  }
0x1f6: {  	s3 =	rddreg [dreg:$0x2];
	[bflag:$0x3] =	sbarrier.arrive $0xFFFF;
	s2 =	simm.s32 @!p0 $0x1C03  }
0x1f7: {  	[timem:s3], [sflag:s2] =	dma.local @!p0 [hbm:s0], s1  }
0x1f8: {  	s0 =	simm.s32 @!p0 $0x3  }
0x1f9: {  	_ =	swait.ge @!p0 [sflag:s0], s1  }
0x1fa: {  	s1 =	ssub.s32 @!p0 $0x0, s1;
	[sflag:s0] =	ssyncset.done @!p0 $0x0  }
0x1fb: {  	[sflag:s0] =	ssyncadd.s32 @!p0 s1  }
0x1fc: {  	[bflag:$0x3] =	sbarrier.arrive $0xFFFF  }
0x1fd: {  	_ =	shalt  }

// kernel: kernel.7.cloned.1.call-start
scs
__scs_entry_jumppad:
0x0: {  	(pc) =	sbr.rel $0x88, $3  }
0x1: {  	(tag) =	ssettag $0x0;
	lr =	simm.s32 $0x1  }
0x2: {  	[smem:$0x3F93] =	sst lr;
	_ =	strace $0xD0000000  }
0x3: {  	_ = 	snop  }
0x4: {  	_ = 	snop  }
0x5: {  	_ = 	snop  }
0x6: {  	_ = 	snop  }
0x7: {  	_ = 	snop  }
__scs_overlays_trampoline_lowered:
0x8: {  	[smem:$0x3FA2] =	sst s0  }
0x9: {  	[smem:$0x3FA3] =	sst s1  }
0xa: {  	[smem:$0x3FA4] =	sst s2  }
0xb: {  	[smem:$0x3FA5] =	sst s3  }
0xc: {  	[smem:$0x3FA6] =	sst s4  }
0xd: {  	[smem:$0x3FA7] =	sst s5  }
0xe: {  	[smem:$0x3FA8] =	sst s6  }
0xf: {  	[smem:$0x3FA9] =	sst s7  }
0x10: {  	[smem:$0x3FAA] =	sst s8  }
0x11: {  	[smem:$0x3FAB] =	sst s9;
	s0 =	simm.s32 @!p0 $0x0  }
0x12: {  	s1 =	sld [smem:$0x3F91];
	s0 =	simm.s32 @p0 $0x1  }
0x13: {  	[smem:$0x3FAC] =	sst s0;
	s0 =	simm.s32 @!p1 $0x0  }
0x14: {  	s2 =	sld [smem:$0x3F90];
	s0 =	simm.s32 @p1 $0x1  }
0x15: {  	[smem:$0x3FAD] =	sst s0;
	s0 =	simm.s32 @!p2 $0x0  }
0x16: {  	s3 =	sld [smem:$0x3FDB];
	s0 =	simm.s32 @p2 $0x1  }
0x17: {  	s4 =	simm.s32 $0x1BF5;
	[smem:$0x3FAF] =	sst s0  }
0x18: {  	s0 =	sld [smem:$0x3F92];
	_ =	swait.ge [sflag:s4], $0x0  }
0x19: {  	s7 =	sld [smem:$0x3F93]  }
0x1a: {  	s8 =	sadd.s32 $0xFFFFE003, lr  }
0x1b: {  	s9 =	sadd.s32 $0xFFFFFEF7, lr;
	s5 =	simm.s32 $0xFFFFFFFF;
	p2 =	slt.u32 s8, $0xFFFFF086  }
0x1c: {  	p1 =	slt.u32 s9, $0xF7A;
	s5 =	simm.s32 @!p2 $0x0  }
0x1d: {  	s5 =	simm.s32 @p1 $0x1;
	p0 =	seq.s32 s7, s2  }
0x1e: {  	s7 =	smul.u32 @!p0 $0xF7A, s2;
	p2 =	seq.s32 @!p0 s5, $0x0  }
0x1f: {  	s9 =	smul.u32 $0xF7A, s1;
	s8 =	simm.s32 @!p0 $0x1BF5;
	p2 =	por !p2, p0  }
0x20: {  	[sflag:s8] =	ssyncset.s32 @!p0 $0xFFFFF086;
	s6 =	sadd.s32 @!p0 s3, s7;
	s7 =	simm.s32 @!p0 $0x108  }
0x21: {  	s3 =	sadd.s32 s3, s9;
	s6 =	sadd.s32 @!p0 $0x88, s6;
	s7 =	simm.s32 @p2 $0x1082  }
0x22: {  	[simem:s7], [sflag:s8] =	dma.local @!p0 [hbm:s6], $0xF7A  }
0x23: {  	s9 =	sor.u32 $0xD0000000, s2;
	s6 =	simm.s32 $0x108;
	_ =	swait.ge @!p0 [sflag:s8], $0x0  }
0x24: {  	s3 =	sadd.s32 $0x88, s3;
	s6 =	simm.s32 @!p1 $0x1082;
	[sflag:s4] =	ssyncset.s32 $0xFFFFF086  }
0x25: {  	[simem:s6], [sflag:s4] =	dma.local [hbm:s3], $0xF7A  }
0x26: {  	[smem:$0x3F93] =	sst s1;
	(tag) =	ssettag s2;
	_ =	strace s9  }
0x27: {  	s1 =	sld [smem:$0x3FA3]  }
0x28: {  	s2 =	sld [smem:$0x3FA4]  }
0x29: {  	s4 =	sld [smem:$0x3FA6]  }
0x2a: {  	p0 =	seq.s32 s5, $0x0;
	s5 =	sld [smem:$0x3FA7]  }
0x2b: {  	s6 =	sld [smem:$0x3FA8]  }
0x2c: {  	s7 =	sld [smem:$0x3FA9]  }
0x2d: {  	s3 =	simm.s32 $0x108;
	s8 =	sld [smem:$0x3FAA]  }
0x2e: {  	s3 =	simm.s32 @!p0 $0x1082;
	s9 =	sld [smem:$0x3FAB]  }
0x2f: {  	lr =	sadd.s32 s0, s3;
	s0 =	sld [smem:$0x3FA2]  }
0x30: {  	s3 =	sld [smem:$0x3FA5]  }
0x31: {  	[smem:$0x3FAE] =	sst s10  }
0x32: {  	s10 =	sld [smem:$0x3FAC];
	_ =	sdelay $0x3  }
0x33: {  	p0 =	seq.s32 s10, $0x1;
	s10 =	sld [smem:$0x3FAE];
	_ =	sdelay $0x3  }
0x34: {  	[smem:$0x3FAE] =	sst s10  }
0x35: {  	s10 =	sld [smem:$0x3FAD];
	_ =	sdelay $0x3  }
0x36: {  	p1 =	seq.s32 s10, $0x1;
	s10 =	sld [smem:$0x3FAE];
	_ =	sdelay $0x3  }
0x37: {  	[smem:$0x3FAE] =	sst s10  }
0x38: {  	s10 =	sld [smem:$0x3FAF]  }
0x39: {  	_ = 	snop;
	(pc) =	sbr.ind lr, $3  }
0x3a: {  	_ = 	snop  }
0x3b: {  	_ = 	snop  }
0x3c: {  	p2 =	seq.s32 s10, $0x1;
	s10 =	sld [smem:$0x3FAE]  }
0x3d: {  	_ =	shalt  }
0x3e: {  	_ =	shalt  }
0x3f: {  	_ =	shalt  }
0x40: {  	_ =	shalt  }
0x41: {  	_ =	shalt  }
0x42: {  	_ =	shalt  }
0x43: {  	_ =	shalt  }
0x44: {  	_ =	shalt  }
0x45: {  	_ =	shalt  }
0x46: {  	_ =	shalt  }
0x47: {  	_ =	shalt  }
0x48: {  	_ =	shalt  }
0x49: {  	_ =	shalt  }
0x4a: {  	_ =	shalt  }
0x4b: {  	_ =	shalt  }
0x4c: {  	_ =	shalt  }
0x4d: {  	_ =	shalt  }
0x4e: {  	_ =	shalt  }
0x4f: {  	_ =	shalt  }
0x50: {  	_ =	shalt  }
0x51: {  	_ =	shalt  }
0x52: {  	_ =	shalt  }
0x53: {  	_ =	shalt  }
0x54: {  	_ =	shalt  }
0x55: {  	_ =	shalt  }
0x56: {  	_ =	shalt  }
0x57: {  	_ =	shalt  }
0x58: {  	_ =	shalt  }
0x59: {  	_ =	shalt  }
0x5a: {  	_ =	shalt  }
0x5b: {  	_ =	shalt  }
0x5c: {  	_ =	shalt  }
0x5d: {  	_ =	shalt  }
0x5e: {  	_ =	shalt  }
0x5f: {  	_ =	shalt  }
0x60: {  	_ =	shalt  }
0x61: {  	_ =	shalt  }
0x62: {  	_ =	shalt  }
0x63: {  	_ =	shalt  }
0x64: {  	_ =	shalt  }
0x65: {  	_ =	shalt  }
0x66: {  	_ =	shalt  }
0x67: {  	_ =	shalt  }
0x68: {  	_ =	shalt  }
0x69: {  	_ =	shalt  }
0x6a: {  	_ =	shalt  }
0x6b: {  	_ =	shalt  }
0x6c: {  	_ =	shalt  }
0x6d: {  	_ =	shalt  }
0x6e: {  	_ =	shalt  }
0x6f: {  	_ =	shalt  }
0x70: {  	_ =	shalt  }
0x71: {  	_ =	shalt  }
0x72: {  	_ =	shalt  }
0x73: {  	_ =	shalt  }
0x74: {  	_ =	shalt  }
0x75: {  	_ =	shalt  }
0x76: {  	_ =	shalt  }
0x77: {  	_ =	shalt  }
0x78: {  	_ =	shalt  }
0x79: {  	_ =	shalt  }
0x7a: {  	_ =	shalt  }
0x7b: {  	_ =	shalt  }
0x7c: {  	_ =	shalt  }
0x7d: {  	_ =	shalt  }
0x7e: {  	_ =	shalt  }
0x7f: {  	_ =	shalt  }
0x80: {  	_ =	shalt  }
0x81: {  	_ =	shalt  }
0x82: {  	_ =	shalt  }
0x83: {  	_ =	shalt  }
0x84: {  	_ =	shalt  }
0x85: {  	_ =	shalt  }
0x86: {  	_ =	shalt  }
0x87: {  	_ =	shalt  }
.Lfunc_end0:
.L_simem_size_0:
called_computation_lowered:
.L_overlay_start_0:
0x88: {  	s2 =	sld [smem:$0x3FD9]  }
0x89: {  	s3 =	sld [smem:$0x3FFE];
	_ =	sdelay $0x1  }
0x8a: {  	s1 =	srdreg.scid  }
0x8b: {  	s0 =	sand.u32 $0x1, s1  }
0x8c: {  	s16 =	sshll.u32 s0, $0xA;
	s2 =	sadd.s32 s3, s2  }
0x8d: {  	s2 =	sadd.s32 s2, s16  }
0x8e: {  	[smem:$0x3FBA] =	sst s2  }
0x8f: {  	_ = 	snop  }
0x90: {  	(tm) =	ssettm $0x1  }
0x91: {  	s17 =	sld [smem:$0x3FFB];
	_ =	sdelay $0x3  }
0x92: {  	_ =	strace s17  }
0x93: {  	s2 =	sld [smem:$0x3FFC];
	_ =	sdelay $0x3  }
0x94: {  	_ =	strace s2  }
0x95: {  	s2 =	sld [smem:$0x3FFD];
	_ =	sdelay $0x3  }
0x96: {  	_ =	strace s2  }
0x97: {  	_ =	strace $0x8FFFFFFF  }
0x98: {  	s18 =	sld [smem:$0x3FDB];
	_ =	sdelay $0x1  }
0x99: {  	s19 =	simm.s32 $_scs_section_size  }
0x9a: {  	s4 =	simm.s32 $_size__tile_overlayer_lowered;
	s5 =	simm.s32 $_tile_overlayer_lowered  }
0x9b: {  	s22 =	simm.s32 $0x1BFF;
	s21 =	sshll.u32 s5, $0x1;
	s2 =	sadd.s32 s19, s18  }
0x9c: {  	s6 =	simm.s32 $0x0;
	s20 =	sshll.u32 s4, $0x1;
	s4 =	sadd.s32 s21, s2  }
0x9d: {  	[timem:s6], [sflag:s22] =	dma.local [hbm:s4], s20  }
0x9e: {  	_ =	swait.ge [sflag:s22], s20  }
0x9f: {  	s3 =	ssub.s32 $0x0, s20;
	[sflag:s22] =	ssyncset.done $0x0  }
0xa0: {  	[sflag:s22] =	ssyncadd.s32 s3;
	_ =	sdelay $0x1  }
0xa1: {  	s23 =	simm.s32 $0x1B8B  }
0xa2: {  	_ =	swait.ge [sflag:s23], $0x1  }
0xa3: {  	[sflag:s23] =	ssyncset.done $0x0  }
0xa4: {  	s25 =	simm.s32 $0x1B8E;
	s24 =	sld [smem:$0x3FFE];
	[sflag:s23] =	ssyncadd.s32 $0xFFFFFFFF  }
0xa5: {  	s26 =	simm.s32 $execute0_lowered;
	[smem:$0x3FD2] =	sst s25  }
0xa6: {  	s4 =	sshll.u32 s26, $0x1;
	_ =	strace $0x80000046;
	[dreg:$0x1] =	wrdreg $0xFFFFFFFF  }
0xa7: {  	s28 =	simm.s32 $_size_execute0_lowered;
	s2 =	sadd.s32 s2, s4;
	[dreg:$0x0] =	wrdreg $0x0  }
0xa8: {  	s4 =	sshll.u32 s28, $0x1;
	[dreg:$0x2] =	wrdreg s2  }
0xa9: {  	[dreg:$0x3] =	wrdreg s4  }
0xaa: {  	[dreg:$0x4] =	wrdreg $0xC0  }
0xab: {  	_ =	task [dreg:s6], $0x5FFFF  }
0xac: {  	[dreg:$0x1] =	wrdreg $0xFFFFFFFF  }
0xad: {  	[dreg:$0x0] =	wrdreg $0x60  }
0xae: {  	[dreg:$0x2] =	wrdreg s24  }
0xaf: {  	[dreg:$0x3] =	wrdreg $0x9  }
0xb0: {  	_ =	task.clear_ibuf [dreg:s6], $0x4FFFF;
	_ =	strace $0x90000046  }
0xb1: {  	s29 =	simm.s32 $0x9;
	_ =	strace $0x80000048  }
0xb2: {  	_ =	swait.ge [sflag:s29], $0x1  }
0xb3: {  	[sflag:s29] =	ssyncadd.s32 $0xFFFFFFFF  }
0xb4: {  	_ =	strace $0x90000048  }
0xb5: {  	_ =	sfence  }
0xb6: {  	s30 =	sld [smem:$0x0];
	_ =	sdelay $0x2  }
0xb7: {  	s31 =	sshll.u32 s1, $0xD;
	s1 =	sshrl.u32 s1, $0x2  }
0xb8: {  	s3 =	sand.u32 $0x4000, s31;
	s1 =	sadd.s32 s1, s30  }
0xb9: {  	s0 =	sor.u32 s3, s0;
	s1 =	sshll.u32 s1, $0x11  }
0xba: {  	s0 =	sor.u32 s1, s0  }
0xbb: {  	s0 =	sadd.s32 $0x8F2B, s0  }
0xbc: {  	[sflag:s0] =	ssyncadd.remote.s32 $0x1  }
0xbd: {  	_ =	sfence.sel $0xFFFF  }
0xbe: {  	[dreg:$0x0] =	wrdreg $0xFFFFFFFF;
	(pc) =	sbr.abs _section_cstart, $3  }
0xbf: {  	[dreg:$0x1] =	wrdreg $0xFFFFFFFF  }
0xc0: {  	_ =	task.clear_ibuf [dreg:s6], $0x2FFFF;
	_ =	strace $0x9FFFFFFF  }
0xc1: {  	(tm) =	ssettm $0x7FFFFFFF  }
tec
execute0_lowered:
.L_overlay_start_1:
0x0: {  	(tag) =	ssettag $0x1  }
0x1: {  	s1 =	srdreg.scid;
	s0 =	stileid.u32  }
0x2: {  	s3 =	sand.u32 $0x1, s1;
	s30 =	sshll.u32 s0, $0x1  }
0x3: {  	s4 =	rddreg [dreg:$0x0];
	s2 =	simm.s32 $0x0;
	s1 =	sor.u32 s3, s30  }
0x4: {  	s7 =	simm.s32 $0x2710;
	[smem:$0x7FF] =	sst s2;
	s5 =	smul.u32 $0x2710, s1  }
0x5: {  	s8 =	simm.s32 $0x0;
	s3 =	ssub.s32 $0x2, s3;
	s1 =	rddreg [dreg:$0x1]  }
0x6: {  	s6 =	sshrl.u32 s3, $0x1;
	_ =	strace $0x80000047;
	s5 =	sshrl.u32 s5, $0x3  }
0x7: {  	s31 =	ssub.s32 s3, s6;
	s6 =	simm.s32 $0x1;
	s4 =	sadd.s32 s5, s4  }
0x8: {  	v0 =	vimm.f32 $0.0e+00;
	v1 =	vimm.f32 $1.000000000e+00;
	s5 =	smax.u32 s31, $0x1;
	s3 =	sadd.s32 $0xC440, s4;
	s4 =	sadd.s32 $0x16200, s4  }
.LBB2_1:
0x9: {  	s9 =	simm.s32 $0x40;
	s10 =	simm.s32 $0x0  }
.LBB2_2:
0xa: {  	p0 =	sne.s32 s9, $0x9C00;
	[tilespmem:s10+$0x2710] =	vst v0;
	s10 =	smov.u32 s9;
	s9 =	sadd.s32 $0x40, s9  }
.Ltmp0:
0xb: {  	(pc) =	sbr.rel @p0 .LBB2_2-.Ltmp0, $2  }
0xc: {  	_ =	sdelay $0x2  }
0xd: {  	s10 =	sshra.s32 s10, $0x2  }
0xe: {  	[tilespmem:s10+$0x2710] =	vst v0  }
0xf: {  	[tilespmem:s2], [sflag:$0x1] =	stream.linear.gather [hbm4b:s3+s2], $0x2710, $0x38;
	[tilespmem:$0x4E20] =	vst v63  }
0x10: {  	_ =	swait.ge [sflag:s6], $0x2710  }
0x11: {  	[sflag:s6] =	ssyncset.done $0x0  }
0x12: {  	s9 =	simm.s32 $0xFFFFFFF8;
	s10 =	simm.s32 $0x40;
	[sflag:s6] =	ssyncadd.s32 $0xFFFFD8F0  }
.LBB2_4:
0x13: {  	v2 =	vld [tilespmem:s10+$0xFFFFFFC0];
	_ =	sdelay $0x7  }
0x14: {  	[tilespmem:v2+s7+$0x0] =	vst.idx.add.f32.msk $0xffff, v1  }
0x15: {  	v2 =	vld [tilespmem:s10+$0xFFFFFFD0];
	_ =	sdelay $0x7  }
0x16: {  	[tilespmem:v2+s7+$0x0] =	vst.idx.add.f32.msk $0xffff, v1  }
0x17: {  	v2 =	vld [tilespmem:s10+$0xFFFFFFE0];
	_ =	sdelay $0x7  }
0x18: {  	[tilespmem:v2+s7+$0x0] =	vst.idx.add.f32.msk $0xffff, v1  }
0x19: {  	v2 =	vld [tilespmem:s10+$0xFFFFFFF0];
	_ =	sdelay $0x7  }
0x1a: {  	[tilespmem:v2+s7+$0x0] =	vst.idx.add.f32.msk $0xffff, v1  }
0x1b: {  	v2 =	vld [tilespmem:s10+$0x0];
	_ =	sdelay $0x7  }
0x1c: {  	[tilespmem:v2+s7+$0x0] =	vst.idx.add.f32.msk $0xffff, v1  }
0x1d: {  	v2 =	vld [tilespmem:s10+$0x10];
	_ =	sdelay $0x7  }
0x1e: {  	[tilespmem:v2+s7+$0x0] =	vst.idx.add.f32.msk $0xffff, v1  }
0x1f: {  	v2 =	vld [tilespmem:s10+$0x20];
	_ =	sdelay $0x7  }
0x20: {  	[tilespmem:v2+s7+$0x0] =	vst.idx.add.f32.msk $0xffff, v1  }
0x21: {  	v2 =	vld [tilespmem:s10+$0x30];
	_ =	sdelay $0x1  }
0x22: {  	s9 =	sadd.s32 $0x8, s9  }
0x23: {  	p0 =	slt.u32 s9, $0x268  }
.Ltmp1:
0x24: {  	_ = 	snop;
	(pc) =	sbr.rel @p0 .LBB2_4-.Ltmp1, $2  }
0x25: {  	_ =	sdelay $0x2  }
0x26: {  	s10 =	sadd.s32 $0x80, s10;
	[tilespmem:v2+s7+$0x0] =	vst.idx.add.f32.msk $0xffff, v1  }
0x27: {  	v2 =	vld [tilespmem:$0x2700];
	_ =	sdelay $0x5  }
0x28: {  	s8 =	sadd.s32 $0x1, s8  }
0x29: {  	p0 =	sne.s32 s8, s5  }
.Ltmp2:
0x2a: {  	[tilespmem:v2+s7+$0x0] =	vst.idx.add.f32.msk $0xffff, v1;
	(pc) =	sbr.rel @p0 .LBB2_1-.Ltmp2, $4  }
0x2b: {  	[hbm4b:s4+s2] =	stream.linear.scatter [tilespmem:s7], [sflag:$0x1], $0x2710, $0x38;
	[tilespmem:$0x4E20] =	vst v63  }
0x2c: {  	_ =	swait.ge [sflag:s6], $0x2710  }
0x2d: {  	[sflag:s6] =	ssyncset.done $0x0  }
0x2e: {  	[sflag:s6] =	ssyncadd.s32 $0xFFFFD8F0  }
0x2f: {  	_ =	sfence.sel $0x180000  }
0x30: {  	[bflag:$0x0] =	sbarrier.arrive $0xFFFF  }
0x31: {  	p0 =	sne.s32 s0, $0x0;
	_ =	strace $0x90000047  }
0x32: {  	s0 =	sadd.s32 @!p0 $0x100000, s1;
	[bflag:$0x2] =	sbarrier.arrive $0xFFFF  }
0x33: {  	[sflag:s0] =	ssyncadd.tile.s32 @!p0 $0x1;
	_ =	shalt  }
.Lfunc_end2:
_tile_overlayer_lowered:
.L_overlay_start_2:
0x34: {  	(tag) =	ssettag $0x2  }
0x35: {  	s0 =	rddreg [dreg:$0x0];
	s2 =	stileid.u32  }
0x36: {  	s1 =	rddreg [dreg:$0x1];
	p0 =	sne.s32 s2, $0x0  }
0x37: {  	s3 =	rddreg [dreg:$0x2];
	[bflag:$0x3] =	sbarrier.arrive $0xFFFF;
	s2 =	simm.s32 @!p0 $0x1C01  }
0x38: {  	[timem:s3], [sflag:s2] =	dma.local @!p0 [hbm:s0], s1  }
0x39: {  	s0 =	simm.s32 @!p0 $0x1  }
0x3a: {  	_ =	swait.ge @!p0 [sflag:s0], s1  }
0x3b: {  	s1 =	ssub.s32 @!p0 $0x0, s1;
	[sflag:s0] =	ssyncset.done @!p0 $0x0  }
0x3c: {  	[sflag:s0] =	ssyncadd.s32 @!p0 s1  }
0x3d: {  	[bflag:$0x3] =	sbarrier.arrive $0xFFFF  }
0x3e: {  	_ =	shalt  }

</sc_bundles>
